<compile_context>
chip_gen: v7x
topology: tpu7x:2x2x1
jax: 0.10.2.dev20260603
libtpu: 0.0.44.dev20260713+nightly
codegen_flags: <defaults>
</compile_context>

<pallas_src>
import functools

import jax
import jax.numpy as jnp
from jax import lax
from jax.experimental import pallas as pl
from jax.experimental.pallas import tpu as pltpu
from jax.experimental.pallas import tpu_sc as plsc

BATCH = 16384
HIDDEN = 64
BLK = 128
NUM_WORKERS = 32
RPW = BATCH // NUM_WORKERS
GROUPS = RPW // 16
NBUF = 8
CSTG = 16 * HIDDEN


def _build():
    mesh = plsc.VectorSubcoreMesh(core_axis_name="c", subcore_axis_name="s")

    @functools.partial(
        pl.kernel,
        mesh=mesh,
        out_type=jax.ShapeDtypeStruct((BATCH * HIDDEN,), jnp.float32),
        scratch_types=[
            pltpu.VMEM((RPW,), jnp.int32),
            pltpu.VMEM((RPW,), jnp.int32),
            pltpu.VMEM((RPW,), jnp.int32),
            pltpu.VMEM((RPW,), jnp.int32),
            pltpu.VMEM((NBUF * HIDDEN, BLK), jnp.float32),
            pltpu.VMEM((2 * CSTG,), jnp.float32),
            pltpu.SemaphoreType.DMA,
            pltpu.SemaphoreType.DMA,
            pltpu.SemaphoreType.DMA,
            pltpu.SemaphoreType.DMA,
        ],
        compiler_params=pltpu.CompilerParams(needs_layout_passes=False),
    )
    def emb(sidx_hbm, pos_hbm, newf_hbm, did_hbm, tabt_hbm, out_hbm,
            sidx_v, pos_v, newf_v, did_v, ring_v, cstg_v,
            sem0, sem1, semout0, semout1):
        wid = lax.axis_index("s") * 2 + lax.axis_index("c")
        base = wid * RPW
        pltpu.sync_copy(sidx_hbm.at[pl.ds(base, RPW)], sidx_v)
        pltpu.sync_copy(pos_hbm.at[pl.ds(base, RPW)], pos_v)
        pltpu.sync_copy(newf_hbm.at[pl.ds(base, RPW)], newf_v)
        pltpu.sync_copy(did_hbm.at[pl.ds(base, RPW)], did_v)
        sems = (sem0, sem1)
        did0 = did_v[pl.ds(0, 16)][0]
        rows4 = [
            jax.lax.iota(jnp.int32, 16) + (16 * q) for q in range(HIDDEN // 16)
        ]

        def fire(sv, nv, dv, u):
            for k in range(4 * u, 4 * u + 4):
                sk = sv[k]
                lk = sk & 127
                ck = pl.multiple_of(sk - lk, BLK)
                s64 = pl.multiple_of(((dv[k] - did0) & (NBUF - 1)) * HIDDEN,
                                     HIDDEN)

                @pl.when(nv[k] != 0)
                def _():
                    pltpu.async_copy(
                        tabt_hbm.at[:, pl.ds(ck, BLK)],
                        ring_v.at[pl.ds(s64, HIDDEN), :],
                        sems[u % 2],
                    )

        semouts = (semout0, semout1)

        def drain_extract(sv, pv, nv, dv, u, cpar, par):
            for k in range(4 * u, 4 * u + 4):
                s64 = pl.multiple_of(((dv[k] - did0) & (NBUF - 1)) * HIDDEN,
                                     HIDDEN)

                @pl.when(nv[k] != 0)
                def _():
                    pltpu.make_async_copy(
                        tabt_hbm.at[:, pl.ds(0, BLK)],
                        ring_v.at[pl.ds(s64, HIDDEN), :],
                        sems[u % 2],
                    ).wait()
            for k in range(4 * u, 4 * u + 4):
                sk = sv[k]
                lk = sk & 127
                s64 = ((dv[k] - did0) & (NBUF - 1)) * HIDDEN
                lane_v = jnp.full((16,), lk, jnp.int32)
                kk = k & 15
                for q in range(HIDDEN // 16):
                    vals = plsc.load_gather(ring_v, [rows4[q] + s64, lane_v])
                    cstg_v[pl.ds(pl.multiple_of(cpar + kk * HIDDEN + 16 * q,
                                                16), 16)] = vals
                po = pl.multiple_of(pv[k] * HIDDEN, HIDDEN)
                pltpu.async_copy(
                    cstg_v.at[pl.ds(pl.multiple_of(cpar + kk * HIDDEN, HIDDEN),
                                    HIDDEN)],
                    out_hbm.at[pl.ds(po, HIDDEN)],
                    semouts[par],
                )

        def process_group(g, par):
            g16 = pl.multiple_of(g * 16, 16)
            sv = sidx_v[pl.ds(g16, 16)]
            pv = pos_v[pl.ds(g16, 16)]
            nv = newf_v[pl.ds(g16, 16)]
            dv = did_v[pl.ds(g16, 16)]
            cpar = par * CSTG
            fire(sv, nv, dv, 0)
            fire(sv, nv, dv, 1)
            drain_extract(sv, pv, nv, dv, 0, cpar, par)
            fire(sv, nv, dv, 2)
            drain_extract(sv, pv, nv, dv, 1, cpar, par)
            fire(sv, nv, dv, 3)
            drain_extract(sv, pv, nv, dv, 2, cpar, par)
            drain_extract(sv, pv, nv, dv, 3, cpar, par)

        def drain_out(par):
            pltpu.make_async_copy(
                out_hbm.at[pl.ds(0, CSTG)],
                cstg_v.at[pl.ds(par * CSTG, CSTG)],
                semouts[par],
            ).wait()

        def body(t, carry):
            @pl.when(t >= 1)
            def _():
                drain_out(0)

            process_group(2 * t, 0)

            @pl.when(t >= 1)
            def _():
                drain_out(1)

            process_group(2 * t + 1, 1)
            return carry

        lax.fori_loop(0, GROUPS // 2, body, 0)
        drain_out(0)
        drain_out(1)

    return emb


_EMB = _build()


def kernel(labels, embedding_table):
    idx32 = labels.astype(jnp.int32)
    order = jnp.argsort(idx32).astype(jnp.int32)
    sidx = jnp.take(idx32, order)
    blk = sidx >> 7
    first = (jnp.arange(BATCH, dtype=jnp.int32) % RPW) == 0
    shifted = jnp.concatenate(
        [jnp.ones((1,), jnp.bool_), blk[1:] != blk[:-1]]
    )
    newf = (first | shifted).astype(jnp.int32)
    did = jnp.cumsum(newf).astype(jnp.int32) - 1
    table_t = jnp.swapaxes(embedding_table, 0, 1)
    out1d = _EMB(sidx, order, newf, did, table_t)
    return out1d.reshape(BATCH, HIDDEN)

# --- scband reference (transcript-rebuilt; emitter-appended) ---
"""Pipeline reference for scband-label-embedder-23210003267766 (READ-ONLY COPY).

The authoritative reference and input builder live on the scoring server;
editing this copy changes nothing except your own understanding.
"""

import jax, jax.numpy as jnp
import numpy as np

NUM_CLASSES = 1000000
HIDDEN_SIZE = 64
BATCH = 16384

def setup_inputs(seed: int = 0) -> dict:
    key = jax.random.key(seed)
    k1, k2 = jax.random.split(key)
    labels = jax.random.randint(k1, (BATCH,), 0, NUM_CLASSES + 1, dtype=jnp.int64 if jax.config.jax_enable_x64 else jnp.int32)
    # nn.init.normal_(weight, 0.02) -> mean=0.02, std=1.0
    embedding_table = jax.random.normal(k2, (NUM_CLASSES + 1, HIDDEN_SIZE), dtype=jnp.float32) + 0.02
    return {"labels": labels, "embedding_table": embedding_table}

def reference(labels, embedding_table):
    # LabelEmbedder.forward: embeddings = self.embedding_table(labels)
    embeddings = jnp.take(embedding_table, labels, axis=0)
    return embeddings

if __name__ == "__main__":
    import jax
    _d = setup_inputs()
    print(jax.jit(kernel)(*tuple(_d.values())))

</pallas_src>

<mosaic_0001>
#map = affine_map<(d0, d1) -> (0)>
#map1 = affine_map<(d0, d1) -> (0, 0)>
module attributes {stable_mosaic.version = 14 : i64} {
  func.func @emb(%arg0: i32, %arg1: i32, %arg2: memref<16384xi32, #tpu.memory_space<hbm>>, %arg3: memref<16384xi32, #tpu.memory_space<hbm>>, %arg4: memref<16384xi32, #tpu.memory_space<hbm>>, %arg5: memref<16384xi32, #tpu.memory_space<hbm>>, %arg6: memref<64x1000001xf32, #tpu.memory_space<hbm>>, %arg7: memref<1048576xf32, #tpu.memory_space<hbm>>, %arg8: memref<512xi32, #tpu.memory_space<vmem>>, %arg9: memref<512xi32, #tpu.memory_space<vmem>>, %arg10: memref<512xi32, #tpu.memory_space<vmem>>, %arg11: memref<512xi32, #tpu.memory_space<vmem>>, %arg12: memref<512x128xf32, #tpu.memory_space<vmem>>, %arg13: memref<2048xf32, #tpu.memory_space<vmem>>, %arg14: memref<!tpu.dma_semaphore, #tpu.memory_space<semaphore_mem>>, %arg15: memref<!tpu.dma_semaphore, #tpu.memory_space<semaphore_mem>>, %arg16: memref<!tpu.dma_semaphore, #tpu.memory_space<semaphore_mem>>, %arg17: memref<!tpu.dma_semaphore, #tpu.memory_space<semaphore_mem>>) attributes {dimension_semantics = [#tpu.dimension_semantics<core_parallel>, #tpu.dimension_semantics<subcore_parallel>], iteration_bounds = array<i64: 2, 16>, scalar_prefetch = 0 : i64, scratch_operands = 10 : i64, tpu.core_type = #tpu.core_type<sc_vector_subcore>, window_params = [{transform_indices = #map}, {transform_indices = #map}, {transform_indices = #map}, {transform_indices = #map}, {transform_indices = #map1}, {transform_indices = #map}]} {
    %mul3A = arith.constant 2 : i32
    %mul3A_0 = arith.muli %arg1, %mul3A : i32
    %add3A = arith.addi %mul3A_0, %arg0 : i32
    %mul3A_1 = arith.constant 512 : i32
    %mul3A_2 = arith.muli %add3A, %mul3A_1 : i32
    "tpu.region"() ({
      %run_scoped3A = tpu.sem_alloc : memref<!tpu.dma_semaphore, #tpu.memory_space<semaphore_mem>>
      %dma_start3A = tpu.memref_slice %arg2[%mul3A_2] : memref<16384xi32, #tpu.memory_space<hbm>> -> memref<512xi32, #tpu.memory_space<hbm>>
      %dma_start3A_39 = tpu.memref_slice %arg2[%mul3A_2] : memref<16384xi32, #tpu.memory_space<hbm>> -> memref<512xi32, #tpu.memory_space<hbm>>
      tpu.enqueue_dma source(%dma_start3A_39 : memref<512xi32, #tpu.memory_space<hbm>>) target(%arg8 : memref<512xi32, #tpu.memory_space<vmem>>) target_semaphore(%run_scoped3A : memref<!tpu.dma_semaphore, #tpu.memory_space<semaphore_mem>>)
      %dma_wait3A_40 = tpu.memref_slice %arg2[%mul3A_2] : memref<16384xi32, #tpu.memory_space<hbm>> -> memref<512xi32, #tpu.memory_space<hbm>>
      %dma_wait3A_41 = tpu.memref_slice %arg2[%mul3A_2] : memref<16384xi32, #tpu.memory_space<hbm>> -> memref<512xi32, #tpu.memory_space<hbm>>
      tpu.wait_dma2 semaphore(%run_scoped3A : memref<!tpu.dma_semaphore, #tpu.memory_space<semaphore_mem>>) src(%dma_wait3A_41 : memref<512xi32, #tpu.memory_space<hbm>>) dst(%arg8 : memref<512xi32, #tpu.memory_space<vmem>>)
      tpu.yield
    }) : () -> ()
    "tpu.region"() ({
      %run_scoped3A = tpu.sem_alloc : memref<!tpu.dma_semaphore, #tpu.memory_space<semaphore_mem>>
      %dma_start3A = tpu.memref_slice %arg3[%mul3A_2] : memref<16384xi32, #tpu.memory_space<hbm>> -> memref<512xi32, #tpu.memory_space<hbm>>
      %dma_start3A_39 = tpu.memref_slice %arg3[%mul3A_2] : memref<16384xi32, #tpu.memory_space<hbm>> -> memref<512xi32, #tpu.memory_space<hbm>>
      tpu.enqueue_dma source(%dma_start3A_39 : memref<512xi32, #tpu.memory_space<hbm>>) target(%arg9 : memref<512xi32, #tpu.memory_space<vmem>>) target_semaphore(%run_scoped3A : memref<!tpu.dma_semaphore, #tpu.memory_space<semaphore_mem>>)
      %dma_wait3A_40 = tpu.memref_slice %arg3[%mul3A_2] : memref<16384xi32, #tpu.memory_space<hbm>> -> memref<512xi32, #tpu.memory_space<hbm>>
      %dma_wait3A_41 = tpu.memref_slice %arg3[%mul3A_2] : memref<16384xi32, #tpu.memory_space<hbm>> -> memref<512xi32, #tpu.memory_space<hbm>>
      tpu.wait_dma2 semaphore(%run_scoped3A : memref<!tpu.dma_semaphore, #tpu.memory_space<semaphore_mem>>) src(%dma_wait3A_41 : memref<512xi32, #tpu.memory_space<hbm>>) dst(%arg9 : memref<512xi32, #tpu.memory_space<vmem>>)
      tpu.yield
    }) : () -> ()
    "tpu.region"() ({
      %run_scoped3A = tpu.sem_alloc : memref<!tpu.dma_semaphore, #tpu.memory_space<semaphore_mem>>
      %dma_start3A = tpu.memref_slice %arg4[%mul3A_2] : memref<16384xi32, #tpu.memory_space<hbm>> -> memref<512xi32, #tpu.memory_space<hbm>>
      %dma_start3A_39 = tpu.memref_slice %arg4[%mul3A_2] : memref<16384xi32, #tpu.memory_space<hbm>> -> memref<512xi32, #tpu.memory_space<hbm>>
      tpu.enqueue_dma source(%dma_start3A_39 : memref<512xi32, #tpu.memory_space<hbm>>) target(%arg10 : memref<512xi32, #tpu.memory_space<vmem>>) target_semaphore(%run_scoped3A : memref<!tpu.dma_semaphore, #tpu.memory_space<semaphore_mem>>)
      %dma_wait3A_40 = tpu.memref_slice %arg4[%mul3A_2] : memref<16384xi32, #tpu.memory_space<hbm>> -> memref<512xi32, #tpu.memory_space<hbm>>
      %dma_wait3A_41 = tpu.memref_slice %arg4[%mul3A_2] : memref<16384xi32, #tpu.memory_space<hbm>> -> memref<512xi32, #tpu.memory_space<hbm>>
      tpu.wait_dma2 semaphore(%run_scoped3A : memref<!tpu.dma_semaphore, #tpu.memory_space<semaphore_mem>>) src(%dma_wait3A_41 : memref<512xi32, #tpu.memory_space<hbm>>) dst(%arg10 : memref<512xi32, #tpu.memory_space<vmem>>)
      tpu.yield
    }) : () -> ()
    "tpu.region"() ({
      %run_scoped3A = tpu.sem_alloc : memref<!tpu.dma_semaphore, #tpu.memory_space<semaphore_mem>>
      %dma_start3A = tpu.memref_slice %arg5[%mul3A_2] : memref<16384xi32, #tpu.memory_space<hbm>> -> memref<512xi32, #tpu.memory_space<hbm>>
      %dma_start3A_39 = tpu.memref_slice %arg5[%mul3A_2] : memref<16384xi32, #tpu.memory_space<hbm>> -> memref<512xi32, #tpu.memory_space<hbm>>
      tpu.enqueue_dma source(%dma_start3A_39 : memref<512xi32, #tpu.memory_space<hbm>>) target(%arg11 : memref<512xi32, #tpu.memory_space<vmem>>) target_semaphore(%run_scoped3A : memref<!tpu.dma_semaphore, #tpu.memory_space<semaphore_mem>>)
      %dma_wait3A_40 = tpu.memref_slice %arg5[%mul3A_2] : memref<16384xi32, #tpu.memory_space<hbm>> -> memref<512xi32, #tpu.memory_space<hbm>>
      %dma_wait3A_41 = tpu.memref_slice %arg5[%mul3A_2] : memref<16384xi32, #tpu.memory_space<hbm>> -> memref<512xi32, #tpu.memory_space<hbm>>
      tpu.wait_dma2 semaphore(%run_scoped3A : memref<!tpu.dma_semaphore, #tpu.memory_space<semaphore_mem>>) src(%dma_wait3A_41 : memref<512xi32, #tpu.memory_space<hbm>>) dst(%arg11 : memref<512xi32, #tpu.memory_space<vmem>>)
      tpu.yield
    }) : () -> ()
    %get3A = arith.constant 0 : index
    %get3A_3 = tpu.vector_load %arg11[%get3A] {strides = array<i32>} : memref<512xi32, #tpu.memory_space<vmem>>, vector<16xi32>,
    %slice3A = vector.extract_strided_slice %get3A_3 {offsets = [0], sizes = [1], strides = [1]} : vector<16xi32> to vector<1xi32>
    %squeeze3A = vector.extract %slice3A[0] : i32 from vector<1xi32>
    %iota3A = tpu.iota {dimensions = array<i32: 0>} : vector<16xi32>
    %add3A_4 = arith.constant 0 : i32
    %add3A_5 = vector.broadcast %add3A_4 : i32 to vector<16xi32>
    %add3A_6 = arith.addi %iota3A, %add3A_5 : vector<16xi32>
    %iota3A_7 = tpu.iota {dimensions = array<i32: 0>} : vector<16xi32>
    %add3A_8 = arith.constant 16 : i32
    %add3A_9 = vector.broadcast %add3A_8 : i32 to vector<16xi32>
    %add3A_10 = arith.addi %iota3A_7, %add3A_9 : vector<16xi32>
    %iota3A_11 = tpu.iota {dimensions = array<i32: 0>} : vector<16xi32>
    %add3A_12 = arith.constant 32 : i32
    %add3A_13 = vector.broadcast %add3A_12 : i32 to vector<16xi32>
    %add3A_14 = arith.addi %iota3A_11, %add3A_13 : vector<16xi32>
    %iota3A_15 = tpu.iota {dimensions = array<i32: 0>} : vector<16xi32>
    %add3A_16 = arith.constant 48 : i32
    %add3A_17 = vector.broadcast %add3A_16 : i32 to vector<16xi32>
    %add3A_18 = arith.addi %iota3A_15, %add3A_17 : vector<16xi32>
    %scan3A = arith.constant 0 : i32
    %scan3A_19 = arith.constant 0 : i32
    %scan3A_20 = arith.constant 16 : i32
    %scan3A_21 = arith.addi %scan3A_19, %scan3A_20 : i32
    %scan3A_22 = arith.constant 1 : i32
    scf.for %scan3A_39 = %scan3A_19 to %scan3A_21 step %scan3A_22  : i32 {
      %ge3A = arith.constant 1 : i32
      %ge3A_40 = arith.cmpi sge, %scan3A_39, %ge3A : i32
      %convert_element_type3A = arith.extui %ge3A_40 : i1 to i32
      %cond3A = arith.constant 0 : i32
      %cond3A_41 = arith.cmpi ne, %convert_element_type3A, %cond3A : i32
      scf.if %cond3A_41 {
        %dma_wait3A_2851 = arith.constant 0 : i32
        %dma_wait3A_2852 = tpu.memref_slice %arg13[%dma_wait3A_2851] : memref<2048xf32, #tpu.memory_space<vmem>> -> memref<1024xf32, #tpu.memory_space<vmem>>
        %dma_wait3A_2853 = arith.constant 0 : i32
        %dma_wait3A_2854 = tpu.memref_slice %arg7[%dma_wait3A_2853] : memref<1048576xf32, #tpu.memory_space<hbm>> -> memref<1024xf32, #tpu.memory_space<hbm>>
        %dma_wait3A_2855 = arith.constant 0 : i32
        %dma_wait3A_2856 = tpu.memref_slice %arg13[%dma_wait3A_2855] : memref<2048xf32, #tpu.memory_space<vmem>> -> memref<1024xf32, #tpu.memory_space<vmem>>
        %dma_wait3A_2857 = arith.constant 0 : i32
        %dma_wait3A_2858 = tpu.memref_slice %arg7[%dma_wait3A_2857] : memref<1048576xf32, #tpu.memory_space<hbm>> -> memref<1024xf32, #tpu.memory_space<hbm>>
        tpu.wait_dma2 semaphore(%arg16 : memref<!tpu.dma_semaphore, #tpu.memory_space<semaphore_mem>>) src(%dma_wait3A_2858 : memref<1024xf32, #tpu.memory_space<hbm>>) dst(%dma_wait3A_2856 : memref<1024xf32, #tpu.memory_space<vmem>>)
      } else {
      }
      %mul3A_42 = arith.constant 2 : i32
      %mul3A_43 = arith.muli %mul3A_42, %scan3A_39 : i32
      %mul3A_44 = arith.constant 16 : i32
      %mul3A_45 = arith.muli %mul3A_43, %mul3A_44 : i32
      %multiple_of3A = tpu.assume_multiple %mul3A_45, 16 : i32
      %get3A_46 = arith.index_cast %multiple_of3A : i32 to index
      %get3A_47 = tpu.vector_load %arg8[%get3A_46] {strides = array<i32>} : memref<512xi32, #tpu.memory_space<vmem>>, vector<16xi32>,
      %get3A_48 = arith.index_cast %multiple_of3A : i32 to index
      %get3A_49 = tpu.vector_load %arg9[%get3A_48] {strides = array<i32>} : memref<512xi32, #tpu.memory_space<vmem>>, vector<16xi32>,
      %get3A_50 = arith.index_cast %multiple_of3A : i32 to index
      %get3A_51 = tpu.vector_load %arg10[%get3A_50] {strides = array<i32>} : memref<512xi32, #tpu.memory_space<vmem>>, vector<16xi32>,
      %get3A_52 = arith.index_cast %multiple_of3A : i32 to index
      %get3A_53 = tpu.vector_load %arg11[%get3A_52] {strides = array<i32>} : memref<512xi32, #tpu.memory_space<vmem>>, vector<16xi32>,
      %slice3A_54 = vector.extract_strided_slice %get3A_47 {offsets = [0], sizes = [1], strides = [1]} : vector<16xi32> to vector<1xi32>
      %squeeze3A_55 = vector.extract %slice3A_54[0] : i32 from vector<1xi32>
      %and3A = arith.constant 127 : i32
      %and3A_56 = arith.andi %squeeze3A_55, %and3A : i32
      %sub3A = arith.subi %squeeze3A_55, %and3A_56 : i32
      %multiple_of3A_57 = tpu.assume_multiple %sub3A, 128 : i32
      %slice3A_58 = vector.extract_strided_slice %get3A_53 {offsets = [0], sizes = [1], strides = [1]} : vector<16xi32> to vector<1xi32>
      %squeeze3A_59 = vector.extract %slice3A_58[0] : i32 from vector<1xi32>
      %sub3A_60 = arith.subi %squeeze3A_59, %squeeze3A : i32
      %and3A_61 = arith.constant 7 : i32
      %and3A_62 = arith.andi %sub3A_60, %and3A_61 : i32
      %mul3A_63 = arith.constant 64 : i32
      %mul3A_64 = arith.muli %and3A_62, %mul3A_63 : i32
      %multiple_of3A_65 = tpu.assume_multiple %mul3A_64, 64 : i32
      %slice3A_66 = vector.extract_strided_slice %get3A_51 {offsets = [0], sizes = [1], strides = [1]} : vector<16xi32> to vector<1xi32>
      %squeeze3A_67 = vector.extract %slice3A_66[0] : i32 from vector<1xi32>
      %ne3A = arith.constant 0 : i32
      %ne3A_68 = arith.cmpi ne, %squeeze3A_67, %ne3A : i32
      %convert_element_type3A_69 = arith.extui %ne3A_68 : i1 to i32
      %cond3A_70 = arith.constant 0 : i32
      %cond3A_71 = arith.cmpi ne, %convert_element_type3A_69, %cond3A_70 : i32
      scf.if %cond3A_71 {
        %dma_start3A_2851 = arith.constant 0 : i32
        %dma_start3A_2852 = tpu.memref_slice %arg12[%multiple_of3A_65, %dma_start3A_2851] : memref<512x128xf32, #tpu.memory_space<vmem>> -> memref<64x128xf32, #tpu.memory_space<vmem>>
        %dma_start3A_2853 = arith.constant 0 : i32
        %dma_start3A_2854 = tpu.memref_slice %arg6[%dma_start3A_2853, %multiple_of3A_57] : memref<64x1000001xf32, #tpu.memory_space<hbm>> -> memref<64x128xf32, #tpu.memory_space<hbm>>
        %dma_start3A_2855 = arith.constant 0 : i32
        %dma_start3A_2856 = tpu.memref_slice %arg12[%multiple_of3A_65, %dma_start3A_2855] : memref<512x128xf32, #tpu.memory_space<vmem>> -> memref<64x128xf32, #tpu.memory_space<vmem>>
        %dma_start3A_2857 = arith.constant 0 : i32
        %dma_start3A_2858 = tpu.memref_slice %arg6[%dma_start3A_2857, %multiple_of3A_57] : memref<64x1000001xf32, #tpu.memory_space<hbm>> -> memref<64x128xf32, #tpu.memory_space<hbm>>
        tpu.enqueue_dma source(%dma_start3A_2858 : memref<64x128xf32, #tpu.memory_space<hbm>>) target(%dma_start3A_2856 : memref<64x128xf32, #tpu.memory_space<vmem>>) target_semaphore(%arg14 : memref<!tpu.dma_semaphore, #tpu.memory_space<semaphore_mem>>)
      } else {
      }
      %slice3A_72 = vector.extract_strided_slice %get3A_47 {offsets = [1], sizes = [1], strides = [1]} : vector<16xi32> to vector<1xi32>
      %squeeze3A_73 = vector.extract %slice3A_72[0] : i32 from vector<1xi32>
      %and3A_74 = arith.constant 127 : i32
      %and3A_75 = arith.andi %squeeze3A_73, %and3A_74 : i32
      %sub3A_76 = arith.subi %squeeze3A_73, %and3A_75 : i32
      %multiple_of3A_77 = tpu.assume_multiple %sub3A_76, 128 : i32
      %slice3A_78 = vector.extract_strided_slice %get3A_53 {offsets = [1], sizes = [1], strides = [1]} : vector<16xi32> to vector<1xi32>
      %squeeze3A_79 = vector.extract %slice3A_78[0] : i32 from vector<1xi32>
      %sub3A_80 = arith.subi %squeeze3A_79, %squeeze3A : i32
      %and3A_81 = arith.constant 7 : i32
      %and3A_82 = arith.andi %sub3A_80, %and3A_81 : i32
      %mul3A_83 = arith.constant 64 : i32
      %mul3A_84 = arith.muli %and3A_82, %mul3A_83 : i32
      %multiple_of3A_85 = tpu.assume_multiple %mul3A_84, 64 : i32
      %slice3A_86 = vector.extract_strided_slice %get3A_51 {offsets = [1], sizes = [1], strides = [1]} : vector<16xi32> to vector<1xi32>
      %squeeze3A_87 = vector.extract %slice3A_86[0] : i32 from vector<1xi32>
      %ne3A_88 = arith.constant 0 : i32
      %ne3A_89 = arith.cmpi ne, %squeeze3A_87, %ne3A_88 : i32
      %convert_element_type3A_90 = arith.extui %ne3A_89 : i1 to i32
      %cond3A_91 = arith.constant 0 : i32
      %cond3A_92 = arith.cmpi ne, %convert_element_type3A_90, %cond3A_91 : i32
      scf.if %cond3A_92 {
        %dma_start3A_2851 = arith.constant 0 : i32
        %dma_start3A_2852 = tpu.memref_slice %arg12[%multiple_of3A_85, %dma_start3A_2851] : memref<512x128xf32, #tpu.memory_space<vmem>> -> memref<64x128xf32, #tpu.memory_space<vmem>>
        %dma_start3A_2853 = arith.constant 0 : i32
        %dma_start3A_2854 = tpu.memref_slice %arg6[%dma_start3A_2853, %multiple_of3A_77] : memref<64x1000001xf32, #tpu.memory_space<hbm>> -> memref<64x128xf32, #tpu.memory_space<hbm>>
        %dma_start3A_2855 = arith.constant 0 : i32
        %dma_start3A_2856 = tpu.memref_slice %arg12[%multiple_of3A_85, %dma_start3A_2855] : memref<512x128xf32, #tpu.memory_space<vmem>> -> memref<64x128xf32, #tpu.memory_space<vmem>>
        %dma_start3A_2857 = arith.constant 0 : i32
        %dma_start3A_2858 = tpu.memref_slice %arg6[%dma_start3A_2857, %multiple_of3A_77] : memref<64x1000001xf32, #tpu.memory_space<hbm>> -> memref<64x128xf32, #tpu.memory_space<hbm>>
        tpu.enqueue_dma source(%dma_start3A_2858 : memref<64x128xf32, #tpu.memory_space<hbm>>) target(%dma_start3A_2856 : memref<64x128xf32, #tpu.memory_space<vmem>>) target_semaphore(%arg14 : memref<!tpu.dma_semaphore, #tpu.memory_space<semaphore_mem>>)
      } else {
      }
      %slice3A_93 = vector.extract_strided_slice %get3A_47 {offsets = [2], sizes = [1], strides = [1]} : vector<16xi32> to vector<1xi32>
      %squeeze3A_94 = vector.extract %slice3A_93[0] : i32 from vector<1xi32>
      %and3A_95 = arith.constant 127 : i32
      %and3A_96 = arith.andi %squeeze3A_94, %and3A_95 : i32
      %sub3A_97 = arith.subi %squeeze3A_94, %and3A_96 : i32
      %multiple_of3A_98 = tpu.assume_multiple %sub3A_97, 128 : i32
      %slice3A_99 = vector.extract_strided_slice %get3A_53 {offsets = [2], sizes = [1], strides = [1]} : vector<16xi32> to vector<1xi32>
      %squeeze3A_100 = vector.extract %slice3A_99[0] : i32 from vector<1xi32>
      %sub3A_101 = arith.subi %squeeze3A_100, %squeeze3A : i32
      %and3A_102 = arith.constant 7 : i32
      %and3A_103 = arith.andi %sub3A_101, %and3A_102 : i32
      %mul3A_104 = arith.constant 64 : i32
      %mul3A_105 = arith.muli %and3A_103, %mul3A_104 : i32
      %multiple_of3A_106 = tpu.assume_multiple %mul3A_105, 64 : i32
      %slice3A_107 = vector.extract_strided_slice %get3A_51 {offsets = [2], sizes = [1], strides = [1]} : vector<16xi32> to vector<1xi32>
      %squeeze3A_108 = vector.extract %slice3A_107[0] : i32 from vector<1xi32>
      %ne3A_109 = arith.constant 0 : i32
      %ne3A_110 = arith.cmpi ne, %squeeze3A_108, %ne3A_109 : i32
      %convert_element_type3A_111 = arith.extui %ne3A_110 : i1 to i32
      %cond3A_112 = arith.constant 0 : i32
      %cond3A_113 = arith.cmpi ne, %convert_element_type3A_111, %cond3A_112 : i32
      scf.if %cond3A_113 {
        %dma_start3A_2851 = arith.constant 0 : i32
        %dma_start3A_2852 = tpu.memref_slice %arg12[%multiple_of3A_106, %dma_start3A_2851] : memref<512x128xf32, #tpu.memory_space<vmem>> -> memref<64x128xf32, #tpu.memory_space<vmem>>
        %dma_start3A_2853 = arith.constant 0 : i32
        %dma_start3A_2854 = tpu.memref_slice %arg6[%dma_start3A_2853, %multiple_of3A_98] : memref<64x1000001xf32, #tpu.memory_space<hbm>> -> memref<64x128xf32, #tpu.memory_space<hbm>>
        %dma_start3A_2855 = arith.constant 0 : i32
        %dma_start3A_2856 = tpu.memref_slice %arg12[%multiple_of3A_106, %dma_start3A_2855] : memref<512x128xf32, #tpu.memory_space<vmem>> -> memref<64x128xf32, #tpu.memory_space<vmem>>
        %dma_start3A_2857 = arith.constant 0 : i32
        %dma_start3A_2858 = tpu.memref_slice %arg6[%dma_start3A_2857, %multiple_of3A_98] : memref<64x1000001xf32, #tpu.memory_space<hbm>> -> memref<64x128xf32, #tpu.memory_space<hbm>>
        tpu.enqueue_dma source(%dma_start3A_2858 : memref<64x128xf32, #tpu.memory_space<hbm>>) target(%dma_start3A_2856 : memref<64x128xf32, #tpu.memory_space<vmem>>) target_semaphore(%arg14 : memref<!tpu.dma_semaphore, #tpu.memory_space<semaphore_mem>>)
      } else {
      }
      %slice3A_114 = vector.extract_strided_slice %get3A_47 {offsets = [3], sizes = [1], strides = [1]} : vector<16xi32> to vector<1xi32>
      %squeeze3A_115 = vector.extract %slice3A_114[0] : i32 from vector<1xi32>
      %and3A_116 = arith.constant 127 : i32
      %and3A_117 = arith.andi %squeeze3A_115, %and3A_116 : i32
      %sub3A_118 = arith.subi %squeeze3A_115, %and3A_117 : i32
      %multiple_of3A_119 = tpu.assume_multiple %sub3A_118, 128 : i32
      %slice3A_120 = vector.extract_strided_slice %get3A_53 {offsets = [3], sizes = [1], strides = [1]} : vector<16xi32> to vector<1xi32>
      %squeeze3A_121 = vector.extract %slice3A_120[0] : i32 from vector<1xi32>
      %sub3A_122 = arith.subi %squeeze3A_121, %squeeze3A : i32
      %and3A_123 = arith.constant 7 : i32
      %and3A_124 = arith.andi %sub3A_122, %and3A_123 : i32
      %mul3A_125 = arith.constant 64 : i32
      %mul3A_126 = arith.muli %and3A_124, %mul3A_125 : i32
      %multiple_of3A_127 = tpu.assume_multiple %mul3A_126, 64 : i32
      %slice3A_128 = vector.extract_strided_slice %get3A_51 {offsets = [3], sizes = [1], strides = [1]} : vector<16xi32> to vector<1xi32>
      %squeeze3A_129 = vector.extract %slice3A_128[0] : i32 from vector<1xi32>
      %ne3A_130 = arith.constant 0 : i32
      %ne3A_131 = arith.cmpi ne, %squeeze3A_129, %ne3A_130 : i32
      %convert_element_type3A_132 = arith.extui %ne3A_131 : i1 to i32
      %cond3A_133 = arith.constant 0 : i32
      %cond3A_134 = arith.cmpi ne, %convert_element_type3A_132, %cond3A_133 : i32
      scf.if %cond3A_134 {
        %dma_start3A_2851 = arith.constant 0 : i32
        %dma_start3A_2852 = tpu.memref_slice %arg12[%multiple_of3A_127, %dma_start3A_2851] : memref<512x128xf32, #tpu.memory_space<vmem>> -> memref<64x128xf32, #tpu.memory_space<vmem>>
        %dma_start3A_2853 = arith.constant 0 : i32
        %dma_start3A_2854 = tpu.memref_slice %arg6[%dma_start3A_2853, %multiple_of3A_119] : memref<64x1000001xf32, #tpu.memory_space<hbm>> -> memref<64x128xf32, #tpu.memory_space<hbm>>
        %dma_start3A_2855 = arith.constant 0 : i32
        %dma_start3A_2856 = tpu.memref_slice %arg12[%multiple_of3A_127, %dma_start3A_2855] : memref<512x128xf32, #tpu.memory_space<vmem>> -> memref<64x128xf32, #tpu.memory_space<vmem>>
        %dma_start3A_2857 = arith.constant 0 : i32
        %dma_start3A_2858 = tpu.memref_slice %arg6[%dma_start3A_2857, %multiple_of3A_119] : memref<64x1000001xf32, #tpu.memory_space<hbm>> -> memref<64x128xf32, #tpu.memory_space<hbm>>
        tpu.enqueue_dma source(%dma_start3A_2858 : memref<64x128xf32, #tpu.memory_space<hbm>>) target(%dma_start3A_2856 : memref<64x128xf32, #tpu.memory_space<vmem>>) target_semaphore(%arg14 : memref<!tpu.dma_semaphore, #tpu.memory_space<semaphore_mem>>)
      } else {
      }
      %slice3A_135 = vector.extract_strided_slice %get3A_47 {offsets = [4], sizes = [1], strides = [1]} : vector<16xi32> to vector<1xi32>
      %squeeze3A_136 = vector.extract %slice3A_135[0] : i32 from vector<1xi32>
      %and3A_137 = arith.constant 127 : i32
      %and3A_138 = arith.andi %squeeze3A_136, %and3A_137 : i32
      %sub3A_139 = arith.subi %squeeze3A_136, %and3A_138 : i32
      %multiple_of3A_140 = tpu.assume_multiple %sub3A_139, 128 : i32
      %slice3A_141 = vector.extract_strided_slice %get3A_53 {offsets = [4], sizes = [1], strides = [1]} : vector<16xi32> to vector<1xi32>
      %squeeze3A_142 = vector.extract %slice3A_141[0] : i32 from vector<1xi32>
      %sub3A_143 = arith.subi %squeeze3A_142, %squeeze3A : i32
      %and3A_144 = arith.constant 7 : i32
      %and3A_145 = arith.andi %sub3A_143, %and3A_144 : i32
      %mul3A_146 = arith.constant 64 : i32
      %mul3A_147 = arith.muli %and3A_145, %mul3A_146 : i32
      %multiple_of3A_148 = tpu.assume_multiple %mul3A_147, 64 : i32
      %slice3A_149 = vector.extract_strided_slice %get3A_51 {offsets = [4], sizes = [1], strides = [1]} : vector<16xi32> to vector<1xi32>
      %squeeze3A_150 = vector.extract %slice3A_149[0] : i32 from vector<1xi32>
      %ne3A_151 = arith.constant 0 : i32
      %ne3A_152 = arith.cmpi ne, %squeeze3A_150, %ne3A_151 : i32
      %convert_element_type3A_153 = arith.extui %ne3A_152 : i1 to i32
      %cond3A_154 = arith.constant 0 : i32
      %cond3A_155 = arith.cmpi ne, %convert_element_type3A_153, %cond3A_154 : i32
      scf.if %cond3A_155 {
        %dma_start3A_2851 = arith.constant 0 : i32
        %dma_start3A_2852 = tpu.memref_slice %arg12[%multiple_of3A_148, %dma_start3A_2851] : memref<512x128xf32, #tpu.memory_space<vmem>> -> memref<64x128xf32, #tpu.memory_space<vmem>>
        %dma_start3A_2853 = arith.constant 0 : i32
        %dma_start3A_2854 = tpu.memref_slice %arg6[%dma_start3A_2853, %multiple_of3A_140] : memref<64x1000001xf32, #tpu.memory_space<hbm>> -> memref<64x128xf32, #tpu.memory_space<hbm>>
        %dma_start3A_2855 = arith.constant 0 : i32
        %dma_start3A_2856 = tpu.memref_slice %arg12[%multiple_of3A_148, %dma_start3A_2855] : memref<512x128xf32, #tpu.memory_space<vmem>> -> memref<64x128xf32, #tpu.memory_space<vmem>>
        %dma_start3A_2857 = arith.constant 0 : i32
        %dma_start3A_2858 = tpu.memref_slice %arg6[%dma_start3A_2857, %multiple_of3A_140] : memref<64x1000001xf32, #tpu.memory_space<hbm>> -> memref<64x128xf32, #tpu.memory_space<hbm>>
        tpu.enqueue_dma source(%dma_start3A_2858 : memref<64x128xf32, #tpu.memory_space<hbm>>) target(%dma_start3A_2856 : memref<64x128xf32, #tpu.memory_space<vmem>>) target_semaphore(%arg15 : memref<!tpu.dma_semaphore, #tpu.memory_space<semaphore_mem>>)
      } else {
      }
      %slice3A_156 = vector.extract_strided_slice %get3A_47 {offsets = [5], sizes = [1], strides = [1]} : vector<16xi32> to vector<1xi32>
      %squeeze3A_157 = vector.extract %slice3A_156[0] : i32 from vector<1xi32>
      %and3A_158 = arith.constant 127 : i32
      %and3A_159 = arith.andi %squeeze3A_157, %and3A_158 : i32
      %sub3A_160 = arith.subi %squeeze3A_157, %and3A_159 : i32
      %multiple_of3A_161 = tpu.assume_multiple %sub3A_160, 128 : i32
      %slice3A_162 = vector.extract_strided_slice %get3A_53 {offsets = [5], sizes = [1], strides = [1]} : vector<16xi32> to vector<1xi32>
      %squeeze3A_163 = vector.extract %slice3A_162[0] : i32 from vector<1xi32>
      %sub3A_164 = arith.subi %squeeze3A_163, %squeeze3A : i32
      %and3A_165 = arith.constant 7 : i32
      %and3A_166 = arith.andi %sub3A_164, %and3A_165 : i32
      %mul3A_167 = arith.constant 64 : i32
      %mul3A_168 = arith.muli %and3A_166, %mul3A_167 : i32
      %multiple_of3A_169 = tpu.assume_multiple %mul3A_168, 64 : i32
      %slice3A_170 = vector.extract_strided_slice %get3A_51 {offsets = [5], sizes = [1], strides = [1]} : vector<16xi32> to vector<1xi32>
      %squeeze3A_171 = vector.extract %slice3A_170[0] : i32 from vector<1xi32>
      %ne3A_172 = arith.constant 0 : i32
      %ne3A_173 = arith.cmpi ne, %squeeze3A_171, %ne3A_172 : i32
      %convert_element_type3A_174 = arith.extui %ne3A_173 : i1 to i32
      %cond3A_175 = arith.constant 0 : i32
      %cond3A_176 = arith.cmpi ne, %convert_element_type3A_174, %cond3A_175 : i32
      scf.if %cond3A_176 {
        %dma_start3A_2851 = arith.constant 0 : i32
        %dma_start3A_2852 = tpu.memref_slice %arg12[%multiple_of3A_169, %dma_start3A_2851] : memref<512x128xf32, #tpu.memory_space<vmem>> -> memref<64x128xf32, #tpu.memory_space<vmem>>
        %dma_start3A_2853 = arith.constant 0 : i32
        %dma_start3A_2854 = tpu.memref_slice %arg6[%dma_start3A_2853, %multiple_of3A_161] : memref<64x1000001xf32, #tpu.memory_space<hbm>> -> memref<64x128xf32, #tpu.memory_space<hbm>>
        %dma_start3A_2855 = arith.constant 0 : i32
        %dma_start3A_2856 = tpu.memref_slice %arg12[%multiple_of3A_169, %dma_start3A_2855] : memref<512x128xf32, #tpu.memory_space<vmem>> -> memref<64x128xf32, #tpu.memory_space<vmem>>
        %dma_start3A_2857 = arith.constant 0 : i32
        %dma_start3A_2858 = tpu.memref_slice %arg6[%dma_start3A_2857, %multiple_of3A_161] : memref<64x1000001xf32, #tpu.memory_space<hbm>> -> memref<64x128xf32, #tpu.memory_space<hbm>>
        tpu.enqueue_dma source(%dma_start3A_2858 : memref<64x128xf32, #tpu.memory_space<hbm>>) target(%dma_start3A_2856 : memref<64x128xf32, #tpu.memory_space<vmem>>) target_semaphore(%arg15 : memref<!tpu.dma_semaphore, #tpu.memory_space<semaphore_mem>>)
      } else {
      }
      %slice3A_177 = vector.extract_strided_slice %get3A_47 {offsets = [6], sizes = [1], strides = [1]} : vector<16xi32> to vector<1xi32>
      %squeeze3A_178 = vector.extract %slice3A_177[0] : i32 from vector<1xi32>
      %and3A_179 = arith.constant 127 : i32
      %and3A_180 = arith.andi %squeeze3A_178, %and3A_179 : i32
      %sub3A_181 = arith.subi %squeeze3A_178, %and3A_180 : i32
      %multiple_of3A_182 = tpu.assume_multiple %sub3A_181, 128 : i32
      %slice3A_183 = vector.extract_strided_slice %get3A_53 {offsets = [6], sizes = [1], strides = [1]} : vector<16xi32> to vector<1xi32>
      %squeeze3A_184 = vector.extract %slice3A_183[0] : i32 from vector<1xi32>
      %sub3A_185 = arith.subi %squeeze3A_184, %squeeze3A : i32
      %and3A_186 = arith.constant 7 : i32
      %and3A_187 = arith.andi %sub3A_185, %and3A_186 : i32
      %mul3A_188 = arith.constant 64 : i32
      %mul3A_189 = arith.muli %and3A_187, %mul3A_188 : i32
      %multiple_of3A_190 = tpu.assume_multiple %mul3A_189, 64 : i32
      %slice3A_191 = vector.extract_strided_slice %get3A_51 {offsets = [6], sizes = [1], strides = [1]} : vector<16xi32> to vector<1xi32>
      %squeeze3A_192 = vector.extract %slice3A_191[0] : i32 from vector<1xi32>
      %ne3A_193 = arith.constant 0 : i32
      %ne3A_194 = arith.cmpi ne, %squeeze3A_192, %ne3A_193 : i32
      %convert_element_type3A_195 = arith.extui %ne3A_194 : i1 to i32
      %cond3A_196 = arith.constant 0 : i32
      %cond3A_197 = arith.cmpi ne, %convert_element_type3A_195, %cond3A_196 : i32
      scf.if %cond3A_197 {
        %dma_start3A_2851 = arith.constant 0 : i32
        %dma_start3A_2852 = tpu.memref_slice %arg12[%multiple_of3A_190, %dma_start3A_2851] : memref<512x128xf32, #tpu.memory_space<vmem>> -> memref<64x128xf32, #tpu.memory_space<vmem>>
        %dma_start3A_2853 = arith.constant 0 : i32
        %dma_start3A_2854 = tpu.memref_slice %arg6[%dma_start3A_2853, %multiple_of3A_182] : memref<64x1000001xf32, #tpu.memory_space<hbm>> -> memref<64x128xf32, #tpu.memory_space<hbm>>
        %dma_start3A_2855 = arith.constant 0 : i32
        %dma_start3A_2856 = tpu.memref_slice %arg12[%multiple_of3A_190, %dma_start3A_2855] : memref<512x128xf32, #tpu.memory_space<vmem>> -> memref<64x128xf32, #tpu.memory_space<vmem>>
        %dma_start3A_2857 = arith.constant 0 : i32
        %dma_start3A_2858 = tpu.memref_slice %arg6[%dma_start3A_2857, %multiple_of3A_182] : memref<64x1000001xf32, #tpu.memory_space<hbm>> -> memref<64x128xf32, #tpu.memory_space<hbm>>
        tpu.enqueue_dma source(%dma_start3A_2858 : memref<64x128xf32, #tpu.memory_space<hbm>>) target(%dma_start3A_2856 : memref<64x128xf32, #tpu.memory_space<vmem>>) target_semaphore(%arg15 : memref<!tpu.dma_semaphore, #tpu.memory_space<semaphore_mem>>)
      } else {
      }
      %slice3A_198 = vector.extract_strided_slice %get3A_47 {offsets = [7], sizes = [1], strides = [1]} : vector<16xi32> to vector<1xi32>
      %squeeze3A_199 = vector.extract %slice3A_198[0] : i32 from vector<1xi32>
      %and3A_200 = arith.constant 127 : i32
      %and3A_201 = arith.andi %squeeze3A_199, %and3A_200 : i32
      %sub3A_202 = arith.subi %squeeze3A_199, %and3A_201 : i32
      %multiple_of3A_203 = tpu.assume_multiple %sub3A_202, 128 : i32
      %slice3A_204 = vector.extract_strided_slice %get3A_53 {offsets = [7], sizes = [1], strides = [1]} : vector<16xi32> to vector<1xi32>
      %squeeze3A_205 = vector.extract %slice3A_204[0] : i32 from vector<1xi32>
      %sub3A_206 = arith.subi %squeeze3A_205, %squeeze3A : i32
      %and3A_207 = arith.constant 7 : i32
      %and3A_208 = arith.andi %sub3A_206, %and3A_207 : i32
      %mul3A_209 = arith.constant 64 : i32
      %mul3A_210 = arith.muli %and3A_208, %mul3A_209 : i32
      %multiple_of3A_211 = tpu.assume_multiple %mul3A_210, 64 : i32
      %slice3A_212 = vector.extract_strided_slice %get3A_51 {offsets = [7], sizes = [1], strides = [1]} : vector<16xi32> to vector<1xi32>
      %squeeze3A_213 = vector.extract %slice3A_212[0] : i32 from vector<1xi32>
      %ne3A_214 = arith.constant 0 : i32
      %ne3A_215 = arith.cmpi ne, %squeeze3A_213, %ne3A_214 : i32
      %convert_element_type3A_216 = arith.extui %ne3A_215 : i1 to i32
      %cond3A_217 = arith.constant 0 : i32
      %cond3A_218 = arith.cmpi ne, %convert_element_type3A_216, %cond3A_217 : i32
      scf.if %cond3A_218 {
        %dma_start3A_2851 = arith.constant 0 : i32
        %dma_start3A_2852 = tpu.memref_slice %arg12[%multiple_of3A_211, %dma_start3A_2851] : memref<512x128xf32, #tpu.memory_space<vmem>> -> memref<64x128xf32, #tpu.memory_space<vmem>>
        %dma_start3A_2853 = arith.constant 0 : i32
        %dma_start3A_2854 = tpu.memref_slice %arg6[%dma_start3A_2853, %multiple_of3A_203] : memref<64x1000001xf32, #tpu.memory_space<hbm>> -> memref<64x128xf32, #tpu.memory_space<hbm>>
        %dma_start3A_2855 = arith.constant 0 : i32
        %dma_start3A_2856 = tpu.memref_slice %arg12[%multiple_of3A_211, %dma_start3A_2855] : memref<512x128xf32, #tpu.memory_space<vmem>> -> memref<64x128xf32, #tpu.memory_space<vmem>>
        %dma_start3A_2857 = arith.constant 0 : i32
        %dma_start3A_2858 = tpu.memref_slice %arg6[%dma_start3A_2857, %multiple_of3A_203] : memref<64x1000001xf32, #tpu.memory_space<hbm>> -> memref<64x128xf32, #tpu.memory_space<hbm>>
        tpu.enqueue_dma source(%dma_start3A_2858 : memref<64x128xf32, #tpu.memory_space<hbm>>) target(%dma_start3A_2856 : memref<64x128xf32, #tpu.memory_space<vmem>>) target_semaphore(%arg15 : memref<!tpu.dma_semaphore, #tpu.memory_space<semaphore_mem>>)
      } else {
      }
      %slice3A_219 = vector.extract_strided_slice %get3A_53 {offsets = [0], sizes = [1], strides = [1]} : vector<16xi32> to vector<1xi32>
      %squeeze3A_220 = vector.extract %slice3A_219[0] : i32 from vector<1xi32>
      %sub3A_221 = arith.subi %squeeze3A_220, %squeeze3A : i32
      %and3A_222 = arith.constant 7 : i32
      %and3A_223 = arith.andi %sub3A_221, %and3A_222 : i32
      %mul3A_224 = arith.constant 64 : i32
      %mul3A_225 = arith.muli %and3A_223, %mul3A_224 : i32
      %multiple_of3A_226 = tpu.assume_multiple %mul3A_225, 64 : i32
      %slice3A_227 = vector.extract_strided_slice %get3A_51 {offsets = [0], sizes = [1], strides = [1]} : vector<16xi32> to vector<1xi32>
      %squeeze3A_228 = vector.extract %slice3A_227[0] : i32 from vector<1xi32>
      %ne3A_229 = arith.constant 0 : i32
      %ne3A_230 = arith.cmpi ne, %squeeze3A_228, %ne3A_229 : i32
      %convert_element_type3A_231 = arith.extui %ne3A_230 : i1 to i32
      %cond3A_232 = arith.constant 0 : i32
      %cond3A_233 = arith.cmpi ne, %convert_element_type3A_231, %cond3A_232 : i32
      scf.if %cond3A_233 {
        %dma_wait3A_2851 = arith.constant 0 : i32
        %dma_wait3A_2852 = tpu.memref_slice %arg12[%multiple_of3A_226, %dma_wait3A_2851] : memref<512x128xf32, #tpu.memory_space<vmem>> -> memref<64x128xf32, #tpu.memory_space<vmem>>
        %dma_wait3A_2853 = arith.constant 0 : i32
        %dma_wait3A_2854 = arith.constant 0 : i32
        %dma_wait3A_2855 = tpu.memref_slice %arg6[%dma_wait3A_2853, %dma_wait3A_2854] : memref<64x1000001xf32, #tpu.memory_space<hbm>> -> memref<64x128xf32, #tpu.memory_space<hbm>>
        %dma_wait3A_2856 = arith.constant 0 : i32
        %dma_wait3A_2857 = tpu.memref_slice %arg12[%multiple_of3A_226, %dma_wait3A_2856] : memref<512x128xf32, #tpu.memory_space<vmem>> -> memref<64x128xf32, #tpu.memory_space<vmem>>
        %dma_wait3A_2858 = arith.constant 0 : i32
        %dma_wait3A_2859 = arith.constant 0 : i32
        %dma_wait3A_2860 = tpu.memref_slice %arg6[%dma_wait3A_2858, %dma_wait3A_2859] : memref<64x1000001xf32, #tpu.memory_space<hbm>> -> memref<64x128xf32, #tpu.memory_space<hbm>>
        tpu.wait_dma2 semaphore(%arg14 : memref<!tpu.dma_semaphore, #tpu.memory_space<semaphore_mem>>) src(%dma_wait3A_2860 : memref<64x128xf32, #tpu.memory_space<hbm>>) dst(%dma_wait3A_2857 : memref<64x128xf32, #tpu.memory_space<vmem>>)
      } else {
      }
      %slice3A_234 = vector.extract_strided_slice %get3A_53 {offsets = [1], sizes = [1], strides = [1]} : vector<16xi32> to vector<1xi32>
      %squeeze3A_235 = vector.extract %slice3A_234[0] : i32 from vector<1xi32>
      %sub3A_236 = arith.subi %squeeze3A_235, %squeeze3A : i32
      %and3A_237 = arith.constant 7 : i32
      %and3A_238 = arith.andi %sub3A_236, %and3A_237 : i32
      %mul3A_239 = arith.constant 64 : i32
      %mul3A_240 = arith.muli %and3A_238, %mul3A_239 : i32
      %multiple_of3A_241 = tpu.assume_multiple %mul3A_240, 64 : i32
      %slice3A_242 = vector.extract_strided_slice %get3A_51 {offsets = [1], sizes = [1], strides = [1]} : vector<16xi32> to vector<1xi32>
      %squeeze3A_243 = vector.extract %slice3A_242[0] : i32 from vector<1xi32>
      %ne3A_244 = arith.constant 0 : i32
      %ne3A_245 = arith.cmpi ne, %squeeze3A_243, %ne3A_244 : i32
      %convert_element_type3A_246 = arith.extui %ne3A_245 : i1 to i32
      %cond3A_247 = arith.constant 0 : i32
      %cond3A_248 = arith.cmpi ne, %convert_element_type3A_246, %cond3A_247 : i32
      scf.if %cond3A_248 {
        %dma_wait3A_2851 = arith.constant 0 : i32
        %dma_wait3A_2852 = tpu.memref_slice %arg12[%multiple_of3A_241, %dma_wait3A_2851] : memref<512x128xf32, #tpu.memory_space<vmem>> -> memref<64x128xf32, #tpu.memory_space<vmem>>
        %dma_wait3A_2853 = arith.constant 0 : i32
        %dma_wait3A_2854 = arith.constant 0 : i32
        %dma_wait3A_2855 = tpu.memref_slice %arg6[%dma_wait3A_2853, %dma_wait3A_2854] : memref<64x1000001xf32, #tpu.memory_space<hbm>> -> memref<64x128xf32, #tpu.memory_space<hbm>>
        %dma_wait3A_2856 = arith.constant 0 : i32
        %dma_wait3A_2857 = tpu.memref_slice %arg12[%multiple_of3A_241, %dma_wait3A_2856] : memref<512x128xf32, #tpu.memory_space<vmem>> -> memref<64x128xf32, #tpu.memory_space<vmem>>
        %dma_wait3A_2858 = arith.constant 0 : i32
        %dma_wait3A_2859 = arith.constant 0 : i32
        %dma_wait3A_2860 = tpu.memref_slice %arg6[%dma_wait3A_2858, %dma_wait3A_2859] : memref<64x1000001xf32, #tpu.memory_space<hbm>> -> memref<64x128xf32, #tpu.memory_space<hbm>>
        tpu.wait_dma2 semaphore(%arg14 : memref<!tpu.dma_semaphore, #tpu.memory_space<semaphore_mem>>) src(%dma_wait3A_2860 : memref<64x128xf32, #tpu.memory_space<hbm>>) dst(%dma_wait3A_2857 : memref<64x128xf32, #tpu.memory_space<vmem>>)
      } else {
      }
      %slice3A_249 = vector.extract_strided_slice %get3A_53 {offsets = [2], sizes = [1], strides = [1]} : vector<16xi32> to vector<1xi32>
      %squeeze3A_250 = vector.extract %slice3A_249[0] : i32 from vector<1xi32>
      %sub3A_251 = arith.subi %squeeze3A_250, %squeeze3A : i32
      %and3A_252 = arith.constant 7 : i32
      %and3A_253 = arith.andi %sub3A_251, %and3A_252 : i32
      %mul3A_254 = arith.constant 64 : i32
      %mul3A_255 = arith.muli %and3A_253, %mul3A_254 : i32
      %multiple_of3A_256 = tpu.assume_multiple %mul3A_255, 64 : i32
      %slice3A_257 = vector.extract_strided_slice %get3A_51 {offsets = [2], sizes = [1], strides = [1]} : vector<16xi32> to vector<1xi32>
      %squeeze3A_258 = vector.extract %slice3A_257[0] : i32 from vector<1xi32>
      %ne3A_259 = arith.constant 0 : i32
      %ne3A_260 = arith.cmpi ne, %squeeze3A_258, %ne3A_259 : i32
      %convert_element_type3A_261 = arith.extui %ne3A_260 : i1 to i32
      %cond3A_262 = arith.constant 0 : i32
      %cond3A_263 = arith.cmpi ne, %convert_element_type3A_261, %cond3A_262 : i32
      scf.if %cond3A_263 {
        %dma_wait3A_2851 = arith.constant 0 : i32
        %dma_wait3A_2852 = tpu.memref_slice %arg12[%multiple_of3A_256, %dma_wait3A_2851] : memref<512x128xf32, #tpu.memory_space<vmem>> -> memref<64x128xf32, #tpu.memory_space<vmem>>
        %dma_wait3A_2853 = arith.constant 0 : i32
        %dma_wait3A_2854 = arith.constant 0 : i32
        %dma_wait3A_2855 = tpu.memref_slice %arg6[%dma_wait3A_2853, %dma_wait3A_2854] : memref<64x1000001xf32, #tpu.memory_space<hbm>> -> memref<64x128xf32, #tpu.memory_space<hbm>>
        %dma_wait3A_2856 = arith.constant 0 : i32
        %dma_wait3A_2857 = tpu.memref_slice %arg12[%multiple_of3A_256, %dma_wait3A_2856] : memref<512x128xf32, #tpu.memory_space<vmem>> -> memref<64x128xf32, #tpu.memory_space<vmem>>
        %dma_wait3A_2858 = arith.constant 0 : i32
        %dma_wait3A_2859 = arith.constant 0 : i32
        %dma_wait3A_2860 = tpu.memref_slice %arg6[%dma_wait3A_2858, %dma_wait3A_2859] : memref<64x1000001xf32, #tpu.memory_space<hbm>> -> memref<64x128xf32, #tpu.memory_space<hbm>>
        tpu.wait_dma2 semaphore(%arg14 : memref<!tpu.dma_semaphore, #tpu.memory_space<semaphore_mem>>) src(%dma_wait3A_2860 : memref<64x128xf32, #tpu.memory_space<hbm>>) dst(%dma_wait3A_2857 : memref<64x128xf32, #tpu.memory_space<vmem>>)
      } else {
      }
      %slice3A_264 = vector.extract_strided_slice %get3A_53 {offsets = [3], sizes = [1], strides = [1]} : vector<16xi32> to vector<1xi32>
      %squeeze3A_265 = vector.extract %slice3A_264[0] : i32 from vector<1xi32>
      %sub3A_266 = arith.subi %squeeze3A_265, %squeeze3A : i32
      %and3A_267 = arith.constant 7 : i32
      %and3A_268 = arith.andi %sub3A_266, %and3A_267 : i32
      %mul3A_269 = arith.constant 64 : i32
      %mul3A_270 = arith.muli %and3A_268, %mul3A_269 : i32
      %multiple_of3A_271 = tpu.assume_multiple %mul3A_270, 64 : i32
      %slice3A_272 = vector.extract_strided_slice %get3A_51 {offsets = [3], sizes = [1], strides = [1]} : vector<16xi32> to vector<1xi32>
      %squeeze3A_273 = vector.extract %slice3A_272[0] : i32 from vector<1xi32>
      %ne3A_274 = arith.constant 0 : i32
      %ne3A_275 = arith.cmpi ne, %squeeze3A_273, %ne3A_274 : i32
      %convert_element_type3A_276 = arith.extui %ne3A_275 : i1 to i32
      %cond3A_277 = arith.constant 0 : i32
      %cond3A_278 = arith.cmpi ne, %convert_element_type3A_276, %cond3A_277 : i32
      scf.if %cond3A_278 {
        %dma_wait3A_2851 = arith.constant 0 : i32
        %dma_wait3A_2852 = tpu.memref_slice %arg12[%multiple_of3A_271, %dma_wait3A_2851] : memref<512x128xf32, #tpu.memory_space<vmem>> -> memref<64x128xf32, #tpu.memory_space<vmem>>
        %dma_wait3A_2853 = arith.constant 0 : i32
        %dma_wait3A_2854 = arith.constant 0 : i32
        %dma_wait3A_2855 = tpu.memref_slice %arg6[%dma_wait3A_2853, %dma_wait3A_2854] : memref<64x1000001xf32, #tpu.memory_space<hbm>> -> memref<64x128xf32, #tpu.memory_space<hbm>>
        %dma_wait3A_2856 = arith.constant 0 : i32
        %dma_wait3A_2857 = tpu.memref_slice %arg12[%multiple_of3A_271, %dma_wait3A_2856] : memref<512x128xf32, #tpu.memory_space<vmem>> -> memref<64x128xf32, #tpu.memory_space<vmem>>
        %dma_wait3A_2858 = arith.constant 0 : i32
        %dma_wait3A_2859 = arith.constant 0 : i32
        %dma_wait3A_2860 = tpu.memref_slice %arg6[%dma_wait3A_2858, %dma_wait3A_2859] : memref<64x1000001xf32, #tpu.memory_space<hbm>> -> memref<64x128xf32, #tpu.memory_space<hbm>>
        tpu.wait_dma2 semaphore(%arg14 : memref<!tpu.dma_semaphore, #tpu.memory_space<semaphore_mem>>) src(%dma_wait3A_2860 : memref<64x128xf32, #tpu.memory_space<hbm>>) dst(%dma_wait3A_2857 : memref<64x128xf32, #tpu.memory_space<vmem>>)
      } else {
      }
      %slice3A_279 = vector.extract_strided_slice %get3A_47 {offsets = [0], sizes = [1], strides = [1]} : vector<16xi32> to vector<1xi32>
      %squeeze3A_280 = vector.extract %slice3A_279[0] : i32 from vector<1xi32>
      %and3A_281 = arith.constant 127 : i32
      %and3A_282 = arith.andi %squeeze3A_280, %and3A_281 : i32
      %slice3A_283 = vector.extract_strided_slice %get3A_53 {offsets = [0], sizes = [1], strides = [1]} : vector<16xi32> to vector<1xi32>
      %squeeze3A_284 = vector.extract %slice3A_283[0] : i32 from vector<1xi32>
      %sub3A_285 = arith.subi %squeeze3A_284, %squeeze3A : i32
      %and3A_286 = arith.constant 7 : i32
      %and3A_287 = arith.andi %sub3A_285, %and3A_286 : i32
      %mul3A_288 = arith.constant 64 : i32
      %mul3A_289 = arith.muli %and3A_287, %mul3A_288 : i32
      %broadcast_in_dim3A = vector.broadcast %and3A_282 : i32 to vector<16xi32>
      %add3A_290 = vector.broadcast %mul3A_289 : i32 to vector<16xi32>
      %add3A_291 = arith.addi %add3A_6, %add3A_290 : vector<16xi32>
      %gather3A = tpu.vector_load_idx %arg12[%add3A_291, %broadcast_in_dim3A] : memref<512x128xf32, #tpu.memory_space<vmem>>[vector<16xi32>, vector<16xi32>], vector<16xf32>,
      %multiple_of3A_292 = arith.constant 0 : i32
      %multiple_of3A_293 = tpu.assume_multiple %multiple_of3A_292, 16 : i32
      %swap3A = arith.index_cast %multiple_of3A_293 : i32 to index
      %swap3A_294 = tpu.vector_load %arg13[%swap3A] {strides = array<i32>} : memref<2048xf32, #tpu.memory_space<vmem>>, vector<16xf32>,
      tpu.vector_store %arg13[%swap3A], %gather3A {strides = array<i32>} : memref<2048xf32, #tpu.memory_space<vmem>>, vector<16xf32>,
      %add3A_295 = vector.broadcast %mul3A_289 : i32 to vector<16xi32>
      %add3A_296 = arith.addi %add3A_10, %add3A_295 : vector<16xi32>
      %gather3A_297 = tpu.vector_load_idx %arg12[%add3A_296, %broadcast_in_dim3A] : memref<512x128xf32, #tpu.memory_space<vmem>>[vector<16xi32>, vector<16xi32>], vector<16xf32>,
      %multiple_of3A_298 = arith.constant 16 : i32
      %multiple_of3A_299 = tpu.assume_multiple %multiple_of3A_298, 16 : i32
      %swap3A_300 = arith.index_cast %multiple_of3A_299 : i32 to index
      %swap3A_301 = tpu.vector_load %arg13[%swap3A_300] {strides = array<i32>} : memref<2048xf32, #tpu.memory_space<vmem>>, vector<16xf32>,
      tpu.vector_store %arg13[%swap3A_300], %gather3A_297 {strides = array<i32>} : memref<2048xf32, #tpu.memory_space<vmem>>, vector<16xf32>,
      %add3A_302 = vector.broadcast %mul3A_289 : i32 to vector<16xi32>
      %add3A_303 = arith.addi %add3A_14, %add3A_302 : vector<16xi32>
      %gather3A_304 = tpu.vector_load_idx %arg12[%add3A_303, %broadcast_in_dim3A] : memref<512x128xf32, #tpu.memory_space<vmem>>[vector<16xi32>, vector<16xi32>], vector<16xf32>,
      %multiple_of3A_305 = arith.constant 32 : i32
      %multiple_of3A_306 = tpu.assume_multiple %multiple_of3A_305, 16 : i32
      %swap3A_307 = arith.index_cast %multiple_of3A_306 : i32 to index
      %swap3A_308 = tpu.vector_load %arg13[%swap3A_307] {strides = array<i32>} : memref<2048xf32, #tpu.memory_space<vmem>>, vector<16xf32>,
      tpu.vector_store %arg13[%swap3A_307], %gather3A_304 {strides = array<i32>} : memref<2048xf32, #tpu.memory_space<vmem>>, vector<16xf32>,
      %add3A_309 = vector.broadcast %mul3A_289 : i32 to vector<16xi32>
      %add3A_310 = arith.addi %add3A_18, %add3A_309 : vector<16xi32>
      %gather3A_311 = tpu.vector_load_idx %arg12[%add3A_310, %broadcast_in_dim3A] : memref<512x128xf32, #tpu.memory_space<vmem>>[vector<16xi32>, vector<16xi32>], vector<16xf32>,
      %multiple_of3A_312 = arith.constant 48 : i32
      %multiple_of3A_313 = tpu.assume_multiple %multiple_of3A_312, 16 : i32
      %swap3A_314 = arith.index_cast %multiple_of3A_313 : i32 to index
      %swap3A_315 = tpu.vector_load %arg13[%swap3A_314] {strides = array<i32>} : memref<2048xf32, #tpu.memory_space<vmem>>, vector<16xf32>,
      tpu.vector_store %arg13[%swap3A_314], %gather3A_311 {strides = array<i32>} : memref<2048xf32, #tpu.memory_space<vmem>>, vector<16xf32>,
      %slice3A_316 = vector.extract_strided_slice %get3A_49 {offsets = [0], sizes = [1], strides = [1]} : vector<16xi32> to vector<1xi32>
      %squeeze3A_317 = vector.extract %slice3A_316[0] : i32 from vector<1xi32>
      %mul3A_318 = arith.constant 64 : i32
      %mul3A_319 = arith.muli %squeeze3A_317, %mul3A_318 : i32
      %multiple_of3A_320 = tpu.assume_multiple %mul3A_319, 64 : i32
      %multiple_of3A_321 = arith.constant 0 : i32
      %multiple_of3A_322 = tpu.assume_multiple %multiple_of3A_321, 64 : i32
      %dma_start3A = tpu.memref_slice %arg13[%multiple_of3A_322] : memref<2048xf32, #tpu.memory_space<vmem>> -> memref<64xf32, #tpu.memory_space<vmem>>
      %dma_start3A_323 = tpu.memref_slice %arg7[%multiple_of3A_320] : memref<1048576xf32, #tpu.memory_space<hbm>> -> memref<64xf32, #tpu.memory_space<hbm>>
      %dma_start3A_324 = tpu.memref_slice %arg7[%multiple_of3A_320] : memref<1048576xf32, #tpu.memory_space<hbm>> -> memref<64xf32, #tpu.memory_space<hbm>>
      %dma_start3A_325 = tpu.memref_slice %arg13[%multiple_of3A_322] : memref<2048xf32, #tpu.memory_space<vmem>> -> memref<64xf32, #tpu.memory_space<vmem>>
      tpu.enqueue_dma source(%dma_start3A_325 : memref<64xf32, #tpu.memory_space<vmem>>) target(%dma_start3A_324 : memref<64xf32, #tpu.memory_space<hbm>>) target_semaphore(%arg16 : memref<!tpu.dma_semaphore, #tpu.memory_space<semaphore_mem>>)
      %slice3A_326 = vector.extract_strided_slice %get3A_47 {offsets = [1], sizes = [1], strides = [1]} : vector<16xi32> to vector<1xi32>
      %squeeze3A_327 = vector.extract %slice3A_326[0] : i32 from vector<1xi32>
      %and3A_328 = arith.constant 127 : i32
      %and3A_329 = arith.andi %squeeze3A_327, %and3A_328 : i32
      %slice3A_330 = vector.extract_strided_slice %get3A_53 {offsets = [1], sizes = [1], strides = [1]} : vector<16xi32> to vector<1xi32>
      %squeeze3A_331 = vector.extract %slice3A_330[0] : i32 from vector<1xi32>
      %sub3A_332 = arith.subi %squeeze3A_331, %squeeze3A : i32
      %and3A_333 = arith.constant 7 : i32
      %and3A_334 = arith.andi %sub3A_332, %and3A_333 : i32
      %mul3A_335 = arith.constant 64 : i32
      %mul3A_336 = arith.muli %and3A_334, %mul3A_335 : i32
      %broadcast_in_dim3A_337 = vector.broadcast %and3A_329 : i32 to vector<16xi32>
      %add3A_338 = vector.broadcast %mul3A_336 : i32 to vector<16xi32>
      %add3A_339 = arith.addi %add3A_6, %add3A_338 : vector<16xi32>
      %gather3A_340 = tpu.vector_load_idx %arg12[%add3A_339, %broadcast_in_dim3A_337] : memref<512x128xf32, #tpu.memory_space<vmem>>[vector<16xi32>, vector<16xi32>], vector<16xf32>,
      %multiple_of3A_341 = arith.constant 64 : i32
      %multiple_of3A_342 = tpu.assume_multiple %multiple_of3A_341, 16 : i32
      %swap3A_343 = arith.index_cast %multiple_of3A_342 : i32 to index
      %swap3A_344 = tpu.vector_load %arg13[%swap3A_343] {strides = array<i32>} : memref<2048xf32, #tpu.memory_space<vmem>>, vector<16xf32>,
      tpu.vector_store %arg13[%swap3A_343], %gather3A_340 {strides = array<i32>} : memref<2048xf32, #tpu.memory_space<vmem>>, vector<16xf32>,
      %add3A_345 = vector.broadcast %mul3A_336 : i32 to vector<16xi32>
      %add3A_346 = arith.addi %add3A_10, %add3A_345 : vector<16xi32>
      %gather3A_347 = tpu.vector_load_idx %arg12[%add3A_346, %broadcast_in_dim3A_337] : memref<512x128xf32, #tpu.memory_space<vmem>>[vector<16xi32>, vector<16xi32>], vector<16xf32>,
      %multiple_of3A_348 = arith.constant 80 : i32
      %multiple_of3A_349 = tpu.assume_multiple %multiple_of3A_348, 16 : i32
      %swap3A_350 = arith.index_cast %multiple_of3A_349 : i32 to index
      %swap3A_351 = tpu.vector_load %arg13[%swap3A_350] {strides = array<i32>} : memref<2048xf32, #tpu.memory_space<vmem>>, vector<16xf32>,
      tpu.vector_store %arg13[%swap3A_350], %gather3A_347 {strides = array<i32>} : memref<2048xf32, #tpu.memory_space<vmem>>, vector<16xf32>,
      %add3A_352 = vector.broadcast %mul3A_336 : i32 to vector<16xi32>
      %add3A_353 = arith.addi %add3A_14, %add3A_352 : vector<16xi32>
      %gather3A_354 = tpu.vector_load_idx %arg12[%add3A_353, %broadcast_in_dim3A_337] : memref<512x128xf32, #tpu.memory_space<vmem>>[vector<16xi32>, vector<16xi32>], vector<16xf32>,
      %multiple_of3A_355 = arith.constant 96 : i32
      %multiple_of3A_356 = tpu.assume_multiple %multiple_of3A_355, 16 : i32
      %swap3A_357 = arith.index_cast %multiple_of3A_356 : i32 to index
      %swap3A_358 = tpu.vector_load %arg13[%swap3A_357] {strides = array<i32>} : memref<2048xf32, #tpu.memory_space<vmem>>, vector<16xf32>,
      tpu.vector_store %arg13[%swap3A_357], %gather3A_354 {strides = array<i32>} : memref<2048xf32, #tpu.memory_space<vmem>>, vector<16xf32>,
      %add3A_359 = vector.broadcast %mul3A_336 : i32 to vector<16xi32>
      %add3A_360 = arith.addi %add3A_18, %add3A_359 : vector<16xi32>
      %gather3A_361 = tpu.vector_load_idx %arg12[%add3A_360, %broadcast_in_dim3A_337] : memref<512x128xf32, #tpu.memory_space<vmem>>[vector<16xi32>, vector<16xi32>], vector<16xf32>,
      %multiple_of3A_362 = arith.constant 112 : i32
      %multiple_of3A_363 = tpu.assume_multiple %multiple_of3A_362, 16 : i32
      %swap3A_364 = arith.index_cast %multiple_of3A_363 : i32 to index
      %swap3A_365 = tpu.vector_load %arg13[%swap3A_364] {strides = array<i32>} : memref<2048xf32, #tpu.memory_space<vmem>>, vector<16xf32>,
      tpu.vector_store %arg13[%swap3A_364], %gather3A_361 {strides = array<i32>} : memref<2048xf32, #tpu.memory_space<vmem>>, vector<16xf32>,
      %slice3A_366 = vector.extract_strided_slice %get3A_49 {offsets = [1], sizes = [1], strides = [1]} : vector<16xi32> to vector<1xi32>
      %squeeze3A_367 = vector.extract %slice3A_366[0] : i32 from vector<1xi32>
      %mul3A_368 = arith.constant 64 : i32
      %mul3A_369 = arith.muli %squeeze3A_367, %mul3A_368 : i32
      %multiple_of3A_370 = tpu.assume_multiple %mul3A_369, 64 : i32
      %multiple_of3A_371 = arith.constant 64 : i32
      %multiple_of3A_372 = tpu.assume_multiple %multiple_of3A_371, 64 : i32
      %dma_start3A_373 = tpu.memref_slice %arg13[%multiple_of3A_372] : memref<2048xf32, #tpu.memory_space<vmem>> -> memref<64xf32, #tpu.memory_space<vmem>>
      %dma_start3A_374 = tpu.memref_slice %arg7[%multiple_of3A_370] : memref<1048576xf32, #tpu.memory_space<hbm>> -> memref<64xf32, #tpu.memory_space<hbm>>
      %dma_start3A_375 = tpu.memref_slice %arg7[%multiple_of3A_370] : memref<1048576xf32, #tpu.memory_space<hbm>> -> memref<64xf32, #tpu.memory_space<hbm>>
      %dma_start3A_376 = tpu.memref_slice %arg13[%multiple_of3A_372] : memref<2048xf32, #tpu.memory_space<vmem>> -> memref<64xf32, #tpu.memory_space<vmem>>
      tpu.enqueue_dma source(%dma_start3A_376 : memref<64xf32, #tpu.memory_space<vmem>>) target(%dma_start3A_375 : memref<64xf32, #tpu.memory_space<hbm>>) target_semaphore(%arg16 : memref<!tpu.dma_semaphore, #tpu.memory_space<semaphore_mem>>)
      %slice3A_377 = vector.extract_strided_slice %get3A_47 {offsets = [2], sizes = [1], strides = [1]} : vector<16xi32> to vector<1xi32>
      %squeeze3A_378 = vector.extract %slice3A_377[0] : i32 from vector<1xi32>
      %and3A_379 = arith.constant 127 : i32
      %and3A_380 = arith.andi %squeeze3A_378, %and3A_379 : i32
      %slice3A_381 = vector.extract_strided_slice %get3A_53 {offsets = [2], sizes = [1], strides = [1]} : vector<16xi32> to vector<1xi32>
      %squeeze3A_382 = vector.extract %slice3A_381[0] : i32 from vector<1xi32>
      %sub3A_383 = arith.subi %squeeze3A_382, %squeeze3A : i32
      %and3A_384 = arith.constant 7 : i32
      %and3A_385 = arith.andi %sub3A_383, %and3A_384 : i32
      %mul3A_386 = arith.constant 64 : i32
      %mul3A_387 = arith.muli %and3A_385, %mul3A_386 : i32
      %broadcast_in_dim3A_388 = vector.broadcast %and3A_380 : i32 to vector<16xi32>
      %add3A_389 = vector.broadcast %mul3A_387 : i32 to vector<16xi32>
      %add3A_390 = arith.addi %add3A_6, %add3A_389 : vector<16xi32>
      %gather3A_391 = tpu.vector_load_idx %arg12[%add3A_390, %broadcast_in_dim3A_388] : memref<512x128xf32, #tpu.memory_space<vmem>>[vector<16xi32>, vector<16xi32>], vector<16xf32>,
      %multiple_of3A_392 = arith.constant 128 : i32
      %multiple_of3A_393 = tpu.assume_multiple %multiple_of3A_392, 16 : i32
      %swap3A_394 = arith.index_cast %multiple_of3A_393 : i32 to index
      %swap3A_395 = tpu.vector_load %arg13[%swap3A_394] {strides = array<i32>} : memref<2048xf32, #tpu.memory_space<vmem>>, vector<16xf32>,
      tpu.vector_store %arg13[%swap3A_394], %gather3A_391 {strides = array<i32>} : memref<2048xf32, #tpu.memory_space<vmem>>, vector<16xf32>,
      %add3A_396 = vector.broadcast %mul3A_387 : i32 to vector<16xi32>
      %add3A_397 = arith.addi %add3A_10, %add3A_396 : vector<16xi32>
      %gather3A_398 = tpu.vector_load_idx %arg12[%add3A_397, %broadcast_in_dim3A_388] : memref<512x128xf32, #tpu.memory_space<vmem>>[vector<16xi32>, vector<16xi32>], vector<16xf32>,
      %multiple_of3A_399 = arith.constant 144 : i32
      %multiple_of3A_400 = tpu.assume_multiple %multiple_of3A_399, 16 : i32
      %swap3A_401 = arith.index_cast %multiple_of3A_400 : i32 to index
      %swap3A_402 = tpu.vector_load %arg13[%swap3A_401] {strides = array<i32>} : memref<2048xf32, #tpu.memory_space<vmem>>, vector<16xf32>,
      tpu.vector_store %arg13[%swap3A_401], %gather3A_398 {strides = array<i32>} : memref<2048xf32, #tpu.memory_space<vmem>>, vector<16xf32>,
      %add3A_403 = vector.broadcast %mul3A_387 : i32 to vector<16xi32>
      %add3A_404 = arith.addi %add3A_14, %add3A_403 : vector<16xi32>
      %gather3A_405 = tpu.vector_load_idx %arg12[%add3A_404, %broadcast_in_dim3A_388] : memref<512x128xf32, #tpu.memory_space<vmem>>[vector<16xi32>, vector<16xi32>], vector<16xf32>,
      %multiple_of3A_406 = arith.constant 160 : i32
      %multiple_of3A_407 = tpu.assume_multiple %multiple_of3A_406, 16 : i32
      %swap3A_408 = arith.index_cast %multiple_of3A_407 : i32 to index
      %swap3A_409 = tpu.vector_load %arg13[%swap3A_408] {strides = array<i32>} : memref<2048xf32, #tpu.memory_space<vmem>>, vector<16xf32>,
      tpu.vector_store %arg13[%swap3A_408], %gather3A_405 {strides = array<i32>} : memref<2048xf32, #tpu.memory_space<vmem>>, vector<16xf32>,
      %add3A_410 = vector.broadcast %mul3A_387 : i32 to vector<16xi32>
      %add3A_411 = arith.addi %add3A_18, %add3A_410 : vector<16xi32>
      %gather3A_412 = tpu.vector_load_idx %arg12[%add3A_411, %broadcast_in_dim3A_388] : memref<512x128xf32, #tpu.memory_space<vmem>>[vector<16xi32>, vector<16xi32>], vector<16xf32>,
      %multiple_of3A_413 = arith.constant 176 : i32
      %multiple_of3A_414 = tpu.assume_multiple %multiple_of3A_413, 16 : i32
      %swap3A_415 = arith.index_cast %multiple_of3A_414 : i32 to index
      %swap3A_416 = tpu.vector_load %arg13[%swap3A_415] {strides = array<i32>} : memref<2048xf32, #tpu.memory_space<vmem>>, vector<16xf32>,
      tpu.vector_store %arg13[%swap3A_415], %gather3A_412 {strides = array<i32>} : memref<2048xf32, #tpu.memory_space<vmem>>, vector<16xf32>,
      %slice3A_417 = vector.extract_strided_slice %get3A_49 {offsets = [2], sizes = [1], strides = [1]} : vector<16xi32> to vector<1xi32>
      %squeeze3A_418 = vector.extract %slice3A_417[0] : i32 from vector<1xi32>
      %mul3A_419 = arith.constant 64 : i32
      %mul3A_420 = arith.muli %squeeze3A_418, %mul3A_419 : i32
      %multiple_of3A_421 = tpu.assume_multiple %mul3A_420, 64 : i32
      %multiple_of3A_422 = arith.constant 128 : i32
      %multiple_of3A_423 = tpu.assume_multiple %multiple_of3A_422, 64 : i32
      %dma_start3A_424 = tpu.memref_slice %arg13[%multiple_of3A_423] : memref<2048xf32, #tpu.memory_space<vmem>> -> memref<64xf32, #tpu.memory_space<vmem>>
      %dma_start3A_425 = tpu.memref_slice %arg7[%multiple_of3A_421] : memref<1048576xf32, #tpu.memory_space<hbm>> -> memref<64xf32, #tpu.memory_space<hbm>>
      %dma_start3A_426 = tpu.memref_slice %arg7[%multiple_of3A_421] : memref<1048576xf32, #tpu.memory_space<hbm>> -> memref<64xf32, #tpu.memory_space<hbm>>
      %dma_start3A_427 = tpu.memref_slice %arg13[%multiple_of3A_423] : memref<2048xf32, #tpu.memory_space<vmem>> -> memref<64xf32, #tpu.memory_space<vmem>>
      tpu.enqueue_dma source(%dma_start3A_427 : memref<64xf32, #tpu.memory_space<vmem>>) target(%dma_start3A_426 : memref<64xf32, #tpu.memory_space<hbm>>) target_semaphore(%arg16 : memref<!tpu.dma_semaphore, #tpu.memory_space<semaphore_mem>>)
      %slice3A_428 = vector.extract_strided_slice %get3A_47 {offsets = [3], sizes = [1], strides = [1]} : vector<16xi32> to vector<1xi32>
      %squeeze3A_429 = vector.extract %slice3A_428[0] : i32 from vector<1xi32>
      %and3A_430 = arith.constant 127 : i32
      %and3A_431 = arith.andi %squeeze3A_429, %and3A_430 : i32
      %slice3A_432 = vector.extract_strided_slice %get3A_53 {offsets = [3], sizes = [1], strides = [1]} : vector<16xi32> to vector<1xi32>
      %squeeze3A_433 = vector.extract %slice3A_432[0] : i32 from vector<1xi32>
      %sub3A_434 = arith.subi %squeeze3A_433, %squeeze3A : i32
      %and3A_435 = arith.constant 7 : i32
      %and3A_436 = arith.andi %sub3A_434, %and3A_435 : i32
      %mul3A_437 = arith.constant 64 : i32
      %mul3A_438 = arith.muli %and3A_436, %mul3A_437 : i32
      %broadcast_in_dim3A_439 = vector.broadcast %and3A_431 : i32 to vector<16xi32>
      %add3A_440 = vector.broadcast %mul3A_438 : i32 to vector<16xi32>
      %add3A_441 = arith.addi %add3A_6, %add3A_440 : vector<16xi32>
      %gather3A_442 = tpu.vector_load_idx %arg12[%add3A_441, %broadcast_in_dim3A_439] : memref<512x128xf32, #tpu.memory_space<vmem>>[vector<16xi32>, vector<16xi32>], vector<16xf32>,
      %multiple_of3A_443 = arith.constant 192 : i32
      %multiple_of3A_444 = tpu.assume_multiple %multiple_of3A_443, 16 : i32
      %swap3A_445 = arith.index_cast %multiple_of3A_444 : i32 to index
      %swap3A_446 = tpu.vector_load %arg13[%swap3A_445] {strides = array<i32>} : memref<2048xf32, #tpu.memory_space<vmem>>, vector<16xf32>,
      tpu.vector_store %arg13[%swap3A_445], %gather3A_442 {strides = array<i32>} : memref<2048xf32, #tpu.memory_space<vmem>>, vector<16xf32>,
      %add3A_447 = vector.broadcast %mul3A_438 : i32 to vector<16xi32>
      %add3A_448 = arith.addi %add3A_10, %add3A_447 : vector<16xi32>
      %gather3A_449 = tpu.vector_load_idx %arg12[%add3A_448, %broadcast_in_dim3A_439] : memref<512x128xf32, #tpu.memory_space<vmem>>[vector<16xi32>, vector<16xi32>], vector<16xf32>,
      %multiple_of3A_450 = arith.constant 208 : i32
      %multiple_of3A_451 = tpu.assume_multiple %multiple_of3A_450, 16 : i32
      %swap3A_452 = arith.index_cast %multiple_of3A_451 : i32 to index
      %swap3A_453 = tpu.vector_load %arg13[%swap3A_452] {strides = array<i32>} : memref<2048xf32, #tpu.memory_space<vmem>>, vector<16xf32>,
      tpu.vector_store %arg13[%swap3A_452], %gather3A_449 {strides = array<i32>} : memref<2048xf32, #tpu.memory_space<vmem>>, vector<16xf32>,
      %add3A_454 = vector.broadcast %mul3A_438 : i32 to vector<16xi32>
      %add3A_455 = arith.addi %add3A_14, %add3A_454 : vector<16xi32>
      %gather3A_456 = tpu.vector_load_idx %arg12[%add3A_455, %broadcast_in_dim3A_439] : memref<512x128xf32, #tpu.memory_space<vmem>>[vector<16xi32>, vector<16xi32>], vector<16xf32>,
      %multiple_of3A_457 = arith.constant 224 : i32
      %multiple_of3A_458 = tpu.assume_multiple %multiple_of3A_457, 16 : i32
      %swap3A_459 = arith.index_cast %multiple_of3A_458 : i32 to index
      %swap3A_460 = tpu.vector_load %arg13[%swap3A_459] {strides = array<i32>} : memref<2048xf32, #tpu.memory_space<vmem>>, vector<16xf32>,
      tpu.vector_store %arg13[%swap3A_459], %gather3A_456 {strides = array<i32>} : memref<2048xf32, #tpu.memory_space<vmem>>, vector<16xf32>,
      %add3A_461 = vector.broadcast %mul3A_438 : i32 to vector<16xi32>
      %add3A_462 = arith.addi %add3A_18, %add3A_461 : vector<16xi32>
      %gather3A_463 = tpu.vector_load_idx %arg12[%add3A_462, %broadcast_in_dim3A_439] : memref<512x128xf32, #tpu.memory_space<vmem>>[vector<16xi32>, vector<16xi32>], vector<16xf32>,
      %multiple_of3A_464 = arith.constant 240 : i32
      %multiple_of3A_465 = tpu.assume_multiple %multiple_of3A_464, 16 : i32
      %swap3A_466 = arith.index_cast %multiple_of3A_465 : i32 to index
      %swap3A_467 = tpu.vector_load %arg13[%swap3A_466] {strides = array<i32>} : memref<2048xf32, #tpu.memory_space<vmem>>, vector<16xf32>,
      tpu.vector_store %arg13[%swap3A_466], %gather3A_463 {strides = array<i32>} : memref<2048xf32, #tpu.memory_space<vmem>>, vector<16xf32>,
      %slice3A_468 = vector.extract_strided_slice %get3A_49 {offsets = [3], sizes = [1], strides = [1]} : vector<16xi32> to vector<1xi32>
      %squeeze3A_469 = vector.extract %slice3A_468[0] : i32 from vector<1xi32>
      %mul3A_470 = arith.constant 64 : i32
      %mul3A_471 = arith.muli %squeeze3A_469, %mul3A_470 : i32
      %multiple_of3A_472 = tpu.assume_multiple %mul3A_471, 64 : i32
      %multiple_of3A_473 = arith.constant 192 : i32
      %multiple_of3A_474 = tpu.assume_multiple %multiple_of3A_473, 64 : i32
      %dma_start3A_475 = tpu.memref_slice %arg13[%multiple_of3A_474] : memref<2048xf32, #tpu.memory_space<vmem>> -> memref<64xf32, #tpu.memory_space<vmem>>
      %dma_start3A_476 = tpu.memref_slice %arg7[%multiple_of3A_472] : memref<1048576xf32, #tpu.memory_space<hbm>> -> memref<64xf32, #tpu.memory_space<hbm>>
      %dma_start3A_477 = tpu.memref_slice %arg7[%multiple_of3A_472] : memref<1048576xf32, #tpu.memory_space<hbm>> -> memref<64xf32, #tpu.memory_space<hbm>>
      %dma_start3A_478 = tpu.memref_slice %arg13[%multiple_of3A_474] : memref<2048xf32, #tpu.memory_space<vmem>> -> memref<64xf32, #tpu.memory_space<vmem>>
      tpu.enqueue_dma source(%dma_start3A_478 : memref<64xf32, #tpu.memory_space<vmem>>) target(%dma_start3A_477 : memref<64xf32, #tpu.memory_space<hbm>>) target_semaphore(%arg16 : memref<!tpu.dma_semaphore, #tpu.memory_space<semaphore_mem>>)
      %slice3A_479 = vector.extract_strided_slice %get3A_47 {offsets = [8], sizes = [1], strides = [1]} : vector<16xi32> to vector<1xi32>
      %squeeze3A_480 = vector.extract %slice3A_479[0] : i32 from vector<1xi32>
      %and3A_481 = arith.constant 127 : i32
      %and3A_482 = arith.andi %squeeze3A_480, %and3A_481 : i32
      %sub3A_483 = arith.subi %squeeze3A_480, %and3A_482 : i32
      %multiple_of3A_484 = tpu.assume_multiple %sub3A_483, 128 : i32
      %slice3A_485 = vector.extract_strided_slice %get3A_53 {offsets = [8], sizes = [1], strides = [1]} : vector<16xi32> to vector<1xi32>
      %squeeze3A_486 = vector.extract %slice3A_485[0] : i32 from vector<1xi32>
      %sub3A_487 = arith.subi %squeeze3A_486, %squeeze3A : i32
      %and3A_488 = arith.constant 7 : i32
      %and3A_489 = arith.andi %sub3A_487, %and3A_488 : i32
      %mul3A_490 = arith.constant 64 : i32
      %mul3A_491 = arith.muli %and3A_489, %mul3A_490 : i32
      %multiple_of3A_492 = tpu.assume_multiple %mul3A_491, 64 : i32
      %slice3A_493 = vector.extract_strided_slice %get3A_51 {offsets = [8], sizes = [1], strides = [1]} : vector<16xi32> to vector<1xi32>
      %squeeze3A_494 = vector.extract %slice3A_493[0] : i32 from vector<1xi32>
      %ne3A_495 = arith.constant 0 : i32
      %ne3A_496 = arith.cmpi ne, %squeeze3A_494, %ne3A_495 : i32
      %convert_element_type3A_497 = arith.extui %ne3A_496 : i1 to i32
      %cond3A_498 = arith.constant 0 : i32
      %cond3A_499 = arith.cmpi ne, %convert_element_type3A_497, %cond3A_498 : i32
      scf.if %cond3A_499 {
        %dma_start3A_2851 = arith.constant 0 : i32
        %dma_start3A_2852 = tpu.memref_slice %arg12[%multiple_of3A_492, %dma_start3A_2851] : memref<512x128xf32, #tpu.memory_space<vmem>> -> memref<64x128xf32, #tpu.memory_space<vmem>>
        %dma_start3A_2853 = arith.constant 0 : i32
        %dma_start3A_2854 = tpu.memref_slice %arg6[%dma_start3A_2853, %multiple_of3A_484] : memref<64x1000001xf32, #tpu.memory_space<hbm>> -> memref<64x128xf32, #tpu.memory_space<hbm>>
        %dma_start3A_2855 = arith.constant 0 : i32
        %dma_start3A_2856 = tpu.memref_slice %arg12[%multiple_of3A_492, %dma_start3A_2855] : memref<512x128xf32, #tpu.memory_space<vmem>> -> memref<64x128xf32, #tpu.memory_space<vmem>>
        %dma_start3A_2857 = arith.constant 0 : i32
        %dma_start3A_2858 = tpu.memref_slice %arg6[%dma_start3A_2857, %multiple_of3A_484] : memref<64x1000001xf32, #tpu.memory_space<hbm>> -> memref<64x128xf32, #tpu.memory_space<hbm>>
        tpu.enqueue_dma source(%dma_start3A_2858 : memref<64x128xf32, #tpu.memory_space<hbm>>) target(%dma_start3A_2856 : memref<64x128xf32, #tpu.memory_space<vmem>>) target_semaphore(%arg14 : memref<!tpu.dma_semaphore, #tpu.memory_space<semaphore_mem>>)
      } else {
      }
      %slice3A_500 = vector.extract_strided_slice %get3A_47 {offsets = [9], sizes = [1], strides = [1]} : vector<16xi32> to vector<1xi32>
      %squeeze3A_501 = vector.extract %slice3A_500[0] : i32 from vector<1xi32>
      %and3A_502 = arith.constant 127 : i32
      %and3A_503 = arith.andi %squeeze3A_501, %and3A_502 : i32
      %sub3A_504 = arith.subi %squeeze3A_501, %and3A_503 : i32
      %multiple_of3A_505 = tpu.assume_multiple %sub3A_504, 128 : i32
      %slice3A_506 = vector.extract_strided_slice %get3A_53 {offsets = [9], sizes = [1], strides = [1]} : vector<16xi32> to vector<1xi32>
      %squeeze3A_507 = vector.extract %slice3A_506[0] : i32 from vector<1xi32>
      %sub3A_508 = arith.subi %squeeze3A_507, %squeeze3A : i32
      %and3A_509 = arith.constant 7 : i32
      %and3A_510 = arith.andi %sub3A_508, %and3A_509 : i32
      %mul3A_511 = arith.constant 64 : i32
      %mul3A_512 = arith.muli %and3A_510, %mul3A_511 : i32
      %multiple_of3A_513 = tpu.assume_multiple %mul3A_512, 64 : i32
      %slice3A_514 = vector.extract_strided_slice %get3A_51 {offsets = [9], sizes = [1], strides = [1]} : vector<16xi32> to vector<1xi32>
      %squeeze3A_515 = vector.extract %slice3A_514[0] : i32 from vector<1xi32>
      %ne3A_516 = arith.constant 0 : i32
      %ne3A_517 = arith.cmpi ne, %squeeze3A_515, %ne3A_516 : i32
      %convert_element_type3A_518 = arith.extui %ne3A_517 : i1 to i32
      %cond3A_519 = arith.constant 0 : i32
      %cond3A_520 = arith.cmpi ne, %convert_element_type3A_518, %cond3A_519 : i32
      scf.if %cond3A_520 {
        %dma_start3A_2851 = arith.constant 0 : i32
        %dma_start3A_2852 = tpu.memref_slice %arg12[%multiple_of3A_513, %dma_start3A_2851] : memref<512x128xf32, #tpu.memory_space<vmem>> -> memref<64x128xf32, #tpu.memory_space<vmem>>
        %dma_start3A_2853 = arith.constant 0 : i32
        %dma_start3A_2854 = tpu.memref_slice %arg6[%dma_start3A_2853, %multiple_of3A_505] : memref<64x1000001xf32, #tpu.memory_space<hbm>> -> memref<64x128xf32, #tpu.memory_space<hbm>>
        %dma_start3A_2855 = arith.constant 0 : i32
        %dma_start3A_2856 = tpu.memref_slice %arg12[%multiple_of3A_513, %dma_start3A_2855] : memref<512x128xf32, #tpu.memory_space<vmem>> -> memref<64x128xf32, #tpu.memory_space<vmem>>
        %dma_start3A_2857 = arith.constant 0 : i32
        %dma_start3A_2858 = tpu.memref_slice %arg6[%dma_start3A_2857, %multiple_of3A_505] : memref<64x1000001xf32, #tpu.memory_space<hbm>> -> memref<64x128xf32, #tpu.memory_space<hbm>>
        tpu.enqueue_dma source(%dma_start3A_2858 : memref<64x128xf32, #tpu.memory_space<hbm>>) target(%dma_start3A_2856 : memref<64x128xf32, #tpu.memory_space<vmem>>) target_semaphore(%arg14 : memref<!tpu.dma_semaphore, #tpu.memory_space<semaphore_mem>>)
      } else {
      }
      %slice3A_521 = vector.extract_strided_slice %get3A_47 {offsets = [10], sizes = [1], strides = [1]} : vector<16xi32> to vector<1xi32>
      %squeeze3A_522 = vector.extract %slice3A_521[0] : i32 from vector<1xi32>
      %and3A_523 = arith.constant 127 : i32
      %and3A_524 = arith.andi %squeeze3A_522, %and3A_523 : i32
      %sub3A_525 = arith.subi %squeeze3A_522, %and3A_524 : i32
      %multiple_of3A_526 = tpu.assume_multiple %sub3A_525, 128 : i32
      %slice3A_527 = vector.extract_strided_slice %get3A_53 {offsets = [10], sizes = [1], strides = [1]} : vector<16xi32> to vector<1xi32>
      %squeeze3A_528 = vector.extract %slice3A_527[0] : i32 from vector<1xi32>
      %sub3A_529 = arith.subi %squeeze3A_528, %squeeze3A : i32
      %and3A_530 = arith.constant 7 : i32
      %and3A_531 = arith.andi %sub3A_529, %and3A_530 : i32
      %mul3A_532 = arith.constant 64 : i32
      %mul3A_533 = arith.muli %and3A_531, %mul3A_532 : i32
      %multiple_of3A_534 = tpu.assume_multiple %mul3A_533, 64 : i32
      %slice3A_535 = vector.extract_strided_slice %get3A_51 {offsets = [10], sizes = [1], strides = [1]} : vector<16xi32> to vector<1xi32>
      %squeeze3A_536 = vector.extract %slice3A_535[0] : i32 from vector<1xi32>
      %ne3A_537 = arith.constant 0 : i32
      %ne3A_538 = arith.cmpi ne, %squeeze3A_536, %ne3A_537 : i32
      %convert_element_type3A_539 = arith.extui %ne3A_538 : i1 to i32
      %cond3A_540 = arith.constant 0 : i32
      %cond3A_541 = arith.cmpi ne, %convert_element_type3A_539, %cond3A_540 : i32
      scf.if %cond3A_541 {
        %dma_start3A_2851 = arith.constant 0 : i32
        %dma_start3A_2852 = tpu.memref_slice %arg12[%multiple_of3A_534, %dma_start3A_2851] : memref<512x128xf32, #tpu.memory_space<vmem>> -> memref<64x128xf32, #tpu.memory_space<vmem>>
        %dma_start3A_2853 = arith.constant 0 : i32
        %dma_start3A_2854 = tpu.memref_slice %arg6[%dma_start3A_2853, %multiple_of3A_526] : memref<64x1000001xf32, #tpu.memory_space<hbm>> -> memref<64x128xf32, #tpu.memory_space<hbm>>
        %dma_start3A_2855 = arith.constant 0 : i32
        %dma_start3A_2856 = tpu.memref_slice %arg12[%multiple_of3A_534, %dma_start3A_2855] : memref<512x128xf32, #tpu.memory_space<vmem>> -> memref<64x128xf32, #tpu.memory_space<vmem>>
        %dma_start3A_2857 = arith.constant 0 : i32
        %dma_start3A_2858 = tpu.memref_slice %arg6[%dma_start3A_2857, %multiple_of3A_526] : memref<64x1000001xf32, #tpu.memory_space<hbm>> -> memref<64x128xf32, #tpu.memory_space<hbm>>
        tpu.enqueue_dma source(%dma_start3A_2858 : memref<64x128xf32, #tpu.memory_space<hbm>>) target(%dma_start3A_2856 : memref<64x128xf32, #tpu.memory_space<vmem>>) target_semaphore(%arg14 : memref<!tpu.dma_semaphore, #tpu.memory_space<semaphore_mem>>)
      } else {
      }
      %slice3A_542 = vector.extract_strided_slice %get3A_47 {offsets = [11], sizes = [1], strides = [1]} : vector<16xi32> to vector<1xi32>
      %squeeze3A_543 = vector.extract %slice3A_542[0] : i32 from vector<1xi32>
      %and3A_544 = arith.constant 127 : i32
      %and3A_545 = arith.andi %squeeze3A_543, %and3A_544 : i32
      %sub3A_546 = arith.subi %squeeze3A_543, %and3A_545 : i32
      %multiple_of3A_547 = tpu.assume_multiple %sub3A_546, 128 : i32
      %slice3A_548 = vector.extract_strided_slice %get3A_53 {offsets = [11], sizes = [1], strides = [1]} : vector<16xi32> to vector<1xi32>
      %squeeze3A_549 = vector.extract %slice3A_548[0] : i32 from vector<1xi32>
      %sub3A_550 = arith.subi %squeeze3A_549, %squeeze3A : i32
      %and3A_551 = arith.constant 7 : i32
      %and3A_552 = arith.andi %sub3A_550, %and3A_551 : i32
      %mul3A_553 = arith.constant 64 : i32
      %mul3A_554 = arith.muli %and3A_552, %mul3A_553 : i32
      %multiple_of3A_555 = tpu.assume_multiple %mul3A_554, 64 : i32
      %slice3A_556 = vector.extract_strided_slice %get3A_51 {offsets = [11], sizes = [1], strides = [1]} : vector<16xi32> to vector<1xi32>
      %squeeze3A_557 = vector.extract %slice3A_556[0] : i32 from vector<1xi32>
      %ne3A_558 = arith.constant 0 : i32
      %ne3A_559 = arith.cmpi ne, %squeeze3A_557, %ne3A_558 : i32
      %convert_element_type3A_560 = arith.extui %ne3A_559 : i1 to i32
      %cond3A_561 = arith.constant 0 : i32
      %cond3A_562 = arith.cmpi ne, %convert_element_type3A_560, %cond3A_561 : i32
      scf.if %cond3A_562 {
        %dma_start3A_2851 = arith.constant 0 : i32
        %dma_start3A_2852 = tpu.memref_slice %arg12[%multiple_of3A_555, %dma_start3A_2851] : memref<512x128xf32, #tpu.memory_space<vmem>> -> memref<64x128xf32, #tpu.memory_space<vmem>>
        %dma_start3A_2853 = arith.constant 0 : i32
        %dma_start3A_2854 = tpu.memref_slice %arg6[%dma_start3A_2853, %multiple_of3A_547] : memref<64x1000001xf32, #tpu.memory_space<hbm>> -> memref<64x128xf32, #tpu.memory_space<hbm>>
        %dma_start3A_2855 = arith.constant 0 : i32
        %dma_start3A_2856 = tpu.memref_slice %arg12[%multiple_of3A_555, %dma_start3A_2855] : memref<512x128xf32, #tpu.memory_space<vmem>> -> memref<64x128xf32, #tpu.memory_space<vmem>>
        %dma_start3A_2857 = arith.constant 0 : i32
        %dma_start3A_2858 = tpu.memref_slice %arg6[%dma_start3A_2857, %multiple_of3A_547] : memref<64x1000001xf32, #tpu.memory_space<hbm>> -> memref<64x128xf32, #tpu.memory_space<hbm>>
        tpu.enqueue_dma source(%dma_start3A_2858 : memref<64x128xf32, #tpu.memory_space<hbm>>) target(%dma_start3A_2856 : memref<64x128xf32, #tpu.memory_space<vmem>>) target_semaphore(%arg14 : memref<!tpu.dma_semaphore, #tpu.memory_space<semaphore_mem>>)
      } else {
      }
      %slice3A_563 = vector.extract_strided_slice %get3A_53 {offsets = [4], sizes = [1], strides = [1]} : vector<16xi32> to vector<1xi32>
      %squeeze3A_564 = vector.extract %slice3A_563[0] : i32 from vector<1xi32>
      %sub3A_565 = arith.subi %squeeze3A_564, %squeeze3A : i32
      %and3A_566 = arith.constant 7 : i32
      %and3A_567 = arith.andi %sub3A_565, %and3A_566 : i32
      %mul3A_568 = arith.constant 64 : i32
      %mul3A_569 = arith.muli %and3A_567, %mul3A_568 : i32
      %multiple_of3A_570 = tpu.assume_multiple %mul3A_569, 64 : i32
      %slice3A_571 = vector.extract_strided_slice %get3A_51 {offsets = [4], sizes = [1], strides = [1]} : vector<16xi32> to vector<1xi32>
      %squeeze3A_572 = vector.extract %slice3A_571[0] : i32 from vector<1xi32>
      %ne3A_573 = arith.constant 0 : i32
      %ne3A_574 = arith.cmpi ne, %squeeze3A_572, %ne3A_573 : i32
      %convert_element_type3A_575 = arith.extui %ne3A_574 : i1 to i32
      %cond3A_576 = arith.constant 0 : i32
      %cond3A_577 = arith.cmpi ne, %convert_element_type3A_575, %cond3A_576 : i32
      scf.if %cond3A_577 {
        %dma_wait3A_2851 = arith.constant 0 : i32
        %dma_wait3A_2852 = tpu.memref_slice %arg12[%multiple_of3A_570, %dma_wait3A_2851] : memref<512x128xf32, #tpu.memory_space<vmem>> -> memref<64x128xf32, #tpu.memory_space<vmem>>
        %dma_wait3A_2853 = arith.constant 0 : i32
        %dma_wait3A_2854 = arith.constant 0 : i32
        %dma_wait3A_2855 = tpu.memref_slice %arg6[%dma_wait3A_2853, %dma_wait3A_2854] : memref<64x1000001xf32, #tpu.memory_space<hbm>> -> memref<64x128xf32, #tpu.memory_space<hbm>>
        %dma_wait3A_2856 = arith.constant 0 : i32
        %dma_wait3A_2857 = tpu.memref_slice %arg12[%multiple_of3A_570, %dma_wait3A_2856] : memref<512x128xf32, #tpu.memory_space<vmem>> -> memref<64x128xf32, #tpu.memory_space<vmem>>
        %dma_wait3A_2858 = arith.constant 0 : i32
        %dma_wait3A_2859 = arith.constant 0 : i32
        %dma_wait3A_2860 = tpu.memref_slice %arg6[%dma_wait3A_2858, %dma_wait3A_2859] : memref<64x1000001xf32, #tpu.memory_space<hbm>> -> memref<64x128xf32, #tpu.memory_space<hbm>>
        tpu.wait_dma2 semaphore(%arg15 : memref<!tpu.dma_semaphore, #tpu.memory_space<semaphore_mem>>) src(%dma_wait3A_2860 : memref<64x128xf32, #tpu.memory_space<hbm>>) dst(%dma_wait3A_2857 : memref<64x128xf32, #tpu.memory_space<vmem>>)
      } else {
      }
      %slice3A_578 = vector.extract_strided_slice %get3A_53 {offsets = [5], sizes = [1], strides = [1]} : vector<16xi32> to vector<1xi32>
      %squeeze3A_579 = vector.extract %slice3A_578[0] : i32 from vector<1xi32>
      %sub3A_580 = arith.subi %squeeze3A_579, %squeeze3A : i32
      %and3A_581 = arith.constant 7 : i32
      %and3A_582 = arith.andi %sub3A_580, %and3A_581 : i32
      %mul3A_583 = arith.constant 64 : i32
      %mul3A_584 = arith.muli %and3A_582, %mul3A_583 : i32
      %multiple_of3A_585 = tpu.assume_multiple %mul3A_584, 64 : i32
      %slice3A_586 = vector.extract_strided_slice %get3A_51 {offsets = [5], sizes = [1], strides = [1]} : vector<16xi32> to vector<1xi32>
      %squeeze3A_587 = vector.extract %slice3A_586[0] : i32 from vector<1xi32>
      %ne3A_588 = arith.constant 0 : i32
      %ne3A_589 = arith.cmpi ne, %squeeze3A_587, %ne3A_588 : i32
      %convert_element_type3A_590 = arith.extui %ne3A_589 : i1 to i32
      %cond3A_591 = arith.constant 0 : i32
      %cond3A_592 = arith.cmpi ne, %convert_element_type3A_590, %cond3A_591 : i32
      scf.if %cond3A_592 {
        %dma_wait3A_2851 = arith.constant 0 : i32
        %dma_wait3A_2852 = tpu.memref_slice %arg12[%multiple_of3A_585, %dma_wait3A_2851] : memref<512x128xf32, #tpu.memory_space<vmem>> -> memref<64x128xf32, #tpu.memory_space<vmem>>
        %dma_wait3A_2853 = arith.constant 0 : i32
        %dma_wait3A_2854 = arith.constant 0 : i32
        %dma_wait3A_2855 = tpu.memref_slice %arg6[%dma_wait3A_2853, %dma_wait3A_2854] : memref<64x1000001xf32, #tpu.memory_space<hbm>> -> memref<64x128xf32, #tpu.memory_space<hbm>>
        %dma_wait3A_2856 = arith.constant 0 : i32
        %dma_wait3A_2857 = tpu.memref_slice %arg12[%multiple_of3A_585, %dma_wait3A_2856] : memref<512x128xf32, #tpu.memory_space<vmem>> -> memref<64x128xf32, #tpu.memory_space<vmem>>
        %dma_wait3A_2858 = arith.constant 0 : i32
        %dma_wait3A_2859 = arith.constant 0 : i32
        %dma_wait3A_2860 = tpu.memref_slice %arg6[%dma_wait3A_2858, %dma_wait3A_2859] : memref<64x1000001xf32, #tpu.memory_space<hbm>> -> memref<64x128xf32, #tpu.memory_space<hbm>>
        tpu.wait_dma2 semaphore(%arg15 : memref<!tpu.dma_semaphore, #tpu.memory_space<semaphore_mem>>) src(%dma_wait3A_2860 : memref<64x128xf32, #tpu.memory_space<hbm>>) dst(%dma_wait3A_2857 : memref<64x128xf32, #tpu.memory_space<vmem>>)
      } else {
      }
      %slice3A_593 = vector.extract_strided_slice %get3A_53 {offsets = [6], sizes = [1], strides = [1]} : vector<16xi32> to vector<1xi32>
      %squeeze3A_594 = vector.extract %slice3A_593[0] : i32 from vector<1xi32>
      %sub3A_595 = arith.subi %squeeze3A_594, %squeeze3A : i32
      %and3A_596 = arith.constant 7 : i32
      %and3A_597 = arith.andi %sub3A_595, %and3A_596 : i32
      %mul3A_598 = arith.constant 64 : i32
      %mul3A_599 = arith.muli %and3A_597, %mul3A_598 : i32
      %multiple_of3A_600 = tpu.assume_multiple %mul3A_599, 64 : i32
      %slice3A_601 = vector.extract_strided_slice %get3A_51 {offsets = [6], sizes = [1], strides = [1]} : vector<16xi32> to vector<1xi32>
      %squeeze3A_602 = vector.extract %slice3A_601[0] : i32 from vector<1xi32>
      %ne3A_603 = arith.constant 0 : i32
      %ne3A_604 = arith.cmpi ne, %squeeze3A_602, %ne3A_603 : i32
      %convert_element_type3A_605 = arith.extui %ne3A_604 : i1 to i32
      %cond3A_606 = arith.constant 0 : i32
      %cond3A_607 = arith.cmpi ne, %convert_element_type3A_605, %cond3A_606 : i32
      scf.if %cond3A_607 {
        %dma_wait3A_2851 = arith.constant 0 : i32
        %dma_wait3A_2852 = tpu.memref_slice %arg12[%multiple_of3A_600, %dma_wait3A_2851] : memref<512x128xf32, #tpu.memory_space<vmem>> -> memref<64x128xf32, #tpu.memory_space<vmem>>
        %dma_wait3A_2853 = arith.constant 0 : i32
        %dma_wait3A_2854 = arith.constant 0 : i32
        %dma_wait3A_2855 = tpu.memref_slice %arg6[%dma_wait3A_2853, %dma_wait3A_2854] : memref<64x1000001xf32, #tpu.memory_space<hbm>> -> memref<64x128xf32, #tpu.memory_space<hbm>>
        %dma_wait3A_2856 = arith.constant 0 : i32
        %dma_wait3A_2857 = tpu.memref_slice %arg12[%multiple_of3A_600, %dma_wait3A_2856] : memref<512x128xf32, #tpu.memory_space<vmem>> -> memref<64x128xf32, #tpu.memory_space<vmem>>
        %dma_wait3A_2858 = arith.constant 0 : i32
        %dma_wait3A_2859 = arith.constant 0 : i32
        %dma_wait3A_2860 = tpu.memref_slice %arg6[%dma_wait3A_2858, %dma_wait3A_2859] : memref<64x1000001xf32, #tpu.memory_space<hbm>> -> memref<64x128xf32, #tpu.memory_space<hbm>>
        tpu.wait_dma2 semaphore(%arg15 : memref<!tpu.dma_semaphore, #tpu.memory_space<semaphore_mem>>) src(%dma_wait3A_2860 : memref<64x128xf32, #tpu.memory_space<hbm>>) dst(%dma_wait3A_2857 : memref<64x128xf32, #tpu.memory_space<vmem>>)
      } else {
      }
      %slice3A_608 = vector.extract_strided_slice %get3A_53 {offsets = [7], sizes = [1], strides = [1]} : vector<16xi32> to vector<1xi32>
      %squeeze3A_609 = vector.extract %slice3A_608[0] : i32 from vector<1xi32>
      %sub3A_610 = arith.subi %squeeze3A_609, %squeeze3A : i32
      %and3A_611 = arith.constant 7 : i32
      %and3A_612 = arith.andi %sub3A_610, %and3A_611 : i32
      %mul3A_613 = arith.constant 64 : i32
      %mul3A_614 = arith.muli %and3A_612, %mul3A_613 : i32
      %multiple_of3A_615 = tpu.assume_multiple %mul3A_614, 64 : i32
      %slice3A_616 = vector.extract_strided_slice %get3A_51 {offsets = [7], sizes = [1], strides = [1]} : vector<16xi32> to vector<1xi32>
      %squeeze3A_617 = vector.extract %slice3A_616[0] : i32 from vector<1xi32>
      %ne3A_618 = arith.constant 0 : i32
      %ne3A_619 = arith.cmpi ne, %squeeze3A_617, %ne3A_618 : i32
      %convert_element_type3A_620 = arith.extui %ne3A_619 : i1 to i32
      %cond3A_621 = arith.constant 0 : i32
      %cond3A_622 = arith.cmpi ne, %convert_element_type3A_620, %cond3A_621 : i32
      scf.if %cond3A_622 {
        %dma_wait3A_2851 = arith.constant 0 : i32
        %dma_wait3A_2852 = tpu.memref_slice %arg12[%multiple_of3A_615, %dma_wait3A_2851] : memref<512x128xf32, #tpu.memory_space<vmem>> -> memref<64x128xf32, #tpu.memory_space<vmem>>
        %dma_wait3A_2853 = arith.constant 0 : i32
        %dma_wait3A_2854 = arith.constant 0 : i32
        %dma_wait3A_2855 = tpu.memref_slice %arg6[%dma_wait3A_2853, %dma_wait3A_2854] : memref<64x1000001xf32, #tpu.memory_space<hbm>> -> memref<64x128xf32, #tpu.memory_space<hbm>>
        %dma_wait3A_2856 = arith.constant 0 : i32
        %dma_wait3A_2857 = tpu.memref_slice %arg12[%multiple_of3A_615, %dma_wait3A_2856] : memref<512x128xf32, #tpu.memory_space<vmem>> -> memref<64x128xf32, #tpu.memory_space<vmem>>
        %dma_wait3A_2858 = arith.constant 0 : i32
        %dma_wait3A_2859 = arith.constant 0 : i32
        %dma_wait3A_2860 = tpu.memref_slice %arg6[%dma_wait3A_2858, %dma_wait3A_2859] : memref<64x1000001xf32, #tpu.memory_space<hbm>> -> memref<64x128xf32, #tpu.memory_space<hbm>>
        tpu.wait_dma2 semaphore(%arg15 : memref<!tpu.dma_semaphore, #tpu.memory_space<semaphore_mem>>) src(%dma_wait3A_2860 : memref<64x128xf32, #tpu.memory_space<hbm>>) dst(%dma_wait3A_2857 : memref<64x128xf32, #tpu.memory_space<vmem>>)
      } else {
      }
      %slice3A_623 = vector.extract_strided_slice %get3A_47 {offsets = [4], sizes = [1], strides = [1]} : vector<16xi32> to vector<1xi32>
      %squeeze3A_624 = vector.extract %slice3A_623[0] : i32 from vector<1xi32>
      %and3A_625 = arith.constant 127 : i32
      %and3A_626 = arith.andi %squeeze3A_624, %and3A_625 : i32
      %slice3A_627 = vector.extract_strided_slice %get3A_53 {offsets = [4], sizes = [1], strides = [1]} : vector<16xi32> to vector<1xi32>
      %squeeze3A_628 = vector.extract %slice3A_627[0] : i32 from vector<1xi32>
      %sub3A_629 = arith.subi %squeeze3A_628, %squeeze3A : i32
      %and3A_630 = arith.constant 7 : i32
      %and3A_631 = arith.andi %sub3A_629, %and3A_630 : i32
      %mul3A_632 = arith.constant 64 : i32
      %mul3A_633 = arith.muli %and3A_631, %mul3A_632 : i32
      %broadcast_in_dim3A_634 = vector.broadcast %and3A_626 : i32 to vector<16xi32>
      %add3A_635 = vector.broadcast %mul3A_633 : i32 to vector<16xi32>
      %add3A_636 = arith.addi %add3A_6, %add3A_635 : vector<16xi32>
      %gather3A_637 = tpu.vector_load_idx %arg12[%add3A_636, %broadcast_in_dim3A_634] : memref<512x128xf32, #tpu.memory_space<vmem>>[vector<16xi32>, vector<16xi32>], vector<16xf32>,
      %multiple_of3A_638 = arith.constant 256 : i32
      %multiple_of3A_639 = tpu.assume_multiple %multiple_of3A_638, 16 : i32
      %swap3A_640 = arith.index_cast %multiple_of3A_639 : i32 to index
      %swap3A_641 = tpu.vector_load %arg13[%swap3A_640] {strides = array<i32>} : memref<2048xf32, #tpu.memory_space<vmem>>, vector<16xf32>,
      tpu.vector_store %arg13[%swap3A_640], %gather3A_637 {strides = array<i32>} : memref<2048xf32, #tpu.memory_space<vmem>>, vector<16xf32>,
      %add3A_642 = vector.broadcast %mul3A_633 : i32 to vector<16xi32>
      %add3A_643 = arith.addi %add3A_10, %add3A_642 : vector<16xi32>
      %gather3A_644 = tpu.vector_load_idx %arg12[%add3A_643, %broadcast_in_dim3A_634] : memref<512x128xf32, #tpu.memory_space<vmem>>[vector<16xi32>, vector<16xi32>], vector<16xf32>,
      %multiple_of3A_645 = arith.constant 272 : i32
      %multiple_of3A_646 = tpu.assume_multiple %multiple_of3A_645, 16 : i32
      %swap3A_647 = arith.index_cast %multiple_of3A_646 : i32 to index
      %swap3A_648 = tpu.vector_load %arg13[%swap3A_647] {strides = array<i32>} : memref<2048xf32, #tpu.memory_space<vmem>>, vector<16xf32>,
      tpu.vector_store %arg13[%swap3A_647], %gather3A_644 {strides = array<i32>} : memref<2048xf32, #tpu.memory_space<vmem>>, vector<16xf32>,
      %add3A_649 = vector.broadcast %mul3A_633 : i32 to vector<16xi32>
      %add3A_650 = arith.addi %add3A_14, %add3A_649 : vector<16xi32>
      %gather3A_651 = tpu.vector_load_idx %arg12[%add3A_650, %broadcast_in_dim3A_634] : memref<512x128xf32, #tpu.memory_space<vmem>>[vector<16xi32>, vector<16xi32>], vector<16xf32>,
      %multiple_of3A_652 = arith.constant 288 : i32
      %multiple_of3A_653 = tpu.assume_multiple %multiple_of3A_652, 16 : i32
      %swap3A_654 = arith.index_cast %multiple_of3A_653 : i32 to index
      %swap3A_655 = tpu.vector_load %arg13[%swap3A_654] {strides = array<i32>} : memref<2048xf32, #tpu.memory_space<vmem>>, vector<16xf32>,
      tpu.vector_store %arg13[%swap3A_654], %gather3A_651 {strides = array<i32>} : memref<2048xf32, #tpu.memory_space<vmem>>, vector<16xf32>,
      %add3A_656 = vector.broadcast %mul3A_633 : i32 to vector<16xi32>
      %add3A_657 = arith.addi %add3A_18, %add3A_656 : vector<16xi32>
      %gather3A_658 = tpu.vector_load_idx %arg12[%add3A_657, %broadcast_in_dim3A_634] : memref<512x128xf32, #tpu.memory_space<vmem>>[vector<16xi32>, vector<16xi32>], vector<16xf32>,
      %multiple_of3A_659 = arith.constant 304 : i32
      %multiple_of3A_660 = tpu.assume_multiple %multiple_of3A_659, 16 : i32
      %swap3A_661 = arith.index_cast %multiple_of3A_660 : i32 to index
      %swap3A_662 = tpu.vector_load %arg13[%swap3A_661] {strides = array<i32>} : memref<2048xf32, #tpu.memory_space<vmem>>, vector<16xf32>,
      tpu.vector_store %arg13[%swap3A_661], %gather3A_658 {strides = array<i32>} : memref<2048xf32, #tpu.memory_space<vmem>>, vector<16xf32>,
      %slice3A_663 = vector.extract_strided_slice %get3A_49 {offsets = [4], sizes = [1], strides = [1]} : vector<16xi32> to vector<1xi32>
      %squeeze3A_664 = vector.extract %slice3A_663[0] : i32 from vector<1xi32>
      %mul3A_665 = arith.constant 64 : i32
      %mul3A_666 = arith.muli %squeeze3A_664, %mul3A_665 : i32
      %multiple_of3A_667 = tpu.assume_multiple %mul3A_666, 64 : i32
      %multiple_of3A_668 = arith.constant 256 : i32
      %multiple_of3A_669 = tpu.assume_multiple %multiple_of3A_668, 64 : i32
      %dma_start3A_670 = tpu.memref_slice %arg13[%multiple_of3A_669] : memref<2048xf32, #tpu.memory_space<vmem>> -> memref<64xf32, #tpu.memory_space<vmem>>
      %dma_start3A_671 = tpu.memref_slice %arg7[%multiple_of3A_667] : memref<1048576xf32, #tpu.memory_space<hbm>> -> memref<64xf32, #tpu.memory_space<hbm>>
      %dma_start3A_672 = tpu.memref_slice %arg7[%multiple_of3A_667] : memref<1048576xf32, #tpu.memory_space<hbm>> -> memref<64xf32, #tpu.memory_space<hbm>>
      %dma_start3A_673 = tpu.memref_slice %arg13[%multiple_of3A_669] : memref<2048xf32, #tpu.memory_space<vmem>> -> memref<64xf32, #tpu.memory_space<vmem>>
      tpu.enqueue_dma source(%dma_start3A_673 : memref<64xf32, #tpu.memory_space<vmem>>) target(%dma_start3A_672 : memref<64xf32, #tpu.memory_space<hbm>>) target_semaphore(%arg16 : memref<!tpu.dma_semaphore, #tpu.memory_space<semaphore_mem>>)
      %slice3A_674 = vector.extract_strided_slice %get3A_47 {offsets = [5], sizes = [1], strides = [1]} : vector<16xi32> to vector<1xi32>
      %squeeze3A_675 = vector.extract %slice3A_674[0] : i32 from vector<1xi32>
      %and3A_676 = arith.constant 127 : i32
      %and3A_677 = arith.andi %squeeze3A_675, %and3A_676 : i32
      %slice3A_678 = vector.extract_strided_slice %get3A_53 {offsets = [5], sizes = [1], strides = [1]} : vector<16xi32> to vector<1xi32>
      %squeeze3A_679 = vector.extract %slice3A_678[0] : i32 from vector<1xi32>
      %sub3A_680 = arith.subi %squeeze3A_679, %squeeze3A : i32
      %and3A_681 = arith.constant 7 : i32
      %and3A_682 = arith.andi %sub3A_680, %and3A_681 : i32
      %mul3A_683 = arith.constant 64 : i32
      %mul3A_684 = arith.muli %and3A_682, %mul3A_683 : i32
      %broadcast_in_dim3A_685 = vector.broadcast %and3A_677 : i32 to vector<16xi32>
      %add3A_686 = vector.broadcast %mul3A_684 : i32 to vector<16xi32>
      %add3A_687 = arith.addi %add3A_6, %add3A_686 : vector<16xi32>
      %gather3A_688 = tpu.vector_load_idx %arg12[%add3A_687, %broadcast_in_dim3A_685] : memref<512x128xf32, #tpu.memory_space<vmem>>[vector<16xi32>, vector<16xi32>], vector<16xf32>,
      %multiple_of3A_689 = arith.constant 320 : i32
      %multiple_of3A_690 = tpu.assume_multiple %multiple_of3A_689, 16 : i32
      %swap3A_691 = arith.index_cast %multiple_of3A_690 : i32 to index
      %swap3A_692 = tpu.vector_load %arg13[%swap3A_691] {strides = array<i32>} : memref<2048xf32, #tpu.memory_space<vmem>>, vector<16xf32>,
      tpu.vector_store %arg13[%swap3A_691], %gather3A_688 {strides = array<i32>} : memref<2048xf32, #tpu.memory_space<vmem>>, vector<16xf32>,
      %add3A_693 = vector.broadcast %mul3A_684 : i32 to vector<16xi32>
      %add3A_694 = arith.addi %add3A_10, %add3A_693 : vector<16xi32>
      %gather3A_695 = tpu.vector_load_idx %arg12[%add3A_694, %broadcast_in_dim3A_685] : memref<512x128xf32, #tpu.memory_space<vmem>>[vector<16xi32>, vector<16xi32>], vector<16xf32>,
      %multiple_of3A_696 = arith.constant 336 : i32
      %multiple_of3A_697 = tpu.assume_multiple %multiple_of3A_696, 16 : i32
      %swap3A_698 = arith.index_cast %multiple_of3A_697 : i32 to index
      %swap3A_699 = tpu.vector_load %arg13[%swap3A_698] {strides = array<i32>} : memref<2048xf32, #tpu.memory_space<vmem>>, vector<16xf32>,
      tpu.vector_store %arg13[%swap3A_698], %gather3A_695 {strides = array<i32>} : memref<2048xf32, #tpu.memory_space<vmem>>, vector<16xf32>,
      %add3A_700 = vector.broadcast %mul3A_684 : i32 to vector<16xi32>
      %add3A_701 = arith.addi %add3A_14, %add3A_700 : vector<16xi32>
      %gather3A_702 = tpu.vector_load_idx %arg12[%add3A_701, %broadcast_in_dim3A_685] : memref<512x128xf32, #tpu.memory_space<vmem>>[vector<16xi32>, vector<16xi32>], vector<16xf32>,
      %multiple_of3A_703 = arith.constant 352 : i32
      %multiple_of3A_704 = tpu.assume_multiple %multiple_of3A_703, 16 : i32
      %swap3A_705 = arith.index_cast %multiple_of3A_704 : i32 to index
      %swap3A_706 = tpu.vector_load %arg13[%swap3A_705] {strides = array<i32>} : memref<2048xf32, #tpu.memory_space<vmem>>, vector<16xf32>,
      tpu.vector_store %arg13[%swap3A_705], %gather3A_702 {strides = array<i32>} : memref<2048xf32, #tpu.memory_space<vmem>>, vector<16xf32>,
      %add3A_707 = vector.broadcast %mul3A_684 : i32 to vector<16xi32>
      %add3A_708 = arith.addi %add3A_18, %add3A_707 : vector<16xi32>
      %gather3A_709 = tpu.vector_load_idx %arg12[%add3A_708, %broadcast_in_dim3A_685] : memref<512x128xf32, #tpu.memory_space<vmem>>[vector<16xi32>, vector<16xi32>], vector<16xf32>,
      %multiple_of3A_710 = arith.constant 368 : i32
      %multiple_of3A_711 = tpu.assume_multiple %multiple_of3A_710, 16 : i32
      %swap3A_712 = arith.index_cast %multiple_of3A_711 : i32 to index
      %swap3A_713 = tpu.vector_load %arg13[%swap3A_712] {strides = array<i32>} : memref<2048xf32, #tpu.memory_space<vmem>>, vector<16xf32>,
      tpu.vector_store %arg13[%swap3A_712], %gather3A_709 {strides = array<i32>} : memref<2048xf32, #tpu.memory_space<vmem>>, vector<16xf32>,
      %slice3A_714 = vector.extract_strided_slice %get3A_49 {offsets = [5], sizes = [1], strides = [1]} : vector<16xi32> to vector<1xi32>
      %squeeze3A_715 = vector.extract %slice3A_714[0] : i32 from vector<1xi32>
      %mul3A_716 = arith.constant 64 : i32
      %mul3A_717 = arith.muli %squeeze3A_715, %mul3A_716 : i32
      %multiple_of3A_718 = tpu.assume_multiple %mul3A_717, 64 : i32
      %multiple_of3A_719 = arith.constant 320 : i32
      %multiple_of3A_720 = tpu.assume_multiple %multiple_of3A_719, 64 : i32
      %dma_start3A_721 = tpu.memref_slice %arg13[%multiple_of3A_720] : memref<2048xf32, #tpu.memory_space<vmem>> -> memref<64xf32, #tpu.memory_space<vmem>>
      %dma_start3A_722 = tpu.memref_slice %arg7[%multiple_of3A_718] : memref<1048576xf32, #tpu.memory_space<hbm>> -> memref<64xf32, #tpu.memory_space<hbm>>
      %dma_start3A_723 = tpu.memref_slice %arg7[%multiple_of3A_718] : memref<1048576xf32, #tpu.memory_space<hbm>> -> memref<64xf32, #tpu.memory_space<hbm>>
      %dma_start3A_724 = tpu.memref_slice %arg13[%multiple_of3A_720] : memref<2048xf32, #tpu.memory_space<vmem>> -> memref<64xf32, #tpu.memory_space<vmem>>
      tpu.enqueue_dma source(%dma_start3A_724 : memref<64xf32, #tpu.memory_space<vmem>>) target(%dma_start3A_723 : memref<64xf32, #tpu.memory_space<hbm>>) target_semaphore(%arg16 : memref<!tpu.dma_semaphore, #tpu.memory_space<semaphore_mem>>)
      %slice3A_725 = vector.extract_strided_slice %get3A_47 {offsets = [6], sizes = [1], strides = [1]} : vector<16xi32> to vector<1xi32>
      %squeeze3A_726 = vector.extract %slice3A_725[0] : i32 from vector<1xi32>
      %and3A_727 = arith.constant 127 : i32
      %and3A_728 = arith.andi %squeeze3A_726, %and3A_727 : i32
      %slice3A_729 = vector.extract_strided_slice %get3A_53 {offsets = [6], sizes = [1], strides = [1]} : vector<16xi32> to vector<1xi32>
      %squeeze3A_730 = vector.extract %slice3A_729[0] : i32 from vector<1xi32>
      %sub3A_731 = arith.subi %squeeze3A_730, %squeeze3A : i32
      %and3A_732 = arith.constant 7 : i32
      %and3A_733 = arith.andi %sub3A_731, %and3A_732 : i32
      %mul3A_734 = arith.constant 64 : i32
      %mul3A_735 = arith.muli %and3A_733, %mul3A_734 : i32
      %broadcast_in_dim3A_736 = vector.broadcast %and3A_728 : i32 to vector<16xi32>
      %add3A_737 = vector.broadcast %mul3A_735 : i32 to vector<16xi32>
      %add3A_738 = arith.addi %add3A_6, %add3A_737 : vector<16xi32>
      %gather3A_739 = tpu.vector_load_idx %arg12[%add3A_738, %broadcast_in_dim3A_736] : memref<512x128xf32, #tpu.memory_space<vmem>>[vector<16xi32>, vector<16xi32>], vector<16xf32>,
      %multiple_of3A_740 = arith.constant 384 : i32
      %multiple_of3A_741 = tpu.assume_multiple %multiple_of3A_740, 16 : i32
      %swap3A_742 = arith.index_cast %multiple_of3A_741 : i32 to index
      %swap3A_743 = tpu.vector_load %arg13[%swap3A_742] {strides = array<i32>} : memref<2048xf32, #tpu.memory_space<vmem>>, vector<16xf32>,
      tpu.vector_store %arg13[%swap3A_742], %gather3A_739 {strides = array<i32>} : memref<2048xf32, #tpu.memory_space<vmem>>, vector<16xf32>,
      %add3A_744 = vector.broadcast %mul3A_735 : i32 to vector<16xi32>
      %add3A_745 = arith.addi %add3A_10, %add3A_744 : vector<16xi32>
      %gather3A_746 = tpu.vector_load_idx %arg12[%add3A_745, %broadcast_in_dim3A_736] : memref<512x128xf32, #tpu.memory_space<vmem>>[vector<16xi32>, vector<16xi32>], vector<16xf32>,
      %multiple_of3A_747 = arith.constant 400 : i32
      %multiple_of3A_748 = tpu.assume_multiple %multiple_of3A_747, 16 : i32
      %swap3A_749 = arith.index_cast %multiple_of3A_748 : i32 to index
      %swap3A_750 = tpu.vector_load %arg13[%swap3A_749] {strides = array<i32>} : memref<2048xf32, #tpu.memory_space<vmem>>, vector<16xf32>,
      tpu.vector_store %arg13[%swap3A_749], %gather3A_746 {strides = array<i32>} : memref<2048xf32, #tpu.memory_space<vmem>>, vector<16xf32>,
      %add3A_751 = vector.broadcast %mul3A_735 : i32 to vector<16xi32>
      %add3A_752 = arith.addi %add3A_14, %add3A_751 : vector<16xi32>
      %gather3A_753 = tpu.vector_load_idx %arg12[%add3A_752, %broadcast_in_dim3A_736] : memref<512x128xf32, #tpu.memory_space<vmem>>[vector<16xi32>, vector<16xi32>], vector<16xf32>,
      %multiple_of3A_754 = arith.constant 416 : i32
      %multiple_of3A_755 = tpu.assume_multiple %multiple_of3A_754, 16 : i32
      %swap3A_756 = arith.index_cast %multiple_of3A_755 : i32 to index
      %swap3A_757 = tpu.vector_load %arg13[%swap3A_756] {strides = array<i32>} : memref<2048xf32, #tpu.memory_space<vmem>>, vector<16xf32>,
      tpu.vector_store %arg13[%swap3A_756], %gather3A_753 {strides = array<i32>} : memref<2048xf32, #tpu.memory_space<vmem>>, vector<16xf32>,
      %add3A_758 = vector.broadcast %mul3A_735 : i32 to vector<16xi32>
      %add3A_759 = arith.addi %add3A_18, %add3A_758 : vector<16xi32>
      %gather3A_760 = tpu.vector_load_idx %arg12[%add3A_759, %broadcast_in_dim3A_736] : memref<512x128xf32, #tpu.memory_space<vmem>>[vector<16xi32>, vector<16xi32>], vector<16xf32>,
      %multiple_of3A_761 = arith.constant 432 : i32
      %multiple_of3A_762 = tpu.assume_multiple %multiple_of3A_761, 16 : i32
      %swap3A_763 = arith.index_cast %multiple_of3A_762 : i32 to index
      %swap3A_764 = tpu.vector_load %arg13[%swap3A_763] {strides = array<i32>} : memref<2048xf32, #tpu.memory_space<vmem>>, vector<16xf32>,
      tpu.vector_store %arg13[%swap3A_763], %gather3A_760 {strides = array<i32>} : memref<2048xf32, #tpu.memory_space<vmem>>, vector<16xf32>,
      %slice3A_765 = vector.extract_strided_slice %get3A_49 {offsets = [6], sizes = [1], strides = [1]} : vector<16xi32> to vector<1xi32>
      %squeeze3A_766 = vector.extract %slice3A_765[0] : i32 from vector<1xi32>
      %mul3A_767 = arith.constant 64 : i32
      %mul3A_768 = arith.muli %squeeze3A_766, %mul3A_767 : i32
      %multiple_of3A_769 = tpu.assume_multiple %mul3A_768, 64 : i32
      %multiple_of3A_770 = arith.constant 384 : i32
      %multiple_of3A_771 = tpu.assume_multiple %multiple_of3A_770, 64 : i32
      %dma_start3A_772 = tpu.memref_slice %arg13[%multiple_of3A_771] : memref<2048xf32, #tpu.memory_space<vmem>> -> memref<64xf32, #tpu.memory_space<vmem>>
      %dma_start3A_773 = tpu.memref_slice %arg7[%multiple_of3A_769] : memref<1048576xf32, #tpu.memory_space<hbm>> -> memref<64xf32, #tpu.memory_space<hbm>>
      %dma_start3A_774 = tpu.memref_slice %arg7[%multiple_of3A_769] : memref<1048576xf32, #tpu.memory_space<hbm>> -> memref<64xf32, #tpu.memory_space<hbm>>
      %dma_start3A_775 = tpu.memref_slice %arg13[%multiple_of3A_771] : memref<2048xf32, #tpu.memory_space<vmem>> -> memref<64xf32, #tpu.memory_space<vmem>>
      tpu.enqueue_dma source(%dma_start3A_775 : memref<64xf32, #tpu.memory_space<vmem>>) target(%dma_start3A_774 : memref<64xf32, #tpu.memory_space<hbm>>) target_semaphore(%arg16 : memref<!tpu.dma_semaphore, #tpu.memory_space<semaphore_mem>>)
      %slice3A_776 = vector.extract_strided_slice %get3A_47 {offsets = [7], sizes = [1], strides = [1]} : vector<16xi32> to vector<1xi32>
      %squeeze3A_777 = vector.extract %slice3A_776[0] : i32 from vector<1xi32>
      %and3A_778 = arith.constant 127 : i32
      %and3A_779 = arith.andi %squeeze3A_777, %and3A_778 : i32
      %slice3A_780 = vector.extract_strided_slice %get3A_53 {offsets = [7], sizes = [1], strides = [1]} : vector<16xi32> to vector<1xi32>
      %squeeze3A_781 = vector.extract %slice3A_780[0] : i32 from vector<1xi32>
      %sub3A_782 = arith.subi %squeeze3A_781, %squeeze3A : i32
      %and3A_783 = arith.constant 7 : i32
      %and3A_784 = arith.andi %sub3A_782, %and3A_783 : i32
      %mul3A_785 = arith.constant 64 : i32
      %mul3A_786 = arith.muli %and3A_784, %mul3A_785 : i32
      %broadcast_in_dim3A_787 = vector.broadcast %and3A_779 : i32 to vector<16xi32>
      %add3A_788 = vector.broadcast %mul3A_786 : i32 to vector<16xi32>
      %add3A_789 = arith.addi %add3A_6, %add3A_788 : vector<16xi32>
      %gather3A_790 = tpu.vector_load_idx %arg12[%add3A_789, %broadcast_in_dim3A_787] : memref<512x128xf32, #tpu.memory_space<vmem>>[vector<16xi32>, vector<16xi32>], vector<16xf32>,
      %multiple_of3A_791 = arith.constant 448 : i32
      %multiple_of3A_792 = tpu.assume_multiple %multiple_of3A_791, 16 : i32
      %swap3A_793 = arith.index_cast %multiple_of3A_792 : i32 to index
      %swap3A_794 = tpu.vector_load %arg13[%swap3A_793] {strides = array<i32>} : memref<2048xf32, #tpu.memory_space<vmem>>, vector<16xf32>,
      tpu.vector_store %arg13[%swap3A_793], %gather3A_790 {strides = array<i32>} : memref<2048xf32, #tpu.memory_space<vmem>>, vector<16xf32>,
      %add3A_795 = vector.broadcast %mul3A_786 : i32 to vector<16xi32>
      %add3A_796 = arith.addi %add3A_10, %add3A_795 : vector<16xi32>
      %gather3A_797 = tpu.vector_load_idx %arg12[%add3A_796, %broadcast_in_dim3A_787] : memref<512x128xf32, #tpu.memory_space<vmem>>[vector<16xi32>, vector<16xi32>], vector<16xf32>,
      %multiple_of3A_798 = arith.constant 464 : i32
      %multiple_of3A_799 = tpu.assume_multiple %multiple_of3A_798, 16 : i32
      %swap3A_800 = arith.index_cast %multiple_of3A_799 : i32 to index
      %swap3A_801 = tpu.vector_load %arg13[%swap3A_800] {strides = array<i32>} : memref<2048xf32, #tpu.memory_space<vmem>>, vector<16xf32>,
      tpu.vector_store %arg13[%swap3A_800], %gather3A_797 {strides = array<i32>} : memref<2048xf32, #tpu.memory_space<vmem>>, vector<16xf32>,
      %add3A_802 = vector.broadcast %mul3A_786 : i32 to vector<16xi32>
      %add3A_803 = arith.addi %add3A_14, %add3A_802 : vector<16xi32>
      %gather3A_804 = tpu.vector_load_idx %arg12[%add3A_803, %broadcast_in_dim3A_787] : memref<512x128xf32, #tpu.memory_space<vmem>>[vector<16xi32>, vector<16xi32>], vector<16xf32>,
      %multiple_of3A_805 = arith.constant 480 : i32
      %multiple_of3A_806 = tpu.assume_multiple %multiple_of3A_805, 16 : i32
      %swap3A_807 = arith.index_cast %multiple_of3A_806 : i32 to index
      %swap3A_808 = tpu.vector_load %arg13[%swap3A_807] {strides = array<i32>} : memref<2048xf32, #tpu.memory_space<vmem>>, vector<16xf32>,
      tpu.vector_store %arg13[%swap3A_807], %gather3A_804 {strides = array<i32>} : memref<2048xf32, #tpu.memory_space<vmem>>, vector<16xf32>,
      %add3A_809 = vector.broadcast %mul3A_786 : i32 to vector<16xi32>
      %add3A_810 = arith.addi %add3A_18, %add3A_809 : vector<16xi32>
      %gather3A_811 = tpu.vector_load_idx %arg12[%add3A_810, %broadcast_in_dim3A_787] : memref<512x128xf32, #tpu.memory_space<vmem>>[vector<16xi32>, vector<16xi32>], vector<16xf32>,
      %multiple_of3A_812 = arith.constant 496 : i32
      %multiple_of3A_813 = tpu.assume_multiple %multiple_of3A_812, 16 : i32
      %swap3A_814 = arith.index_cast %multiple_of3A_813 : i32 to index
      %swap3A_815 = tpu.vector_load %arg13[%swap3A_814] {strides = array<i32>} : memref<2048xf32, #tpu.memory_space<vmem>>, vector<16xf32>,
      tpu.vector_store %arg13[%swap3A_814], %gather3A_811 {strides = array<i32>} : memref<2048xf32, #tpu.memory_space<vmem>>, vector<16xf32>,
      %slice3A_816 = vector.extract_strided_slice %get3A_49 {offsets = [7], sizes = [1], strides = [1]} : vector<16xi32> to vector<1xi32>
      %squeeze3A_817 = vector.extract %slice3A_816[0] : i32 from vector<1xi32>
      %mul3A_818 = arith.constant 64 : i32
      %mul3A_819 = arith.muli %squeeze3A_817, %mul3A_818 : i32
      %multiple_of3A_820 = tpu.assume_multiple %mul3A_819, 64 : i32
      %multiple_of3A_821 = arith.constant 448 : i32
      %multiple_of3A_822 = tpu.assume_multiple %multiple_of3A_821, 64 : i32
      %dma_start3A_823 = tpu.memref_slice %arg13[%multiple_of3A_822] : memref<2048xf32, #tpu.memory_space<vmem>> -> memref<64xf32, #tpu.memory_space<vmem>>
      %dma_start3A_824 = tpu.memref_slice %arg7[%multiple_of3A_820] : memref<1048576xf32, #tpu.memory_space<hbm>> -> memref<64xf32, #tpu.memory_space<hbm>>
      %dma_start3A_825 = tpu.memref_slice %arg7[%multiple_of3A_820] : memref<1048576xf32, #tpu.memory_space<hbm>> -> memref<64xf32, #tpu.memory_space<hbm>>
      %dma_start3A_826 = tpu.memref_slice %arg13[%multiple_of3A_822] : memref<2048xf32, #tpu.memory_space<vmem>> -> memref<64xf32, #tpu.memory_space<vmem>>
      tpu.enqueue_dma source(%dma_start3A_826 : memref<64xf32, #tpu.memory_space<vmem>>) target(%dma_start3A_825 : memref<64xf32, #tpu.memory_space<hbm>>) target_semaphore(%arg16 : memref<!tpu.dma_semaphore, #tpu.memory_space<semaphore_mem>>)
      %slice3A_827 = vector.extract_strided_slice %get3A_47 {offsets = [12], sizes = [1], strides = [1]} : vector<16xi32> to vector<1xi32>
      %squeeze3A_828 = vector.extract %slice3A_827[0] : i32 from vector<1xi32>
      %and3A_829 = arith.constant 127 : i32
      %and3A_830 = arith.andi %squeeze3A_828, %and3A_829 : i32
      %sub3A_831 = arith.subi %squeeze3A_828, %and3A_830 : i32
      %multiple_of3A_832 = tpu.assume_multiple %sub3A_831, 128 : i32
      %slice3A_833 = vector.extract_strided_slice %get3A_53 {offsets = [12], sizes = [1], strides = [1]} : vector<16xi32> to vector<1xi32>
      %squeeze3A_834 = vector.extract %slice3A_833[0] : i32 from vector<1xi32>
      %sub3A_835 = arith.subi %squeeze3A_834, %squeeze3A : i32
      %and3A_836 = arith.constant 7 : i32
      %and3A_837 = arith.andi %sub3A_835, %and3A_836 : i32
      %mul3A_838 = arith.constant 64 : i32
      %mul3A_839 = arith.muli %and3A_837, %mul3A_838 : i32
      %multiple_of3A_840 = tpu.assume_multiple %mul3A_839, 64 : i32
      %slice3A_841 = vector.extract_strided_slice %get3A_51 {offsets = [12], sizes = [1], strides = [1]} : vector<16xi32> to vector<1xi32>
      %squeeze3A_842 = vector.extract %slice3A_841[0] : i32 from vector<1xi32>
      %ne3A_843 = arith.constant 0 : i32
      %ne3A_844 = arith.cmpi ne, %squeeze3A_842, %ne3A_843 : i32
      %convert_element_type3A_845 = arith.extui %ne3A_844 : i1 to i32
      %cond3A_846 = arith.constant 0 : i32
      %cond3A_847 = arith.cmpi ne, %convert_element_type3A_845, %cond3A_846 : i32
      scf.if %cond3A_847 {
        %dma_start3A_2851 = arith.constant 0 : i32
        %dma_start3A_2852 = tpu.memref_slice %arg12[%multiple_of3A_840, %dma_start3A_2851] : memref<512x128xf32, #tpu.memory_space<vmem>> -> memref<64x128xf32, #tpu.memory_space<vmem>>
        %dma_start3A_2853 = arith.constant 0 : i32
        %dma_start3A_2854 = tpu.memref_slice %arg6[%dma_start3A_2853, %multiple_of3A_832] : memref<64x1000001xf32, #tpu.memory_space<hbm>> -> memref<64x128xf32, #tpu.memory_space<hbm>>
        %dma_start3A_2855 = arith.constant 0 : i32
        %dma_start3A_2856 = tpu.memref_slice %arg12[%multiple_of3A_840, %dma_start3A_2855] : memref<512x128xf32, #tpu.memory_space<vmem>> -> memref<64x128xf32, #tpu.memory_space<vmem>>
        %dma_start3A_2857 = arith.constant 0 : i32
        %dma_start3A_2858 = tpu.memref_slice %arg6[%dma_start3A_2857, %multiple_of3A_832] : memref<64x1000001xf32, #tpu.memory_space<hbm>> -> memref<64x128xf32, #tpu.memory_space<hbm>>
        tpu.enqueue_dma source(%dma_start3A_2858 : memref<64x128xf32, #tpu.memory_space<hbm>>) target(%dma_start3A_2856 : memref<64x128xf32, #tpu.memory_space<vmem>>) target_semaphore(%arg15 : memref<!tpu.dma_semaphore, #tpu.memory_space<semaphore_mem>>)
      } else {
      }
      %slice3A_848 = vector.extract_strided_slice %get3A_47 {offsets = [13], sizes = [1], strides = [1]} : vector<16xi32> to vector<1xi32>
      %squeeze3A_849 = vector.extract %slice3A_848[0] : i32 from vector<1xi32>
      %and3A_850 = arith.constant 127 : i32
      %and3A_851 = arith.andi %squeeze3A_849, %and3A_850 : i32
      %sub3A_852 = arith.subi %squeeze3A_849, %and3A_851 : i32
      %multiple_of3A_853 = tpu.assume_multiple %sub3A_852, 128 : i32
      %slice3A_854 = vector.extract_strided_slice %get3A_53 {offsets = [13], sizes = [1], strides = [1]} : vector<16xi32> to vector<1xi32>
      %squeeze3A_855 = vector.extract %slice3A_854[0] : i32 from vector<1xi32>
      %sub3A_856 = arith.subi %squeeze3A_855, %squeeze3A : i32
      %and3A_857 = arith.constant 7 : i32
      %and3A_858 = arith.andi %sub3A_856, %and3A_857 : i32
      %mul3A_859 = arith.constant 64 : i32
      %mul3A_860 = arith.muli %and3A_858, %mul3A_859 : i32
      %multiple_of3A_861 = tpu.assume_multiple %mul3A_860, 64 : i32
      %slice3A_862 = vector.extract_strided_slice %get3A_51 {offsets = [13], sizes = [1], strides = [1]} : vector<16xi32> to vector<1xi32>
      %squeeze3A_863 = vector.extract %slice3A_862[0] : i32 from vector<1xi32>
      %ne3A_864 = arith.constant 0 : i32
      %ne3A_865 = arith.cmpi ne, %squeeze3A_863, %ne3A_864 : i32
      %convert_element_type3A_866 = arith.extui %ne3A_865 : i1 to i32
      %cond3A_867 = arith.constant 0 : i32
      %cond3A_868 = arith.cmpi ne, %convert_element_type3A_866, %cond3A_867 : i32
      scf.if %cond3A_868 {
        %dma_start3A_2851 = arith.constant 0 : i32
        %dma_start3A_2852 = tpu.memref_slice %arg12[%multiple_of3A_861, %dma_start3A_2851] : memref<512x128xf32, #tpu.memory_space<vmem>> -> memref<64x128xf32, #tpu.memory_space<vmem>>
        %dma_start3A_2853 = arith.constant 0 : i32
        %dma_start3A_2854 = tpu.memref_slice %arg6[%dma_start3A_2853, %multiple_of3A_853] : memref<64x1000001xf32, #tpu.memory_space<hbm>> -> memref<64x128xf32, #tpu.memory_space<hbm>>
        %dma_start3A_2855 = arith.constant 0 : i32
        %dma_start3A_2856 = tpu.memref_slice %arg12[%multiple_of3A_861, %dma_start3A_2855] : memref<512x128xf32, #tpu.memory_space<vmem>> -> memref<64x128xf32, #tpu.memory_space<vmem>>
        %dma_start3A_2857 = arith.constant 0 : i32
        %dma_start3A_2858 = tpu.memref_slice %arg6[%dma_start3A_2857, %multiple_of3A_853] : memref<64x1000001xf32, #tpu.memory_space<hbm>> -> memref<64x128xf32, #tpu.memory_space<hbm>>
        tpu.enqueue_dma source(%dma_start3A_2858 : memref<64x128xf32, #tpu.memory_space<hbm>>) target(%dma_start3A_2856 : memref<64x128xf32, #tpu.memory_space<vmem>>) target_semaphore(%arg15 : memref<!tpu.dma_semaphore, #tpu.memory_space<semaphore_mem>>)
      } else {
      }
      %slice3A_869 = vector.extract_strided_slice %get3A_47 {offsets = [14], sizes = [1], strides = [1]} : vector<16xi32> to vector<1xi32>
      %squeeze3A_870 = vector.extract %slice3A_869[0] : i32 from vector<1xi32>
      %and3A_871 = arith.constant 127 : i32
      %and3A_872 = arith.andi %squeeze3A_870, %and3A_871 : i32
      %sub3A_873 = arith.subi %squeeze3A_870, %and3A_872 : i32
      %multiple_of3A_874 = tpu.assume_multiple %sub3A_873, 128 : i32
      %slice3A_875 = vector.extract_strided_slice %get3A_53 {offsets = [14], sizes = [1], strides = [1]} : vector<16xi32> to vector<1xi32>
      %squeeze3A_876 = vector.extract %slice3A_875[0] : i32 from vector<1xi32>
      %sub3A_877 = arith.subi %squeeze3A_876, %squeeze3A : i32
      %and3A_878 = arith.constant 7 : i32
      %and3A_879 = arith.andi %sub3A_877, %and3A_878 : i32
      %mul3A_880 = arith.constant 64 : i32
      %mul3A_881 = arith.muli %and3A_879, %mul3A_880 : i32
      %multiple_of3A_882 = tpu.assume_multiple %mul3A_881, 64 : i32
      %slice3A_883 = vector.extract_strided_slice %get3A_51 {offsets = [14], sizes = [1], strides = [1]} : vector<16xi32> to vector<1xi32>
      %squeeze3A_884 = vector.extract %slice3A_883[0] : i32 from vector<1xi32>
      %ne3A_885 = arith.constant 0 : i32
      %ne3A_886 = arith.cmpi ne, %squeeze3A_884, %ne3A_885 : i32
      %convert_element_type3A_887 = arith.extui %ne3A_886 : i1 to i32
      %cond3A_888 = arith.constant 0 : i32
      %cond3A_889 = arith.cmpi ne, %convert_element_type3A_887, %cond3A_888 : i32
      scf.if %cond3A_889 {
        %dma_start3A_2851 = arith.constant 0 : i32
        %dma_start3A_2852 = tpu.memref_slice %arg12[%multiple_of3A_882, %dma_start3A_2851] : memref<512x128xf32, #tpu.memory_space<vmem>> -> memref<64x128xf32, #tpu.memory_space<vmem>>
        %dma_start3A_2853 = arith.constant 0 : i32
        %dma_start3A_2854 = tpu.memref_slice %arg6[%dma_start3A_2853, %multiple_of3A_874] : memref<64x1000001xf32, #tpu.memory_space<hbm>> -> memref<64x128xf32, #tpu.memory_space<hbm>>
        %dma_start3A_2855 = arith.constant 0 : i32
        %dma_start3A_2856 = tpu.memref_slice %arg12[%multiple_of3A_882, %dma_start3A_2855] : memref<512x128xf32, #tpu.memory_space<vmem>> -> memref<64x128xf32, #tpu.memory_space<vmem>>
        %dma_start3A_2857 = arith.constant 0 : i32
        %dma_start3A_2858 = tpu.memref_slice %arg6[%dma_start3A_2857, %multiple_of3A_874] : memref<64x1000001xf32, #tpu.memory_space<hbm>> -> memref<64x128xf32, #tpu.memory_space<hbm>>
        tpu.enqueue_dma source(%dma_start3A_2858 : memref<64x128xf32, #tpu.memory_space<hbm>>) target(%dma_start3A_2856 : memref<64x128xf32, #tpu.memory_space<vmem>>) target_semaphore(%arg15 : memref<!tpu.dma_semaphore, #tpu.memory_space<semaphore_mem>>)
      } else {
      }
      %slice3A_890 = vector.extract_strided_slice %get3A_47 {offsets = [15], sizes = [1], strides = [1]} : vector<16xi32> to vector<1xi32>
      %squeeze3A_891 = vector.extract %slice3A_890[0] : i32 from vector<1xi32>
      %and3A_892 = arith.constant 127 : i32
      %and3A_893 = arith.andi %squeeze3A_891, %and3A_892 : i32
      %sub3A_894 = arith.subi %squeeze3A_891, %and3A_893 : i32
      %multiple_of3A_895 = tpu.assume_multiple %sub3A_894, 128 : i32
      %slice3A_896 = vector.extract_strided_slice %get3A_53 {offsets = [15], sizes = [1], strides = [1]} : vector<16xi32> to vector<1xi32>
      %squeeze3A_897 = vector.extract %slice3A_896[0] : i32 from vector<1xi32>
      %sub3A_898 = arith.subi %squeeze3A_897, %squeeze3A : i32
      %and3A_899 = arith.constant 7 : i32
      %and3A_900 = arith.andi %sub3A_898, %and3A_899 : i32
      %mul3A_901 = arith.constant 64 : i32
      %mul3A_902 = arith.muli %and3A_900, %mul3A_901 : i32
      %multiple_of3A_903 = tpu.assume_multiple %mul3A_902, 64 : i32
      %slice3A_904 = vector.extract_strided_slice %get3A_51 {offsets = [15], sizes = [1], strides = [1]} : vector<16xi32> to vector<1xi32>
      %squeeze3A_905 = vector.extract %slice3A_904[0] : i32 from vector<1xi32>
      %ne3A_906 = arith.constant 0 : i32
      %ne3A_907 = arith.cmpi ne, %squeeze3A_905, %ne3A_906 : i32
      %convert_element_type3A_908 = arith.extui %ne3A_907 : i1 to i32
      %cond3A_909 = arith.constant 0 : i32
      %cond3A_910 = arith.cmpi ne, %convert_element_type3A_908, %cond3A_909 : i32
      scf.if %cond3A_910 {
        %dma_start3A_2851 = arith.constant 0 : i32
        %dma_start3A_2852 = tpu.memref_slice %arg12[%multiple_of3A_903, %dma_start3A_2851] : memref<512x128xf32, #tpu.memory_space<vmem>> -> memref<64x128xf32, #tpu.memory_space<vmem>>
        %dma_start3A_2853 = arith.constant 0 : i32
        %dma_start3A_2854 = tpu.memref_slice %arg6[%dma_start3A_2853, %multiple_of3A_895] : memref<64x1000001xf32, #tpu.memory_space<hbm>> -> memref<64x128xf32, #tpu.memory_space<hbm>>
        %dma_start3A_2855 = arith.constant 0 : i32
        %dma_start3A_2856 = tpu.memref_slice %arg12[%multiple_of3A_903, %dma_start3A_2855] : memref<512x128xf32, #tpu.memory_space<vmem>> -> memref<64x128xf32, #tpu.memory_space<vmem>>
        %dma_start3A_2857 = arith.constant 0 : i32
        %dma_start3A_2858 = tpu.memref_slice %arg6[%dma_start3A_2857, %multiple_of3A_895] : memref<64x1000001xf32, #tpu.memory_space<hbm>> -> memref<64x128xf32, #tpu.memory_space<hbm>>
        tpu.enqueue_dma source(%dma_start3A_2858 : memref<64x128xf32, #tpu.memory_space<hbm>>) target(%dma_start3A_2856 : memref<64x128xf32, #tpu.memory_space<vmem>>) target_semaphore(%arg15 : memref<!tpu.dma_semaphore, #tpu.memory_space<semaphore_mem>>)
      } else {
      }
      %slice3A_911 = vector.extract_strided_slice %get3A_53 {offsets = [8], sizes = [1], strides = [1]} : vector<16xi32> to vector<1xi32>
      %squeeze3A_912 = vector.extract %slice3A_911[0] : i32 from vector<1xi32>
      %sub3A_913 = arith.subi %squeeze3A_912, %squeeze3A : i32
      %and3A_914 = arith.constant 7 : i32
      %and3A_915 = arith.andi %sub3A_913, %and3A_914 : i32
      %mul3A_916 = arith.constant 64 : i32
      %mul3A_917 = arith.muli %and3A_915, %mul3A_916 : i32
      %multiple_of3A_918 = tpu.assume_multiple %mul3A_917, 64 : i32
      %slice3A_919 = vector.extract_strided_slice %get3A_51 {offsets = [8], sizes = [1], strides = [1]} : vector<16xi32> to vector<1xi32>
      %squeeze3A_920 = vector.extract %slice3A_919[0] : i32 from vector<1xi32>
      %ne3A_921 = arith.constant 0 : i32
      %ne3A_922 = arith.cmpi ne, %squeeze3A_920, %ne3A_921 : i32
      %convert_element_type3A_923 = arith.extui %ne3A_922 : i1 to i32
      %cond3A_924 = arith.constant 0 : i32
      %cond3A_925 = arith.cmpi ne, %convert_element_type3A_923, %cond3A_924 : i32
      scf.if %cond3A_925 {
        %dma_wait3A_2851 = arith.constant 0 : i32
        %dma_wait3A_2852 = tpu.memref_slice %arg12[%multiple_of3A_918, %dma_wait3A_2851] : memref<512x128xf32, #tpu.memory_space<vmem>> -> memref<64x128xf32, #tpu.memory_space<vmem>>
        %dma_wait3A_2853 = arith.constant 0 : i32
        %dma_wait3A_2854 = arith.constant 0 : i32
        %dma_wait3A_2855 = tpu.memref_slice %arg6[%dma_wait3A_2853, %dma_wait3A_2854] : memref<64x1000001xf32, #tpu.memory_space<hbm>> -> memref<64x128xf32, #tpu.memory_space<hbm>>
        %dma_wait3A_2856 = arith.constant 0 : i32
        %dma_wait3A_2857 = tpu.memref_slice %arg12[%multiple_of3A_918, %dma_wait3A_2856] : memref<512x128xf32, #tpu.memory_space<vmem>> -> memref<64x128xf32, #tpu.memory_space<vmem>>
        %dma_wait3A_2858 = arith.constant 0 : i32
        %dma_wait3A_2859 = arith.constant 0 : i32
        %dma_wait3A_2860 = tpu.memref_slice %arg6[%dma_wait3A_2858, %dma_wait3A_2859] : memref<64x1000001xf32, #tpu.memory_space<hbm>> -> memref<64x128xf32, #tpu.memory_space<hbm>>
        tpu.wait_dma2 semaphore(%arg14 : memref<!tpu.dma_semaphore, #tpu.memory_space<semaphore_mem>>) src(%dma_wait3A_2860 : memref<64x128xf32, #tpu.memory_space<hbm>>) dst(%dma_wait3A_2857 : memref<64x128xf32, #tpu.memory_space<vmem>>)
      } else {
      }
      %slice3A_926 = vector.extract_strided_slice %get3A_53 {offsets = [9], sizes = [1], strides = [1]} : vector<16xi32> to vector<1xi32>
      %squeeze3A_927 = vector.extract %slice3A_926[0] : i32 from vector<1xi32>
      %sub3A_928 = arith.subi %squeeze3A_927, %squeeze3A : i32
      %and3A_929 = arith.constant 7 : i32
      %and3A_930 = arith.andi %sub3A_928, %and3A_929 : i32
      %mul3A_931 = arith.constant 64 : i32
      %mul3A_932 = arith.muli %and3A_930, %mul3A_931 : i32
      %multiple_of3A_933 = tpu.assume_multiple %mul3A_932, 64 : i32
      %slice3A_934 = vector.extract_strided_slice %get3A_51 {offsets = [9], sizes = [1], strides = [1]} : vector<16xi32> to vector<1xi32>
      %squeeze3A_935 = vector.extract %slice3A_934[0] : i32 from vector<1xi32>
      %ne3A_936 = arith.constant 0 : i32
      %ne3A_937 = arith.cmpi ne, %squeeze3A_935, %ne3A_936 : i32
      %convert_element_type3A_938 = arith.extui %ne3A_937 : i1 to i32
      %cond3A_939 = arith.constant 0 : i32
      %cond3A_940 = arith.cmpi ne, %convert_element_type3A_938, %cond3A_939 : i32
      scf.if %cond3A_940 {
        %dma_wait3A_2851 = arith.constant 0 : i32
        %dma_wait3A_2852 = tpu.memref_slice %arg12[%multiple_of3A_933, %dma_wait3A_2851] : memref<512x128xf32, #tpu.memory_space<vmem>> -> memref<64x128xf32, #tpu.memory_space<vmem>>
        %dma_wait3A_2853 = arith.constant 0 : i32
        %dma_wait3A_2854 = arith.constant 0 : i32
        %dma_wait3A_2855 = tpu.memref_slice %arg6[%dma_wait3A_2853, %dma_wait3A_2854] : memref<64x1000001xf32, #tpu.memory_space<hbm>> -> memref<64x128xf32, #tpu.memory_space<hbm>>
        %dma_wait3A_2856 = arith.constant 0 : i32
        %dma_wait3A_2857 = tpu.memref_slice %arg12[%multiple_of3A_933, %dma_wait3A_2856] : memref<512x128xf32, #tpu.memory_space<vmem>> -> memref<64x128xf32, #tpu.memory_space<vmem>>
        %dma_wait3A_2858 = arith.constant 0 : i32
        %dma_wait3A_2859 = arith.constant 0 : i32
        %dma_wait3A_2860 = tpu.memref_slice %arg6[%dma_wait3A_2858, %dma_wait3A_2859] : memref<64x1000001xf32, #tpu.memory_space<hbm>> -> memref<64x128xf32, #tpu.memory_space<hbm>>
        tpu.wait_dma2 semaphore(%arg14 : memref<!tpu.dma_semaphore, #tpu.memory_space<semaphore_mem>>) src(%dma_wait3A_2860 : memref<64x128xf32, #tpu.memory_space<hbm>>) dst(%dma_wait3A_2857 : memref<64x128xf32, #tpu.memory_space<vmem>>)
      } else {
      }
      %slice3A_941 = vector.extract_strided_slice %get3A_53 {offsets = [10], sizes = [1], strides = [1]} : vector<16xi32> to vector<1xi32>
      %squeeze3A_942 = vector.extract %slice3A_941[0] : i32 from vector<1xi32>
      %sub3A_943 = arith.subi %squeeze3A_942, %squeeze3A : i32
      %and3A_944 = arith.constant 7 : i32
      %and3A_945 = arith.andi %sub3A_943, %and3A_944 : i32
      %mul3A_946 = arith.constant 64 : i32
      %mul3A_947 = arith.muli %and3A_945, %mul3A_946 : i32
      %multiple_of3A_948 = tpu.assume_multiple %mul3A_947, 64 : i32
      %slice3A_949 = vector.extract_strided_slice %get3A_51 {offsets = [10], sizes = [1], strides = [1]} : vector<16xi32> to vector<1xi32>
      %squeeze3A_950 = vector.extract %slice3A_949[0] : i32 from vector<1xi32>
      %ne3A_951 = arith.constant 0 : i32
      %ne3A_952 = arith.cmpi ne, %squeeze3A_950, %ne3A_951 : i32
      %convert_element_type3A_953 = arith.extui %ne3A_952 : i1 to i32
      %cond3A_954 = arith.constant 0 : i32
      %cond3A_955 = arith.cmpi ne, %convert_element_type3A_953, %cond3A_954 : i32
      scf.if %cond3A_955 {
        %dma_wait3A_2851 = arith.constant 0 : i32
        %dma_wait3A_2852 = tpu.memref_slice %arg12[%multiple_of3A_948, %dma_wait3A_2851] : memref<512x128xf32, #tpu.memory_space<vmem>> -> memref<64x128xf32, #tpu.memory_space<vmem>>
        %dma_wait3A_2853 = arith.constant 0 : i32
        %dma_wait3A_2854 = arith.constant 0 : i32
        %dma_wait3A_2855 = tpu.memref_slice %arg6[%dma_wait3A_2853, %dma_wait3A_2854] : memref<64x1000001xf32, #tpu.memory_space<hbm>> -> memref<64x128xf32, #tpu.memory_space<hbm>>
        %dma_wait3A_2856 = arith.constant 0 : i32
        %dma_wait3A_2857 = tpu.memref_slice %arg12[%multiple_of3A_948, %dma_wait3A_2856] : memref<512x128xf32, #tpu.memory_space<vmem>> -> memref<64x128xf32, #tpu.memory_space<vmem>>
        %dma_wait3A_2858 = arith.constant 0 : i32
        %dma_wait3A_2859 = arith.constant 0 : i32
        %dma_wait3A_2860 = tpu.memref_slice %arg6[%dma_wait3A_2858, %dma_wait3A_2859] : memref<64x1000001xf32, #tpu.memory_space<hbm>> -> memref<64x128xf32, #tpu.memory_space<hbm>>
        tpu.wait_dma2 semaphore(%arg14 : memref<!tpu.dma_semaphore, #tpu.memory_space<semaphore_mem>>) src(%dma_wait3A_2860 : memref<64x128xf32, #tpu.memory_space<hbm>>) dst(%dma_wait3A_2857 : memref<64x128xf32, #tpu.memory_space<vmem>>)
      } else {
      }
      %slice3A_956 = vector.extract_strided_slice %get3A_53 {offsets = [11], sizes = [1], strides = [1]} : vector<16xi32> to vector<1xi32>
      %squeeze3A_957 = vector.extract %slice3A_956[0] : i32 from vector<1xi32>
      %sub3A_958 = arith.subi %squeeze3A_957, %squeeze3A : i32
      %and3A_959 = arith.constant 7 : i32
      %and3A_960 = arith.andi %sub3A_958, %and3A_959 : i32
      %mul3A_961 = arith.constant 64 : i32
      %mul3A_962 = arith.muli %and3A_960, %mul3A_961 : i32
      %multiple_of3A_963 = tpu.assume_multiple %mul3A_962, 64 : i32
      %slice3A_964 = vector.extract_strided_slice %get3A_51 {offsets = [11], sizes = [1], strides = [1]} : vector<16xi32> to vector<1xi32>
      %squeeze3A_965 = vector.extract %slice3A_964[0] : i32 from vector<1xi32>
      %ne3A_966 = arith.constant 0 : i32
      %ne3A_967 = arith.cmpi ne, %squeeze3A_965, %ne3A_966 : i32
      %convert_element_type3A_968 = arith.extui %ne3A_967 : i1 to i32
      %cond3A_969 = arith.constant 0 : i32
      %cond3A_970 = arith.cmpi ne, %convert_element_type3A_968, %cond3A_969 : i32
      scf.if %cond3A_970 {
        %dma_wait3A_2851 = arith.constant 0 : i32
        %dma_wait3A_2852 = tpu.memref_slice %arg12[%multiple_of3A_963, %dma_wait3A_2851] : memref<512x128xf32, #tpu.memory_space<vmem>> -> memref<64x128xf32, #tpu.memory_space<vmem>>
        %dma_wait3A_2853 = arith.constant 0 : i32
        %dma_wait3A_2854 = arith.constant 0 : i32
        %dma_wait3A_2855 = tpu.memref_slice %arg6[%dma_wait3A_2853, %dma_wait3A_2854] : memref<64x1000001xf32, #tpu.memory_space<hbm>> -> memref<64x128xf32, #tpu.memory_space<hbm>>
        %dma_wait3A_2856 = arith.constant 0 : i32
        %dma_wait3A_2857 = tpu.memref_slice %arg12[%multiple_of3A_963, %dma_wait3A_2856] : memref<512x128xf32, #tpu.memory_space<vmem>> -> memref<64x128xf32, #tpu.memory_space<vmem>>
        %dma_wait3A_2858 = arith.constant 0 : i32
        %dma_wait3A_2859 = arith.constant 0 : i32
        %dma_wait3A_2860 = tpu.memref_slice %arg6[%dma_wait3A_2858, %dma_wait3A_2859] : memref<64x1000001xf32, #tpu.memory_space<hbm>> -> memref<64x128xf32, #tpu.memory_space<hbm>>
        tpu.wait_dma2 semaphore(%arg14 : memref<!tpu.dma_semaphore, #tpu.memory_space<semaphore_mem>>) src(%dma_wait3A_2860 : memref<64x128xf32, #tpu.memory_space<hbm>>) dst(%dma_wait3A_2857 : memref<64x128xf32, #tpu.memory_space<vmem>>)
      } else {
      }
      %slice3A_971 = vector.extract_strided_slice %get3A_47 {offsets = [8], sizes = [1], strides = [1]} : vector<16xi32> to vector<1xi32>
      %squeeze3A_972 = vector.extract %slice3A_971[0] : i32 from vector<1xi32>
      %and3A_973 = arith.constant 127 : i32
      %and3A_974 = arith.andi %squeeze3A_972, %and3A_973 : i32
      %slice3A_975 = vector.extract_strided_slice %get3A_53 {offsets = [8], sizes = [1], strides = [1]} : vector<16xi32> to vector<1xi32>
      %squeeze3A_976 = vector.extract %slice3A_975[0] : i32 from vector<1xi32>
      %sub3A_977 = arith.subi %squeeze3A_976, %squeeze3A : i32
      %and3A_978 = arith.constant 7 : i32
      %and3A_979 = arith.andi %sub3A_977, %and3A_978 : i32
      %mul3A_980 = arith.constant 64 : i32
      %mul3A_981 = arith.muli %and3A_979, %mul3A_980 : i32
      %broadcast_in_dim3A_982 = vector.broadcast %and3A_974 : i32 to vector<16xi32>
      %add3A_983 = vector.broadcast %mul3A_981 : i32 to vector<16xi32>
      %add3A_984 = arith.addi %add3A_6, %add3A_983 : vector<16xi32>
      %gather3A_985 = tpu.vector_load_idx %arg12[%add3A_984, %broadcast_in_dim3A_982] : memref<512x128xf32, #tpu.memory_space<vmem>>[vector<16xi32>, vector<16xi32>], vector<16xf32>,
      %multiple_of3A_986 = arith.constant 512 : i32
      %multiple_of3A_987 = tpu.assume_multiple %multiple_of3A_986, 16 : i32
      %swap3A_988 = arith.index_cast %multiple_of3A_987 : i32 to index
      %swap3A_989 = tpu.vector_load %arg13[%swap3A_988] {strides = array<i32>} : memref<2048xf32, #tpu.memory_space<vmem>>, vector<16xf32>,
      tpu.vector_store %arg13[%swap3A_988], %gather3A_985 {strides = array<i32>} : memref<2048xf32, #tpu.memory_space<vmem>>, vector<16xf32>,
      %add3A_990 = vector.broadcast %mul3A_981 : i32 to vector<16xi32>
      %add3A_991 = arith.addi %add3A_10, %add3A_990 : vector<16xi32>
      %gather3A_992 = tpu.vector_load_idx %arg12[%add3A_991, %broadcast_in_dim3A_982] : memref<512x128xf32, #tpu.memory_space<vmem>>[vector<16xi32>, vector<16xi32>], vector<16xf32>,
      %multiple_of3A_993 = arith.constant 528 : i32
      %multiple_of3A_994 = tpu.assume_multiple %multiple_of3A_993, 16 : i32
      %swap3A_995 = arith.index_cast %multiple_of3A_994 : i32 to index
      %swap3A_996 = tpu.vector_load %arg13[%swap3A_995] {strides = array<i32>} : memref<2048xf32, #tpu.memory_space<vmem>>, vector<16xf32>,
      tpu.vector_store %arg13[%swap3A_995], %gather3A_992 {strides = array<i32>} : memref<2048xf32, #tpu.memory_space<vmem>>, vector<16xf32>,
      %add3A_997 = vector.broadcast %mul3A_981 : i32 to vector<16xi32>
      %add3A_998 = arith.addi %add3A_14, %add3A_997 : vector<16xi32>
      %gather3A_999 = tpu.vector_load_idx %arg12[%add3A_998, %broadcast_in_dim3A_982] : memref<512x128xf32, #tpu.memory_space<vmem>>[vector<16xi32>, vector<16xi32>], vector<16xf32>,
      %multiple_of3A_1000 = arith.constant 544 : i32
      %multiple_of3A_1001 = tpu.assume_multiple %multiple_of3A_1000, 16 : i32
      %swap3A_1002 = arith.index_cast %multiple_of3A_1001 : i32 to index
      %swap3A_1003 = tpu.vector_load %arg13[%swap3A_1002] {strides = array<i32>} : memref<2048xf32, #tpu.memory_space<vmem>>, vector<16xf32>,
      tpu.vector_store %arg13[%swap3A_1002], %gather3A_999 {strides = array<i32>} : memref<2048xf32, #tpu.memory_space<vmem>>, vector<16xf32>,
      %add3A_1004 = vector.broadcast %mul3A_981 : i32 to vector<16xi32>
      %add3A_1005 = arith.addi %add3A_18, %add3A_1004 : vector<16xi32>
      %gather3A_1006 = tpu.vector_load_idx %arg12[%add3A_1005, %broadcast_in_dim3A_982] : memref<512x128xf32, #tpu.memory_space<vmem>>[vector<16xi32>, vector<16xi32>], vector<16xf32>,
      %multiple_of3A_1007 = arith.constant 560 : i32
      %multiple_of3A_1008 = tpu.assume_multiple %multiple_of3A_1007, 16 : i32
      %swap3A_1009 = arith.index_cast %multiple_of3A_1008 : i32 to index
      %swap3A_1010 = tpu.vector_load %arg13[%swap3A_1009] {strides = array<i32>} : memref<2048xf32, #tpu.memory_space<vmem>>, vector<16xf32>,
      tpu.vector_store %arg13[%swap3A_1009], %gather3A_1006 {strides = array<i32>} : memref<2048xf32, #tpu.memory_space<vmem>>, vector<16xf32>,
      %slice3A_1011 = vector.extract_strided_slice %get3A_49 {offsets = [8], sizes = [1], strides = [1]} : vector<16xi32> to vector<1xi32>
      %squeeze3A_1012 = vector.extract %slice3A_1011[0] : i32 from vector<1xi32>
      %mul3A_1013 = arith.constant 64 : i32
      %mul3A_1014 = arith.muli %squeeze3A_1012, %mul3A_1013 : i32
      %multiple_of3A_1015 = tpu.assume_multiple %mul3A_1014, 64 : i32
      %multiple_of3A_1016 = arith.constant 512 : i32
      %multiple_of3A_1017 = tpu.assume_multiple %multiple_of3A_1016, 64 : i32
      %dma_start3A_1018 = tpu.memref_slice %arg13[%multiple_of3A_1017] : memref<2048xf32, #tpu.memory_space<vmem>> -> memref<64xf32, #tpu.memory_space<vmem>>
      %dma_start3A_1019 = tpu.memref_slice %arg7[%multiple_of3A_1015] : memref<1048576xf32, #tpu.memory_space<hbm>> -> memref<64xf32, #tpu.memory_space<hbm>>
      %dma_start3A_1020 = tpu.memref_slice %arg7[%multiple_of3A_1015] : memref<1048576xf32, #tpu.memory_space<hbm>> -> memref<64xf32, #tpu.memory_space<hbm>>
      %dma_start3A_1021 = tpu.memref_slice %arg13[%multiple_of3A_1017] : memref<2048xf32, #tpu.memory_space<vmem>> -> memref<64xf32, #tpu.memory_space<vmem>>
      tpu.enqueue_dma source(%dma_start3A_1021 : memref<64xf32, #tpu.memory_space<vmem>>) target(%dma_start3A_1020 : memref<64xf32, #tpu.memory_space<hbm>>) target_semaphore(%arg16 : memref<!tpu.dma_semaphore, #tpu.memory_space<semaphore_mem>>)
      %slice3A_1022 = vector.extract_strided_slice %get3A_47 {offsets = [9], sizes = [1], strides = [1]} : vector<16xi32> to vector<1xi32>
      %squeeze3A_1023 = vector.extract %slice3A_1022[0] : i32 from vector<1xi32>
      %and3A_1024 = arith.constant 127 : i32
      %and3A_1025 = arith.andi %squeeze3A_1023, %and3A_1024 : i32
      %slice3A_1026 = vector.extract_strided_slice %get3A_53 {offsets = [9], sizes = [1], strides = [1]} : vector<16xi32> to vector<1xi32>
      %squeeze3A_1027 = vector.extract %slice3A_1026[0] : i32 from vector<1xi32>
      %sub3A_1028 = arith.subi %squeeze3A_1027, %squeeze3A : i32
      %and3A_1029 = arith.constant 7 : i32
      %and3A_1030 = arith.andi %sub3A_1028, %and3A_1029 : i32
      %mul3A_1031 = arith.constant 64 : i32
      %mul3A_1032 = arith.muli %and3A_1030, %mul3A_1031 : i32
      %broadcast_in_dim3A_1033 = vector.broadcast %and3A_1025 : i32 to vector<16xi32>
      %add3A_1034 = vector.broadcast %mul3A_1032 : i32 to vector<16xi32>
      %add3A_1035 = arith.addi %add3A_6, %add3A_1034 : vector<16xi32>
      %gather3A_1036 = tpu.vector_load_idx %arg12[%add3A_1035, %broadcast_in_dim3A_1033] : memref<512x128xf32, #tpu.memory_space<vmem>>[vector<16xi32>, vector<16xi32>], vector<16xf32>,
      %multiple_of3A_1037 = arith.constant 576 : i32
      %multiple_of3A_1038 = tpu.assume_multiple %multiple_of3A_1037, 16 : i32
      %swap3A_1039 = arith.index_cast %multiple_of3A_1038 : i32 to index
      %swap3A_1040 = tpu.vector_load %arg13[%swap3A_1039] {strides = array<i32>} : memref<2048xf32, #tpu.memory_space<vmem>>, vector<16xf32>,
      tpu.vector_store %arg13[%swap3A_1039], %gather3A_1036 {strides = array<i32>} : memref<2048xf32, #tpu.memory_space<vmem>>, vector<16xf32>,
      %add3A_1041 = vector.broadcast %mul3A_1032 : i32 to vector<16xi32>
      %add3A_1042 = arith.addi %add3A_10, %add3A_1041 : vector<16xi32>
      %gather3A_1043 = tpu.vector_load_idx %arg12[%add3A_1042, %broadcast_in_dim3A_1033] : memref<512x128xf32, #tpu.memory_space<vmem>>[vector<16xi32>, vector<16xi32>], vector<16xf32>,
      %multiple_of3A_1044 = arith.constant 592 : i32
      %multiple_of3A_1045 = tpu.assume_multiple %multiple_of3A_1044, 16 : i32
      %swap3A_1046 = arith.index_cast %multiple_of3A_1045 : i32 to index
      %swap3A_1047 = tpu.vector_load %arg13[%swap3A_1046] {strides = array<i32>} : memref<2048xf32, #tpu.memory_space<vmem>>, vector<16xf32>,
      tpu.vector_store %arg13[%swap3A_1046], %gather3A_1043 {strides = array<i32>} : memref<2048xf32, #tpu.memory_space<vmem>>, vector<16xf32>,
      %add3A_1048 = vector.broadcast %mul3A_1032 : i32 to vector<16xi32>
      %add3A_1049 = arith.addi %add3A_14, %add3A_1048 : vector<16xi32>
      %gather3A_1050 = tpu.vector_load_idx %arg12[%add3A_1049, %broadcast_in_dim3A_1033] : memref<512x128xf32, #tpu.memory_space<vmem>>[vector<16xi32>, vector<16xi32>], vector<16xf32>,
      %multiple_of3A_1051 = arith.constant 608 : i32
      %multiple_of3A_1052 = tpu.assume_multiple %multiple_of3A_1051, 16 : i32
      %swap3A_1053 = arith.index_cast %multiple_of3A_1052 : i32 to index
      %swap3A_1054 = tpu.vector_load %arg13[%swap3A_1053] {strides = array<i32>} : memref<2048xf32, #tpu.memory_space<vmem>>, vector<16xf32>,
      tpu.vector_store %arg13[%swap3A_1053], %gather3A_1050 {strides = array<i32>} : memref<2048xf32, #tpu.memory_space<vmem>>, vector<16xf32>,
      %add3A_1055 = vector.broadcast %mul3A_1032 : i32 to vector<16xi32>
      %add3A_1056 = arith.addi %add3A_18, %add3A_1055 : vector<16xi32>
      %gather3A_1057 = tpu.vector_load_idx %arg12[%add3A_1056, %broadcast_in_dim3A_1033] : memref<512x128xf32, #tpu.memory_space<vmem>>[vector<16xi32>, vector<16xi32>], vector<16xf32>,
      %multiple_of3A_1058 = arith.constant 624 : i32
      %multiple_of3A_1059 = tpu.assume_multiple %multiple_of3A_1058, 16 : i32
      %swap3A_1060 = arith.index_cast %multiple_of3A_1059 : i32 to index
      %swap3A_1061 = tpu.vector_load %arg13[%swap3A_1060] {strides = array<i32>} : memref<2048xf32, #tpu.memory_space<vmem>>, vector<16xf32>,
      tpu.vector_store %arg13[%swap3A_1060], %gather3A_1057 {strides = array<i32>} : memref<2048xf32, #tpu.memory_space<vmem>>, vector<16xf32>,
      %slice3A_1062 = vector.extract_strided_slice %get3A_49 {offsets = [9], sizes = [1], strides = [1]} : vector<16xi32> to vector<1xi32>
      %squeeze3A_1063 = vector.extract %slice3A_1062[0] : i32 from vector<1xi32>
      %mul3A_1064 = arith.constant 64 : i32
      %mul3A_1065 = arith.muli %squeeze3A_1063, %mul3A_1064 : i32
      %multiple_of3A_1066 = tpu.assume_multiple %mul3A_1065, 64 : i32
      %multiple_of3A_1067 = arith.constant 576 : i32
      %multiple_of3A_1068 = tpu.assume_multiple %multiple_of3A_1067, 64 : i32
      %dma_start3A_1069 = tpu.memref_slice %arg13[%multiple_of3A_1068] : memref<2048xf32, #tpu.memory_space<vmem>> -> memref<64xf32, #tpu.memory_space<vmem>>
      %dma_start3A_1070 = tpu.memref_slice %arg7[%multiple_of3A_1066] : memref<1048576xf32, #tpu.memory_space<hbm>> -> memref<64xf32, #tpu.memory_space<hbm>>
      %dma_start3A_1071 = tpu.memref_slice %arg7[%multiple_of3A_1066] : memref<1048576xf32, #tpu.memory_space<hbm>> -> memref<64xf32, #tpu.memory_space<hbm>>
      %dma_start3A_1072 = tpu.memref_slice %arg13[%multiple_of3A_1068] : memref<2048xf32, #tpu.memory_space<vmem>> -> memref<64xf32, #tpu.memory_space<vmem>>
      tpu.enqueue_dma source(%dma_start3A_1072 : memref<64xf32, #tpu.memory_space<vmem>>) target(%dma_start3A_1071 : memref<64xf32, #tpu.memory_space<hbm>>) target_semaphore(%arg16 : memref<!tpu.dma_semaphore, #tpu.memory_space<semaphore_mem>>)
      %slice3A_1073 = vector.extract_strided_slice %get3A_47 {offsets = [10], sizes = [1], strides = [1]} : vector<16xi32> to vector<1xi32>
      %squeeze3A_1074 = vector.extract %slice3A_1073[0] : i32 from vector<1xi32>
      %and3A_1075 = arith.constant 127 : i32
      %and3A_1076 = arith.andi %squeeze3A_1074, %and3A_1075 : i32
      %slice3A_1077 = vector.extract_strided_slice %get3A_53 {offsets = [10], sizes = [1], strides = [1]} : vector<16xi32> to vector<1xi32>
      %squeeze3A_1078 = vector.extract %slice3A_1077[0] : i32 from vector<1xi32>
      %sub3A_1079 = arith.subi %squeeze3A_1078, %squeeze3A : i32
      %and3A_1080 = arith.constant 7 : i32
      %and3A_1081 = arith.andi %sub3A_1079, %and3A_1080 : i32
      %mul3A_1082 = arith.constant 64 : i32
      %mul3A_1083 = arith.muli %and3A_1081, %mul3A_1082 : i32
      %broadcast_in_dim3A_1084 = vector.broadcast %and3A_1076 : i32 to vector<16xi32>
      %add3A_1085 = vector.broadcast %mul3A_1083 : i32 to vector<16xi32>
      %add3A_1086 = arith.addi %add3A_6, %add3A_1085 : vector<16xi32>
      %gather3A_1087 = tpu.vector_load_idx %arg12[%add3A_1086, %broadcast_in_dim3A_1084] : memref<512x128xf32, #tpu.memory_space<vmem>>[vector<16xi32>, vector<16xi32>], vector<16xf32>,
      %multiple_of3A_1088 = arith.constant 640 : i32
      %multiple_of3A_1089 = tpu.assume_multiple %multiple_of3A_1088, 16 : i32
      %swap3A_1090 = arith.index_cast %multiple_of3A_1089 : i32 to index
      %swap3A_1091 = tpu.vector_load %arg13[%swap3A_1090] {strides = array<i32>} : memref<2048xf32, #tpu.memory_space<vmem>>, vector<16xf32>,
      tpu.vector_store %arg13[%swap3A_1090], %gather3A_1087 {strides = array<i32>} : memref<2048xf32, #tpu.memory_space<vmem>>, vector<16xf32>,
      %add3A_1092 = vector.broadcast %mul3A_1083 : i32 to vector<16xi32>
      %add3A_1093 = arith.addi %add3A_10, %add3A_1092 : vector<16xi32>
      %gather3A_1094 = tpu.vector_load_idx %arg12[%add3A_1093, %broadcast_in_dim3A_1084] : memref<512x128xf32, #tpu.memory_space<vmem>>[vector<16xi32>, vector<16xi32>], vector<16xf32>,
      %multiple_of3A_1095 = arith.constant 656 : i32
      %multiple_of3A_1096 = tpu.assume_multiple %multiple_of3A_1095, 16 : i32
      %swap3A_1097 = arith.index_cast %multiple_of3A_1096 : i32 to index
      %swap3A_1098 = tpu.vector_load %arg13[%swap3A_1097] {strides = array<i32>} : memref<2048xf32, #tpu.memory_space<vmem>>, vector<16xf32>,
      tpu.vector_store %arg13[%swap3A_1097], %gather3A_1094 {strides = array<i32>} : memref<2048xf32, #tpu.memory_space<vmem>>, vector<16xf32>,
      %add3A_1099 = vector.broadcast %mul3A_1083 : i32 to vector<16xi32>
      %add3A_1100 = arith.addi %add3A_14, %add3A_1099 : vector<16xi32>
      %gather3A_1101 = tpu.vector_load_idx %arg12[%add3A_1100, %broadcast_in_dim3A_1084] : memref<512x128xf32, #tpu.memory_space<vmem>>[vector<16xi32>, vector<16xi32>], vector<16xf32>,
      %multiple_of3A_1102 = arith.constant 672 : i32
      %multiple_of3A_1103 = tpu.assume_multiple %multiple_of3A_1102, 16 : i32
      %swap3A_1104 = arith.index_cast %multiple_of3A_1103 : i32 to index
      %swap3A_1105 = tpu.vector_load %arg13[%swap3A_1104] {strides = array<i32>} : memref<2048xf32, #tpu.memory_space<vmem>>, vector<16xf32>,
      tpu.vector_store %arg13[%swap3A_1104], %gather3A_1101 {strides = array<i32>} : memref<2048xf32, #tpu.memory_space<vmem>>, vector<16xf32>,
      %add3A_1106 = vector.broadcast %mul3A_1083 : i32 to vector<16xi32>
      %add3A_1107 = arith.addi %add3A_18, %add3A_1106 : vector<16xi32>
      %gather3A_1108 = tpu.vector_load_idx %arg12[%add3A_1107, %broadcast_in_dim3A_1084] : memref<512x128xf32, #tpu.memory_space<vmem>>[vector<16xi32>, vector<16xi32>], vector<16xf32>,
      %multiple_of3A_1109 = arith.constant 688 : i32
      %multiple_of3A_1110 = tpu.assume_multiple %multiple_of3A_1109, 16 : i32
      %swap3A_1111 = arith.index_cast %multiple_of3A_1110 : i32 to index
      %swap3A_1112 = tpu.vector_load %arg13[%swap3A_1111] {strides = array<i32>} : memref<2048xf32, #tpu.memory_space<vmem>>, vector<16xf32>,
      tpu.vector_store %arg13[%swap3A_1111], %gather3A_1108 {strides = array<i32>} : memref<2048xf32, #tpu.memory_space<vmem>>, vector<16xf32>,
      %slice3A_1113 = vector.extract_strided_slice %get3A_49 {offsets = [10], sizes = [1], strides = [1]} : vector<16xi32> to vector<1xi32>
      %squeeze3A_1114 = vector.extract %slice3A_1113[0] : i32 from vector<1xi32>
      %mul3A_1115 = arith.constant 64 : i32
      %mul3A_1116 = arith.muli %squeeze3A_1114, %mul3A_1115 : i32
      %multiple_of3A_1117 = tpu.assume_multiple %mul3A_1116, 64 : i32
      %multiple_of3A_1118 = arith.constant 640 : i32
      %multiple_of3A_1119 = tpu.assume_multiple %multiple_of3A_1118, 64 : i32
      %dma_start3A_1120 = tpu.memref_slice %arg13[%multiple_of3A_1119] : memref<2048xf32, #tpu.memory_space<vmem>> -> memref<64xf32, #tpu.memory_space<vmem>>
      %dma_start3A_1121 = tpu.memref_slice %arg7[%multiple_of3A_1117] : memref<1048576xf32, #tpu.memory_space<hbm>> -> memref<64xf32, #tpu.memory_space<hbm>>
      %dma_start3A_1122 = tpu.memref_slice %arg7[%multiple_of3A_1117] : memref<1048576xf32, #tpu.memory_space<hbm>> -> memref<64xf32, #tpu.memory_space<hbm>>
      %dma_start3A_1123 = tpu.memref_slice %arg13[%multiple_of3A_1119] : memref<2048xf32, #tpu.memory_space<vmem>> -> memref<64xf32, #tpu.memory_space<vmem>>
      tpu.enqueue_dma source(%dma_start3A_1123 : memref<64xf32, #tpu.memory_space<vmem>>) target(%dma_start3A_1122 : memref<64xf32, #tpu.memory_space<hbm>>) target_semaphore(%arg16 : memref<!tpu.dma_semaphore, #tpu.memory_space<semaphore_mem>>)
      %slice3A_1124 = vector.extract_strided_slice %get3A_47 {offsets = [11], sizes = [1], strides = [1]} : vector<16xi32> to vector<1xi32>
      %squeeze3A_1125 = vector.extract %slice3A_1124[0] : i32 from vector<1xi32>
      %and3A_1126 = arith.constant 127 : i32
      %and3A_1127 = arith.andi %squeeze3A_1125, %and3A_1126 : i32
      %slice3A_1128 = vector.extract_strided_slice %get3A_53 {offsets = [11], sizes = [1], strides = [1]} : vector<16xi32> to vector<1xi32>
      %squeeze3A_1129 = vector.extract %slice3A_1128[0] : i32 from vector<1xi32>
      %sub3A_1130 = arith.subi %squeeze3A_1129, %squeeze3A : i32
      %and3A_1131 = arith.constant 7 : i32
      %and3A_1132 = arith.andi %sub3A_1130, %and3A_1131 : i32
      %mul3A_1133 = arith.constant 64 : i32
      %mul3A_1134 = arith.muli %and3A_1132, %mul3A_1133 : i32
      %broadcast_in_dim3A_1135 = vector.broadcast %and3A_1127 : i32 to vector<16xi32>
      %add3A_1136 = vector.broadcast %mul3A_1134 : i32 to vector<16xi32>
      %add3A_1137 = arith.addi %add3A_6, %add3A_1136 : vector<16xi32>
      %gather3A_1138 = tpu.vector_load_idx %arg12[%add3A_1137, %broadcast_in_dim3A_1135] : memref<512x128xf32, #tpu.memory_space<vmem>>[vector<16xi32>, vector<16xi32>], vector<16xf32>,
      %multiple_of3A_1139 = arith.constant 704 : i32
      %multiple_of3A_1140 = tpu.assume_multiple %multiple_of3A_1139, 16 : i32
      %swap3A_1141 = arith.index_cast %multiple_of3A_1140 : i32 to index
      %swap3A_1142 = tpu.vector_load %arg13[%swap3A_1141] {strides = array<i32>} : memref<2048xf32, #tpu.memory_space<vmem>>, vector<16xf32>,
      tpu.vector_store %arg13[%swap3A_1141], %gather3A_1138 {strides = array<i32>} : memref<2048xf32, #tpu.memory_space<vmem>>, vector<16xf32>,
      %add3A_1143 = vector.broadcast %mul3A_1134 : i32 to vector<16xi32>
      %add3A_1144 = arith.addi %add3A_10, %add3A_1143 : vector<16xi32>
      %gather3A_1145 = tpu.vector_load_idx %arg12[%add3A_1144, %broadcast_in_dim3A_1135] : memref<512x128xf32, #tpu.memory_space<vmem>>[vector<16xi32>, vector<16xi32>], vector<16xf32>,
      %multiple_of3A_1146 = arith.constant 720 : i32
      %multiple_of3A_1147 = tpu.assume_multiple %multiple_of3A_1146, 16 : i32
      %swap3A_1148 = arith.index_cast %multiple_of3A_1147 : i32 to index
      %swap3A_1149 = tpu.vector_load %arg13[%swap3A_1148] {strides = array<i32>} : memref<2048xf32, #tpu.memory_space<vmem>>, vector<16xf32>,
      tpu.vector_store %arg13[%swap3A_1148], %gather3A_1145 {strides = array<i32>} : memref<2048xf32, #tpu.memory_space<vmem>>, vector<16xf32>,
      %add3A_1150 = vector.broadcast %mul3A_1134 : i32 to vector<16xi32>
      %add3A_1151 = arith.addi %add3A_14, %add3A_1150 : vector<16xi32>
      %gather3A_1152 = tpu.vector_load_idx %arg12[%add3A_1151, %broadcast_in_dim3A_1135] : memref<512x128xf32, #tpu.memory_space<vmem>>[vector<16xi32>, vector<16xi32>], vector<16xf32>,
      %multiple_of3A_1153 = arith.constant 736 : i32
      %multiple_of3A_1154 = tpu.assume_multiple %multiple_of3A_1153, 16 : i32
      %swap3A_1155 = arith.index_cast %multiple_of3A_1154 : i32 to index
      %swap3A_1156 = tpu.vector_load %arg13[%swap3A_1155] {strides = array<i32>} : memref<2048xf32, #tpu.memory_space<vmem>>, vector<16xf32>,
      tpu.vector_store %arg13[%swap3A_1155], %gather3A_1152 {strides = array<i32>} : memref<2048xf32, #tpu.memory_space<vmem>>, vector<16xf32>,
      %add3A_1157 = vector.broadcast %mul3A_1134 : i32 to vector<16xi32>
      %add3A_1158 = arith.addi %add3A_18, %add3A_1157 : vector<16xi32>
      %gather3A_1159 = tpu.vector_load_idx %arg12[%add3A_1158, %broadcast_in_dim3A_1135] : memref<512x128xf32, #tpu.memory_space<vmem>>[vector<16xi32>, vector<16xi32>], vector<16xf32>,
      %multiple_of3A_1160 = arith.constant 752 : i32
      %multiple_of3A_1161 = tpu.assume_multiple %multiple_of3A_1160, 16 : i32
      %swap3A_1162 = arith.index_cast %multiple_of3A_1161 : i32 to index
      %swap3A_1163 = tpu.vector_load %arg13[%swap3A_1162] {strides = array<i32>} : memref<2048xf32, #tpu.memory_space<vmem>>, vector<16xf32>,
      tpu.vector_store %arg13[%swap3A_1162], %gather3A_1159 {strides = array<i32>} : memref<2048xf32, #tpu.memory_space<vmem>>, vector<16xf32>,
      %slice3A_1164 = vector.extract_strided_slice %get3A_49 {offsets = [11], sizes = [1], strides = [1]} : vector<16xi32> to vector<1xi32>
      %squeeze3A_1165 = vector.extract %slice3A_1164[0] : i32 from vector<1xi32>
      %mul3A_1166 = arith.constant 64 : i32
      %mul3A_1167 = arith.muli %squeeze3A_1165, %mul3A_1166 : i32
      %multiple_of3A_1168 = tpu.assume_multiple %mul3A_1167, 64 : i32
      %multiple_of3A_1169 = arith.constant 704 : i32
      %multiple_of3A_1170 = tpu.assume_multiple %multiple_of3A_1169, 64 : i32
      %dma_start3A_1171 = tpu.memref_slice %arg13[%multiple_of3A_1170] : memref<2048xf32, #tpu.memory_space<vmem>> -> memref<64xf32, #tpu.memory_space<vmem>>
      %dma_start3A_1172 = tpu.memref_slice %arg7[%multiple_of3A_1168] : memref<1048576xf32, #tpu.memory_space<hbm>> -> memref<64xf32, #tpu.memory_space<hbm>>
      %dma_start3A_1173 = tpu.memref_slice %arg7[%multiple_of3A_1168] : memref<1048576xf32, #tpu.memory_space<hbm>> -> memref<64xf32, #tpu.memory_space<hbm>>
      %dma_start3A_1174 = tpu.memref_slice %arg13[%multiple_of3A_1170] : memref<2048xf32, #tpu.memory_space<vmem>> -> memref<64xf32, #tpu.memory_space<vmem>>
      tpu.enqueue_dma source(%dma_start3A_1174 : memref<64xf32, #tpu.memory_space<vmem>>) target(%dma_start3A_1173 : memref<64xf32, #tpu.memory_space<hbm>>) target_semaphore(%arg16 : memref<!tpu.dma_semaphore, #tpu.memory_space<semaphore_mem>>)
      %slice3A_1175 = vector.extract_strided_slice %get3A_53 {offsets = [12], sizes = [1], strides = [1]} : vector<16xi32> to vector<1xi32>
      %squeeze3A_1176 = vector.extract %slice3A_1175[0] : i32 from vector<1xi32>
      %sub3A_1177 = arith.subi %squeeze3A_1176, %squeeze3A : i32
      %and3A_1178 = arith.constant 7 : i32
      %and3A_1179 = arith.andi %sub3A_1177, %and3A_1178 : i32
      %mul3A_1180 = arith.constant 64 : i32
      %mul3A_1181 = arith.muli %and3A_1179, %mul3A_1180 : i32
      %multiple_of3A_1182 = tpu.assume_multiple %mul3A_1181, 64 : i32
      %slice3A_1183 = vector.extract_strided_slice %get3A_51 {offsets = [12], sizes = [1], strides = [1]} : vector<16xi32> to vector<1xi32>
      %squeeze3A_1184 = vector.extract %slice3A_1183[0] : i32 from vector<1xi32>
      %ne3A_1185 = arith.constant 0 : i32
      %ne3A_1186 = arith.cmpi ne, %squeeze3A_1184, %ne3A_1185 : i32
      %convert_element_type3A_1187 = arith.extui %ne3A_1186 : i1 to i32
      %cond3A_1188 = arith.constant 0 : i32
      %cond3A_1189 = arith.cmpi ne, %convert_element_type3A_1187, %cond3A_1188 : i32
      scf.if %cond3A_1189 {
        %dma_wait3A_2851 = arith.constant 0 : i32
        %dma_wait3A_2852 = tpu.memref_slice %arg12[%multiple_of3A_1182, %dma_wait3A_2851] : memref<512x128xf32, #tpu.memory_space<vmem>> -> memref<64x128xf32, #tpu.memory_space<vmem>>
        %dma_wait3A_2853 = arith.constant 0 : i32
        %dma_wait3A_2854 = arith.constant 0 : i32
        %dma_wait3A_2855 = tpu.memref_slice %arg6[%dma_wait3A_2853, %dma_wait3A_2854] : memref<64x1000001xf32, #tpu.memory_space<hbm>> -> memref<64x128xf32, #tpu.memory_space<hbm>>
        %dma_wait3A_2856 = arith.constant 0 : i32
        %dma_wait3A_2857 = tpu.memref_slice %arg12[%multiple_of3A_1182, %dma_wait3A_2856] : memref<512x128xf32, #tpu.memory_space<vmem>> -> memref<64x128xf32, #tpu.memory_space<vmem>>
        %dma_wait3A_2858 = arith.constant 0 : i32
        %dma_wait3A_2859 = arith.constant 0 : i32
        %dma_wait3A_2860 = tpu.memref_slice %arg6[%dma_wait3A_2858, %dma_wait3A_2859] : memref<64x1000001xf32, #tpu.memory_space<hbm>> -> memref<64x128xf32, #tpu.memory_space<hbm>>
        tpu.wait_dma2 semaphore(%arg15 : memref<!tpu.dma_semaphore, #tpu.memory_space<semaphore_mem>>) src(%dma_wait3A_2860 : memref<64x128xf32, #tpu.memory_space<hbm>>) dst(%dma_wait3A_2857 : memref<64x128xf32, #tpu.memory_space<vmem>>)
      } else {
      }
      %slice3A_1190 = vector.extract_strided_slice %get3A_53 {offsets = [13], sizes = [1], strides = [1]} : vector<16xi32> to vector<1xi32>
      %squeeze3A_1191 = vector.extract %slice3A_1190[0] : i32 from vector<1xi32>
      %sub3A_1192 = arith.subi %squeeze3A_1191, %squeeze3A : i32
      %and3A_1193 = arith.constant 7 : i32
      %and3A_1194 = arith.andi %sub3A_1192, %and3A_1193 : i32
      %mul3A_1195 = arith.constant 64 : i32
      %mul3A_1196 = arith.muli %and3A_1194, %mul3A_1195 : i32
      %multiple_of3A_1197 = tpu.assume_multiple %mul3A_1196, 64 : i32
      %slice3A_1198 = vector.extract_strided_slice %get3A_51 {offsets = [13], sizes = [1], strides = [1]} : vector<16xi32> to vector<1xi32>
      %squeeze3A_1199 = vector.extract %slice3A_1198[0] : i32 from vector<1xi32>
      %ne3A_1200 = arith.constant 0 : i32
      %ne3A_1201 = arith.cmpi ne, %squeeze3A_1199, %ne3A_1200 : i32
      %convert_element_type3A_1202 = arith.extui %ne3A_1201 : i1 to i32
      %cond3A_1203 = arith.constant 0 : i32
      %cond3A_1204 = arith.cmpi ne, %convert_element_type3A_1202, %cond3A_1203 : i32
      scf.if %cond3A_1204 {
        %dma_wait3A_2851 = arith.constant 0 : i32
        %dma_wait3A_2852 = tpu.memref_slice %arg12[%multiple_of3A_1197, %dma_wait3A_2851] : memref<512x128xf32, #tpu.memory_space<vmem>> -> memref<64x128xf32, #tpu.memory_space<vmem>>
        %dma_wait3A_2853 = arith.constant 0 : i32
        %dma_wait3A_2854 = arith.constant 0 : i32
        %dma_wait3A_2855 = tpu.memref_slice %arg6[%dma_wait3A_2853, %dma_wait3A_2854] : memref<64x1000001xf32, #tpu.memory_space<hbm>> -> memref<64x128xf32, #tpu.memory_space<hbm>>
        %dma_wait3A_2856 = arith.constant 0 : i32
        %dma_wait3A_2857 = tpu.memref_slice %arg12[%multiple_of3A_1197, %dma_wait3A_2856] : memref<512x128xf32, #tpu.memory_space<vmem>> -> memref<64x128xf32, #tpu.memory_space<vmem>>
        %dma_wait3A_2858 = arith.constant 0 : i32
        %dma_wait3A_2859 = arith.constant 0 : i32
        %dma_wait3A_2860 = tpu.memref_slice %arg6[%dma_wait3A_2858, %dma_wait3A_2859] : memref<64x1000001xf32, #tpu.memory_space<hbm>> -> memref<64x128xf32, #tpu.memory_space<hbm>>
        tpu.wait_dma2 semaphore(%arg15 : memref<!tpu.dma_semaphore, #tpu.memory_space<semaphore_mem>>) src(%dma_wait3A_2860 : memref<64x128xf32, #tpu.memory_space<hbm>>) dst(%dma_wait3A_2857 : memref<64x128xf32, #tpu.memory_space<vmem>>)
      } else {
      }
      %slice3A_1205 = vector.extract_strided_slice %get3A_53 {offsets = [14], sizes = [1], strides = [1]} : vector<16xi32> to vector<1xi32>
      %squeeze3A_1206 = vector.extract %slice3A_1205[0] : i32 from vector<1xi32>
      %sub3A_1207 = arith.subi %squeeze3A_1206, %squeeze3A : i32
      %and3A_1208 = arith.constant 7 : i32
      %and3A_1209 = arith.andi %sub3A_1207, %and3A_1208 : i32
      %mul3A_1210 = arith.constant 64 : i32
      %mul3A_1211 = arith.muli %and3A_1209, %mul3A_1210 : i32
      %multiple_of3A_1212 = tpu.assume_multiple %mul3A_1211, 64 : i32
      %slice3A_1213 = vector.extract_strided_slice %get3A_51 {offsets = [14], sizes = [1], strides = [1]} : vector<16xi32> to vector<1xi32>
      %squeeze3A_1214 = vector.extract %slice3A_1213[0] : i32 from vector<1xi32>
      %ne3A_1215 = arith.constant 0 : i32
      %ne3A_1216 = arith.cmpi ne, %squeeze3A_1214, %ne3A_1215 : i32
      %convert_element_type3A_1217 = arith.extui %ne3A_1216 : i1 to i32
      %cond3A_1218 = arith.constant 0 : i32
      %cond3A_1219 = arith.cmpi ne, %convert_element_type3A_1217, %cond3A_1218 : i32
      scf.if %cond3A_1219 {
        %dma_wait3A_2851 = arith.constant 0 : i32
        %dma_wait3A_2852 = tpu.memref_slice %arg12[%multiple_of3A_1212, %dma_wait3A_2851] : memref<512x128xf32, #tpu.memory_space<vmem>> -> memref<64x128xf32, #tpu.memory_space<vmem>>
        %dma_wait3A_2853 = arith.constant 0 : i32
        %dma_wait3A_2854 = arith.constant 0 : i32
        %dma_wait3A_2855 = tpu.memref_slice %arg6[%dma_wait3A_2853, %dma_wait3A_2854] : memref<64x1000001xf32, #tpu.memory_space<hbm>> -> memref<64x128xf32, #tpu.memory_space<hbm>>
        %dma_wait3A_2856 = arith.constant 0 : i32
        %dma_wait3A_2857 = tpu.memref_slice %arg12[%multiple_of3A_1212, %dma_wait3A_2856] : memref<512x128xf32, #tpu.memory_space<vmem>> -> memref<64x128xf32, #tpu.memory_space<vmem>>
        %dma_wait3A_2858 = arith.constant 0 : i32
        %dma_wait3A_2859 = arith.constant 0 : i32
        %dma_wait3A_2860 = tpu.memref_slice %arg6[%dma_wait3A_2858, %dma_wait3A_2859] : memref<64x1000001xf32, #tpu.memory_space<hbm>> -> memref<64x128xf32, #tpu.memory_space<hbm>>
        tpu.wait_dma2 semaphore(%arg15 : memref<!tpu.dma_semaphore, #tpu.memory_space<semaphore_mem>>) src(%dma_wait3A_2860 : memref<64x128xf32, #tpu.memory_space<hbm>>) dst(%dma_wait3A_2857 : memref<64x128xf32, #tpu.memory_space<vmem>>)
      } else {
      }
      %slice3A_1220 = vector.extract_strided_slice %get3A_53 {offsets = [15], sizes = [1], strides = [1]} : vector<16xi32> to vector<1xi32>
      %squeeze3A_1221 = vector.extract %slice3A_1220[0] : i32 from vector<1xi32>
      %sub3A_1222 = arith.subi %squeeze3A_1221, %squeeze3A : i32
      %and3A_1223 = arith.constant 7 : i32
      %and3A_1224 = arith.andi %sub3A_1222, %and3A_1223 : i32
      %mul3A_1225 = arith.constant 64 : i32
      %mul3A_1226 = arith.muli %and3A_1224, %mul3A_1225 : i32
      %multiple_of3A_1227 = tpu.assume_multiple %mul3A_1226, 64 : i32
      %slice3A_1228 = vector.extract_strided_slice %get3A_51 {offsets = [15], sizes = [1], strides = [1]} : vector<16xi32> to vector<1xi32>
      %squeeze3A_1229 = vector.extract %slice3A_1228[0] : i32 from vector<1xi32>
      %ne3A_1230 = arith.constant 0 : i32
      %ne3A_1231 = arith.cmpi ne, %squeeze3A_1229, %ne3A_1230 : i32
      %convert_element_type3A_1232 = arith.extui %ne3A_1231 : i1 to i32
      %cond3A_1233 = arith.constant 0 : i32
      %cond3A_1234 = arith.cmpi ne, %convert_element_type3A_1232, %cond3A_1233 : i32
      scf.if %cond3A_1234 {
        %dma_wait3A_2851 = arith.constant 0 : i32
        %dma_wait3A_2852 = tpu.memref_slice %arg12[%multiple_of3A_1227, %dma_wait3A_2851] : memref<512x128xf32, #tpu.memory_space<vmem>> -> memref<64x128xf32, #tpu.memory_space<vmem>>
        %dma_wait3A_2853 = arith.constant 0 : i32
        %dma_wait3A_2854 = arith.constant 0 : i32
        %dma_wait3A_2855 = tpu.memref_slice %arg6[%dma_wait3A_2853, %dma_wait3A_2854] : memref<64x1000001xf32, #tpu.memory_space<hbm>> -> memref<64x128xf32, #tpu.memory_space<hbm>>
        %dma_wait3A_2856 = arith.constant 0 : i32
        %dma_wait3A_2857 = tpu.memref_slice %arg12[%multiple_of3A_1227, %dma_wait3A_2856] : memref<512x128xf32, #tpu.memory_space<vmem>> -> memref<64x128xf32, #tpu.memory_space<vmem>>
        %dma_wait3A_2858 = arith.constant 0 : i32
        %dma_wait3A_2859 = arith.constant 0 : i32
        %dma_wait3A_2860 = tpu.memref_slice %arg6[%dma_wait3A_2858, %dma_wait3A_2859] : memref<64x1000001xf32, #tpu.memory_space<hbm>> -> memref<64x128xf32, #tpu.memory_space<hbm>>
        tpu.wait_dma2 semaphore(%arg15 : memref<!tpu.dma_semaphore, #tpu.memory_space<semaphore_mem>>) src(%dma_wait3A_2860 : memref<64x128xf32, #tpu.memory_space<hbm>>) dst(%dma_wait3A_2857 : memref<64x128xf32, #tpu.memory_space<vmem>>)
      } else {
      }
      %slice3A_1235 = vector.extract_strided_slice %get3A_47 {offsets = [12], sizes = [1], strides = [1]} : vector<16xi32> to vector<1xi32>
      %squeeze3A_1236 = vector.extract %slice3A_1235[0] : i32 from vector<1xi32>
      %and3A_1237 = arith.constant 127 : i32
      %and3A_1238 = arith.andi %squeeze3A_1236, %and3A_1237 : i32
      %slice3A_1239 = vector.extract_strided_slice %get3A_53 {offsets = [12], sizes = [1], strides = [1]} : vector<16xi32> to vector<1xi32>
      %squeeze3A_1240 = vector.extract %slice3A_1239[0] : i32 from vector<1xi32>
      %sub3A_1241 = arith.subi %squeeze3A_1240, %squeeze3A : i32
      %and3A_1242 = arith.constant 7 : i32
      %and3A_1243 = arith.andi %sub3A_1241, %and3A_1242 : i32
      %mul3A_1244 = arith.constant 64 : i32
      %mul3A_1245 = arith.muli %and3A_1243, %mul3A_1244 : i32
      %broadcast_in_dim3A_1246 = vector.broadcast %and3A_1238 : i32 to vector<16xi32>
      %add3A_1247 = vector.broadcast %mul3A_1245 : i32 to vector<16xi32>
      %add3A_1248 = arith.addi %add3A_6, %add3A_1247 : vector<16xi32>
      %gather3A_1249 = tpu.vector_load_idx %arg12[%add3A_1248, %broadcast_in_dim3A_1246] : memref<512x128xf32, #tpu.memory_space<vmem>>[vector<16xi32>, vector<16xi32>], vector<16xf32>,
      %multiple_of3A_1250 = arith.constant 768 : i32
      %multiple_of3A_1251 = tpu.assume_multiple %multiple_of3A_1250, 16 : i32
      %swap3A_1252 = arith.index_cast %multiple_of3A_1251 : i32 to index
      %swap3A_1253 = tpu.vector_load %arg13[%swap3A_1252] {strides = array<i32>} : memref<2048xf32, #tpu.memory_space<vmem>>, vector<16xf32>,
      tpu.vector_store %arg13[%swap3A_1252], %gather3A_1249 {strides = array<i32>} : memref<2048xf32, #tpu.memory_space<vmem>>, vector<16xf32>,
      %add3A_1254 = vector.broadcast %mul3A_1245 : i32 to vector<16xi32>
      %add3A_1255 = arith.addi %add3A_10, %add3A_1254 : vector<16xi32>
      %gather3A_1256 = tpu.vector_load_idx %arg12[%add3A_1255, %broadcast_in_dim3A_1246] : memref<512x128xf32, #tpu.memory_space<vmem>>[vector<16xi32>, vector<16xi32>], vector<16xf32>,
      %multiple_of3A_1257 = arith.constant 784 : i32
      %multiple_of3A_1258 = tpu.assume_multiple %multiple_of3A_1257, 16 : i32
      %swap3A_1259 = arith.index_cast %multiple_of3A_1258 : i32 to index
      %swap3A_1260 = tpu.vector_load %arg13[%swap3A_1259] {strides = array<i32>} : memref<2048xf32, #tpu.memory_space<vmem>>, vector<16xf32>,
      tpu.vector_store %arg13[%swap3A_1259], %gather3A_1256 {strides = array<i32>} : memref<2048xf32, #tpu.memory_space<vmem>>, vector<16xf32>,
      %add3A_1261 = vector.broadcast %mul3A_1245 : i32 to vector<16xi32>
      %add3A_1262 = arith.addi %add3A_14, %add3A_1261 : vector<16xi32>
      %gather3A_1263 = tpu.vector_load_idx %arg12[%add3A_1262, %broadcast_in_dim3A_1246] : memref<512x128xf32, #tpu.memory_space<vmem>>[vector<16xi32>, vector<16xi32>], vector<16xf32>,
      %multiple_of3A_1264 = arith.constant 800 : i32
      %multiple_of3A_1265 = tpu.assume_multiple %multiple_of3A_1264, 16 : i32
      %swap3A_1266 = arith.index_cast %multiple_of3A_1265 : i32 to index
      %swap3A_1267 = tpu.vector_load %arg13[%swap3A_1266] {strides = array<i32>} : memref<2048xf32, #tpu.memory_space<vmem>>, vector<16xf32>,
      tpu.vector_store %arg13[%swap3A_1266], %gather3A_1263 {strides = array<i32>} : memref<2048xf32, #tpu.memory_space<vmem>>, vector<16xf32>,
      %add3A_1268 = vector.broadcast %mul3A_1245 : i32 to vector<16xi32>
      %add3A_1269 = arith.addi %add3A_18, %add3A_1268 : vector<16xi32>
      %gather3A_1270 = tpu.vector_load_idx %arg12[%add3A_1269, %broadcast_in_dim3A_1246] : memref<512x128xf32, #tpu.memory_space<vmem>>[vector<16xi32>, vector<16xi32>], vector<16xf32>,
      %multiple_of3A_1271 = arith.constant 816 : i32
      %multiple_of3A_1272 = tpu.assume_multiple %multiple_of3A_1271, 16 : i32
      %swap3A_1273 = arith.index_cast %multiple_of3A_1272 : i32 to index
      %swap3A_1274 = tpu.vector_load %arg13[%swap3A_1273] {strides = array<i32>} : memref<2048xf32, #tpu.memory_space<vmem>>, vector<16xf32>,
      tpu.vector_store %arg13[%swap3A_1273], %gather3A_1270 {strides = array<i32>} : memref<2048xf32, #tpu.memory_space<vmem>>, vector<16xf32>,
      %slice3A_1275 = vector.extract_strided_slice %get3A_49 {offsets = [12], sizes = [1], strides = [1]} : vector<16xi32> to vector<1xi32>
      %squeeze3A_1276 = vector.extract %slice3A_1275[0] : i32 from vector<1xi32>
      %mul3A_1277 = arith.constant 64 : i32
      %mul3A_1278 = arith.muli %squeeze3A_1276, %mul3A_1277 : i32
      %multiple_of3A_1279 = tpu.assume_multiple %mul3A_1278, 64 : i32
      %multiple_of3A_1280 = arith.constant 768 : i32
      %multiple_of3A_1281 = tpu.assume_multiple %multiple_of3A_1280, 64 : i32
      %dma_start3A_1282 = tpu.memref_slice %arg13[%multiple_of3A_1281] : memref<2048xf32, #tpu.memory_space<vmem>> -> memref<64xf32, #tpu.memory_space<vmem>>
      %dma_start3A_1283 = tpu.memref_slice %arg7[%multiple_of3A_1279] : memref<1048576xf32, #tpu.memory_space<hbm>> -> memref<64xf32, #tpu.memory_space<hbm>>
      %dma_start3A_1284 = tpu.memref_slice %arg7[%multiple_of3A_1279] : memref<1048576xf32, #tpu.memory_space<hbm>> -> memref<64xf32, #tpu.memory_space<hbm>>
      %dma_start3A_1285 = tpu.memref_slice %arg13[%multiple_of3A_1281] : memref<2048xf32, #tpu.memory_space<vmem>> -> memref<64xf32, #tpu.memory_space<vmem>>
      tpu.enqueue_dma source(%dma_start3A_1285 : memref<64xf32, #tpu.memory_space<vmem>>) target(%dma_start3A_1284 : memref<64xf32, #tpu.memory_space<hbm>>) target_semaphore(%arg16 : memref<!tpu.dma_semaphore, #tpu.memory_space<semaphore_mem>>)
      %slice3A_1286 = vector.extract_strided_slice %get3A_47 {offsets = [13], sizes = [1], strides = [1]} : vector<16xi32> to vector<1xi32>
      %squeeze3A_1287 = vector.extract %slice3A_1286[0] : i32 from vector<1xi32>
      %and3A_1288 = arith.constant 127 : i32
      %and3A_1289 = arith.andi %squeeze3A_1287, %and3A_1288 : i32
      %slice3A_1290 = vector.extract_strided_slice %get3A_53 {offsets = [13], sizes = [1], strides = [1]} : vector<16xi32> to vector<1xi32>
      %squeeze3A_1291 = vector.extract %slice3A_1290[0] : i32 from vector<1xi32>
      %sub3A_1292 = arith.subi %squeeze3A_1291, %squeeze3A : i32
      %and3A_1293 = arith.constant 7 : i32
      %and3A_1294 = arith.andi %sub3A_1292, %and3A_1293 : i32
      %mul3A_1295 = arith.constant 64 : i32
      %mul3A_1296 = arith.muli %and3A_1294, %mul3A_1295 : i32
      %broadcast_in_dim3A_1297 = vector.broadcast %and3A_1289 : i32 to vector<16xi32>
      %add3A_1298 = vector.broadcast %mul3A_1296 : i32 to vector<16xi32>
      %add3A_1299 = arith.addi %add3A_6, %add3A_1298 : vector<16xi32>
      %gather3A_1300 = tpu.vector_load_idx %arg12[%add3A_1299, %broadcast_in_dim3A_1297] : memref<512x128xf32, #tpu.memory_space<vmem>>[vector<16xi32>, vector<16xi32>], vector<16xf32>,
      %multiple_of3A_1301 = arith.constant 832 : i32
      %multiple_of3A_1302 = tpu.assume_multiple %multiple_of3A_1301, 16 : i32
      %swap3A_1303 = arith.index_cast %multiple_of3A_1302 : i32 to index
      %swap3A_1304 = tpu.vector_load %arg13[%swap3A_1303] {strides = array<i32>} : memref<2048xf32, #tpu.memory_space<vmem>>, vector<16xf32>,
      tpu.vector_store %arg13[%swap3A_1303], %gather3A_1300 {strides = array<i32>} : memref<2048xf32, #tpu.memory_space<vmem>>, vector<16xf32>,
      %add3A_1305 = vector.broadcast %mul3A_1296 : i32 to vector<16xi32>
      %add3A_1306 = arith.addi %add3A_10, %add3A_1305 : vector<16xi32>
      %gather3A_1307 = tpu.vector_load_idx %arg12[%add3A_1306, %broadcast_in_dim3A_1297] : memref<512x128xf32, #tpu.memory_space<vmem>>[vector<16xi32>, vector<16xi32>], vector<16xf32>,
      %multiple_of3A_1308 = arith.constant 848 : i32
      %multiple_of3A_1309 = tpu.assume_multiple %multiple_of3A_1308, 16 : i32
      %swap3A_1310 = arith.index_cast %multiple_of3A_1309 : i32 to index
      %swap3A_1311 = tpu.vector_load %arg13[%swap3A_1310] {strides = array<i32>} : memref<2048xf32, #tpu.memory_space<vmem>>, vector<16xf32>,
      tpu.vector_store %arg13[%swap3A_1310], %gather3A_1307 {strides = array<i32>} : memref<2048xf32, #tpu.memory_space<vmem>>, vector<16xf32>,
      %add3A_1312 = vector.broadcast %mul3A_1296 : i32 to vector<16xi32>
      %add3A_1313 = arith.addi %add3A_14, %add3A_1312 : vector<16xi32>
      %gather3A_1314 = tpu.vector_load_idx %arg12[%add3A_1313, %broadcast_in_dim3A_1297] : memref<512x128xf32, #tpu.memory_space<vmem>>[vector<16xi32>, vector<16xi32>], vector<16xf32>,
      %multiple_of3A_1315 = arith.constant 864 : i32
      %multiple_of3A_1316 = tpu.assume_multiple %multiple_of3A_1315, 16 : i32
      %swap3A_1317 = arith.index_cast %multiple_of3A_1316 : i32 to index
      %swap3A_1318 = tpu.vector_load %arg13[%swap3A_1317] {strides = array<i32>} : memref<2048xf32, #tpu.memory_space<vmem>>, vector<16xf32>,
      tpu.vector_store %arg13[%swap3A_1317], %gather3A_1314 {strides = array<i32>} : memref<2048xf32, #tpu.memory_space<vmem>>, vector<16xf32>,
      %add3A_1319 = vector.broadcast %mul3A_1296 : i32 to vector<16xi32>
      %add3A_1320 = arith.addi %add3A_18, %add3A_1319 : vector<16xi32>
      %gather3A_1321 = tpu.vector_load_idx %arg12[%add3A_1320, %broadcast_in_dim3A_1297] : memref<512x128xf32, #tpu.memory_space<vmem>>[vector<16xi32>, vector<16xi32>], vector<16xf32>,
      %multiple_of3A_1322 = arith.constant 880 : i32
      %multiple_of3A_1323 = tpu.assume_multiple %multiple_of3A_1322, 16 : i32
      %swap3A_1324 = arith.index_cast %multiple_of3A_1323 : i32 to index
      %swap3A_1325 = tpu.vector_load %arg13[%swap3A_1324] {strides = array<i32>} : memref<2048xf32, #tpu.memory_space<vmem>>, vector<16xf32>,
      tpu.vector_store %arg13[%swap3A_1324], %gather3A_1321 {strides = array<i32>} : memref<2048xf32, #tpu.memory_space<vmem>>, vector<16xf32>,
      %slice3A_1326 = vector.extract_strided_slice %get3A_49 {offsets = [13], sizes = [1], strides = [1]} : vector<16xi32> to vector<1xi32>
      %squeeze3A_1327 = vector.extract %slice3A_1326[0] : i32 from vector<1xi32>
      %mul3A_1328 = arith.constant 64 : i32
      %mul3A_1329 = arith.muli %squeeze3A_1327, %mul3A_1328 : i32
      %multiple_of3A_1330 = tpu.assume_multiple %mul3A_1329, 64 : i32
      %multiple_of3A_1331 = arith.constant 832 : i32
      %multiple_of3A_1332 = tpu.assume_multiple %multiple_of3A_1331, 64 : i32
      %dma_start3A_1333 = tpu.memref_slice %arg13[%multiple_of3A_1332] : memref<2048xf32, #tpu.memory_space<vmem>> -> memref<64xf32, #tpu.memory_space<vmem>>
      %dma_start3A_1334 = tpu.memref_slice %arg7[%multiple_of3A_1330] : memref<1048576xf32, #tpu.memory_space<hbm>> -> memref<64xf32, #tpu.memory_space<hbm>>
      %dma_start3A_1335 = tpu.memref_slice %arg7[%multiple_of3A_1330] : memref<1048576xf32, #tpu.memory_space<hbm>> -> memref<64xf32, #tpu.memory_space<hbm>>
      %dma_start3A_1336 = tpu.memref_slice %arg13[%multiple_of3A_1332] : memref<2048xf32, #tpu.memory_space<vmem>> -> memref<64xf32, #tpu.memory_space<vmem>>
      tpu.enqueue_dma source(%dma_start3A_1336 : memref<64xf32, #tpu.memory_space<vmem>>) target(%dma_start3A_1335 : memref<64xf32, #tpu.memory_space<hbm>>) target_semaphore(%arg16 : memref<!tpu.dma_semaphore, #tpu.memory_space<semaphore_mem>>)
      %slice3A_1337 = vector.extract_strided_slice %get3A_47 {offsets = [14], sizes = [1], strides = [1]} : vector<16xi32> to vector<1xi32>
      %squeeze3A_1338 = vector.extract %slice3A_1337[0] : i32 from vector<1xi32>
      %and3A_1339 = arith.constant 127 : i32
      %and3A_1340 = arith.andi %squeeze3A_1338, %and3A_1339 : i32
      %slice3A_1341 = vector.extract_strided_slice %get3A_53 {offsets = [14], sizes = [1], strides = [1]} : vector<16xi32> to vector<1xi32>
      %squeeze3A_1342 = vector.extract %slice3A_1341[0] : i32 from vector<1xi32>
      %sub3A_1343 = arith.subi %squeeze3A_1342, %squeeze3A : i32
      %and3A_1344 = arith.constant 7 : i32
      %and3A_1345 = arith.andi %sub3A_1343, %and3A_1344 : i32
      %mul3A_1346 = arith.constant 64 : i32
      %mul3A_1347 = arith.muli %and3A_1345, %mul3A_1346 : i32
      %broadcast_in_dim3A_1348 = vector.broadcast %and3A_1340 : i32 to vector<16xi32>
      %add3A_1349 = vector.broadcast %mul3A_1347 : i32 to vector<16xi32>
      %add3A_1350 = arith.addi %add3A_6, %add3A_1349 : vector<16xi32>
      %gather3A_1351 = tpu.vector_load_idx %arg12[%add3A_1350, %broadcast_in_dim3A_1348] : memref<512x128xf32, #tpu.memory_space<vmem>>[vector<16xi32>, vector<16xi32>], vector<16xf32>,
      %multiple_of3A_1352 = arith.constant 896 : i32
      %multiple_of3A_1353 = tpu.assume_multiple %multiple_of3A_1352, 16 : i32
      %swap3A_1354 = arith.index_cast %multiple_of3A_1353 : i32 to index
      %swap3A_1355 = tpu.vector_load %arg13[%swap3A_1354] {strides = array<i32>} : memref<2048xf32, #tpu.memory_space<vmem>>, vector<16xf32>,
      tpu.vector_store %arg13[%swap3A_1354], %gather3A_1351 {strides = array<i32>} : memref<2048xf32, #tpu.memory_space<vmem>>, vector<16xf32>,
      %add3A_1356 = vector.broadcast %mul3A_1347 : i32 to vector<16xi32>
      %add3A_1357 = arith.addi %add3A_10, %add3A_1356 : vector<16xi32>
      %gather3A_1358 = tpu.vector_load_idx %arg12[%add3A_1357, %broadcast_in_dim3A_1348] : memref<512x128xf32, #tpu.memory_space<vmem>>[vector<16xi32>, vector<16xi32>], vector<16xf32>,
      %multiple_of3A_1359 = arith.constant 912 : i32
      %multiple_of3A_1360 = tpu.assume_multiple %multiple_of3A_1359, 16 : i32
      %swap3A_1361 = arith.index_cast %multiple_of3A_1360 : i32 to index
      %swap3A_1362 = tpu.vector_load %arg13[%swap3A_1361] {strides = array<i32>} : memref<2048xf32, #tpu.memory_space<vmem>>, vector<16xf32>,
      tpu.vector_store %arg13[%swap3A_1361], %gather3A_1358 {strides = array<i32>} : memref<2048xf32, #tpu.memory_space<vmem>>, vector<16xf32>,
      %add3A_1363 = vector.broadcast %mul3A_1347 : i32 to vector<16xi32>
      %add3A_1364 = arith.addi %add3A_14, %add3A_1363 : vector<16xi32>
      %gather3A_1365 = tpu.vector_load_idx %arg12[%add3A_1364, %broadcast_in_dim3A_1348] : memref<512x128xf32, #tpu.memory_space<vmem>>[vector<16xi32>, vector<16xi32>], vector<16xf32>,
      %multiple_of3A_1366 = arith.constant 928 : i32
      %multiple_of3A_1367 = tpu.assume_multiple %multiple_of3A_1366, 16 : i32
      %swap3A_1368 = arith.index_cast %multiple_of3A_1367 : i32 to index
      %swap3A_1369 = tpu.vector_load %arg13[%swap3A_1368] {strides = array<i32>} : memref<2048xf32, #tpu.memory_space<vmem>>, vector<16xf32>,
      tpu.vector_store %arg13[%swap3A_1368], %gather3A_1365 {strides = array<i32>} : memref<2048xf32, #tpu.memory_space<vmem>>, vector<16xf32>,
      %add3A_1370 = vector.broadcast %mul3A_1347 : i32 to vector<16xi32>
      %add3A_1371 = arith.addi %add3A_18, %add3A_1370 : vector<16xi32>
      %gather3A_1372 = tpu.vector_load_idx %arg12[%add3A_1371, %broadcast_in_dim3A_1348] : memref<512x128xf32, #tpu.memory_space<vmem>>[vector<16xi32>, vector<16xi32>], vector<16xf32>,
      %multiple_of3A_1373 = arith.constant 944 : i32
      %multiple_of3A_1374 = tpu.assume_multiple %multiple_of3A_1373, 16 : i32
      %swap3A_1375 = arith.index_cast %multiple_of3A_1374 : i32 to index
      %swap3A_1376 = tpu.vector_load %arg13[%swap3A_1375] {strides = array<i32>} : memref<2048xf32, #tpu.memory_space<vmem>>, vector<16xf32>,
      tpu.vector_store %arg13[%swap3A_1375], %gather3A_1372 {strides = array<i32>} : memref<2048xf32, #tpu.memory_space<vmem>>, vector<16xf32>,
      %slice3A_1377 = vector.extract_strided_slice %get3A_49 {offsets = [14], sizes = [1], strides = [1]} : vector<16xi32> to vector<1xi32>
      %squeeze3A_1378 = vector.extract %slice3A_1377[0] : i32 from vector<1xi32>
      %mul3A_1379 = arith.constant 64 : i32
      %mul3A_1380 = arith.muli %squeeze3A_1378, %mul3A_1379 : i32
      %multiple_of3A_1381 = tpu.assume_multiple %mul3A_1380, 64 : i32
      %multiple_of3A_1382 = arith.constant 896 : i32
      %multiple_of3A_1383 = tpu.assume_multiple %multiple_of3A_1382, 64 : i32
      %dma_start3A_1384 = tpu.memref_slice %arg13[%multiple_of3A_1383] : memref<2048xf32, #tpu.memory_space<vmem>> -> memref<64xf32, #tpu.memory_space<vmem>>
      %dma_start3A_1385 = tpu.memref_slice %arg7[%multiple_of3A_1381] : memref<1048576xf32, #tpu.memory_space<hbm>> -> memref<64xf32, #tpu.memory_space<hbm>>
      %dma_start3A_1386 = tpu.memref_slice %arg7[%multiple_of3A_1381] : memref<1048576xf32, #tpu.memory_space<hbm>> -> memref<64xf32, #tpu.memory_space<hbm>>
      %dma_start3A_1387 = tpu.memref_slice %arg13[%multiple_of3A_1383] : memref<2048xf32, #tpu.memory_space<vmem>> -> memref<64xf32, #tpu.memory_space<vmem>>
      tpu.enqueue_dma source(%dma_start3A_1387 : memref<64xf32, #tpu.memory_space<vmem>>) target(%dma_start3A_1386 : memref<64xf32, #tpu.memory_space<hbm>>) target_semaphore(%arg16 : memref<!tpu.dma_semaphore, #tpu.memory_space<semaphore_mem>>)
      %slice3A_1388 = vector.extract_strided_slice %get3A_47 {offsets = [15], sizes = [1], strides = [1]} : vector<16xi32> to vector<1xi32>
      %squeeze3A_1389 = vector.extract %slice3A_1388[0] : i32 from vector<1xi32>
      %and3A_1390 = arith.constant 127 : i32
      %and3A_1391 = arith.andi %squeeze3A_1389, %and3A_1390 : i32
      %slice3A_1392 = vector.extract_strided_slice %get3A_53 {offsets = [15], sizes = [1], strides = [1]} : vector<16xi32> to vector<1xi32>
      %squeeze3A_1393 = vector.extract %slice3A_1392[0] : i32 from vector<1xi32>
      %sub3A_1394 = arith.subi %squeeze3A_1393, %squeeze3A : i32
      %and3A_1395 = arith.constant 7 : i32
      %and3A_1396 = arith.andi %sub3A_1394, %and3A_1395 : i32
      %mul3A_1397 = arith.constant 64 : i32
      %mul3A_1398 = arith.muli %and3A_1396, %mul3A_1397 : i32
      %broadcast_in_dim3A_1399 = vector.broadcast %and3A_1391 : i32 to vector<16xi32>
      %add3A_1400 = vector.broadcast %mul3A_1398 : i32 to vector<16xi32>
      %add3A_1401 = arith.addi %add3A_6, %add3A_1400 : vector<16xi32>
      %gather3A_1402 = tpu.vector_load_idx %arg12[%add3A_1401, %broadcast_in_dim3A_1399] : memref<512x128xf32, #tpu.memory_space<vmem>>[vector<16xi32>, vector<16xi32>], vector<16xf32>,
      %multiple_of3A_1403 = arith.constant 960 : i32
      %multiple_of3A_1404 = tpu.assume_multiple %multiple_of3A_1403, 16 : i32
      %swap3A_1405 = arith.index_cast %multiple_of3A_1404 : i32 to index
      %swap3A_1406 = tpu.vector_load %arg13[%swap3A_1405] {strides = array<i32>} : memref<2048xf32, #tpu.memory_space<vmem>>, vector<16xf32>,
      tpu.vector_store %arg13[%swap3A_1405], %gather3A_1402 {strides = array<i32>} : memref<2048xf32, #tpu.memory_space<vmem>>, vector<16xf32>,
      %add3A_1407 = vector.broadcast %mul3A_1398 : i32 to vector<16xi32>
      %add3A_1408 = arith.addi %add3A_10, %add3A_1407 : vector<16xi32>
      %gather3A_1409 = tpu.vector_load_idx %arg12[%add3A_1408, %broadcast_in_dim3A_1399] : memref<512x128xf32, #tpu.memory_space<vmem>>[vector<16xi32>, vector<16xi32>], vector<16xf32>,
      %multiple_of3A_1410 = arith.constant 976 : i32
      %multiple_of3A_1411 = tpu.assume_multiple %multiple_of3A_1410, 16 : i32
      %swap3A_1412 = arith.index_cast %multiple_of3A_1411 : i32 to index
      %swap3A_1413 = tpu.vector_load %arg13[%swap3A_1412] {strides = array<i32>} : memref<2048xf32, #tpu.memory_space<vmem>>, vector<16xf32>,
      tpu.vector_store %arg13[%swap3A_1412], %gather3A_1409 {strides = array<i32>} : memref<2048xf32, #tpu.memory_space<vmem>>, vector<16xf32>,
      %add3A_1414 = vector.broadcast %mul3A_1398 : i32 to vector<16xi32>
      %add3A_1415 = arith.addi %add3A_14, %add3A_1414 : vector<16xi32>
      %gather3A_1416 = tpu.vector_load_idx %arg12[%add3A_1415, %broadcast_in_dim3A_1399] : memref<512x128xf32, #tpu.memory_space<vmem>>[vector<16xi32>, vector<16xi32>], vector<16xf32>,
      %multiple_of3A_1417 = arith.constant 992 : i32
      %multiple_of3A_1418 = tpu.assume_multiple %multiple_of3A_1417, 16 : i32
      %swap3A_1419 = arith.index_cast %multiple_of3A_1418 : i32 to index
      %swap3A_1420 = tpu.vector_load %arg13[%swap3A_1419] {strides = array<i32>} : memref<2048xf32, #tpu.memory_space<vmem>>, vector<16xf32>,
      tpu.vector_store %arg13[%swap3A_1419], %gather3A_1416 {strides = array<i32>} : memref<2048xf32, #tpu.memory_space<vmem>>, vector<16xf32>,
      %add3A_1421 = vector.broadcast %mul3A_1398 : i32 to vector<16xi32>
      %add3A_1422 = arith.addi %add3A_18, %add3A_1421 : vector<16xi32>
      %gather3A_1423 = tpu.vector_load_idx %arg12[%add3A_1422, %broadcast_in_dim3A_1399] : memref<512x128xf32, #tpu.memory_space<vmem>>[vector<16xi32>, vector<16xi32>], vector<16xf32>,
      %multiple_of3A_1424 = arith.constant 1008 : i32
      %multiple_of3A_1425 = tpu.assume_multiple %multiple_of3A_1424, 16 : i32
      %swap3A_1426 = arith.index_cast %multiple_of3A_1425 : i32 to index
      %swap3A_1427 = tpu.vector_load %arg13[%swap3A_1426] {strides = array<i32>} : memref<2048xf32, #tpu.memory_space<vmem>>, vector<16xf32>,
      tpu.vector_store %arg13[%swap3A_1426], %gather3A_1423 {strides = array<i32>} : memref<2048xf32, #tpu.memory_space<vmem>>, vector<16xf32>,
      %slice3A_1428 = vector.extract_strided_slice %get3A_49 {offsets = [15], sizes = [1], strides = [1]} : vector<16xi32> to vector<1xi32>
      %squeeze3A_1429 = vector.extract %slice3A_1428[0] : i32 from vector<1xi32>
      %mul3A_1430 = arith.constant 64 : i32
      %mul3A_1431 = arith.muli %squeeze3A_1429, %mul3A_1430 : i32
      %multiple_of3A_1432 = tpu.assume_multiple %mul3A_1431, 64 : i32
      %multiple_of3A_1433 = arith.constant 960 : i32
      %multiple_of3A_1434 = tpu.assume_multiple %multiple_of3A_1433, 64 : i32
      %dma_start3A_1435 = tpu.memref_slice %arg13[%multiple_of3A_1434] : memref<2048xf32, #tpu.memory_space<vmem>> -> memref<64xf32, #tpu.memory_space<vmem>>
      %dma_start3A_1436 = tpu.memref_slice %arg7[%multiple_of3A_1432] : memref<1048576xf32, #tpu.memory_space<hbm>> -> memref<64xf32, #tpu.memory_space<hbm>>
      %dma_start3A_1437 = tpu.memref_slice %arg7[%multiple_of3A_1432] : memref<1048576xf32, #tpu.memory_space<hbm>> -> memref<64xf32, #tpu.memory_space<hbm>>
      %dma_start3A_1438 = tpu.memref_slice %arg13[%multiple_of3A_1434] : memref<2048xf32, #tpu.memory_space<vmem>> -> memref<64xf32, #tpu.memory_space<vmem>>
      tpu.enqueue_dma source(%dma_start3A_1438 : memref<64xf32, #tpu.memory_space<vmem>>) target(%dma_start3A_1437 : memref<64xf32, #tpu.memory_space<hbm>>) target_semaphore(%arg16 : memref<!tpu.dma_semaphore, #tpu.memory_space<semaphore_mem>>)
      %ge3A_1439 = arith.constant 1 : i32
      %ge3A_1440 = arith.cmpi sge, %scan3A_39, %ge3A_1439 : i32
      %convert_element_type3A_1441 = arith.extui %ge3A_1440 : i1 to i32
      %cond3A_1442 = arith.constant 0 : i32
      %cond3A_1443 = arith.cmpi ne, %convert_element_type3A_1441, %cond3A_1442 : i32
      scf.if %cond3A_1443 {
        %dma_wait3A_2851 = arith.constant 1024 : i32
        %dma_wait3A_2852 = tpu.memref_slice %arg13[%dma_wait3A_2851] : memref<2048xf32, #tpu.memory_space<vmem>> -> memref<1024xf32, #tpu.memory_space<vmem>>
        %dma_wait3A_2853 = arith.constant 0 : i32
        %dma_wait3A_2854 = tpu.memref_slice %arg7[%dma_wait3A_2853] : memref<1048576xf32, #tpu.memory_space<hbm>> -> memref<1024xf32, #tpu.memory_space<hbm>>
        %dma_wait3A_2855 = arith.constant 1024 : i32
        %dma_wait3A_2856 = tpu.memref_slice %arg13[%dma_wait3A_2855] : memref<2048xf32, #tpu.memory_space<vmem>> -> memref<1024xf32, #tpu.memory_space<vmem>>
        %dma_wait3A_2857 = arith.constant 0 : i32
        %dma_wait3A_2858 = tpu.memref_slice %arg7[%dma_wait3A_2857] : memref<1048576xf32, #tpu.memory_space<hbm>> -> memref<1024xf32, #tpu.memory_space<hbm>>
        tpu.wait_dma2 semaphore(%arg17 : memref<!tpu.dma_semaphore, #tpu.memory_space<semaphore_mem>>) src(%dma_wait3A_2858 : memref<1024xf32, #tpu.memory_space<hbm>>) dst(%dma_wait3A_2856 : memref<1024xf32, #tpu.memory_space<vmem>>)
      } else {
      }
      %mul3A_1444 = arith.constant 2 : i32
      %mul3A_1445 = arith.muli %mul3A_1444, %scan3A_39 : i32
      %add3A_1446 = arith.constant 1 : i32
      %add3A_1447 = arith.addi %mul3A_1445, %add3A_1446 : i32
      %mul3A_1448 = arith.constant 16 : i32
      %mul3A_1449 = arith.muli %add3A_1447, %mul3A_1448 : i32
      %multiple_of3A_1450 = tpu.assume_multiple %mul3A_1449, 16 : i32
      %get3A_1451 = arith.index_cast %multiple_of3A_1450 : i32 to index
      %get3A_1452 = tpu.vector_load %arg8[%get3A_1451] {strides = array<i32>} : memref<512xi32, #tpu.memory_space<vmem>>, vector<16xi32>,
      %get3A_1453 = arith.index_cast %multiple_of3A_1450 : i32 to index
      %get3A_1454 = tpu.vector_load %arg9[%get3A_1453] {strides = array<i32>} : memref<512xi32, #tpu.memory_space<vmem>>, vector<16xi32>,
      %get3A_1455 = arith.index_cast %multiple_of3A_1450 : i32 to index
      %get3A_1456 = tpu.vector_load %arg10[%get3A_1455] {strides = array<i32>} : memref<512xi32, #tpu.memory_space<vmem>>, vector<16xi32>,
      %get3A_1457 = arith.index_cast %multiple_of3A_1450 : i32 to index
      %get3A_1458 = tpu.vector_load %arg11[%get3A_1457] {strides = array<i32>} : memref<512xi32, #tpu.memory_space<vmem>>, vector<16xi32>,
      %slice3A_1459 = vector.extract_strided_slice %get3A_1452 {offsets = [0], sizes = [1], strides = [1]} : vector<16xi32> to vector<1xi32>
      %squeeze3A_1460 = vector.extract %slice3A_1459[0] : i32 from vector<1xi32>
      %and3A_1461 = arith.constant 127 : i32
      %and3A_1462 = arith.andi %squeeze3A_1460, %and3A_1461 : i32
      %sub3A_1463 = arith.subi %squeeze3A_1460, %and3A_1462 : i32
      %multiple_of3A_1464 = tpu.assume_multiple %sub3A_1463, 128 : i32
      %slice3A_1465 = vector.extract_strided_slice %get3A_1458 {offsets = [0], sizes = [1], strides = [1]} : vector<16xi32> to vector<1xi32>
      %squeeze3A_1466 = vector.extract %slice3A_1465[0] : i32 from vector<1xi32>
      %sub3A_1467 = arith.subi %squeeze3A_1466, %squeeze3A : i32
      %and3A_1468 = arith.constant 7 : i32
      %and3A_1469 = arith.andi %sub3A_1467, %and3A_1468 : i32
      %mul3A_1470 = arith.constant 64 : i32
      %mul3A_1471 = arith.muli %and3A_1469, %mul3A_1470 : i32
      %multiple_of3A_1472 = tpu.assume_multiple %mul3A_1471, 64 : i32
      %slice3A_1473 = vector.extract_strided_slice %get3A_1456 {offsets = [0], sizes = [1], strides = [1]} : vector<16xi32> to vector<1xi32>
      %squeeze3A_1474 = vector.extract %slice3A_1473[0] : i32 from vector<1xi32>
      %ne3A_1475 = arith.constant 0 : i32
      %ne3A_1476 = arith.cmpi ne, %squeeze3A_1474, %ne3A_1475 : i32
      %convert_element_type3A_1477 = arith.extui %ne3A_1476 : i1 to i32
      %cond3A_1478 = arith.constant 0 : i32
      %cond3A_1479 = arith.cmpi ne, %convert_element_type3A_1477, %cond3A_1478 : i32
      scf.if %cond3A_1479 {
        %dma_start3A_2851 = arith.constant 0 : i32
        %dma_start3A_2852 = tpu.memref_slice %arg12[%multiple_of3A_1472, %dma_start3A_2851] : memref<512x128xf32, #tpu.memory_space<vmem>> -> memref<64x128xf32, #tpu.memory_space<vmem>>
        %dma_start3A_2853 = arith.constant 0 : i32
        %dma_start3A_2854 = tpu.memref_slice %arg6[%dma_start3A_2853, %multiple_of3A_1464] : memref<64x1000001xf32, #tpu.memory_space<hbm>> -> memref<64x128xf32, #tpu.memory_space<hbm>>
        %dma_start3A_2855 = arith.constant 0 : i32
        %dma_start3A_2856 = tpu.memref_slice %arg12[%multiple_of3A_1472, %dma_start3A_2855] : memref<512x128xf32, #tpu.memory_space<vmem>> -> memref<64x128xf32, #tpu.memory_space<vmem>>
        %dma_start3A_2857 = arith.constant 0 : i32
        %dma_start3A_2858 = tpu.memref_slice %arg6[%dma_start3A_2857, %multiple_of3A_1464] : memref<64x1000001xf32, #tpu.memory_space<hbm>> -> memref<64x128xf32, #tpu.memory_space<hbm>>
        tpu.enqueue_dma source(%dma_start3A_2858 : memref<64x128xf32, #tpu.memory_space<hbm>>) target(%dma_start3A_2856 : memref<64x128xf32, #tpu.memory_space<vmem>>) target_semaphore(%arg14 : memref<!tpu.dma_semaphore, #tpu.memory_space<semaphore_mem>>)
      } else {
      }
      %slice3A_1480 = vector.extract_strided_slice %get3A_1452 {offsets = [1], sizes = [1], strides = [1]} : vector<16xi32> to vector<1xi32>
      %squeeze3A_1481 = vector.extract %slice3A_1480[0] : i32 from vector<1xi32>
      %and3A_1482 = arith.constant 127 : i32
      %and3A_1483 = arith.andi %squeeze3A_1481, %and3A_1482 : i32
      %sub3A_1484 = arith.subi %squeeze3A_1481, %and3A_1483 : i32
      %multiple_of3A_1485 = tpu.assume_multiple %sub3A_1484, 128 : i32
      %slice3A_1486 = vector.extract_strided_slice %get3A_1458 {offsets = [1], sizes = [1], strides = [1]} : vector<16xi32> to vector<1xi32>
      %squeeze3A_1487 = vector.extract %slice3A_1486[0] : i32 from vector<1xi32>
      %sub3A_1488 = arith.subi %squeeze3A_1487, %squeeze3A : i32
      %and3A_1489 = arith.constant 7 : i32
      %and3A_1490 = arith.andi %sub3A_1488, %and3A_1489 : i32
      %mul3A_1491 = arith.constant 64 : i32
      %mul3A_1492 = arith.muli %and3A_1490, %mul3A_1491 : i32
      %multiple_of3A_1493 = tpu.assume_multiple %mul3A_1492, 64 : i32
      %slice3A_1494 = vector.extract_strided_slice %get3A_1456 {offsets = [1], sizes = [1], strides = [1]} : vector<16xi32> to vector<1xi32>
      %squeeze3A_1495 = vector.extract %slice3A_1494[0] : i32 from vector<1xi32>
      %ne3A_1496 = arith.constant 0 : i32
      %ne3A_1497 = arith.cmpi ne, %squeeze3A_1495, %ne3A_1496 : i32
      %convert_element_type3A_1498 = arith.extui %ne3A_1497 : i1 to i32
      %cond3A_1499 = arith.constant 0 : i32
      %cond3A_1500 = arith.cmpi ne, %convert_element_type3A_1498, %cond3A_1499 : i32
      scf.if %cond3A_1500 {
        %dma_start3A_2851 = arith.constant 0 : i32
        %dma_start3A_2852 = tpu.memref_slice %arg12[%multiple_of3A_1493, %dma_start3A_2851] : memref<512x128xf32, #tpu.memory_space<vmem>> -> memref<64x128xf32, #tpu.memory_space<vmem>>
        %dma_start3A_2853 = arith.constant 0 : i32
        %dma_start3A_2854 = tpu.memref_slice %arg6[%dma_start3A_2853, %multiple_of3A_1485] : memref<64x1000001xf32, #tpu.memory_space<hbm>> -> memref<64x128xf32, #tpu.memory_space<hbm>>
        %dma_start3A_2855 = arith.constant 0 : i32
        %dma_start3A_2856 = tpu.memref_slice %arg12[%multiple_of3A_1493, %dma_start3A_2855] : memref<512x128xf32, #tpu.memory_space<vmem>> -> memref<64x128xf32, #tpu.memory_space<vmem>>
        %dma_start3A_2857 = arith.constant 0 : i32
        %dma_start3A_2858 = tpu.memref_slice %arg6[%dma_start3A_2857, %multiple_of3A_1485] : memref<64x1000001xf32, #tpu.memory_space<hbm>> -> memref<64x128xf32, #tpu.memory_space<hbm>>
        tpu.enqueue_dma source(%dma_start3A_2858 : memref<64x128xf32, #tpu.memory_space<hbm>>) target(%dma_start3A_2856 : memref<64x128xf32, #tpu.memory_space<vmem>>) target_semaphore(%arg14 : memref<!tpu.dma_semaphore, #tpu.memory_space<semaphore_mem>>)
      } else {
      }
      %slice3A_1501 = vector.extract_strided_slice %get3A_1452 {offsets = [2], sizes = [1], strides = [1]} : vector<16xi32> to vector<1xi32>
      %squeeze3A_1502 = vector.extract %slice3A_1501[0] : i32 from vector<1xi32>
      %and3A_1503 = arith.constant 127 : i32
      %and3A_1504 = arith.andi %squeeze3A_1502, %and3A_1503 : i32
      %sub3A_1505 = arith.subi %squeeze3A_1502, %and3A_1504 : i32
      %multiple_of3A_1506 = tpu.assume_multiple %sub3A_1505, 128 : i32
      %slice3A_1507 = vector.extract_strided_slice %get3A_1458 {offsets = [2], sizes = [1], strides = [1]} : vector<16xi32> to vector<1xi32>
      %squeeze3A_1508 = vector.extract %slice3A_1507[0] : i32 from vector<1xi32>
      %sub3A_1509 = arith.subi %squeeze3A_1508, %squeeze3A : i32
      %and3A_1510 = arith.constant 7 : i32
      %and3A_1511 = arith.andi %sub3A_1509, %and3A_1510 : i32
      %mul3A_1512 = arith.constant 64 : i32
      %mul3A_1513 = arith.muli %and3A_1511, %mul3A_1512 : i32
      %multiple_of3A_1514 = tpu.assume_multiple %mul3A_1513, 64 : i32
      %slice3A_1515 = vector.extract_strided_slice %get3A_1456 {offsets = [2], sizes = [1], strides = [1]} : vector<16xi32> to vector<1xi32>
      %squeeze3A_1516 = vector.extract %slice3A_1515[0] : i32 from vector<1xi32>
      %ne3A_1517 = arith.constant 0 : i32
      %ne3A_1518 = arith.cmpi ne, %squeeze3A_1516, %ne3A_1517 : i32
      %convert_element_type3A_1519 = arith.extui %ne3A_1518 : i1 to i32
      %cond3A_1520 = arith.constant 0 : i32
      %cond3A_1521 = arith.cmpi ne, %convert_element_type3A_1519, %cond3A_1520 : i32
      scf.if %cond3A_1521 {
        %dma_start3A_2851 = arith.constant 0 : i32
        %dma_start3A_2852 = tpu.memref_slice %arg12[%multiple_of3A_1514, %dma_start3A_2851] : memref<512x128xf32, #tpu.memory_space<vmem>> -> memref<64x128xf32, #tpu.memory_space<vmem>>
        %dma_start3A_2853 = arith.constant 0 : i32
        %dma_start3A_2854 = tpu.memref_slice %arg6[%dma_start3A_2853, %multiple_of3A_1506] : memref<64x1000001xf32, #tpu.memory_space<hbm>> -> memref<64x128xf32, #tpu.memory_space<hbm>>
        %dma_start3A_2855 = arith.constant 0 : i32
        %dma_start3A_2856 = tpu.memref_slice %arg12[%multiple_of3A_1514, %dma_start3A_2855] : memref<512x128xf32, #tpu.memory_space<vmem>> -> memref<64x128xf32, #tpu.memory_space<vmem>>
        %dma_start3A_2857 = arith.constant 0 : i32
        %dma_start3A_2858 = tpu.memref_slice %arg6[%dma_start3A_2857, %multiple_of3A_1506] : memref<64x1000001xf32, #tpu.memory_space<hbm>> -> memref<64x128xf32, #tpu.memory_space<hbm>>
        tpu.enqueue_dma source(%dma_start3A_2858 : memref<64x128xf32, #tpu.memory_space<hbm>>) target(%dma_start3A_2856 : memref<64x128xf32, #tpu.memory_space<vmem>>) target_semaphore(%arg14 : memref<!tpu.dma_semaphore, #tpu.memory_space<semaphore_mem>>)
      } else {
      }
      %slice3A_1522 = vector.extract_strided_slice %get3A_1452 {offsets = [3], sizes = [1], strides = [1]} : vector<16xi32> to vector<1xi32>
      %squeeze3A_1523 = vector.extract %slice3A_1522[0] : i32 from vector<1xi32>
      %and3A_1524 = arith.constant 127 : i32
      %and3A_1525 = arith.andi %squeeze3A_1523, %and3A_1524 : i32
      %sub3A_1526 = arith.subi %squeeze3A_1523, %and3A_1525 : i32
      %multiple_of3A_1527 = tpu.assume_multiple %sub3A_1526, 128 : i32
      %slice3A_1528 = vector.extract_strided_slice %get3A_1458 {offsets = [3], sizes = [1], strides = [1]} : vector<16xi32> to vector<1xi32>
      %squeeze3A_1529 = vector.extract %slice3A_1528[0] : i32 from vector<1xi32>
      %sub3A_1530 = arith.subi %squeeze3A_1529, %squeeze3A : i32
      %and3A_1531 = arith.constant 7 : i32
      %and3A_1532 = arith.andi %sub3A_1530, %and3A_1531 : i32
      %mul3A_1533 = arith.constant 64 : i32
      %mul3A_1534 = arith.muli %and3A_1532, %mul3A_1533 : i32
      %multiple_of3A_1535 = tpu.assume_multiple %mul3A_1534, 64 : i32
      %slice3A_1536 = vector.extract_strided_slice %get3A_1456 {offsets = [3], sizes = [1], strides = [1]} : vector<16xi32> to vector<1xi32>
      %squeeze3A_1537 = vector.extract %slice3A_1536[0] : i32 from vector<1xi32>
      %ne3A_1538 = arith.constant 0 : i32
      %ne3A_1539 = arith.cmpi ne, %squeeze3A_1537, %ne3A_1538 : i32
      %convert_element_type3A_1540 = arith.extui %ne3A_1539 : i1 to i32
      %cond3A_1541 = arith.constant 0 : i32
      %cond3A_1542 = arith.cmpi ne, %convert_element_type3A_1540, %cond3A_1541 : i32
      scf.if %cond3A_1542 {
        %dma_start3A_2851 = arith.constant 0 : i32
        %dma_start3A_2852 = tpu.memref_slice %arg12[%multiple_of3A_1535, %dma_start3A_2851] : memref<512x128xf32, #tpu.memory_space<vmem>> -> memref<64x128xf32, #tpu.memory_space<vmem>>
        %dma_start3A_2853 = arith.constant 0 : i32
        %dma_start3A_2854 = tpu.memref_slice %arg6[%dma_start3A_2853, %multiple_of3A_1527] : memref<64x1000001xf32, #tpu.memory_space<hbm>> -> memref<64x128xf32, #tpu.memory_space<hbm>>
        %dma_start3A_2855 = arith.constant 0 : i32
        %dma_start3A_2856 = tpu.memref_slice %arg12[%multiple_of3A_1535, %dma_start3A_2855] : memref<512x128xf32, #tpu.memory_space<vmem>> -> memref<64x128xf32, #tpu.memory_space<vmem>>
        %dma_start3A_2857 = arith.constant 0 : i32
        %dma_start3A_2858 = tpu.memref_slice %arg6[%dma_start3A_2857, %multiple_of3A_1527] : memref<64x1000001xf32, #tpu.memory_space<hbm>> -> memref<64x128xf32, #tpu.memory_space<hbm>>
        tpu.enqueue_dma source(%dma_start3A_2858 : memref<64x128xf32, #tpu.memory_space<hbm>>) target(%dma_start3A_2856 : memref<64x128xf32, #tpu.memory_space<vmem>>) target_semaphore(%arg14 : memref<!tpu.dma_semaphore, #tpu.memory_space<semaphore_mem>>)
      } else {
      }
      %slice3A_1543 = vector.extract_strided_slice %get3A_1452 {offsets = [4], sizes = [1], strides = [1]} : vector<16xi32> to vector<1xi32>
      %squeeze3A_1544 = vector.extract %slice3A_1543[0] : i32 from vector<1xi32>
      %and3A_1545 = arith.constant 127 : i32
      %and3A_1546 = arith.andi %squeeze3A_1544, %and3A_1545 : i32
      %sub3A_1547 = arith.subi %squeeze3A_1544, %and3A_1546 : i32
      %multiple_of3A_1548 = tpu.assume_multiple %sub3A_1547, 128 : i32
      %slice3A_1549 = vector.extract_strided_slice %get3A_1458 {offsets = [4], sizes = [1], strides = [1]} : vector<16xi32> to vector<1xi32>
      %squeeze3A_1550 = vector.extract %slice3A_1549[0] : i32 from vector<1xi32>
      %sub3A_1551 = arith.subi %squeeze3A_1550, %squeeze3A : i32
      %and3A_1552 = arith.constant 7 : i32
      %and3A_1553 = arith.andi %sub3A_1551, %and3A_1552 : i32
      %mul3A_1554 = arith.constant 64 : i32
      %mul3A_1555 = arith.muli %and3A_1553, %mul3A_1554 : i32
      %multiple_of3A_1556 = tpu.assume_multiple %mul3A_1555, 64 : i32
      %slice3A_1557 = vector.extract_strided_slice %get3A_1456 {offsets = [4], sizes = [1], strides = [1]} : vector<16xi32> to vector<1xi32>
      %squeeze3A_1558 = vector.extract %slice3A_1557[0] : i32 from vector<1xi32>
      %ne3A_1559 = arith.constant 0 : i32
      %ne3A_1560 = arith.cmpi ne, %squeeze3A_1558, %ne3A_1559 : i32
      %convert_element_type3A_1561 = arith.extui %ne3A_1560 : i1 to i32
      %cond3A_1562 = arith.constant 0 : i32
      %cond3A_1563 = arith.cmpi ne, %convert_element_type3A_1561, %cond3A_1562 : i32
      scf.if %cond3A_1563 {
        %dma_start3A_2851 = arith.constant 0 : i32
        %dma_start3A_2852 = tpu.memref_slice %arg12[%multiple_of3A_1556, %dma_start3A_2851] : memref<512x128xf32, #tpu.memory_space<vmem>> -> memref<64x128xf32, #tpu.memory_space<vmem>>
        %dma_start3A_2853 = arith.constant 0 : i32
        %dma_start3A_2854 = tpu.memref_slice %arg6[%dma_start3A_2853, %multiple_of3A_1548] : memref<64x1000001xf32, #tpu.memory_space<hbm>> -> memref<64x128xf32, #tpu.memory_space<hbm>>
        %dma_start3A_2855 = arith.constant 0 : i32
        %dma_start3A_2856 = tpu.memref_slice %arg12[%multiple_of3A_1556, %dma_start3A_2855] : memref<512x128xf32, #tpu.memory_space<vmem>> -> memref<64x128xf32, #tpu.memory_space<vmem>>
        %dma_start3A_2857 = arith.constant 0 : i32
        %dma_start3A_2858 = tpu.memref_slice %arg6[%dma_start3A_2857, %multiple_of3A_1548] : memref<64x1000001xf32, #tpu.memory_space<hbm>> -> memref<64x128xf32, #tpu.memory_space<hbm>>
        tpu.enqueue_dma source(%dma_start3A_2858 : memref<64x128xf32, #tpu.memory_space<hbm>>) target(%dma_start3A_2856 : memref<64x128xf32, #tpu.memory_space<vmem>>) target_semaphore(%arg15 : memref<!tpu.dma_semaphore, #tpu.memory_space<semaphore_mem>>)
      } else {
      }
      %slice3A_1564 = vector.extract_strided_slice %get3A_1452 {offsets = [5], sizes = [1], strides = [1]} : vector<16xi32> to vector<1xi32>
      %squeeze3A_1565 = vector.extract %slice3A_1564[0] : i32 from vector<1xi32>
      %and3A_1566 = arith.constant 127 : i32
      %and3A_1567 = arith.andi %squeeze3A_1565, %and3A_1566 : i32
      %sub3A_1568 = arith.subi %squeeze3A_1565, %and3A_1567 : i32
      %multiple_of3A_1569 = tpu.assume_multiple %sub3A_1568, 128 : i32
      %slice3A_1570 = vector.extract_strided_slice %get3A_1458 {offsets = [5], sizes = [1], strides = [1]} : vector<16xi32> to vector<1xi32>
      %squeeze3A_1571 = vector.extract %slice3A_1570[0] : i32 from vector<1xi32>
      %sub3A_1572 = arith.subi %squeeze3A_1571, %squeeze3A : i32
      %and3A_1573 = arith.constant 7 : i32
      %and3A_1574 = arith.andi %sub3A_1572, %and3A_1573 : i32
      %mul3A_1575 = arith.constant 64 : i32
      %mul3A_1576 = arith.muli %and3A_1574, %mul3A_1575 : i32
      %multiple_of3A_1577 = tpu.assume_multiple %mul3A_1576, 64 : i32
      %slice3A_1578 = vector.extract_strided_slice %get3A_1456 {offsets = [5], sizes = [1], strides = [1]} : vector<16xi32> to vector<1xi32>
      %squeeze3A_1579 = vector.extract %slice3A_1578[0] : i32 from vector<1xi32>
      %ne3A_1580 = arith.constant 0 : i32
      %ne3A_1581 = arith.cmpi ne, %squeeze3A_1579, %ne3A_1580 : i32
      %convert_element_type3A_1582 = arith.extui %ne3A_1581 : i1 to i32
      %cond3A_1583 = arith.constant 0 : i32
      %cond3A_1584 = arith.cmpi ne, %convert_element_type3A_1582, %cond3A_1583 : i32
      scf.if %cond3A_1584 {
        %dma_start3A_2851 = arith.constant 0 : i32
        %dma_start3A_2852 = tpu.memref_slice %arg12[%multiple_of3A_1577, %dma_start3A_2851] : memref<512x128xf32, #tpu.memory_space<vmem>> -> memref<64x128xf32, #tpu.memory_space<vmem>>
        %dma_start3A_2853 = arith.constant 0 : i32
        %dma_start3A_2854 = tpu.memref_slice %arg6[%dma_start3A_2853, %multiple_of3A_1569] : memref<64x1000001xf32, #tpu.memory_space<hbm>> -> memref<64x128xf32, #tpu.memory_space<hbm>>
        %dma_start3A_2855 = arith.constant 0 : i32
        %dma_start3A_2856 = tpu.memref_slice %arg12[%multiple_of3A_1577, %dma_start3A_2855] : memref<512x128xf32, #tpu.memory_space<vmem>> -> memref<64x128xf32, #tpu.memory_space<vmem>>
        %dma_start3A_2857 = arith.constant 0 : i32
        %dma_start3A_2858 = tpu.memref_slice %arg6[%dma_start3A_2857, %multiple_of3A_1569] : memref<64x1000001xf32, #tpu.memory_space<hbm>> -> memref<64x128xf32, #tpu.memory_space<hbm>>
        tpu.enqueue_dma source(%dma_start3A_2858 : memref<64x128xf32, #tpu.memory_space<hbm>>) target(%dma_start3A_2856 : memref<64x128xf32, #tpu.memory_space<vmem>>) target_semaphore(%arg15 : memref<!tpu.dma_semaphore, #tpu.memory_space<semaphore_mem>>)
      } else {
      }
      %slice3A_1585 = vector.extract_strided_slice %get3A_1452 {offsets = [6], sizes = [1], strides = [1]} : vector<16xi32> to vector<1xi32>
      %squeeze3A_1586 = vector.extract %slice3A_1585[0] : i32 from vector<1xi32>
      %and3A_1587 = arith.constant 127 : i32
      %and3A_1588 = arith.andi %squeeze3A_1586, %and3A_1587 : i32
      %sub3A_1589 = arith.subi %squeeze3A_1586, %and3A_1588 : i32
      %multiple_of3A_1590 = tpu.assume_multiple %sub3A_1589, 128 : i32
      %slice3A_1591 = vector.extract_strided_slice %get3A_1458 {offsets = [6], sizes = [1], strides = [1]} : vector<16xi32> to vector<1xi32>
      %squeeze3A_1592 = vector.extract %slice3A_1591[0] : i32 from vector<1xi32>
      %sub3A_1593 = arith.subi %squeeze3A_1592, %squeeze3A : i32
      %and3A_1594 = arith.constant 7 : i32
      %and3A_1595 = arith.andi %sub3A_1593, %and3A_1594 : i32
      %mul3A_1596 = arith.constant 64 : i32
      %mul3A_1597 = arith.muli %and3A_1595, %mul3A_1596 : i32
      %multiple_of3A_1598 = tpu.assume_multiple %mul3A_1597, 64 : i32
      %slice3A_1599 = vector.extract_strided_slice %get3A_1456 {offsets = [6], sizes = [1], strides = [1]} : vector<16xi32> to vector<1xi32>
      %squeeze3A_1600 = vector.extract %slice3A_1599[0] : i32 from vector<1xi32>
      %ne3A_1601 = arith.constant 0 : i32
      %ne3A_1602 = arith.cmpi ne, %squeeze3A_1600, %ne3A_1601 : i32
      %convert_element_type3A_1603 = arith.extui %ne3A_1602 : i1 to i32
      %cond3A_1604 = arith.constant 0 : i32
      %cond3A_1605 = arith.cmpi ne, %convert_element_type3A_1603, %cond3A_1604 : i32
      scf.if %cond3A_1605 {
        %dma_start3A_2851 = arith.constant 0 : i32
        %dma_start3A_2852 = tpu.memref_slice %arg12[%multiple_of3A_1598, %dma_start3A_2851] : memref<512x128xf32, #tpu.memory_space<vmem>> -> memref<64x128xf32, #tpu.memory_space<vmem>>
        %dma_start3A_2853 = arith.constant 0 : i32
        %dma_start3A_2854 = tpu.memref_slice %arg6[%dma_start3A_2853, %multiple_of3A_1590] : memref<64x1000001xf32, #tpu.memory_space<hbm>> -> memref<64x128xf32, #tpu.memory_space<hbm>>
        %dma_start3A_2855 = arith.constant 0 : i32
        %dma_start3A_2856 = tpu.memref_slice %arg12[%multiple_of3A_1598, %dma_start3A_2855] : memref<512x128xf32, #tpu.memory_space<vmem>> -> memref<64x128xf32, #tpu.memory_space<vmem>>
        %dma_start3A_2857 = arith.constant 0 : i32
        %dma_start3A_2858 = tpu.memref_slice %arg6[%dma_start3A_2857, %multiple_of3A_1590] : memref<64x1000001xf32, #tpu.memory_space<hbm>> -> memref<64x128xf32, #tpu.memory_space<hbm>>
        tpu.enqueue_dma source(%dma_start3A_2858 : memref<64x128xf32, #tpu.memory_space<hbm>>) target(%dma_start3A_2856 : memref<64x128xf32, #tpu.memory_space<vmem>>) target_semaphore(%arg15 : memref<!tpu.dma_semaphore, #tpu.memory_space<semaphore_mem>>)
      } else {
      }
      %slice3A_1606 = vector.extract_strided_slice %get3A_1452 {offsets = [7], sizes = [1], strides = [1]} : vector<16xi32> to vector<1xi32>
      %squeeze3A_1607 = vector.extract %slice3A_1606[0] : i32 from vector<1xi32>
      %and3A_1608 = arith.constant 127 : i32
      %and3A_1609 = arith.andi %squeeze3A_1607, %and3A_1608 : i32
      %sub3A_1610 = arith.subi %squeeze3A_1607, %and3A_1609 : i32
      %multiple_of3A_1611 = tpu.assume_multiple %sub3A_1610, 128 : i32
      %slice3A_1612 = vector.extract_strided_slice %get3A_1458 {offsets = [7], sizes = [1], strides = [1]} : vector<16xi32> to vector<1xi32>
      %squeeze3A_1613 = vector.extract %slice3A_1612[0] : i32 from vector<1xi32>
      %sub3A_1614 = arith.subi %squeeze3A_1613, %squeeze3A : i32
      %and3A_1615 = arith.constant 7 : i32
      %and3A_1616 = arith.andi %sub3A_1614, %and3A_1615 : i32
      %mul3A_1617 = arith.constant 64 : i32
      %mul3A_1618 = arith.muli %and3A_1616, %mul3A_1617 : i32
      %multiple_of3A_1619 = tpu.assume_multiple %mul3A_1618, 64 : i32
      %slice3A_1620 = vector.extract_strided_slice %get3A_1456 {offsets = [7], sizes = [1], strides = [1]} : vector<16xi32> to vector<1xi32>
      %squeeze3A_1621 = vector.extract %slice3A_1620[0] : i32 from vector<1xi32>
      %ne3A_1622 = arith.constant 0 : i32
      %ne3A_1623 = arith.cmpi ne, %squeeze3A_1621, %ne3A_1622 : i32
      %convert_element_type3A_1624 = arith.extui %ne3A_1623 : i1 to i32
      %cond3A_1625 = arith.constant 0 : i32
      %cond3A_1626 = arith.cmpi ne, %convert_element_type3A_1624, %cond3A_1625 : i32
      scf.if %cond3A_1626 {
        %dma_start3A_2851 = arith.constant 0 : i32
        %dma_start3A_2852 = tpu.memref_slice %arg12[%multiple_of3A_1619, %dma_start3A_2851] : memref<512x128xf32, #tpu.memory_space<vmem>> -> memref<64x128xf32, #tpu.memory_space<vmem>>
        %dma_start3A_2853 = arith.constant 0 : i32
        %dma_start3A_2854 = tpu.memref_slice %arg6[%dma_start3A_2853, %multiple_of3A_1611] : memref<64x1000001xf32, #tpu.memory_space<hbm>> -> memref<64x128xf32, #tpu.memory_space<hbm>>
        %dma_start3A_2855 = arith.constant 0 : i32
        %dma_start3A_2856 = tpu.memref_slice %arg12[%multiple_of3A_1619, %dma_start3A_2855] : memref<512x128xf32, #tpu.memory_space<vmem>> -> memref<64x128xf32, #tpu.memory_space<vmem>>
        %dma_start3A_2857 = arith.constant 0 : i32
        %dma_start3A_2858 = tpu.memref_slice %arg6[%dma_start3A_2857, %multiple_of3A_1611] : memref<64x1000001xf32, #tpu.memory_space<hbm>> -> memref<64x128xf32, #tpu.memory_space<hbm>>
        tpu.enqueue_dma source(%dma_start3A_2858 : memref<64x128xf32, #tpu.memory_space<hbm>>) target(%dma_start3A_2856 : memref<64x128xf32, #tpu.memory_space<vmem>>) target_semaphore(%arg15 : memref<!tpu.dma_semaphore, #tpu.memory_space<semaphore_mem>>)
      } else {
      }
      %slice3A_1627 = vector.extract_strided_slice %get3A_1458 {offsets = [0], sizes = [1], strides = [1]} : vector<16xi32> to vector<1xi32>
      %squeeze3A_1628 = vector.extract %slice3A_1627[0] : i32 from vector<1xi32>
      %sub3A_1629 = arith.subi %squeeze3A_1628, %squeeze3A : i32
      %and3A_1630 = arith.constant 7 : i32
      %and3A_1631 = arith.andi %sub3A_1629, %and3A_1630 : i32
      %mul3A_1632 = arith.constant 64 : i32
      %mul3A_1633 = arith.muli %and3A_1631, %mul3A_1632 : i32
      %multiple_of3A_1634 = tpu.assume_multiple %mul3A_1633, 64 : i32
      %slice3A_1635 = vector.extract_strided_slice %get3A_1456 {offsets = [0], sizes = [1], strides = [1]} : vector<16xi32> to vector<1xi32>
      %squeeze3A_1636 = vector.extract %slice3A_1635[0] : i32 from vector<1xi32>
      %ne3A_1637 = arith.constant 0 : i32
      %ne3A_1638 = arith.cmpi ne, %squeeze3A_1636, %ne3A_1637 : i32
      %convert_element_type3A_1639 = arith.extui %ne3A_1638 : i1 to i32
      %cond3A_1640 = arith.constant 0 : i32
      %cond3A_1641 = arith.cmpi ne, %convert_element_type3A_1639, %cond3A_1640 : i32
      scf.if %cond3A_1641 {
        %dma_wait3A_2851 = arith.constant 0 : i32
        %dma_wait3A_2852 = tpu.memref_slice %arg12[%multiple_of3A_1634, %dma_wait3A_2851] : memref<512x128xf32, #tpu.memory_space<vmem>> -> memref<64x128xf32, #tpu.memory_space<vmem>>
        %dma_wait3A_2853 = arith.constant 0 : i32
        %dma_wait3A_2854 = arith.constant 0 : i32
        %dma_wait3A_2855 = tpu.memref_slice %arg6[%dma_wait3A_2853, %dma_wait3A_2854] : memref<64x1000001xf32, #tpu.memory_space<hbm>> -> memref<64x128xf32, #tpu.memory_space<hbm>>
        %dma_wait3A_2856 = arith.constant 0 : i32
        %dma_wait3A_2857 = tpu.memref_slice %arg12[%multiple_of3A_1634, %dma_wait3A_2856] : memref<512x128xf32, #tpu.memory_space<vmem>> -> memref<64x128xf32, #tpu.memory_space<vmem>>
        %dma_wait3A_2858 = arith.constant 0 : i32
        %dma_wait3A_2859 = arith.constant 0 : i32
        %dma_wait3A_2860 = tpu.memref_slice %arg6[%dma_wait3A_2858, %dma_wait3A_2859] : memref<64x1000001xf32, #tpu.memory_space<hbm>> -> memref<64x128xf32, #tpu.memory_space<hbm>>
        tpu.wait_dma2 semaphore(%arg14 : memref<!tpu.dma_semaphore, #tpu.memory_space<semaphore_mem>>) src(%dma_wait3A_2860 : memref<64x128xf32, #tpu.memory_space<hbm>>) dst(%dma_wait3A_2857 : memref<64x128xf32, #tpu.memory_space<vmem>>)
      } else {
      }
      %slice3A_1642 = vector.extract_strided_slice %get3A_1458 {offsets = [1], sizes = [1], strides = [1]} : vector<16xi32> to vector<1xi32>
      %squeeze3A_1643 = vector.extract %slice3A_1642[0] : i32 from vector<1xi32>
      %sub3A_1644 = arith.subi %squeeze3A_1643, %squeeze3A : i32
      %and3A_1645 = arith.constant 7 : i32
      %and3A_1646 = arith.andi %sub3A_1644, %and3A_1645 : i32
      %mul3A_1647 = arith.constant 64 : i32
      %mul3A_1648 = arith.muli %and3A_1646, %mul3A_1647 : i32
      %multiple_of3A_1649 = tpu.assume_multiple %mul3A_1648, 64 : i32
      %slice3A_1650 = vector.extract_strided_slice %get3A_1456 {offsets = [1], sizes = [1], strides = [1]} : vector<16xi32> to vector<1xi32>
      %squeeze3A_1651 = vector.extract %slice3A_1650[0] : i32 from vector<1xi32>
      %ne3A_1652 = arith.constant 0 : i32
      %ne3A_1653 = arith.cmpi ne, %squeeze3A_1651, %ne3A_1652 : i32
      %convert_element_type3A_1654 = arith.extui %ne3A_1653 : i1 to i32
      %cond3A_1655 = arith.constant 0 : i32
      %cond3A_1656 = arith.cmpi ne, %convert_element_type3A_1654, %cond3A_1655 : i32
      scf.if %cond3A_1656 {
        %dma_wait3A_2851 = arith.constant 0 : i32
        %dma_wait3A_2852 = tpu.memref_slice %arg12[%multiple_of3A_1649, %dma_wait3A_2851] : memref<512x128xf32, #tpu.memory_space<vmem>> -> memref<64x128xf32, #tpu.memory_space<vmem>>
        %dma_wait3A_2853 = arith.constant 0 : i32
        %dma_wait3A_2854 = arith.constant 0 : i32
        %dma_wait3A_2855 = tpu.memref_slice %arg6[%dma_wait3A_2853, %dma_wait3A_2854] : memref<64x1000001xf32, #tpu.memory_space<hbm>> -> memref<64x128xf32, #tpu.memory_space<hbm>>
        %dma_wait3A_2856 = arith.constant 0 : i32
        %dma_wait3A_2857 = tpu.memref_slice %arg12[%multiple_of3A_1649, %dma_wait3A_2856] : memref<512x128xf32, #tpu.memory_space<vmem>> -> memref<64x128xf32, #tpu.memory_space<vmem>>
        %dma_wait3A_2858 = arith.constant 0 : i32
        %dma_wait3A_2859 = arith.constant 0 : i32
        %dma_wait3A_2860 = tpu.memref_slice %arg6[%dma_wait3A_2858, %dma_wait3A_2859] : memref<64x1000001xf32, #tpu.memory_space<hbm>> -> memref<64x128xf32, #tpu.memory_space<hbm>>
        tpu.wait_dma2 semaphore(%arg14 : memref<!tpu.dma_semaphore, #tpu.memory_space<semaphore_mem>>) src(%dma_wait3A_2860 : memref<64x128xf32, #tpu.memory_space<hbm>>) dst(%dma_wait3A_2857 : memref<64x128xf32, #tpu.memory_space<vmem>>)
      } else {
      }
      %slice3A_1657 = vector.extract_strided_slice %get3A_1458 {offsets = [2], sizes = [1], strides = [1]} : vector<16xi32> to vector<1xi32>
      %squeeze3A_1658 = vector.extract %slice3A_1657[0] : i32 from vector<1xi32>
      %sub3A_1659 = arith.subi %squeeze3A_1658, %squeeze3A : i32
      %and3A_1660 = arith.constant 7 : i32
      %and3A_1661 = arith.andi %sub3A_1659, %and3A_1660 : i32
      %mul3A_1662 = arith.constant 64 : i32
      %mul3A_1663 = arith.muli %and3A_1661, %mul3A_1662 : i32
      %multiple_of3A_1664 = tpu.assume_multiple %mul3A_1663, 64 : i32
      %slice3A_1665 = vector.extract_strided_slice %get3A_1456 {offsets = [2], sizes = [1], strides = [1]} : vector<16xi32> to vector<1xi32>
      %squeeze3A_1666 = vector.extract %slice3A_1665[0] : i32 from vector<1xi32>
      %ne3A_1667 = arith.constant 0 : i32
      %ne3A_1668 = arith.cmpi ne, %squeeze3A_1666, %ne3A_1667 : i32
      %convert_element_type3A_1669 = arith.extui %ne3A_1668 : i1 to i32
      %cond3A_1670 = arith.constant 0 : i32
      %cond3A_1671 = arith.cmpi ne, %convert_element_type3A_1669, %cond3A_1670 : i32
      scf.if %cond3A_1671 {
        %dma_wait3A_2851 = arith.constant 0 : i32
        %dma_wait3A_2852 = tpu.memref_slice %arg12[%multiple_of3A_1664, %dma_wait3A_2851] : memref<512x128xf32, #tpu.memory_space<vmem>> -> memref<64x128xf32, #tpu.memory_space<vmem>>
        %dma_wait3A_2853 = arith.constant 0 : i32
        %dma_wait3A_2854 = arith.constant 0 : i32
        %dma_wait3A_2855 = tpu.memref_slice %arg6[%dma_wait3A_2853, %dma_wait3A_2854] : memref<64x1000001xf32, #tpu.memory_space<hbm>> -> memref<64x128xf32, #tpu.memory_space<hbm>>
        %dma_wait3A_2856 = arith.constant 0 : i32
        %dma_wait3A_2857 = tpu.memref_slice %arg12[%multiple_of3A_1664, %dma_wait3A_2856] : memref<512x128xf32, #tpu.memory_space<vmem>> -> memref<64x128xf32, #tpu.memory_space<vmem>>
        %dma_wait3A_2858 = arith.constant 0 : i32
        %dma_wait3A_2859 = arith.constant 0 : i32
        %dma_wait3A_2860 = tpu.memref_slice %arg6[%dma_wait3A_2858, %dma_wait3A_2859] : memref<64x1000001xf32, #tpu.memory_space<hbm>> -> memref<64x128xf32, #tpu.memory_space<hbm>>
        tpu.wait_dma2 semaphore(%arg14 : memref<!tpu.dma_semaphore, #tpu.memory_space<semaphore_mem>>) src(%dma_wait3A_2860 : memref<64x128xf32, #tpu.memory_space<hbm>>) dst(%dma_wait3A_2857 : memref<64x128xf32, #tpu.memory_space<vmem>>)
      } else {
      }
      %slice3A_1672 = vector.extract_strided_slice %get3A_1458 {offsets = [3], sizes = [1], strides = [1]} : vector<16xi32> to vector<1xi32>
      %squeeze3A_1673 = vector.extract %slice3A_1672[0] : i32 from vector<1xi32>
      %sub3A_1674 = arith.subi %squeeze3A_1673, %squeeze3A : i32
      %and3A_1675 = arith.constant 7 : i32
      %and3A_1676 = arith.andi %sub3A_1674, %and3A_1675 : i32
      %mul3A_1677 = arith.constant 64 : i32
      %mul3A_1678 = arith.muli %and3A_1676, %mul3A_1677 : i32
      %multiple_of3A_1679 = tpu.assume_multiple %mul3A_1678, 64 : i32
      %slice3A_1680 = vector.extract_strided_slice %get3A_1456 {offsets = [3], sizes = [1], strides = [1]} : vector<16xi32> to vector<1xi32>
      %squeeze3A_1681 = vector.extract %slice3A_1680[0] : i32 from vector<1xi32>
      %ne3A_1682 = arith.constant 0 : i32
      %ne3A_1683 = arith.cmpi ne, %squeeze3A_1681, %ne3A_1682 : i32
      %convert_element_type3A_1684 = arith.extui %ne3A_1683 : i1 to i32
      %cond3A_1685 = arith.constant 0 : i32
      %cond3A_1686 = arith.cmpi ne, %convert_element_type3A_1684, %cond3A_1685 : i32
      scf.if %cond3A_1686 {
        %dma_wait3A_2851 = arith.constant 0 : i32
        %dma_wait3A_2852 = tpu.memref_slice %arg12[%multiple_of3A_1679, %dma_wait3A_2851] : memref<512x128xf32, #tpu.memory_space<vmem>> -> memref<64x128xf32, #tpu.memory_space<vmem>>
        %dma_wait3A_2853 = arith.constant 0 : i32
        %dma_wait3A_2854 = arith.constant 0 : i32
        %dma_wait3A_2855 = tpu.memref_slice %arg6[%dma_wait3A_2853, %dma_wait3A_2854] : memref<64x1000001xf32, #tpu.memory_space<hbm>> -> memref<64x128xf32, #tpu.memory_space<hbm>>
        %dma_wait3A_2856 = arith.constant 0 : i32
        %dma_wait3A_2857 = tpu.memref_slice %arg12[%multiple_of3A_1679, %dma_wait3A_2856] : memref<512x128xf32, #tpu.memory_space<vmem>> -> memref<64x128xf32, #tpu.memory_space<vmem>>
        %dma_wait3A_2858 = arith.constant 0 : i32
        %dma_wait3A_2859 = arith.constant 0 : i32
        %dma_wait3A_2860 = tpu.memref_slice %arg6[%dma_wait3A_2858, %dma_wait3A_2859] : memref<64x1000001xf32, #tpu.memory_space<hbm>> -> memref<64x128xf32, #tpu.memory_space<hbm>>
        tpu.wait_dma2 semaphore(%arg14 : memref<!tpu.dma_semaphore, #tpu.memory_space<semaphore_mem>>) src(%dma_wait3A_2860 : memref<64x128xf32, #tpu.memory_space<hbm>>) dst(%dma_wait3A_2857 : memref<64x128xf32, #tpu.memory_space<vmem>>)
      } else {
      }
      %slice3A_1687 = vector.extract_strided_slice %get3A_1452 {offsets = [0], sizes = [1], strides = [1]} : vector<16xi32> to vector<1xi32>
      %squeeze3A_1688 = vector.extract %slice3A_1687[0] : i32 from vector<1xi32>
      %and3A_1689 = arith.constant 127 : i32
      %and3A_1690 = arith.andi %squeeze3A_1688, %and3A_1689 : i32
      %slice3A_1691 = vector.extract_strided_slice %get3A_1458 {offsets = [0], sizes = [1], strides = [1]} : vector<16xi32> to vector<1xi32>
      %squeeze3A_1692 = vector.extract %slice3A_1691[0] : i32 from vector<1xi32>
      %sub3A_1693 = arith.subi %squeeze3A_1692, %squeeze3A : i32
      %and3A_1694 = arith.constant 7 : i32
      %and3A_1695 = arith.andi %sub3A_1693, %and3A_1694 : i32
      %mul3A_1696 = arith.constant 64 : i32
      %mul3A_1697 = arith.muli %and3A_1695, %mul3A_1696 : i32
      %broadcast_in_dim3A_1698 = vector.broadcast %and3A_1690 : i32 to vector<16xi32>
      %add3A_1699 = vector.broadcast %mul3A_1697 : i32 to vector<16xi32>
      %add3A_1700 = arith.addi %add3A_6, %add3A_1699 : vector<16xi32>
      %gather3A_1701 = tpu.vector_load_idx %arg12[%add3A_1700, %broadcast_in_dim3A_1698] : memref<512x128xf32, #tpu.memory_space<vmem>>[vector<16xi32>, vector<16xi32>], vector<16xf32>,
      %multiple_of3A_1702 = arith.constant 1024 : i32
      %multiple_of3A_1703 = tpu.assume_multiple %multiple_of3A_1702, 16 : i32
      %swap3A_1704 = arith.index_cast %multiple_of3A_1703 : i32 to index
      %swap3A_1705 = tpu.vector_load %arg13[%swap3A_1704] {strides = array<i32>} : memref<2048xf32, #tpu.memory_space<vmem>>, vector<16xf32>,
      tpu.vector_store %arg13[%swap3A_1704], %gather3A_1701 {strides = array<i32>} : memref<2048xf32, #tpu.memory_space<vmem>>, vector<16xf32>,
      %add3A_1706 = vector.broadcast %mul3A_1697 : i32 to vector<16xi32>
      %add3A_1707 = arith.addi %add3A_10, %add3A_1706 : vector<16xi32>
      %gather3A_1708 = tpu.vector_load_idx %arg12[%add3A_1707, %broadcast_in_dim3A_1698] : memref<512x128xf32, #tpu.memory_space<vmem>>[vector<16xi32>, vector<16xi32>], vector<16xf32>,
      %multiple_of3A_1709 = arith.constant 1040 : i32
      %multiple_of3A_1710 = tpu.assume_multiple %multiple_of3A_1709, 16 : i32
      %swap3A_1711 = arith.index_cast %multiple_of3A_1710 : i32 to index
      %swap3A_1712 = tpu.vector_load %arg13[%swap3A_1711] {strides = array<i32>} : memref<2048xf32, #tpu.memory_space<vmem>>, vector<16xf32>,
      tpu.vector_store %arg13[%swap3A_1711], %gather3A_1708 {strides = array<i32>} : memref<2048xf32, #tpu.memory_space<vmem>>, vector<16xf32>,
      %add3A_1713 = vector.broadcast %mul3A_1697 : i32 to vector<16xi32>
      %add3A_1714 = arith.addi %add3A_14, %add3A_1713 : vector<16xi32>
      %gather3A_1715 = tpu.vector_load_idx %arg12[%add3A_1714, %broadcast_in_dim3A_1698] : memref<512x128xf32, #tpu.memory_space<vmem>>[vector<16xi32>, vector<16xi32>], vector<16xf32>,
      %multiple_of3A_1716 = arith.constant 1056 : i32
      %multiple_of3A_1717 = tpu.assume_multiple %multiple_of3A_1716, 16 : i32
      %swap3A_1718 = arith.index_cast %multiple_of3A_1717 : i32 to index
      %swap3A_1719 = tpu.vector_load %arg13[%swap3A_1718] {strides = array<i32>} : memref<2048xf32, #tpu.memory_space<vmem>>, vector<16xf32>,
      tpu.vector_store %arg13[%swap3A_1718], %gather3A_1715 {strides = array<i32>} : memref<2048xf32, #tpu.memory_space<vmem>>, vector<16xf32>,
      %add3A_1720 = vector.broadcast %mul3A_1697 : i32 to vector<16xi32>
      %add3A_1721 = arith.addi %add3A_18, %add3A_1720 : vector<16xi32>
      %gather3A_1722 = tpu.vector_load_idx %arg12[%add3A_1721, %broadcast_in_dim3A_1698] : memref<512x128xf32, #tpu.memory_space<vmem>>[vector<16xi32>, vector<16xi32>], vector<16xf32>,
      %multiple_of3A_1723 = arith.constant 1072 : i32
      %multiple_of3A_1724 = tpu.assume_multiple %multiple_of3A_1723, 16 : i32
      %swap3A_1725 = arith.index_cast %multiple_of3A_1724 : i32 to index
      %swap3A_1726 = tpu.vector_load %arg13[%swap3A_1725] {strides = array<i32>} : memref<2048xf32, #tpu.memory_space<vmem>>, vector<16xf32>,
      tpu.vector_store %arg13[%swap3A_1725], %gather3A_1722 {strides = array<i32>} : memref<2048xf32, #tpu.memory_space<vmem>>, vector<16xf32>,
      %slice3A_1727 = vector.extract_strided_slice %get3A_1454 {offsets = [0], sizes = [1], strides = [1]} : vector<16xi32> to vector<1xi32>
      %squeeze3A_1728 = vector.extract %slice3A_1727[0] : i32 from vector<1xi32>
      %mul3A_1729 = arith.constant 64 : i32
      %mul3A_1730 = arith.muli %squeeze3A_1728, %mul3A_1729 : i32
      %multiple_of3A_1731 = tpu.assume_multiple %mul3A_1730, 64 : i32
      %multiple_of3A_1732 = arith.constant 1024 : i32
      %multiple_of3A_1733 = tpu.assume_multiple %multiple_of3A_1732, 64 : i32
      %dma_start3A_1734 = tpu.memref_slice %arg13[%multiple_of3A_1733] : memref<2048xf32, #tpu.memory_space<vmem>> -> memref<64xf32, #tpu.memory_space<vmem>>
      %dma_start3A_1735 = tpu.memref_slice %arg7[%multiple_of3A_1731] : memref<1048576xf32, #tpu.memory_space<hbm>> -> memref<64xf32, #tpu.memory_space<hbm>>
      %dma_start3A_1736 = tpu.memref_slice %arg7[%multiple_of3A_1731] : memref<1048576xf32, #tpu.memory_space<hbm>> -> memref<64xf32, #tpu.memory_space<hbm>>
      %dma_start3A_1737 = tpu.memref_slice %arg13[%multiple_of3A_1733] : memref<2048xf32, #tpu.memory_space<vmem>> -> memref<64xf32, #tpu.memory_space<vmem>>
      tpu.enqueue_dma source(%dma_start3A_1737 : memref<64xf32, #tpu.memory_space<vmem>>) target(%dma_start3A_1736 : memref<64xf32, #tpu.memory_space<hbm>>) target_semaphore(%arg17 : memref<!tpu.dma_semaphore, #tpu.memory_space<semaphore_mem>>)
      %slice3A_1738 = vector.extract_strided_slice %get3A_1452 {offsets = [1], sizes = [1], strides = [1]} : vector<16xi32> to vector<1xi32>
      %squeeze3A_1739 = vector.extract %slice3A_1738[0] : i32 from vector<1xi32>
      %and3A_1740 = arith.constant 127 : i32
      %and3A_1741 = arith.andi %squeeze3A_1739, %and3A_1740 : i32
      %slice3A_1742 = vector.extract_strided_slice %get3A_1458 {offsets = [1], sizes = [1], strides = [1]} : vector<16xi32> to vector<1xi32>
      %squeeze3A_1743 = vector.extract %slice3A_1742[0] : i32 from vector<1xi32>
      %sub3A_1744 = arith.subi %squeeze3A_1743, %squeeze3A : i32
      %and3A_1745 = arith.constant 7 : i32
      %and3A_1746 = arith.andi %sub3A_1744, %and3A_1745 : i32
      %mul3A_1747 = arith.constant 64 : i32
      %mul3A_1748 = arith.muli %and3A_1746, %mul3A_1747 : i32
      %broadcast_in_dim3A_1749 = vector.broadcast %and3A_1741 : i32 to vector<16xi32>
      %add3A_1750 = vector.broadcast %mul3A_1748 : i32 to vector<16xi32>
      %add3A_1751 = arith.addi %add3A_6, %add3A_1750 : vector<16xi32>
      %gather3A_1752 = tpu.vector_load_idx %arg12[%add3A_1751, %broadcast_in_dim3A_1749] : memref<512x128xf32, #tpu.memory_space<vmem>>[vector<16xi32>, vector<16xi32>], vector<16xf32>,
      %multiple_of3A_1753 = arith.constant 1088 : i32
      %multiple_of3A_1754 = tpu.assume_multiple %multiple_of3A_1753, 16 : i32
      %swap3A_1755 = arith.index_cast %multiple_of3A_1754 : i32 to index
      %swap3A_1756 = tpu.vector_load %arg13[%swap3A_1755] {strides = array<i32>} : memref<2048xf32, #tpu.memory_space<vmem>>, vector<16xf32>,
      tpu.vector_store %arg13[%swap3A_1755], %gather3A_1752 {strides = array<i32>} : memref<2048xf32, #tpu.memory_space<vmem>>, vector<16xf32>,
      %add3A_1757 = vector.broadcast %mul3A_1748 : i32 to vector<16xi32>
      %add3A_1758 = arith.addi %add3A_10, %add3A_1757 : vector<16xi32>
      %gather3A_1759 = tpu.vector_load_idx %arg12[%add3A_1758, %broadcast_in_dim3A_1749] : memref<512x128xf32, #tpu.memory_space<vmem>>[vector<16xi32>, vector<16xi32>], vector<16xf32>,
      %multiple_of3A_1760 = arith.constant 1104 : i32
      %multiple_of3A_1761 = tpu.assume_multiple %multiple_of3A_1760, 16 : i32
      %swap3A_1762 = arith.index_cast %multiple_of3A_1761 : i32 to index
      %swap3A_1763 = tpu.vector_load %arg13[%swap3A_1762] {strides = array<i32>} : memref<2048xf32, #tpu.memory_space<vmem>>, vector<16xf32>,
      tpu.vector_store %arg13[%swap3A_1762], %gather3A_1759 {strides = array<i32>} : memref<2048xf32, #tpu.memory_space<vmem>>, vector<16xf32>,
      %add3A_1764 = vector.broadcast %mul3A_1748 : i32 to vector<16xi32>
      %add3A_1765 = arith.addi %add3A_14, %add3A_1764 : vector<16xi32>
      %gather3A_1766 = tpu.vector_load_idx %arg12[%add3A_1765, %broadcast_in_dim3A_1749] : memref<512x128xf32, #tpu.memory_space<vmem>>[vector<16xi32>, vector<16xi32>], vector<16xf32>,
      %multiple_of3A_1767 = arith.constant 1120 : i32
      %multiple_of3A_1768 = tpu.assume_multiple %multiple_of3A_1767, 16 : i32
      %swap3A_1769 = arith.index_cast %multiple_of3A_1768 : i32 to index
      %swap3A_1770 = tpu.vector_load %arg13[%swap3A_1769] {strides = array<i32>} : memref<2048xf32, #tpu.memory_space<vmem>>, vector<16xf32>,
      tpu.vector_store %arg13[%swap3A_1769], %gather3A_1766 {strides = array<i32>} : memref<2048xf32, #tpu.memory_space<vmem>>, vector<16xf32>,
      %add3A_1771 = vector.broadcast %mul3A_1748 : i32 to vector<16xi32>
      %add3A_1772 = arith.addi %add3A_18, %add3A_1771 : vector<16xi32>
      %gather3A_1773 = tpu.vector_load_idx %arg12[%add3A_1772, %broadcast_in_dim3A_1749] : memref<512x128xf32, #tpu.memory_space<vmem>>[vector<16xi32>, vector<16xi32>], vector<16xf32>,
      %multiple_of3A_1774 = arith.constant 1136 : i32
      %multiple_of3A_1775 = tpu.assume_multiple %multiple_of3A_1774, 16 : i32
      %swap3A_1776 = arith.index_cast %multiple_of3A_1775 : i32 to index
      %swap3A_1777 = tpu.vector_load %arg13[%swap3A_1776] {strides = array<i32>} : memref<2048xf32, #tpu.memory_space<vmem>>, vector<16xf32>,
      tpu.vector_store %arg13[%swap3A_1776], %gather3A_1773 {strides = array<i32>} : memref<2048xf32, #tpu.memory_space<vmem>>, vector<16xf32>,
      %slice3A_1778 = vector.extract_strided_slice %get3A_1454 {offsets = [1], sizes = [1], strides = [1]} : vector<16xi32> to vector<1xi32>
      %squeeze3A_1779 = vector.extract %slice3A_1778[0] : i32 from vector<1xi32>
      %mul3A_1780 = arith.constant 64 : i32
      %mul3A_1781 = arith.muli %squeeze3A_1779, %mul3A_1780 : i32
      %multiple_of3A_1782 = tpu.assume_multiple %mul3A_1781, 64 : i32
      %multiple_of3A_1783 = arith.constant 1088 : i32
      %multiple_of3A_1784 = tpu.assume_multiple %multiple_of3A_1783, 64 : i32
      %dma_start3A_1785 = tpu.memref_slice %arg13[%multiple_of3A_1784] : memref<2048xf32, #tpu.memory_space<vmem>> -> memref<64xf32, #tpu.memory_space<vmem>>
      %dma_start3A_1786 = tpu.memref_slice %arg7[%multiple_of3A_1782] : memref<1048576xf32, #tpu.memory_space<hbm>> -> memref<64xf32, #tpu.memory_space<hbm>>
      %dma_start3A_1787 = tpu.memref_slice %arg7[%multiple_of3A_1782] : memref<1048576xf32, #tpu.memory_space<hbm>> -> memref<64xf32, #tpu.memory_space<hbm>>
      %dma_start3A_1788 = tpu.memref_slice %arg13[%multiple_of3A_1784] : memref<2048xf32, #tpu.memory_space<vmem>> -> memref<64xf32, #tpu.memory_space<vmem>>
      tpu.enqueue_dma source(%dma_start3A_1788 : memref<64xf32, #tpu.memory_space<vmem>>) target(%dma_start3A_1787 : memref<64xf32, #tpu.memory_space<hbm>>) target_semaphore(%arg17 : memref<!tpu.dma_semaphore, #tpu.memory_space<semaphore_mem>>)
      %slice3A_1789 = vector.extract_strided_slice %get3A_1452 {offsets = [2], sizes = [1], strides = [1]} : vector<16xi32> to vector<1xi32>
      %squeeze3A_1790 = vector.extract %slice3A_1789[0] : i32 from vector<1xi32>
      %and3A_1791 = arith.constant 127 : i32
      %and3A_1792 = arith.andi %squeeze3A_1790, %and3A_1791 : i32
      %slice3A_1793 = vector.extract_strided_slice %get3A_1458 {offsets = [2], sizes = [1], strides = [1]} : vector<16xi32> to vector<1xi32>
      %squeeze3A_1794 = vector.extract %slice3A_1793[0] : i32 from vector<1xi32>
      %sub3A_1795 = arith.subi %squeeze3A_1794, %squeeze3A : i32
      %and3A_1796 = arith.constant 7 : i32
      %and3A_1797 = arith.andi %sub3A_1795, %and3A_1796 : i32
      %mul3A_1798 = arith.constant 64 : i32
      %mul3A_1799 = arith.muli %and3A_1797, %mul3A_1798 : i32
      %broadcast_in_dim3A_1800 = vector.broadcast %and3A_1792 : i32 to vector<16xi32>
      %add3A_1801 = vector.broadcast %mul3A_1799 : i32 to vector<16xi32>
      %add3A_1802 = arith.addi %add3A_6, %add3A_1801 : vector<16xi32>
      %gather3A_1803 = tpu.vector_load_idx %arg12[%add3A_1802, %broadcast_in_dim3A_1800] : memref<512x128xf32, #tpu.memory_space<vmem>>[vector<16xi32>, vector<16xi32>], vector<16xf32>,
      %multiple_of3A_1804 = arith.constant 1152 : i32
      %multiple_of3A_1805 = tpu.assume_multiple %multiple_of3A_1804, 16 : i32
      %swap3A_1806 = arith.index_cast %multiple_of3A_1805 : i32 to index
      %swap3A_1807 = tpu.vector_load %arg13[%swap3A_1806] {strides = array<i32>} : memref<2048xf32, #tpu.memory_space<vmem>>, vector<16xf32>,
      tpu.vector_store %arg13[%swap3A_1806], %gather3A_1803 {strides = array<i32>} : memref<2048xf32, #tpu.memory_space<vmem>>, vector<16xf32>,
      %add3A_1808 = vector.broadcast %mul3A_1799 : i32 to vector<16xi32>
      %add3A_1809 = arith.addi %add3A_10, %add3A_1808 : vector<16xi32>
      %gather3A_1810 = tpu.vector_load_idx %arg12[%add3A_1809, %broadcast_in_dim3A_1800] : memref<512x128xf32, #tpu.memory_space<vmem>>[vector<16xi32>, vector<16xi32>], vector<16xf32>,
      %multiple_of3A_1811 = arith.constant 1168 : i32
      %multiple_of3A_1812 = tpu.assume_multiple %multiple_of3A_1811, 16 : i32
      %swap3A_1813 = arith.index_cast %multiple_of3A_1812 : i32 to index
      %swap3A_1814 = tpu.vector_load %arg13[%swap3A_1813] {strides = array<i32>} : memref<2048xf32, #tpu.memory_space<vmem>>, vector<16xf32>,
      tpu.vector_store %arg13[%swap3A_1813], %gather3A_1810 {strides = array<i32>} : memref<2048xf32, #tpu.memory_space<vmem>>, vector<16xf32>,
      %add3A_1815 = vector.broadcast %mul3A_1799 : i32 to vector<16xi32>
      %add3A_1816 = arith.addi %add3A_14, %add3A_1815 : vector<16xi32>
      %gather3A_1817 = tpu.vector_load_idx %arg12[%add3A_1816, %broadcast_in_dim3A_1800] : memref<512x128xf32, #tpu.memory_space<vmem>>[vector<16xi32>, vector<16xi32>], vector<16xf32>,
      %multiple_of3A_1818 = arith.constant 1184 : i32
      %multiple_of3A_1819 = tpu.assume_multiple %multiple_of3A_1818, 16 : i32
      %swap3A_1820 = arith.index_cast %multiple_of3A_1819 : i32 to index
      %swap3A_1821 = tpu.vector_load %arg13[%swap3A_1820] {strides = array<i32>} : memref<2048xf32, #tpu.memory_space<vmem>>, vector<16xf32>,
      tpu.vector_store %arg13[%swap3A_1820], %gather3A_1817 {strides = array<i32>} : memref<2048xf32, #tpu.memory_space<vmem>>, vector<16xf32>,
      %add3A_1822 = vector.broadcast %mul3A_1799 : i32 to vector<16xi32>
      %add3A_1823 = arith.addi %add3A_18, %add3A_1822 : vector<16xi32>
      %gather3A_1824 = tpu.vector_load_idx %arg12[%add3A_1823, %broadcast_in_dim3A_1800] : memref<512x128xf32, #tpu.memory_space<vmem>>[vector<16xi32>, vector<16xi32>], vector<16xf32>,
      %multiple_of3A_1825 = arith.constant 1200 : i32
      %multiple_of3A_1826 = tpu.assume_multiple %multiple_of3A_1825, 16 : i32
      %swap3A_1827 = arith.index_cast %multiple_of3A_1826 : i32 to index
      %swap3A_1828 = tpu.vector_load %arg13[%swap3A_1827] {strides = array<i32>} : memref<2048xf32, #tpu.memory_space<vmem>>, vector<16xf32>,
      tpu.vector_store %arg13[%swap3A_1827], %gather3A_1824 {strides = array<i32>} : memref<2048xf32, #tpu.memory_space<vmem>>, vector<16xf32>,
      %slice3A_1829 = vector.extract_strided_slice %get3A_1454 {offsets = [2], sizes = [1], strides = [1]} : vector<16xi32> to vector<1xi32>
      %squeeze3A_1830 = vector.extract %slice3A_1829[0] : i32 from vector<1xi32>
      %mul3A_1831 = arith.constant 64 : i32
      %mul3A_1832 = arith.muli %squeeze3A_1830, %mul3A_1831 : i32
      %multiple_of3A_1833 = tpu.assume_multiple %mul3A_1832, 64 : i32
      %multiple_of3A_1834 = arith.constant 1152 : i32
      %multiple_of3A_1835 = tpu.assume_multiple %multiple_of3A_1834, 64 : i32
      %dma_start3A_1836 = tpu.memref_slice %arg13[%multiple_of3A_1835] : memref<2048xf32, #tpu.memory_space<vmem>> -> memref<64xf32, #tpu.memory_space<vmem>>
      %dma_start3A_1837 = tpu.memref_slice %arg7[%multiple_of3A_1833] : memref<1048576xf32, #tpu.memory_space<hbm>> -> memref<64xf32, #tpu.memory_space<hbm>>
      %dma_start3A_1838 = tpu.memref_slice %arg7[%multiple_of3A_1833] : memref<1048576xf32, #tpu.memory_space<hbm>> -> memref<64xf32, #tpu.memory_space<hbm>>
      %dma_start3A_1839 = tpu.memref_slice %arg13[%multiple_of3A_1835] : memref<2048xf32, #tpu.memory_space<vmem>> -> memref<64xf32, #tpu.memory_space<vmem>>
      tpu.enqueue_dma source(%dma_start3A_1839 : memref<64xf32, #tpu.memory_space<vmem>>) target(%dma_start3A_1838 : memref<64xf32, #tpu.memory_space<hbm>>) target_semaphore(%arg17 : memref<!tpu.dma_semaphore, #tpu.memory_space<semaphore_mem>>)
      %slice3A_1840 = vector.extract_strided_slice %get3A_1452 {offsets = [3], sizes = [1], strides = [1]} : vector<16xi32> to vector<1xi32>
      %squeeze3A_1841 = vector.extract %slice3A_1840[0] : i32 from vector<1xi32>
      %and3A_1842 = arith.constant 127 : i32
      %and3A_1843 = arith.andi %squeeze3A_1841, %and3A_1842 : i32
      %slice3A_1844 = vector.extract_strided_slice %get3A_1458 {offsets = [3], sizes = [1], strides = [1]} : vector<16xi32> to vector<1xi32>
      %squeeze3A_1845 = vector.extract %slice3A_1844[0] : i32 from vector<1xi32>
      %sub3A_1846 = arith.subi %squeeze3A_1845, %squeeze3A : i32
      %and3A_1847 = arith.constant 7 : i32
      %and3A_1848 = arith.andi %sub3A_1846, %and3A_1847 : i32
      %mul3A_1849 = arith.constant 64 : i32
      %mul3A_1850 = arith.muli %and3A_1848, %mul3A_1849 : i32
      %broadcast_in_dim3A_1851 = vector.broadcast %and3A_1843 : i32 to vector<16xi32>
      %add3A_1852 = vector.broadcast %mul3A_1850 : i32 to vector<16xi32>
      %add3A_1853 = arith.addi %add3A_6, %add3A_1852 : vector<16xi32>
      %gather3A_1854 = tpu.vector_load_idx %arg12[%add3A_1853, %broadcast_in_dim3A_1851] : memref<512x128xf32, #tpu.memory_space<vmem>>[vector<16xi32>, vector<16xi32>], vector<16xf32>,
      %multiple_of3A_1855 = arith.constant 1216 : i32
      %multiple_of3A_1856 = tpu.assume_multiple %multiple_of3A_1855, 16 : i32
      %swap3A_1857 = arith.index_cast %multiple_of3A_1856 : i32 to index
      %swap3A_1858 = tpu.vector_load %arg13[%swap3A_1857] {strides = array<i32>} : memref<2048xf32, #tpu.memory_space<vmem>>, vector<16xf32>,
      tpu.vector_store %arg13[%swap3A_1857], %gather3A_1854 {strides = array<i32>} : memref<2048xf32, #tpu.memory_space<vmem>>, vector<16xf32>,
      %add3A_1859 = vector.broadcast %mul3A_1850 : i32 to vector<16xi32>
      %add3A_1860 = arith.addi %add3A_10, %add3A_1859 : vector<16xi32>
      %gather3A_1861 = tpu.vector_load_idx %arg12[%add3A_1860, %broadcast_in_dim3A_1851] : memref<512x128xf32, #tpu.memory_space<vmem>>[vector<16xi32>, vector<16xi32>], vector<16xf32>,
      %multiple_of3A_1862 = arith.constant 1232 : i32
      %multiple_of3A_1863 = tpu.assume_multiple %multiple_of3A_1862, 16 : i32
      %swap3A_1864 = arith.index_cast %multiple_of3A_1863 : i32 to index
      %swap3A_1865 = tpu.vector_load %arg13[%swap3A_1864] {strides = array<i32>} : memref<2048xf32, #tpu.memory_space<vmem>>, vector<16xf32>,
      tpu.vector_store %arg13[%swap3A_1864], %gather3A_1861 {strides = array<i32>} : memref<2048xf32, #tpu.memory_space<vmem>>, vector<16xf32>,
      %add3A_1866 = vector.broadcast %mul3A_1850 : i32 to vector<16xi32>
      %add3A_1867 = arith.addi %add3A_14, %add3A_1866 : vector<16xi32>
      %gather3A_1868 = tpu.vector_load_idx %arg12[%add3A_1867, %broadcast_in_dim3A_1851] : memref<512x128xf32, #tpu.memory_space<vmem>>[vector<16xi32>, vector<16xi32>], vector<16xf32>,
      %multiple_of3A_1869 = arith.constant 1248 : i32
      %multiple_of3A_1870 = tpu.assume_multiple %multiple_of3A_1869, 16 : i32
      %swap3A_1871 = arith.index_cast %multiple_of3A_1870 : i32 to index
      %swap3A_1872 = tpu.vector_load %arg13[%swap3A_1871] {strides = array<i32>} : memref<2048xf32, #tpu.memory_space<vmem>>, vector<16xf32>,
      tpu.vector_store %arg13[%swap3A_1871], %gather3A_1868 {strides = array<i32>} : memref<2048xf32, #tpu.memory_space<vmem>>, vector<16xf32>,
      %add3A_1873 = vector.broadcast %mul3A_1850 : i32 to vector<16xi32>
      %add3A_1874 = arith.addi %add3A_18, %add3A_1873 : vector<16xi32>
      %gather3A_1875 = tpu.vector_load_idx %arg12[%add3A_1874, %broadcast_in_dim3A_1851] : memref<512x128xf32, #tpu.memory_space<vmem>>[vector<16xi32>, vector<16xi32>], vector<16xf32>,
      %multiple_of3A_1876 = arith.constant 1264 : i32
      %multiple_of3A_1877 = tpu.assume_multiple %multiple_of3A_1876, 16 : i32
      %swap3A_1878 = arith.index_cast %multiple_of3A_1877 : i32 to index
      %swap3A_1879 = tpu.vector_load %arg13[%swap3A_1878] {strides = array<i32>} : memref<2048xf32, #tpu.memory_space<vmem>>, vector<16xf32>,
      tpu.vector_store %arg13[%swap3A_1878], %gather3A_1875 {strides = array<i32>} : memref<2048xf32, #tpu.memory_space<vmem>>, vector<16xf32>,
      %slice3A_1880 = vector.extract_strided_slice %get3A_1454 {offsets = [3], sizes = [1], strides = [1]} : vector<16xi32> to vector<1xi32>
      %squeeze3A_1881 = vector.extract %slice3A_1880[0] : i32 from vector<1xi32>
      %mul3A_1882 = arith.constant 64 : i32
      %mul3A_1883 = arith.muli %squeeze3A_1881, %mul3A_1882 : i32
      %multiple_of3A_1884 = tpu.assume_multiple %mul3A_1883, 64 : i32
      %multiple_of3A_1885 = arith.constant 1216 : i32
      %multiple_of3A_1886 = tpu.assume_multiple %multiple_of3A_1885, 64 : i32
      %dma_start3A_1887 = tpu.memref_slice %arg13[%multiple_of3A_1886] : memref<2048xf32, #tpu.memory_space<vmem>> -> memref<64xf32, #tpu.memory_space<vmem>>
      %dma_start3A_1888 = tpu.memref_slice %arg7[%multiple_of3A_1884] : memref<1048576xf32, #tpu.memory_space<hbm>> -> memref<64xf32, #tpu.memory_space<hbm>>
      %dma_start3A_1889 = tpu.memref_slice %arg7[%multiple_of3A_1884] : memref<1048576xf32, #tpu.memory_space<hbm>> -> memref<64xf32, #tpu.memory_space<hbm>>
      %dma_start3A_1890 = tpu.memref_slice %arg13[%multiple_of3A_1886] : memref<2048xf32, #tpu.memory_space<vmem>> -> memref<64xf32, #tpu.memory_space<vmem>>
      tpu.enqueue_dma source(%dma_start3A_1890 : memref<64xf32, #tpu.memory_space<vmem>>) target(%dma_start3A_1889 : memref<64xf32, #tpu.memory_space<hbm>>) target_semaphore(%arg17 : memref<!tpu.dma_semaphore, #tpu.memory_space<semaphore_mem>>)
      %slice3A_1891 = vector.extract_strided_slice %get3A_1452 {offsets = [8], sizes = [1], strides = [1]} : vector<16xi32> to vector<1xi32>
      %squeeze3A_1892 = vector.extract %slice3A_1891[0] : i32 from vector<1xi32>
      %and3A_1893 = arith.constant 127 : i32
      %and3A_1894 = arith.andi %squeeze3A_1892, %and3A_1893 : i32
      %sub3A_1895 = arith.subi %squeeze3A_1892, %and3A_1894 : i32
      %multiple_of3A_1896 = tpu.assume_multiple %sub3A_1895, 128 : i32
      %slice3A_1897 = vector.extract_strided_slice %get3A_1458 {offsets = [8], sizes = [1], strides = [1]} : vector<16xi32> to vector<1xi32>
      %squeeze3A_1898 = vector.extract %slice3A_1897[0] : i32 from vector<1xi32>
      %sub3A_1899 = arith.subi %squeeze3A_1898, %squeeze3A : i32
      %and3A_1900 = arith.constant 7 : i32
      %and3A_1901 = arith.andi %sub3A_1899, %and3A_1900 : i32
      %mul3A_1902 = arith.constant 64 : i32
      %mul3A_1903 = arith.muli %and3A_1901, %mul3A_1902 : i32
      %multiple_of3A_1904 = tpu.assume_multiple %mul3A_1903, 64 : i32
      %slice3A_1905 = vector.extract_strided_slice %get3A_1456 {offsets = [8], sizes = [1], strides = [1]} : vector<16xi32> to vector<1xi32>
      %squeeze3A_1906 = vector.extract %slice3A_1905[0] : i32 from vector<1xi32>
      %ne3A_1907 = arith.constant 0 : i32
      %ne3A_1908 = arith.cmpi ne, %squeeze3A_1906, %ne3A_1907 : i32
      %convert_element_type3A_1909 = arith.extui %ne3A_1908 : i1 to i32
      %cond3A_1910 = arith.constant 0 : i32
      %cond3A_1911 = arith.cmpi ne, %convert_element_type3A_1909, %cond3A_1910 : i32
      scf.if %cond3A_1911 {
        %dma_start3A_2851 = arith.constant 0 : i32
        %dma_start3A_2852 = tpu.memref_slice %arg12[%multiple_of3A_1904, %dma_start3A_2851] : memref<512x128xf32, #tpu.memory_space<vmem>> -> memref<64x128xf32, #tpu.memory_space<vmem>>
        %dma_start3A_2853 = arith.constant 0 : i32
        %dma_start3A_2854 = tpu.memref_slice %arg6[%dma_start3A_2853, %multiple_of3A_1896] : memref<64x1000001xf32, #tpu.memory_space<hbm>> -> memref<64x128xf32, #tpu.memory_space<hbm>>
        %dma_start3A_2855 = arith.constant 0 : i32
        %dma_start3A_2856 = tpu.memref_slice %arg12[%multiple_of3A_1904, %dma_start3A_2855] : memref<512x128xf32, #tpu.memory_space<vmem>> -> memref<64x128xf32, #tpu.memory_space<vmem>>
        %dma_start3A_2857 = arith.constant 0 : i32
        %dma_start3A_2858 = tpu.memref_slice %arg6[%dma_start3A_2857, %multiple_of3A_1896] : memref<64x1000001xf32, #tpu.memory_space<hbm>> -> memref<64x128xf32, #tpu.memory_space<hbm>>
        tpu.enqueue_dma source(%dma_start3A_2858 : memref<64x128xf32, #tpu.memory_space<hbm>>) target(%dma_start3A_2856 : memref<64x128xf32, #tpu.memory_space<vmem>>) target_semaphore(%arg14 : memref<!tpu.dma_semaphore, #tpu.memory_space<semaphore_mem>>)
      } else {
      }
      %slice3A_1912 = vector.extract_strided_slice %get3A_1452 {offsets = [9], sizes = [1], strides = [1]} : vector<16xi32> to vector<1xi32>
      %squeeze3A_1913 = vector.extract %slice3A_1912[0] : i32 from vector<1xi32>
      %and3A_1914 = arith.constant 127 : i32
      %and3A_1915 = arith.andi %squeeze3A_1913, %and3A_1914 : i32
      %sub3A_1916 = arith.subi %squeeze3A_1913, %and3A_1915 : i32
      %multiple_of3A_1917 = tpu.assume_multiple %sub3A_1916, 128 : i32
      %slice3A_1918 = vector.extract_strided_slice %get3A_1458 {offsets = [9], sizes = [1], strides = [1]} : vector<16xi32> to vector<1xi32>
      %squeeze3A_1919 = vector.extract %slice3A_1918[0] : i32 from vector<1xi32>
      %sub3A_1920 = arith.subi %squeeze3A_1919, %squeeze3A : i32
      %and3A_1921 = arith.constant 7 : i32
      %and3A_1922 = arith.andi %sub3A_1920, %and3A_1921 : i32
      %mul3A_1923 = arith.constant 64 : i32
      %mul3A_1924 = arith.muli %and3A_1922, %mul3A_1923 : i32
      %multiple_of3A_1925 = tpu.assume_multiple %mul3A_1924, 64 : i32
      %slice3A_1926 = vector.extract_strided_slice %get3A_1456 {offsets = [9], sizes = [1], strides = [1]} : vector<16xi32> to vector<1xi32>
      %squeeze3A_1927 = vector.extract %slice3A_1926[0] : i32 from vector<1xi32>
      %ne3A_1928 = arith.constant 0 : i32
      %ne3A_1929 = arith.cmpi ne, %squeeze3A_1927, %ne3A_1928 : i32
      %convert_element_type3A_1930 = arith.extui %ne3A_1929 : i1 to i32
      %cond3A_1931 = arith.constant 0 : i32
      %cond3A_1932 = arith.cmpi ne, %convert_element_type3A_1930, %cond3A_1931 : i32
      scf.if %cond3A_1932 {
        %dma_start3A_2851 = arith.constant 0 : i32
        %dma_start3A_2852 = tpu.memref_slice %arg12[%multiple_of3A_1925, %dma_start3A_2851] : memref<512x128xf32, #tpu.memory_space<vmem>> -> memref<64x128xf32, #tpu.memory_space<vmem>>
        %dma_start3A_2853 = arith.constant 0 : i32
        %dma_start3A_2854 = tpu.memref_slice %arg6[%dma_start3A_2853, %multiple_of3A_1917] : memref<64x1000001xf32, #tpu.memory_space<hbm>> -> memref<64x128xf32, #tpu.memory_space<hbm>>
        %dma_start3A_2855 = arith.constant 0 : i32
        %dma_start3A_2856 = tpu.memref_slice %arg12[%multiple_of3A_1925, %dma_start3A_2855] : memref<512x128xf32, #tpu.memory_space<vmem>> -> memref<64x128xf32, #tpu.memory_space<vmem>>
        %dma_start3A_2857 = arith.constant 0 : i32
        %dma_start3A_2858 = tpu.memref_slice %arg6[%dma_start3A_2857, %multiple_of3A_1917] : memref<64x1000001xf32, #tpu.memory_space<hbm>> -> memref<64x128xf32, #tpu.memory_space<hbm>>
        tpu.enqueue_dma source(%dma_start3A_2858 : memref<64x128xf32, #tpu.memory_space<hbm>>) target(%dma_start3A_2856 : memref<64x128xf32, #tpu.memory_space<vmem>>) target_semaphore(%arg14 : memref<!tpu.dma_semaphore, #tpu.memory_space<semaphore_mem>>)
      } else {
      }
      %slice3A_1933 = vector.extract_strided_slice %get3A_1452 {offsets = [10], sizes = [1], strides = [1]} : vector<16xi32> to vector<1xi32>
      %squeeze3A_1934 = vector.extract %slice3A_1933[0] : i32 from vector<1xi32>
      %and3A_1935 = arith.constant 127 : i32
      %and3A_1936 = arith.andi %squeeze3A_1934, %and3A_1935 : i32
      %sub3A_1937 = arith.subi %squeeze3A_1934, %and3A_1936 : i32
      %multiple_of3A_1938 = tpu.assume_multiple %sub3A_1937, 128 : i32
      %slice3A_1939 = vector.extract_strided_slice %get3A_1458 {offsets = [10], sizes = [1], strides = [1]} : vector<16xi32> to vector<1xi32>
      %squeeze3A_1940 = vector.extract %slice3A_1939[0] : i32 from vector<1xi32>
      %sub3A_1941 = arith.subi %squeeze3A_1940, %squeeze3A : i32
      %and3A_1942 = arith.constant 7 : i32
      %and3A_1943 = arith.andi %sub3A_1941, %and3A_1942 : i32
      %mul3A_1944 = arith.constant 64 : i32
      %mul3A_1945 = arith.muli %and3A_1943, %mul3A_1944 : i32
      %multiple_of3A_1946 = tpu.assume_multiple %mul3A_1945, 64 : i32
      %slice3A_1947 = vector.extract_strided_slice %get3A_1456 {offsets = [10], sizes = [1], strides = [1]} : vector<16xi32> to vector<1xi32>
      %squeeze3A_1948 = vector.extract %slice3A_1947[0] : i32 from vector<1xi32>
      %ne3A_1949 = arith.constant 0 : i32
      %ne3A_1950 = arith.cmpi ne, %squeeze3A_1948, %ne3A_1949 : i32
      %convert_element_type3A_1951 = arith.extui %ne3A_1950 : i1 to i32
      %cond3A_1952 = arith.constant 0 : i32
      %cond3A_1953 = arith.cmpi ne, %convert_element_type3A_1951, %cond3A_1952 : i32
      scf.if %cond3A_1953 {
        %dma_start3A_2851 = arith.constant 0 : i32
        %dma_start3A_2852 = tpu.memref_slice %arg12[%multiple_of3A_1946, %dma_start3A_2851] : memref<512x128xf32, #tpu.memory_space<vmem>> -> memref<64x128xf32, #tpu.memory_space<vmem>>
        %dma_start3A_2853 = arith.constant 0 : i32
        %dma_start3A_2854 = tpu.memref_slice %arg6[%dma_start3A_2853, %multiple_of3A_1938] : memref<64x1000001xf32, #tpu.memory_space<hbm>> -> memref<64x128xf32, #tpu.memory_space<hbm>>
        %dma_start3A_2855 = arith.constant 0 : i32
        %dma_start3A_2856 = tpu.memref_slice %arg12[%multiple_of3A_1946, %dma_start3A_2855] : memref<512x128xf32, #tpu.memory_space<vmem>> -> memref<64x128xf32, #tpu.memory_space<vmem>>
        %dma_start3A_2857 = arith.constant 0 : i32
        %dma_start3A_2858 = tpu.memref_slice %arg6[%dma_start3A_2857, %multiple_of3A_1938] : memref<64x1000001xf32, #tpu.memory_space<hbm>> -> memref<64x128xf32, #tpu.memory_space<hbm>>
        tpu.enqueue_dma source(%dma_start3A_2858 : memref<64x128xf32, #tpu.memory_space<hbm>>) target(%dma_start3A_2856 : memref<64x128xf32, #tpu.memory_space<vmem>>) target_semaphore(%arg14 : memref<!tpu.dma_semaphore, #tpu.memory_space<semaphore_mem>>)
      } else {
      }
      %slice3A_1954 = vector.extract_strided_slice %get3A_1452 {offsets = [11], sizes = [1], strides = [1]} : vector<16xi32> to vector<1xi32>
      %squeeze3A_1955 = vector.extract %slice3A_1954[0] : i32 from vector<1xi32>
      %and3A_1956 = arith.constant 127 : i32
      %and3A_1957 = arith.andi %squeeze3A_1955, %and3A_1956 : i32
      %sub3A_1958 = arith.subi %squeeze3A_1955, %and3A_1957 : i32
      %multiple_of3A_1959 = tpu.assume_multiple %sub3A_1958, 128 : i32
      %slice3A_1960 = vector.extract_strided_slice %get3A_1458 {offsets = [11], sizes = [1], strides = [1]} : vector<16xi32> to vector<1xi32>
      %squeeze3A_1961 = vector.extract %slice3A_1960[0] : i32 from vector<1xi32>
      %sub3A_1962 = arith.subi %squeeze3A_1961, %squeeze3A : i32
      %and3A_1963 = arith.constant 7 : i32
      %and3A_1964 = arith.andi %sub3A_1962, %and3A_1963 : i32
      %mul3A_1965 = arith.constant 64 : i32
      %mul3A_1966 = arith.muli %and3A_1964, %mul3A_1965 : i32
      %multiple_of3A_1967 = tpu.assume_multiple %mul3A_1966, 64 : i32
      %slice3A_1968 = vector.extract_strided_slice %get3A_1456 {offsets = [11], sizes = [1], strides = [1]} : vector<16xi32> to vector<1xi32>
      %squeeze3A_1969 = vector.extract %slice3A_1968[0] : i32 from vector<1xi32>
      %ne3A_1970 = arith.constant 0 : i32
      %ne3A_1971 = arith.cmpi ne, %squeeze3A_1969, %ne3A_1970 : i32
      %convert_element_type3A_1972 = arith.extui %ne3A_1971 : i1 to i32
      %cond3A_1973 = arith.constant 0 : i32
      %cond3A_1974 = arith.cmpi ne, %convert_element_type3A_1972, %cond3A_1973 : i32
      scf.if %cond3A_1974 {
        %dma_start3A_2851 = arith.constant 0 : i32
        %dma_start3A_2852 = tpu.memref_slice %arg12[%multiple_of3A_1967, %dma_start3A_2851] : memref<512x128xf32, #tpu.memory_space<vmem>> -> memref<64x128xf32, #tpu.memory_space<vmem>>
        %dma_start3A_2853 = arith.constant 0 : i32
        %dma_start3A_2854 = tpu.memref_slice %arg6[%dma_start3A_2853, %multiple_of3A_1959] : memref<64x1000001xf32, #tpu.memory_space<hbm>> -> memref<64x128xf32, #tpu.memory_space<hbm>>
        %dma_start3A_2855 = arith.constant 0 : i32
        %dma_start3A_2856 = tpu.memref_slice %arg12[%multiple_of3A_1967, %dma_start3A_2855] : memref<512x128xf32, #tpu.memory_space<vmem>> -> memref<64x128xf32, #tpu.memory_space<vmem>>
        %dma_start3A_2857 = arith.constant 0 : i32
        %dma_start3A_2858 = tpu.memref_slice %arg6[%dma_start3A_2857, %multiple_of3A_1959] : memref<64x1000001xf32, #tpu.memory_space<hbm>> -> memref<64x128xf32, #tpu.memory_space<hbm>>
        tpu.enqueue_dma source(%dma_start3A_2858 : memref<64x128xf32, #tpu.memory_space<hbm>>) target(%dma_start3A_2856 : memref<64x128xf32, #tpu.memory_space<vmem>>) target_semaphore(%arg14 : memref<!tpu.dma_semaphore, #tpu.memory_space<semaphore_mem>>)
      } else {
      }
      %slice3A_1975 = vector.extract_strided_slice %get3A_1458 {offsets = [4], sizes = [1], strides = [1]} : vector<16xi32> to vector<1xi32>
      %squeeze3A_1976 = vector.extract %slice3A_1975[0] : i32 from vector<1xi32>
      %sub3A_1977 = arith.subi %squeeze3A_1976, %squeeze3A : i32
      %and3A_1978 = arith.constant 7 : i32
      %and3A_1979 = arith.andi %sub3A_1977, %and3A_1978 : i32
      %mul3A_1980 = arith.constant 64 : i32
      %mul3A_1981 = arith.muli %and3A_1979, %mul3A_1980 : i32
      %multiple_of3A_1982 = tpu.assume_multiple %mul3A_1981, 64 : i32
      %slice3A_1983 = vector.extract_strided_slice %get3A_1456 {offsets = [4], sizes = [1], strides = [1]} : vector<16xi32> to vector<1xi32>
      %squeeze3A_1984 = vector.extract %slice3A_1983[0] : i32 from vector<1xi32>
      %ne3A_1985 = arith.constant 0 : i32
      %ne3A_1986 = arith.cmpi ne, %squeeze3A_1984, %ne3A_1985 : i32
      %convert_element_type3A_1987 = arith.extui %ne3A_1986 : i1 to i32
      %cond3A_1988 = arith.constant 0 : i32
      %cond3A_1989 = arith.cmpi ne, %convert_element_type3A_1987, %cond3A_1988 : i32
      scf.if %cond3A_1989 {
        %dma_wait3A_2851 = arith.constant 0 : i32
        %dma_wait3A_2852 = tpu.memref_slice %arg12[%multiple_of3A_1982, %dma_wait3A_2851] : memref<512x128xf32, #tpu.memory_space<vmem>> -> memref<64x128xf32, #tpu.memory_space<vmem>>
        %dma_wait3A_2853 = arith.constant 0 : i32
        %dma_wait3A_2854 = arith.constant 0 : i32
        %dma_wait3A_2855 = tpu.memref_slice %arg6[%dma_wait3A_2853, %dma_wait3A_2854] : memref<64x1000001xf32, #tpu.memory_space<hbm>> -> memref<64x128xf32, #tpu.memory_space<hbm>>
        %dma_wait3A_2856 = arith.constant 0 : i32
        %dma_wait3A_2857 = tpu.memref_slice %arg12[%multiple_of3A_1982, %dma_wait3A_2856] : memref<512x128xf32, #tpu.memory_space<vmem>> -> memref<64x128xf32, #tpu.memory_space<vmem>>
        %dma_wait3A_2858 = arith.constant 0 : i32
        %dma_wait3A_2859 = arith.constant 0 : i32
        %dma_wait3A_2860 = tpu.memref_slice %arg6[%dma_wait3A_2858, %dma_wait3A_2859] : memref<64x1000001xf32, #tpu.memory_space<hbm>> -> memref<64x128xf32, #tpu.memory_space<hbm>>
        tpu.wait_dma2 semaphore(%arg15 : memref<!tpu.dma_semaphore, #tpu.memory_space<semaphore_mem>>) src(%dma_wait3A_2860 : memref<64x128xf32, #tpu.memory_space<hbm>>) dst(%dma_wait3A_2857 : memref<64x128xf32, #tpu.memory_space<vmem>>)
      } else {
      }
      %slice3A_1990 = vector.extract_strided_slice %get3A_1458 {offsets = [5], sizes = [1], strides = [1]} : vector<16xi32> to vector<1xi32>
      %squeeze3A_1991 = vector.extract %slice3A_1990[0] : i32 from vector<1xi32>
      %sub3A_1992 = arith.subi %squeeze3A_1991, %squeeze3A : i32
      %and3A_1993 = arith.constant 7 : i32
      %and3A_1994 = arith.andi %sub3A_1992, %and3A_1993 : i32
      %mul3A_1995 = arith.constant 64 : i32
      %mul3A_1996 = arith.muli %and3A_1994, %mul3A_1995 : i32
      %multiple_of3A_1997 = tpu.assume_multiple %mul3A_1996, 64 : i32
      %slice3A_1998 = vector.extract_strided_slice %get3A_1456 {offsets = [5], sizes = [1], strides = [1]} : vector<16xi32> to vector<1xi32>
      %squeeze3A_1999 = vector.extract %slice3A_1998[0] : i32 from vector<1xi32>
      %ne3A_2000 = arith.constant 0 : i32
      %ne3A_2001 = arith.cmpi ne, %squeeze3A_1999, %ne3A_2000 : i32
      %convert_element_type3A_2002 = arith.extui %ne3A_2001 : i1 to i32
      %cond3A_2003 = arith.constant 0 : i32
      %cond3A_2004 = arith.cmpi ne, %convert_element_type3A_2002, %cond3A_2003 : i32
      scf.if %cond3A_2004 {
        %dma_wait3A_2851 = arith.constant 0 : i32
        %dma_wait3A_2852 = tpu.memref_slice %arg12[%multiple_of3A_1997, %dma_wait3A_2851] : memref<512x128xf32, #tpu.memory_space<vmem>> -> memref<64x128xf32, #tpu.memory_space<vmem>>
        %dma_wait3A_2853 = arith.constant 0 : i32
        %dma_wait3A_2854 = arith.constant 0 : i32
        %dma_wait3A_2855 = tpu.memref_slice %arg6[%dma_wait3A_2853, %dma_wait3A_2854] : memref<64x1000001xf32, #tpu.memory_space<hbm>> -> memref<64x128xf32, #tpu.memory_space<hbm>>
        %dma_wait3A_2856 = arith.constant 0 : i32
        %dma_wait3A_2857 = tpu.memref_slice %arg12[%multiple_of3A_1997, %dma_wait3A_2856] : memref<512x128xf32, #tpu.memory_space<vmem>> -> memref<64x128xf32, #tpu.memory_space<vmem>>
        %dma_wait3A_2858 = arith.constant 0 : i32
        %dma_wait3A_2859 = arith.constant 0 : i32
        %dma_wait3A_2860 = tpu.memref_slice %arg6[%dma_wait3A_2858, %dma_wait3A_2859] : memref<64x1000001xf32, #tpu.memory_space<hbm>> -> memref<64x128xf32, #tpu.memory_space<hbm>>
        tpu.wait_dma2 semaphore(%arg15 : memref<!tpu.dma_semaphore, #tpu.memory_space<semaphore_mem>>) src(%dma_wait3A_2860 : memref<64x128xf32, #tpu.memory_space<hbm>>) dst(%dma_wait3A_2857 : memref<64x128xf32, #tpu.memory_space<vmem>>)
      } else {
      }
      %slice3A_2005 = vector.extract_strided_slice %get3A_1458 {offsets = [6], sizes = [1], strides = [1]} : vector<16xi32> to vector<1xi32>
      %squeeze3A_2006 = vector.extract %slice3A_2005[0] : i32 from vector<1xi32>
      %sub3A_2007 = arith.subi %squeeze3A_2006, %squeeze3A : i32
      %and3A_2008 = arith.constant 7 : i32
      %and3A_2009 = arith.andi %sub3A_2007, %and3A_2008 : i32
      %mul3A_2010 = arith.constant 64 : i32
      %mul3A_2011 = arith.muli %and3A_2009, %mul3A_2010 : i32
      %multiple_of3A_2012 = tpu.assume_multiple %mul3A_2011, 64 : i32
      %slice3A_2013 = vector.extract_strided_slice %get3A_1456 {offsets = [6], sizes = [1], strides = [1]} : vector<16xi32> to vector<1xi32>
      %squeeze3A_2014 = vector.extract %slice3A_2013[0] : i32 from vector<1xi32>
      %ne3A_2015 = arith.constant 0 : i32
      %ne3A_2016 = arith.cmpi ne, %squeeze3A_2014, %ne3A_2015 : i32
      %convert_element_type3A_2017 = arith.extui %ne3A_2016 : i1 to i32
      %cond3A_2018 = arith.constant 0 : i32
      %cond3A_2019 = arith.cmpi ne, %convert_element_type3A_2017, %cond3A_2018 : i32
      scf.if %cond3A_2019 {
        %dma_wait3A_2851 = arith.constant 0 : i32
        %dma_wait3A_2852 = tpu.memref_slice %arg12[%multiple_of3A_2012, %dma_wait3A_2851] : memref<512x128xf32, #tpu.memory_space<vmem>> -> memref<64x128xf32, #tpu.memory_space<vmem>>
        %dma_wait3A_2853 = arith.constant 0 : i32
        %dma_wait3A_2854 = arith.constant 0 : i32
        %dma_wait3A_2855 = tpu.memref_slice %arg6[%dma_wait3A_2853, %dma_wait3A_2854] : memref<64x1000001xf32, #tpu.memory_space<hbm>> -> memref<64x128xf32, #tpu.memory_space<hbm>>
        %dma_wait3A_2856 = arith.constant 0 : i32
        %dma_wait3A_2857 = tpu.memref_slice %arg12[%multiple_of3A_2012, %dma_wait3A_2856] : memref<512x128xf32, #tpu.memory_space<vmem>> -> memref<64x128xf32, #tpu.memory_space<vmem>>
        %dma_wait3A_2858 = arith.constant 0 : i32
        %dma_wait3A_2859 = arith.constant 0 : i32
        %dma_wait3A_2860 = tpu.memref_slice %arg6[%dma_wait3A_2858, %dma_wait3A_2859] : memref<64x1000001xf32, #tpu.memory_space<hbm>> -> memref<64x128xf32, #tpu.memory_space<hbm>>
        tpu.wait_dma2 semaphore(%arg15 : memref<!tpu.dma_semaphore, #tpu.memory_space<semaphore_mem>>) src(%dma_wait3A_2860 : memref<64x128xf32, #tpu.memory_space<hbm>>) dst(%dma_wait3A_2857 : memref<64x128xf32, #tpu.memory_space<vmem>>)
      } else {
      }
      %slice3A_2020 = vector.extract_strided_slice %get3A_1458 {offsets = [7], sizes = [1], strides = [1]} : vector<16xi32> to vector<1xi32>
      %squeeze3A_2021 = vector.extract %slice3A_2020[0] : i32 from vector<1xi32>
      %sub3A_2022 = arith.subi %squeeze3A_2021, %squeeze3A : i32
      %and3A_2023 = arith.constant 7 : i32
      %and3A_2024 = arith.andi %sub3A_2022, %and3A_2023 : i32
      %mul3A_2025 = arith.constant 64 : i32
      %mul3A_2026 = arith.muli %and3A_2024, %mul3A_2025 : i32
      %multiple_of3A_2027 = tpu.assume_multiple %mul3A_2026, 64 : i32
      %slice3A_2028 = vector.extract_strided_slice %get3A_1456 {offsets = [7], sizes = [1], strides = [1]} : vector<16xi32> to vector<1xi32>
      %squeeze3A_2029 = vector.extract %slice3A_2028[0] : i32 from vector<1xi32>
      %ne3A_2030 = arith.constant 0 : i32
      %ne3A_2031 = arith.cmpi ne, %squeeze3A_2029, %ne3A_2030 : i32
      %convert_element_type3A_2032 = arith.extui %ne3A_2031 : i1 to i32
      %cond3A_2033 = arith.constant 0 : i32
      %cond3A_2034 = arith.cmpi ne, %convert_element_type3A_2032, %cond3A_2033 : i32
      scf.if %cond3A_2034 {
        %dma_wait3A_2851 = arith.constant 0 : i32
        %dma_wait3A_2852 = tpu.memref_slice %arg12[%multiple_of3A_2027, %dma_wait3A_2851] : memref<512x128xf32, #tpu.memory_space<vmem>> -> memref<64x128xf32, #tpu.memory_space<vmem>>
        %dma_wait3A_2853 = arith.constant 0 : i32
        %dma_wait3A_2854 = arith.constant 0 : i32
        %dma_wait3A_2855 = tpu.memref_slice %arg6[%dma_wait3A_2853, %dma_wait3A_2854] : memref<64x1000001xf32, #tpu.memory_space<hbm>> -> memref<64x128xf32, #tpu.memory_space<hbm>>
        %dma_wait3A_2856 = arith.constant 0 : i32
        %dma_wait3A_2857 = tpu.memref_slice %arg12[%multiple_of3A_2027, %dma_wait3A_2856] : memref<512x128xf32, #tpu.memory_space<vmem>> -> memref<64x128xf32, #tpu.memory_space<vmem>>
        %dma_wait3A_2858 = arith.constant 0 : i32
        %dma_wait3A_2859 = arith.constant 0 : i32
        %dma_wait3A_2860 = tpu.memref_slice %arg6[%dma_wait3A_2858, %dma_wait3A_2859] : memref<64x1000001xf32, #tpu.memory_space<hbm>> -> memref<64x128xf32, #tpu.memory_space<hbm>>
        tpu.wait_dma2 semaphore(%arg15 : memref<!tpu.dma_semaphore, #tpu.memory_space<semaphore_mem>>) src(%dma_wait3A_2860 : memref<64x128xf32, #tpu.memory_space<hbm>>) dst(%dma_wait3A_2857 : memref<64x128xf32, #tpu.memory_space<vmem>>)
      } else {
      }
      %slice3A_2035 = vector.extract_strided_slice %get3A_1452 {offsets = [4], sizes = [1], strides = [1]} : vector<16xi32> to vector<1xi32>
      %squeeze3A_2036 = vector.extract %slice3A_2035[0] : i32 from vector<1xi32>
      %and3A_2037 = arith.constant 127 : i32
      %and3A_2038 = arith.andi %squeeze3A_2036, %and3A_2037 : i32
      %slice3A_2039 = vector.extract_strided_slice %get3A_1458 {offsets = [4], sizes = [1], strides = [1]} : vector<16xi32> to vector<1xi32>
      %squeeze3A_2040 = vector.extract %slice3A_2039[0] : i32 from vector<1xi32>
      %sub3A_2041 = arith.subi %squeeze3A_2040, %squeeze3A : i32
      %and3A_2042 = arith.constant 7 : i32
      %and3A_2043 = arith.andi %sub3A_2041, %and3A_2042 : i32
      %mul3A_2044 = arith.constant 64 : i32
      %mul3A_2045 = arith.muli %and3A_2043, %mul3A_2044 : i32
      %broadcast_in_dim3A_2046 = vector.broadcast %and3A_2038 : i32 to vector<16xi32>
      %add3A_2047 = vector.broadcast %mul3A_2045 : i32 to vector<16xi32>
      %add3A_2048 = arith.addi %add3A_6, %add3A_2047 : vector<16xi32>
      %gather3A_2049 = tpu.vector_load_idx %arg12[%add3A_2048, %broadcast_in_dim3A_2046] : memref<512x128xf32, #tpu.memory_space<vmem>>[vector<16xi32>, vector<16xi32>], vector<16xf32>,
      %multiple_of3A_2050 = arith.constant 1280 : i32
      %multiple_of3A_2051 = tpu.assume_multiple %multiple_of3A_2050, 16 : i32
      %swap3A_2052 = arith.index_cast %multiple_of3A_2051 : i32 to index
      %swap3A_2053 = tpu.vector_load %arg13[%swap3A_2052] {strides = array<i32>} : memref<2048xf32, #tpu.memory_space<vmem>>, vector<16xf32>,
      tpu.vector_store %arg13[%swap3A_2052], %gather3A_2049 {strides = array<i32>} : memref<2048xf32, #tpu.memory_space<vmem>>, vector<16xf32>,
      %add3A_2054 = vector.broadcast %mul3A_2045 : i32 to vector<16xi32>
      %add3A_2055 = arith.addi %add3A_10, %add3A_2054 : vector<16xi32>
      %gather3A_2056 = tpu.vector_load_idx %arg12[%add3A_2055, %broadcast_in_dim3A_2046] : memref<512x128xf32, #tpu.memory_space<vmem>>[vector<16xi32>, vector<16xi32>], vector<16xf32>,
      %multiple_of3A_2057 = arith.constant 1296 : i32
      %multiple_of3A_2058 = tpu.assume_multiple %multiple_of3A_2057, 16 : i32
      %swap3A_2059 = arith.index_cast %multiple_of3A_2058 : i32 to index
      %swap3A_2060 = tpu.vector_load %arg13[%swap3A_2059] {strides = array<i32>} : memref<2048xf32, #tpu.memory_space<vmem>>, vector<16xf32>,
      tpu.vector_store %arg13[%swap3A_2059], %gather3A_2056 {strides = array<i32>} : memref<2048xf32, #tpu.memory_space<vmem>>, vector<16xf32>,
      %add3A_2061 = vector.broadcast %mul3A_2045 : i32 to vector<16xi32>
      %add3A_2062 = arith.addi %add3A_14, %add3A_2061 : vector<16xi32>
      %gather3A_2063 = tpu.vector_load_idx %arg12[%add3A_2062, %broadcast_in_dim3A_2046] : memref<512x128xf32, #tpu.memory_space<vmem>>[vector<16xi32>, vector<16xi32>], vector<16xf32>,
      %multiple_of3A_2064 = arith.constant 1312 : i32
      %multiple_of3A_2065 = tpu.assume_multiple %multiple_of3A_2064, 16 : i32
      %swap3A_2066 = arith.index_cast %multiple_of3A_2065 : i32 to index
      %swap3A_2067 = tpu.vector_load %arg13[%swap3A_2066] {strides = array<i32>} : memref<2048xf32, #tpu.memory_space<vmem>>, vector<16xf32>,
      tpu.vector_store %arg13[%swap3A_2066], %gather3A_2063 {strides = array<i32>} : memref<2048xf32, #tpu.memory_space<vmem>>, vector<16xf32>,
      %add3A_2068 = vector.broadcast %mul3A_2045 : i32 to vector<16xi32>
      %add3A_2069 = arith.addi %add3A_18, %add3A_2068 : vector<16xi32>
      %gather3A_2070 = tpu.vector_load_idx %arg12[%add3A_2069, %broadcast_in_dim3A_2046] : memref<512x128xf32, #tpu.memory_space<vmem>>[vector<16xi32>, vector<16xi32>], vector<16xf32>,
      %multiple_of3A_2071 = arith.constant 1328 : i32
      %multiple_of3A_2072 = tpu.assume_multiple %multiple_of3A_2071, 16 : i32
      %swap3A_2073 = arith.index_cast %multiple_of3A_2072 : i32 to index
      %swap3A_2074 = tpu.vector_load %arg13[%swap3A_2073] {strides = array<i32>} : memref<2048xf32, #tpu.memory_space<vmem>>, vector<16xf32>,
      tpu.vector_store %arg13[%swap3A_2073], %gather3A_2070 {strides = array<i32>} : memref<2048xf32, #tpu.memory_space<vmem>>, vector<16xf32>,
      %slice3A_2075 = vector.extract_strided_slice %get3A_1454 {offsets = [4], sizes = [1], strides = [1]} : vector<16xi32> to vector<1xi32>
      %squeeze3A_2076 = vector.extract %slice3A_2075[0] : i32 from vector<1xi32>
      %mul3A_2077 = arith.constant 64 : i32
      %mul3A_2078 = arith.muli %squeeze3A_2076, %mul3A_2077 : i32
      %multiple_of3A_2079 = tpu.assume_multiple %mul3A_2078, 64 : i32
      %multiple_of3A_2080 = arith.constant 1280 : i32
      %multiple_of3A_2081 = tpu.assume_multiple %multiple_of3A_2080, 64 : i32
      %dma_start3A_2082 = tpu.memref_slice %arg13[%multiple_of3A_2081] : memref<2048xf32, #tpu.memory_space<vmem>> -> memref<64xf32, #tpu.memory_space<vmem>>
      %dma_start3A_2083 = tpu.memref_slice %arg7[%multiple_of3A_2079] : memref<1048576xf32, #tpu.memory_space<hbm>> -> memref<64xf32, #tpu.memory_space<hbm>>
      %dma_start3A_2084 = tpu.memref_slice %arg7[%multiple_of3A_2079] : memref<1048576xf32, #tpu.memory_space<hbm>> -> memref<64xf32, #tpu.memory_space<hbm>>
      %dma_start3A_2085 = tpu.memref_slice %arg13[%multiple_of3A_2081] : memref<2048xf32, #tpu.memory_space<vmem>> -> memref<64xf32, #tpu.memory_space<vmem>>
      tpu.enqueue_dma source(%dma_start3A_2085 : memref<64xf32, #tpu.memory_space<vmem>>) target(%dma_start3A_2084 : memref<64xf32, #tpu.memory_space<hbm>>) target_semaphore(%arg17 : memref<!tpu.dma_semaphore, #tpu.memory_space<semaphore_mem>>)
      %slice3A_2086 = vector.extract_strided_slice %get3A_1452 {offsets = [5], sizes = [1], strides = [1]} : vector<16xi32> to vector<1xi32>
      %squeeze3A_2087 = vector.extract %slice3A_2086[0] : i32 from vector<1xi32>
      %and3A_2088 = arith.constant 127 : i32
      %and3A_2089 = arith.andi %squeeze3A_2087, %and3A_2088 : i32
      %slice3A_2090 = vector.extract_strided_slice %get3A_1458 {offsets = [5], sizes = [1], strides = [1]} : vector<16xi32> to vector<1xi32>
      %squeeze3A_2091 = vector.extract %slice3A_2090[0] : i32 from vector<1xi32>
      %sub3A_2092 = arith.subi %squeeze3A_2091, %squeeze3A : i32
      %and3A_2093 = arith.constant 7 : i32
      %and3A_2094 = arith.andi %sub3A_2092, %and3A_2093 : i32
      %mul3A_2095 = arith.constant 64 : i32
      %mul3A_2096 = arith.muli %and3A_2094, %mul3A_2095 : i32
      %broadcast_in_dim3A_2097 = vector.broadcast %and3A_2089 : i32 to vector<16xi32>
      %add3A_2098 = vector.broadcast %mul3A_2096 : i32 to vector<16xi32>
      %add3A_2099 = arith.addi %add3A_6, %add3A_2098 : vector<16xi32>
      %gather3A_2100 = tpu.vector_load_idx %arg12[%add3A_2099, %broadcast_in_dim3A_2097] : memref<512x128xf32, #tpu.memory_space<vmem>>[vector<16xi32>, vector<16xi32>], vector<16xf32>,
      %multiple_of3A_2101 = arith.constant 1344 : i32
      %multiple_of3A_2102 = tpu.assume_multiple %multiple_of3A_2101, 16 : i32
      %swap3A_2103 = arith.index_cast %multiple_of3A_2102 : i32 to index
      %swap3A_2104 = tpu.vector_load %arg13[%swap3A_2103] {strides = array<i32>} : memref<2048xf32, #tpu.memory_space<vmem>>, vector<16xf32>,
      tpu.vector_store %arg13[%swap3A_2103], %gather3A_2100 {strides = array<i32>} : memref<2048xf32, #tpu.memory_space<vmem>>, vector<16xf32>,
      %add3A_2105 = vector.broadcast %mul3A_2096 : i32 to vector<16xi32>
      %add3A_2106 = arith.addi %add3A_10, %add3A_2105 : vector<16xi32>
      %gather3A_2107 = tpu.vector_load_idx %arg12[%add3A_2106, %broadcast_in_dim3A_2097] : memref<512x128xf32, #tpu.memory_space<vmem>>[vector<16xi32>, vector<16xi32>], vector<16xf32>,
      %multiple_of3A_2108 = arith.constant 1360 : i32
      %multiple_of3A_2109 = tpu.assume_multiple %multiple_of3A_2108, 16 : i32
      %swap3A_2110 = arith.index_cast %multiple_of3A_2109 : i32 to index
      %swap3A_2111 = tpu.vector_load %arg13[%swap3A_2110] {strides = array<i32>} : memref<2048xf32, #tpu.memory_space<vmem>>, vector<16xf32>,
      tpu.vector_store %arg13[%swap3A_2110], %gather3A_2107 {strides = array<i32>} : memref<2048xf32, #tpu.memory_space<vmem>>, vector<16xf32>,
      %add3A_2112 = vector.broadcast %mul3A_2096 : i32 to vector<16xi32>
      %add3A_2113 = arith.addi %add3A_14, %add3A_2112 : vector<16xi32>
      %gather3A_2114 = tpu.vector_load_idx %arg12[%add3A_2113, %broadcast_in_dim3A_2097] : memref<512x128xf32, #tpu.memory_space<vmem>>[vector<16xi32>, vector<16xi32>], vector<16xf32>,
      %multiple_of3A_2115 = arith.constant 1376 : i32
      %multiple_of3A_2116 = tpu.assume_multiple %multiple_of3A_2115, 16 : i32
      %swap3A_2117 = arith.index_cast %multiple_of3A_2116 : i32 to index
      %swap3A_2118 = tpu.vector_load %arg13[%swap3A_2117] {strides = array<i32>} : memref<2048xf32, #tpu.memory_space<vmem>>, vector<16xf32>,
      tpu.vector_store %arg13[%swap3A_2117], %gather3A_2114 {strides = array<i32>} : memref<2048xf32, #tpu.memory_space<vmem>>, vector<16xf32>,
      %add3A_2119 = vector.broadcast %mul3A_2096 : i32 to vector<16xi32>
      %add3A_2120 = arith.addi %add3A_18, %add3A_2119 : vector<16xi32>
      %gather3A_2121 = tpu.vector_load_idx %arg12[%add3A_2120, %broadcast_in_dim3A_2097] : memref<512x128xf32, #tpu.memory_space<vmem>>[vector<16xi32>, vector<16xi32>], vector<16xf32>,
      %multiple_of3A_2122 = arith.constant 1392 : i32
      %multiple_of3A_2123 = tpu.assume_multiple %multiple_of3A_2122, 16 : i32
      %swap3A_2124 = arith.index_cast %multiple_of3A_2123 : i32 to index
      %swap3A_2125 = tpu.vector_load %arg13[%swap3A_2124] {strides = array<i32>} : memref<2048xf32, #tpu.memory_space<vmem>>, vector<16xf32>,
      tpu.vector_store %arg13[%swap3A_2124], %gather3A_2121 {strides = array<i32>} : memref<2048xf32, #tpu.memory_space<vmem>>, vector<16xf32>,
      %slice3A_2126 = vector.extract_strided_slice %get3A_1454 {offsets = [5], sizes = [1], strides = [1]} : vector<16xi32> to vector<1xi32>
      %squeeze3A_2127 = vector.extract %slice3A_2126[0] : i32 from vector<1xi32>
      %mul3A_2128 = arith.constant 64 : i32
      %mul3A_2129 = arith.muli %squeeze3A_2127, %mul3A_2128 : i32
      %multiple_of3A_2130 = tpu.assume_multiple %mul3A_2129, 64 : i32
      %multiple_of3A_2131 = arith.constant 1344 : i32
      %multiple_of3A_2132 = tpu.assume_multiple %multiple_of3A_2131, 64 : i32
      %dma_start3A_2133 = tpu.memref_slice %arg13[%multiple_of3A_2132] : memref<2048xf32, #tpu.memory_space<vmem>> -> memref<64xf32, #tpu.memory_space<vmem>>
      %dma_start3A_2134 = tpu.memref_slice %arg7[%multiple_of3A_2130] : memref<1048576xf32, #tpu.memory_space<hbm>> -> memref<64xf32, #tpu.memory_space<hbm>>
      %dma_start3A_2135 = tpu.memref_slice %arg7[%multiple_of3A_2130] : memref<1048576xf32, #tpu.memory_space<hbm>> -> memref<64xf32, #tpu.memory_space<hbm>>
      %dma_start3A_2136 = tpu.memref_slice %arg13[%multiple_of3A_2132] : memref<2048xf32, #tpu.memory_space<vmem>> -> memref<64xf32, #tpu.memory_space<vmem>>
      tpu.enqueue_dma source(%dma_start3A_2136 : memref<64xf32, #tpu.memory_space<vmem>>) target(%dma_start3A_2135 : memref<64xf32, #tpu.memory_space<hbm>>) target_semaphore(%arg17 : memref<!tpu.dma_semaphore, #tpu.memory_space<semaphore_mem>>)
      %slice3A_2137 = vector.extract_strided_slice %get3A_1452 {offsets = [6], sizes = [1], strides = [1]} : vector<16xi32> to vector<1xi32>
      %squeeze3A_2138 = vector.extract %slice3A_2137[0] : i32 from vector<1xi32>
      %and3A_2139 = arith.constant 127 : i32
      %and3A_2140 = arith.andi %squeeze3A_2138, %and3A_2139 : i32
      %slice3A_2141 = vector.extract_strided_slice %get3A_1458 {offsets = [6], sizes = [1], strides = [1]} : vector<16xi32> to vector<1xi32>
      %squeeze3A_2142 = vector.extract %slice3A_2141[0] : i32 from vector<1xi32>
      %sub3A_2143 = arith.subi %squeeze3A_2142, %squeeze3A : i32
      %and3A_2144 = arith.constant 7 : i32
      %and3A_2145 = arith.andi %sub3A_2143, %and3A_2144 : i32
      %mul3A_2146 = arith.constant 64 : i32
      %mul3A_2147 = arith.muli %and3A_2145, %mul3A_2146 : i32
      %broadcast_in_dim3A_2148 = vector.broadcast %and3A_2140 : i32 to vector<16xi32>
      %add3A_2149 = vector.broadcast %mul3A_2147 : i32 to vector<16xi32>
      %add3A_2150 = arith.addi %add3A_6, %add3A_2149 : vector<16xi32>
      %gather3A_2151 = tpu.vector_load_idx %arg12[%add3A_2150, %broadcast_in_dim3A_2148] : memref<512x128xf32, #tpu.memory_space<vmem>>[vector<16xi32>, vector<16xi32>], vector<16xf32>,
      %multiple_of3A_2152 = arith.constant 1408 : i32
      %multiple_of3A_2153 = tpu.assume_multiple %multiple_of3A_2152, 16 : i32
      %swap3A_2154 = arith.index_cast %multiple_of3A_2153 : i32 to index
      %swap3A_2155 = tpu.vector_load %arg13[%swap3A_2154] {strides = array<i32>} : memref<2048xf32, #tpu.memory_space<vmem>>, vector<16xf32>,
      tpu.vector_store %arg13[%swap3A_2154], %gather3A_2151 {strides = array<i32>} : memref<2048xf32, #tpu.memory_space<vmem>>, vector<16xf32>,
      %add3A_2156 = vector.broadcast %mul3A_2147 : i32 to vector<16xi32>
      %add3A_2157 = arith.addi %add3A_10, %add3A_2156 : vector<16xi32>
      %gather3A_2158 = tpu.vector_load_idx %arg12[%add3A_2157, %broadcast_in_dim3A_2148] : memref<512x128xf32, #tpu.memory_space<vmem>>[vector<16xi32>, vector<16xi32>], vector<16xf32>,
      %multiple_of3A_2159 = arith.constant 1424 : i32
      %multiple_of3A_2160 = tpu.assume_multiple %multiple_of3A_2159, 16 : i32
      %swap3A_2161 = arith.index_cast %multiple_of3A_2160 : i32 to index
      %swap3A_2162 = tpu.vector_load %arg13[%swap3A_2161] {strides = array<i32>} : memref<2048xf32, #tpu.memory_space<vmem>>, vector<16xf32>,
      tpu.vector_store %arg13[%swap3A_2161], %gather3A_2158 {strides = array<i32>} : memref<2048xf32, #tpu.memory_space<vmem>>, vector<16xf32>,
      %add3A_2163 = vector.broadcast %mul3A_2147 : i32 to vector<16xi32>
      %add3A_2164 = arith.addi %add3A_14, %add3A_2163 : vector<16xi32>
      %gather3A_2165 = tpu.vector_load_idx %arg12[%add3A_2164, %broadcast_in_dim3A_2148] : memref<512x128xf32, #tpu.memory_space<vmem>>[vector<16xi32>, vector<16xi32>], vector<16xf32>,
      %multiple_of3A_2166 = arith.constant 1440 : i32
      %multiple_of3A_2167 = tpu.assume_multiple %multiple_of3A_2166, 16 : i32
      %swap3A_2168 = arith.index_cast %multiple_of3A_2167 : i32 to index
      %swap3A_2169 = tpu.vector_load %arg13[%swap3A_2168] {strides = array<i32>} : memref<2048xf32, #tpu.memory_space<vmem>>, vector<16xf32>,
      tpu.vector_store %arg13[%swap3A_2168], %gather3A_2165 {strides = array<i32>} : memref<2048xf32, #tpu.memory_space<vmem>>, vector<16xf32>,
      %add3A_2170 = vector.broadcast %mul3A_2147 : i32 to vector<16xi32>
      %add3A_2171 = arith.addi %add3A_18, %add3A_2170 : vector<16xi32>
      %gather3A_2172 = tpu.vector_load_idx %arg12[%add3A_2171, %broadcast_in_dim3A_2148] : memref<512x128xf32, #tpu.memory_space<vmem>>[vector<16xi32>, vector<16xi32>], vector<16xf32>,
      %multiple_of3A_2173 = arith.constant 1456 : i32
      %multiple_of3A_2174 = tpu.assume_multiple %multiple_of3A_2173, 16 : i32
      %swap3A_2175 = arith.index_cast %multiple_of3A_2174 : i32 to index
      %swap3A_2176 = tpu.vector_load %arg13[%swap3A_2175] {strides = array<i32>} : memref<2048xf32, #tpu.memory_space<vmem>>, vector<16xf32>,
      tpu.vector_store %arg13[%swap3A_2175], %gather3A_2172 {strides = array<i32>} : memref<2048xf32, #tpu.memory_space<vmem>>, vector<16xf32>,
      %slice3A_2177 = vector.extract_strided_slice %get3A_1454 {offsets = [6], sizes = [1], strides = [1]} : vector<16xi32> to vector<1xi32>
      %squeeze3A_2178 = vector.extract %slice3A_2177[0] : i32 from vector<1xi32>
      %mul3A_2179 = arith.constant 64 : i32
      %mul3A_2180 = arith.muli %squeeze3A_2178, %mul3A_2179 : i32
      %multiple_of3A_2181 = tpu.assume_multiple %mul3A_2180, 64 : i32
      %multiple_of3A_2182 = arith.constant 1408 : i32
      %multiple_of3A_2183 = tpu.assume_multiple %multiple_of3A_2182, 64 : i32
      %dma_start3A_2184 = tpu.memref_slice %arg13[%multiple_of3A_2183] : memref<2048xf32, #tpu.memory_space<vmem>> -> memref<64xf32, #tpu.memory_space<vmem>>
      %dma_start3A_2185 = tpu.memref_slice %arg7[%multiple_of3A_2181] : memref<1048576xf32, #tpu.memory_space<hbm>> -> memref<64xf32, #tpu.memory_space<hbm>>
      %dma_start3A_2186 = tpu.memref_slice %arg7[%multiple_of3A_2181] : memref<1048576xf32, #tpu.memory_space<hbm>> -> memref<64xf32, #tpu.memory_space<hbm>>
      %dma_start3A_2187 = tpu.memref_slice %arg13[%multiple_of3A_2183] : memref<2048xf32, #tpu.memory_space<vmem>> -> memref<64xf32, #tpu.memory_space<vmem>>
      tpu.enqueue_dma source(%dma_start3A_2187 : memref<64xf32, #tpu.memory_space<vmem>>) target(%dma_start3A_2186 : memref<64xf32, #tpu.memory_space<hbm>>) target_semaphore(%arg17 : memref<!tpu.dma_semaphore, #tpu.memory_space<semaphore_mem>>)
      %slice3A_2188 = vector.extract_strided_slice %get3A_1452 {offsets = [7], sizes = [1], strides = [1]} : vector<16xi32> to vector<1xi32>
      %squeeze3A_2189 = vector.extract %slice3A_2188[0] : i32 from vector<1xi32>
      %and3A_2190 = arith.constant 127 : i32
      %and3A_2191 = arith.andi %squeeze3A_2189, %and3A_2190 : i32
      %slice3A_2192 = vector.extract_strided_slice %get3A_1458 {offsets = [7], sizes = [1], strides = [1]} : vector<16xi32> to vector<1xi32>
      %squeeze3A_2193 = vector.extract %slice3A_2192[0] : i32 from vector<1xi32>
      %sub3A_2194 = arith.subi %squeeze3A_2193, %squeeze3A : i32
      %and3A_2195 = arith.constant 7 : i32
      %and3A_2196 = arith.andi %sub3A_2194, %and3A_2195 : i32
      %mul3A_2197 = arith.constant 64 : i32
      %mul3A_2198 = arith.muli %and3A_2196, %mul3A_2197 : i32
      %broadcast_in_dim3A_2199 = vector.broadcast %and3A_2191 : i32 to vector<16xi32>
      %add3A_2200 = vector.broadcast %mul3A_2198 : i32 to vector<16xi32>
      %add3A_2201 = arith.addi %add3A_6, %add3A_2200 : vector<16xi32>
      %gather3A_2202 = tpu.vector_load_idx %arg12[%add3A_2201, %broadcast_in_dim3A_2199] : memref<512x128xf32, #tpu.memory_space<vmem>>[vector<16xi32>, vector<16xi32>], vector<16xf32>,
      %multiple_of3A_2203 = arith.constant 1472 : i32
      %multiple_of3A_2204 = tpu.assume_multiple %multiple_of3A_2203, 16 : i32
      %swap3A_2205 = arith.index_cast %multiple_of3A_2204 : i32 to index
      %swap3A_2206 = tpu.vector_load %arg13[%swap3A_2205] {strides = array<i32>} : memref<2048xf32, #tpu.memory_space<vmem>>, vector<16xf32>,
      tpu.vector_store %arg13[%swap3A_2205], %gather3A_2202 {strides = array<i32>} : memref<2048xf32, #tpu.memory_space<vmem>>, vector<16xf32>,
      %add3A_2207 = vector.broadcast %mul3A_2198 : i32 to vector<16xi32>
      %add3A_2208 = arith.addi %add3A_10, %add3A_2207 : vector<16xi32>
      %gather3A_2209 = tpu.vector_load_idx %arg12[%add3A_2208, %broadcast_in_dim3A_2199] : memref<512x128xf32, #tpu.memory_space<vmem>>[vector<16xi32>, vector<16xi32>], vector<16xf32>,
      %multiple_of3A_2210 = arith.constant 1488 : i32
      %multiple_of3A_2211 = tpu.assume_multiple %multiple_of3A_2210, 16 : i32
      %swap3A_2212 = arith.index_cast %multiple_of3A_2211 : i32 to index
      %swap3A_2213 = tpu.vector_load %arg13[%swap3A_2212] {strides = array<i32>} : memref<2048xf32, #tpu.memory_space<vmem>>, vector<16xf32>,
      tpu.vector_store %arg13[%swap3A_2212], %gather3A_2209 {strides = array<i32>} : memref<2048xf32, #tpu.memory_space<vmem>>, vector<16xf32>,
      %add3A_2214 = vector.broadcast %mul3A_2198 : i32 to vector<16xi32>
      %add3A_2215 = arith.addi %add3A_14, %add3A_2214 : vector<16xi32>
      %gather3A_2216 = tpu.vector_load_idx %arg12[%add3A_2215, %broadcast_in_dim3A_2199] : memref<512x128xf32, #tpu.memory_space<vmem>>[vector<16xi32>, vector<16xi32>], vector<16xf32>,
      %multiple_of3A_2217 = arith.constant 1504 : i32
      %multiple_of3A_2218 = tpu.assume_multiple %multiple_of3A_2217, 16 : i32
      %swap3A_2219 = arith.index_cast %multiple_of3A_2218 : i32 to index
      %swap3A_2220 = tpu.vector_load %arg13[%swap3A_2219] {strides = array<i32>} : memref<2048xf32, #tpu.memory_space<vmem>>, vector<16xf32>,
      tpu.vector_store %arg13[%swap3A_2219], %gather3A_2216 {strides = array<i32>} : memref<2048xf32, #tpu.memory_space<vmem>>, vector<16xf32>,
      %add3A_2221 = vector.broadcast %mul3A_2198 : i32 to vector<16xi32>
      %add3A_2222 = arith.addi %add3A_18, %add3A_2221 : vector<16xi32>
      %gather3A_2223 = tpu.vector_load_idx %arg12[%add3A_2222, %broadcast_in_dim3A_2199] : memref<512x128xf32, #tpu.memory_space<vmem>>[vector<16xi32>, vector<16xi32>], vector<16xf32>,
      %multiple_of3A_2224 = arith.constant 1520 : i32
      %multiple_of3A_2225 = tpu.assume_multiple %multiple_of3A_2224, 16 : i32
      %swap3A_2226 = arith.index_cast %multiple_of3A_2225 : i32 to index
      %swap3A_2227 = tpu.vector_load %arg13[%swap3A_2226] {strides = array<i32>} : memref<2048xf32, #tpu.memory_space<vmem>>, vector<16xf32>,
      tpu.vector_store %arg13[%swap3A_2226], %gather3A_2223 {strides = array<i32>} : memref<2048xf32, #tpu.memory_space<vmem>>, vector<16xf32>,
      %slice3A_2228 = vector.extract_strided_slice %get3A_1454 {offsets = [7], sizes = [1], strides = [1]} : vector<16xi32> to vector<1xi32>
      %squeeze3A_2229 = vector.extract %slice3A_2228[0] : i32 from vector<1xi32>
      %mul3A_2230 = arith.constant 64 : i32
      %mul3A_2231 = arith.muli %squeeze3A_2229, %mul3A_2230 : i32
      %multiple_of3A_2232 = tpu.assume_multiple %mul3A_2231, 64 : i32
      %multiple_of3A_2233 = arith.constant 1472 : i32
      %multiple_of3A_2234 = tpu.assume_multiple %multiple_of3A_2233, 64 : i32
      %dma_start3A_2235 = tpu.memref_slice %arg13[%multiple_of3A_2234] : memref<2048xf32, #tpu.memory_space<vmem>> -> memref<64xf32, #tpu.memory_space<vmem>>
      %dma_start3A_2236 = tpu.memref_slice %arg7[%multiple_of3A_2232] : memref<1048576xf32, #tpu.memory_space<hbm>> -> memref<64xf32, #tpu.memory_space<hbm>>
      %dma_start3A_2237 = tpu.memref_slice %arg7[%multiple_of3A_2232] : memref<1048576xf32, #tpu.memory_space<hbm>> -> memref<64xf32, #tpu.memory_space<hbm>>
      %dma_start3A_2238 = tpu.memref_slice %arg13[%multiple_of3A_2234] : memref<2048xf32, #tpu.memory_space<vmem>> -> memref<64xf32, #tpu.memory_space<vmem>>
      tpu.enqueue_dma source(%dma_start3A_2238 : memref<64xf32, #tpu.memory_space<vmem>>) target(%dma_start3A_2237 : memref<64xf32, #tpu.memory_space<hbm>>) target_semaphore(%arg17 : memref<!tpu.dma_semaphore, #tpu.memory_space<semaphore_mem>>)
      %slice3A_2239 = vector.extract_strided_slice %get3A_1452 {offsets = [12], sizes = [1], strides = [1]} : vector<16xi32> to vector<1xi32>
      %squeeze3A_2240 = vector.extract %slice3A_2239[0] : i32 from vector<1xi32>
      %and3A_2241 = arith.constant 127 : i32
      %and3A_2242 = arith.andi %squeeze3A_2240, %and3A_2241 : i32
      %sub3A_2243 = arith.subi %squeeze3A_2240, %and3A_2242 : i32
      %multiple_of3A_2244 = tpu.assume_multiple %sub3A_2243, 128 : i32
      %slice3A_2245 = vector.extract_strided_slice %get3A_1458 {offsets = [12], sizes = [1], strides = [1]} : vector<16xi32> to vector<1xi32>
      %squeeze3A_2246 = vector.extract %slice3A_2245[0] : i32 from vector<1xi32>
      %sub3A_2247 = arith.subi %squeeze3A_2246, %squeeze3A : i32
      %and3A_2248 = arith.constant 7 : i32
      %and3A_2249 = arith.andi %sub3A_2247, %and3A_2248 : i32
      %mul3A_2250 = arith.constant 64 : i32
      %mul3A_2251 = arith.muli %and3A_2249, %mul3A_2250 : i32
      %multiple_of3A_2252 = tpu.assume_multiple %mul3A_2251, 64 : i32
      %slice3A_2253 = vector.extract_strided_slice %get3A_1456 {offsets = [12], sizes = [1], strides = [1]} : vector<16xi32> to vector<1xi32>
      %squeeze3A_2254 = vector.extract %slice3A_2253[0] : i32 from vector<1xi32>
      %ne3A_2255 = arith.constant 0 : i32
      %ne3A_2256 = arith.cmpi ne, %squeeze3A_2254, %ne3A_2255 : i32
      %convert_element_type3A_2257 = arith.extui %ne3A_2256 : i1 to i32
      %cond3A_2258 = arith.constant 0 : i32
      %cond3A_2259 = arith.cmpi ne, %convert_element_type3A_2257, %cond3A_2258 : i32
      scf.if %cond3A_2259 {
        %dma_start3A_2851 = arith.constant 0 : i32
        %dma_start3A_2852 = tpu.memref_slice %arg12[%multiple_of3A_2252, %dma_start3A_2851] : memref<512x128xf32, #tpu.memory_space<vmem>> -> memref<64x128xf32, #tpu.memory_space<vmem>>
        %dma_start3A_2853 = arith.constant 0 : i32
        %dma_start3A_2854 = tpu.memref_slice %arg6[%dma_start3A_2853, %multiple_of3A_2244] : memref<64x1000001xf32, #tpu.memory_space<hbm>> -> memref<64x128xf32, #tpu.memory_space<hbm>>
        %dma_start3A_2855 = arith.constant 0 : i32
        %dma_start3A_2856 = tpu.memref_slice %arg12[%multiple_of3A_2252, %dma_start3A_2855] : memref<512x128xf32, #tpu.memory_space<vmem>> -> memref<64x128xf32, #tpu.memory_space<vmem>>
        %dma_start3A_2857 = arith.constant 0 : i32
        %dma_start3A_2858 = tpu.memref_slice %arg6[%dma_start3A_2857, %multiple_of3A_2244] : memref<64x1000001xf32, #tpu.memory_space<hbm>> -> memref<64x128xf32, #tpu.memory_space<hbm>>
        tpu.enqueue_dma source(%dma_start3A_2858 : memref<64x128xf32, #tpu.memory_space<hbm>>) target(%dma_start3A_2856 : memref<64x128xf32, #tpu.memory_space<vmem>>) target_semaphore(%arg15 : memref<!tpu.dma_semaphore, #tpu.memory_space<semaphore_mem>>)
      } else {
      }
      %slice3A_2260 = vector.extract_strided_slice %get3A_1452 {offsets = [13], sizes = [1], strides = [1]} : vector<16xi32> to vector<1xi32>
      %squeeze3A_2261 = vector.extract %slice3A_2260[0] : i32 from vector<1xi32>
      %and3A_2262 = arith.constant 127 : i32
      %and3A_2263 = arith.andi %squeeze3A_2261, %and3A_2262 : i32
      %sub3A_2264 = arith.subi %squeeze3A_2261, %and3A_2263 : i32
      %multiple_of3A_2265 = tpu.assume_multiple %sub3A_2264, 128 : i32
      %slice3A_2266 = vector.extract_strided_slice %get3A_1458 {offsets = [13], sizes = [1], strides = [1]} : vector<16xi32> to vector<1xi32>
      %squeeze3A_2267 = vector.extract %slice3A_2266[0] : i32 from vector<1xi32>
      %sub3A_2268 = arith.subi %squeeze3A_2267, %squeeze3A : i32
      %and3A_2269 = arith.constant 7 : i32
      %and3A_2270 = arith.andi %sub3A_2268, %and3A_2269 : i32
      %mul3A_2271 = arith.constant 64 : i32
      %mul3A_2272 = arith.muli %and3A_2270, %mul3A_2271 : i32
      %multiple_of3A_2273 = tpu.assume_multiple %mul3A_2272, 64 : i32
      %slice3A_2274 = vector.extract_strided_slice %get3A_1456 {offsets = [13], sizes = [1], strides = [1]} : vector<16xi32> to vector<1xi32>
      %squeeze3A_2275 = vector.extract %slice3A_2274[0] : i32 from vector<1xi32>
      %ne3A_2276 = arith.constant 0 : i32
      %ne3A_2277 = arith.cmpi ne, %squeeze3A_2275, %ne3A_2276 : i32
      %convert_element_type3A_2278 = arith.extui %ne3A_2277 : i1 to i32
      %cond3A_2279 = arith.constant 0 : i32
      %cond3A_2280 = arith.cmpi ne, %convert_element_type3A_2278, %cond3A_2279 : i32
      scf.if %cond3A_2280 {
        %dma_start3A_2851 = arith.constant 0 : i32
        %dma_start3A_2852 = tpu.memref_slice %arg12[%multiple_of3A_2273, %dma_start3A_2851] : memref<512x128xf32, #tpu.memory_space<vmem>> -> memref<64x128xf32, #tpu.memory_space<vmem>>
        %dma_start3A_2853 = arith.constant 0 : i32
        %dma_start3A_2854 = tpu.memref_slice %arg6[%dma_start3A_2853, %multiple_of3A_2265] : memref<64x1000001xf32, #tpu.memory_space<hbm>> -> memref<64x128xf32, #tpu.memory_space<hbm>>
        %dma_start3A_2855 = arith.constant 0 : i32
        %dma_start3A_2856 = tpu.memref_slice %arg12[%multiple_of3A_2273, %dma_start3A_2855] : memref<512x128xf32, #tpu.memory_space<vmem>> -> memref<64x128xf32, #tpu.memory_space<vmem>>
        %dma_start3A_2857 = arith.constant 0 : i32
        %dma_start3A_2858 = tpu.memref_slice %arg6[%dma_start3A_2857, %multiple_of3A_2265] : memref<64x1000001xf32, #tpu.memory_space<hbm>> -> memref<64x128xf32, #tpu.memory_space<hbm>>
        tpu.enqueue_dma source(%dma_start3A_2858 : memref<64x128xf32, #tpu.memory_space<hbm>>) target(%dma_start3A_2856 : memref<64x128xf32, #tpu.memory_space<vmem>>) target_semaphore(%arg15 : memref<!tpu.dma_semaphore, #tpu.memory_space<semaphore_mem>>)
      } else {
      }
      %slice3A_2281 = vector.extract_strided_slice %get3A_1452 {offsets = [14], sizes = [1], strides = [1]} : vector<16xi32> to vector<1xi32>
      %squeeze3A_2282 = vector.extract %slice3A_2281[0] : i32 from vector<1xi32>
      %and3A_2283 = arith.constant 127 : i32
      %and3A_2284 = arith.andi %squeeze3A_2282, %and3A_2283 : i32
      %sub3A_2285 = arith.subi %squeeze3A_2282, %and3A_2284 : i32
      %multiple_of3A_2286 = tpu.assume_multiple %sub3A_2285, 128 : i32
      %slice3A_2287 = vector.extract_strided_slice %get3A_1458 {offsets = [14], sizes = [1], strides = [1]} : vector<16xi32> to vector<1xi32>
      %squeeze3A_2288 = vector.extract %slice3A_2287[0] : i32 from vector<1xi32>
      %sub3A_2289 = arith.subi %squeeze3A_2288, %squeeze3A : i32
      %and3A_2290 = arith.constant 7 : i32
      %and3A_2291 = arith.andi %sub3A_2289, %and3A_2290 : i32
      %mul3A_2292 = arith.constant 64 : i32
      %mul3A_2293 = arith.muli %and3A_2291, %mul3A_2292 : i32
      %multiple_of3A_2294 = tpu.assume_multiple %mul3A_2293, 64 : i32
      %slice3A_2295 = vector.extract_strided_slice %get3A_1456 {offsets = [14], sizes = [1], strides = [1]} : vector<16xi32> to vector<1xi32>
      %squeeze3A_2296 = vector.extract %slice3A_2295[0] : i32 from vector<1xi32>
      %ne3A_2297 = arith.constant 0 : i32
      %ne3A_2298 = arith.cmpi ne, %squeeze3A_2296, %ne3A_2297 : i32
      %convert_element_type3A_2299 = arith.extui %ne3A_2298 : i1 to i32
      %cond3A_2300 = arith.constant 0 : i32
      %cond3A_2301 = arith.cmpi ne, %convert_element_type3A_2299, %cond3A_2300 : i32
      scf.if %cond3A_2301 {
        %dma_start3A_2851 = arith.constant 0 : i32
        %dma_start3A_2852 = tpu.memref_slice %arg12[%multiple_of3A_2294, %dma_start3A_2851] : memref<512x128xf32, #tpu.memory_space<vmem>> -> memref<64x128xf32, #tpu.memory_space<vmem>>
        %dma_start3A_2853 = arith.constant 0 : i32
        %dma_start3A_2854 = tpu.memref_slice %arg6[%dma_start3A_2853, %multiple_of3A_2286] : memref<64x1000001xf32, #tpu.memory_space<hbm>> -> memref<64x128xf32, #tpu.memory_space<hbm>>
        %dma_start3A_2855 = arith.constant 0 : i32
        %dma_start3A_2856 = tpu.memref_slice %arg12[%multiple_of3A_2294, %dma_start3A_2855] : memref<512x128xf32, #tpu.memory_space<vmem>> -> memref<64x128xf32, #tpu.memory_space<vmem>>
        %dma_start3A_2857 = arith.constant 0 : i32
        %dma_start3A_2858 = tpu.memref_slice %arg6[%dma_start3A_2857, %multiple_of3A_2286] : memref<64x1000001xf32, #tpu.memory_space<hbm>> -> memref<64x128xf32, #tpu.memory_space<hbm>>
        tpu.enqueue_dma source(%dma_start3A_2858 : memref<64x128xf32, #tpu.memory_space<hbm>>) target(%dma_start3A_2856 : memref<64x128xf32, #tpu.memory_space<vmem>>) target_semaphore(%arg15 : memref<!tpu.dma_semaphore, #tpu.memory_space<semaphore_mem>>)
      } else {
      }
      %slice3A_2302 = vector.extract_strided_slice %get3A_1452 {offsets = [15], sizes = [1], strides = [1]} : vector<16xi32> to vector<1xi32>
      %squeeze3A_2303 = vector.extract %slice3A_2302[0] : i32 from vector<1xi32>
      %and3A_2304 = arith.constant 127 : i32
      %and3A_2305 = arith.andi %squeeze3A_2303, %and3A_2304 : i32
      %sub3A_2306 = arith.subi %squeeze3A_2303, %and3A_2305 : i32
      %multiple_of3A_2307 = tpu.assume_multiple %sub3A_2306, 128 : i32
      %slice3A_2308 = vector.extract_strided_slice %get3A_1458 {offsets = [15], sizes = [1], strides = [1]} : vector<16xi32> to vector<1xi32>
      %squeeze3A_2309 = vector.extract %slice3A_2308[0] : i32 from vector<1xi32>
      %sub3A_2310 = arith.subi %squeeze3A_2309, %squeeze3A : i32
      %and3A_2311 = arith.constant 7 : i32
      %and3A_2312 = arith.andi %sub3A_2310, %and3A_2311 : i32
      %mul3A_2313 = arith.constant 64 : i32
      %mul3A_2314 = arith.muli %and3A_2312, %mul3A_2313 : i32
      %multiple_of3A_2315 = tpu.assume_multiple %mul3A_2314, 64 : i32
      %slice3A_2316 = vector.extract_strided_slice %get3A_1456 {offsets = [15], sizes = [1], strides = [1]} : vector<16xi32> to vector<1xi32>
      %squeeze3A_2317 = vector.extract %slice3A_2316[0] : i32 from vector<1xi32>
      %ne3A_2318 = arith.constant 0 : i32
      %ne3A_2319 = arith.cmpi ne, %squeeze3A_2317, %ne3A_2318 : i32
      %convert_element_type3A_2320 = arith.extui %ne3A_2319 : i1 to i32
      %cond3A_2321 = arith.constant 0 : i32
      %cond3A_2322 = arith.cmpi ne, %convert_element_type3A_2320, %cond3A_2321 : i32
      scf.if %cond3A_2322 {
        %dma_start3A_2851 = arith.constant 0 : i32
        %dma_start3A_2852 = tpu.memref_slice %arg12[%multiple_of3A_2315, %dma_start3A_2851] : memref<512x128xf32, #tpu.memory_space<vmem>> -> memref<64x128xf32, #tpu.memory_space<vmem>>
        %dma_start3A_2853 = arith.constant 0 : i32
        %dma_start3A_2854 = tpu.memref_slice %arg6[%dma_start3A_2853, %multiple_of3A_2307] : memref<64x1000001xf32, #tpu.memory_space<hbm>> -> memref<64x128xf32, #tpu.memory_space<hbm>>
        %dma_start3A_2855 = arith.constant 0 : i32
        %dma_start3A_2856 = tpu.memref_slice %arg12[%multiple_of3A_2315, %dma_start3A_2855] : memref<512x128xf32, #tpu.memory_space<vmem>> -> memref<64x128xf32, #tpu.memory_space<vmem>>
        %dma_start3A_2857 = arith.constant 0 : i32
        %dma_start3A_2858 = tpu.memref_slice %arg6[%dma_start3A_2857, %multiple_of3A_2307] : memref<64x1000001xf32, #tpu.memory_space<hbm>> -> memref<64x128xf32, #tpu.memory_space<hbm>>
        tpu.enqueue_dma source(%dma_start3A_2858 : memref<64x128xf32, #tpu.memory_space<hbm>>) target(%dma_start3A_2856 : memref<64x128xf32, #tpu.memory_space<vmem>>) target_semaphore(%arg15 : memref<!tpu.dma_semaphore, #tpu.memory_space<semaphore_mem>>)
      } else {
      }
      %slice3A_2323 = vector.extract_strided_slice %get3A_1458 {offsets = [8], sizes = [1], strides = [1]} : vector<16xi32> to vector<1xi32>
      %squeeze3A_2324 = vector.extract %slice3A_2323[0] : i32 from vector<1xi32>
      %sub3A_2325 = arith.subi %squeeze3A_2324, %squeeze3A : i32
      %and3A_2326 = arith.constant 7 : i32
      %and3A_2327 = arith.andi %sub3A_2325, %and3A_2326 : i32
      %mul3A_2328 = arith.constant 64 : i32
      %mul3A_2329 = arith.muli %and3A_2327, %mul3A_2328 : i32
      %multiple_of3A_2330 = tpu.assume_multiple %mul3A_2329, 64 : i32
      %slice3A_2331 = vector.extract_strided_slice %get3A_1456 {offsets = [8], sizes = [1], strides = [1]} : vector<16xi32> to vector<1xi32>
      %squeeze3A_2332 = vector.extract %slice3A_2331[0] : i32 from vector<1xi32>
      %ne3A_2333 = arith.constant 0 : i32
      %ne3A_2334 = arith.cmpi ne, %squeeze3A_2332, %ne3A_2333 : i32
      %convert_element_type3A_2335 = arith.extui %ne3A_2334 : i1 to i32
      %cond3A_2336 = arith.constant 0 : i32
      %cond3A_2337 = arith.cmpi ne, %convert_element_type3A_2335, %cond3A_2336 : i32
      scf.if %cond3A_2337 {
        %dma_wait3A_2851 = arith.constant 0 : i32
        %dma_wait3A_2852 = tpu.memref_slice %arg12[%multiple_of3A_2330, %dma_wait3A_2851] : memref<512x128xf32, #tpu.memory_space<vmem>> -> memref<64x128xf32, #tpu.memory_space<vmem>>
        %dma_wait3A_2853 = arith.constant 0 : i32
        %dma_wait3A_2854 = arith.constant 0 : i32
        %dma_wait3A_2855 = tpu.memref_slice %arg6[%dma_wait3A_2853, %dma_wait3A_2854] : memref<64x1000001xf32, #tpu.memory_space<hbm>> -> memref<64x128xf32, #tpu.memory_space<hbm>>
        %dma_wait3A_2856 = arith.constant 0 : i32
        %dma_wait3A_2857 = tpu.memref_slice %arg12[%multiple_of3A_2330, %dma_wait3A_2856] : memref<512x128xf32, #tpu.memory_space<vmem>> -> memref<64x128xf32, #tpu.memory_space<vmem>>
        %dma_wait3A_2858 = arith.constant 0 : i32
        %dma_wait3A_2859 = arith.constant 0 : i32
        %dma_wait3A_2860 = tpu.memref_slice %arg6[%dma_wait3A_2858, %dma_wait3A_2859] : memref<64x1000001xf32, #tpu.memory_space<hbm>> -> memref<64x128xf32, #tpu.memory_space<hbm>>
        tpu.wait_dma2 semaphore(%arg14 : memref<!tpu.dma_semaphore, #tpu.memory_space<semaphore_mem>>) src(%dma_wait3A_2860 : memref<64x128xf32, #tpu.memory_space<hbm>>) dst(%dma_wait3A_2857 : memref<64x128xf32, #tpu.memory_space<vmem>>)
      } else {
      }
      %slice3A_2338 = vector.extract_strided_slice %get3A_1458 {offsets = [9], sizes = [1], strides = [1]} : vector<16xi32> to vector<1xi32>
      %squeeze3A_2339 = vector.extract %slice3A_2338[0] : i32 from vector<1xi32>
      %sub3A_2340 = arith.subi %squeeze3A_2339, %squeeze3A : i32
      %and3A_2341 = arith.constant 7 : i32
      %and3A_2342 = arith.andi %sub3A_2340, %and3A_2341 : i32
      %mul3A_2343 = arith.constant 64 : i32
      %mul3A_2344 = arith.muli %and3A_2342, %mul3A_2343 : i32
      %multiple_of3A_2345 = tpu.assume_multiple %mul3A_2344, 64 : i32
      %slice3A_2346 = vector.extract_strided_slice %get3A_1456 {offsets = [9], sizes = [1], strides = [1]} : vector<16xi32> to vector<1xi32>
      %squeeze3A_2347 = vector.extract %slice3A_2346[0] : i32 from vector<1xi32>
      %ne3A_2348 = arith.constant 0 : i32
      %ne3A_2349 = arith.cmpi ne, %squeeze3A_2347, %ne3A_2348 : i32
      %convert_element_type3A_2350 = arith.extui %ne3A_2349 : i1 to i32
      %cond3A_2351 = arith.constant 0 : i32
      %cond3A_2352 = arith.cmpi ne, %convert_element_type3A_2350, %cond3A_2351 : i32
      scf.if %cond3A_2352 {
        %dma_wait3A_2851 = arith.constant 0 : i32
        %dma_wait3A_2852 = tpu.memref_slice %arg12[%multiple_of3A_2345, %dma_wait3A_2851] : memref<512x128xf32, #tpu.memory_space<vmem>> -> memref<64x128xf32, #tpu.memory_space<vmem>>
        %dma_wait3A_2853 = arith.constant 0 : i32
        %dma_wait3A_2854 = arith.constant 0 : i32
        %dma_wait3A_2855 = tpu.memref_slice %arg6[%dma_wait3A_2853, %dma_wait3A_2854] : memref<64x1000001xf32, #tpu.memory_space<hbm>> -> memref<64x128xf32, #tpu.memory_space<hbm>>
        %dma_wait3A_2856 = arith.constant 0 : i32
        %dma_wait3A_2857 = tpu.memref_slice %arg12[%multiple_of3A_2345, %dma_wait3A_2856] : memref<512x128xf32, #tpu.memory_space<vmem>> -> memref<64x128xf32, #tpu.memory_space<vmem>>
        %dma_wait3A_2858 = arith.constant 0 : i32
        %dma_wait3A_2859 = arith.constant 0 : i32
        %dma_wait3A_2860 = tpu.memref_slice %arg6[%dma_wait3A_2858, %dma_wait3A_2859] : memref<64x1000001xf32, #tpu.memory_space<hbm>> -> memref<64x128xf32, #tpu.memory_space<hbm>>
        tpu.wait_dma2 semaphore(%arg14 : memref<!tpu.dma_semaphore, #tpu.memory_space<semaphore_mem>>) src(%dma_wait3A_2860 : memref<64x128xf32, #tpu.memory_space<hbm>>) dst(%dma_wait3A_2857 : memref<64x128xf32, #tpu.memory_space<vmem>>)
      } else {
      }
      %slice3A_2353 = vector.extract_strided_slice %get3A_1458 {offsets = [10], sizes = [1], strides = [1]} : vector<16xi32> to vector<1xi32>
      %squeeze3A_2354 = vector.extract %slice3A_2353[0] : i32 from vector<1xi32>
      %sub3A_2355 = arith.subi %squeeze3A_2354, %squeeze3A : i32
      %and3A_2356 = arith.constant 7 : i32
      %and3A_2357 = arith.andi %sub3A_2355, %and3A_2356 : i32
      %mul3A_2358 = arith.constant 64 : i32
      %mul3A_2359 = arith.muli %and3A_2357, %mul3A_2358 : i32
      %multiple_of3A_2360 = tpu.assume_multiple %mul3A_2359, 64 : i32
      %slice3A_2361 = vector.extract_strided_slice %get3A_1456 {offsets = [10], sizes = [1], strides = [1]} : vector<16xi32> to vector<1xi32>
      %squeeze3A_2362 = vector.extract %slice3A_2361[0] : i32 from vector<1xi32>
      %ne3A_2363 = arith.constant 0 : i32
      %ne3A_2364 = arith.cmpi ne, %squeeze3A_2362, %ne3A_2363 : i32
      %convert_element_type3A_2365 = arith.extui %ne3A_2364 : i1 to i32
      %cond3A_2366 = arith.constant 0 : i32
      %cond3A_2367 = arith.cmpi ne, %convert_element_type3A_2365, %cond3A_2366 : i32
      scf.if %cond3A_2367 {
        %dma_wait3A_2851 = arith.constant 0 : i32
        %dma_wait3A_2852 = tpu.memref_slice %arg12[%multiple_of3A_2360, %dma_wait3A_2851] : memref<512x128xf32, #tpu.memory_space<vmem>> -> memref<64x128xf32, #tpu.memory_space<vmem>>
        %dma_wait3A_2853 = arith.constant 0 : i32
        %dma_wait3A_2854 = arith.constant 0 : i32
        %dma_wait3A_2855 = tpu.memref_slice %arg6[%dma_wait3A_2853, %dma_wait3A_2854] : memref<64x1000001xf32, #tpu.memory_space<hbm>> -> memref<64x128xf32, #tpu.memory_space<hbm>>
        %dma_wait3A_2856 = arith.constant 0 : i32
        %dma_wait3A_2857 = tpu.memref_slice %arg12[%multiple_of3A_2360, %dma_wait3A_2856] : memref<512x128xf32, #tpu.memory_space<vmem>> -> memref<64x128xf32, #tpu.memory_space<vmem>>
        %dma_wait3A_2858 = arith.constant 0 : i32
        %dma_wait3A_2859 = arith.constant 0 : i32
        %dma_wait3A_2860 = tpu.memref_slice %arg6[%dma_wait3A_2858, %dma_wait3A_2859] : memref<64x1000001xf32, #tpu.memory_space<hbm>> -> memref<64x128xf32, #tpu.memory_space<hbm>>
        tpu.wait_dma2 semaphore(%arg14 : memref<!tpu.dma_semaphore, #tpu.memory_space<semaphore_mem>>) src(%dma_wait3A_2860 : memref<64x128xf32, #tpu.memory_space<hbm>>) dst(%dma_wait3A_2857 : memref<64x128xf32, #tpu.memory_space<vmem>>)
      } else {
      }
      %slice3A_2368 = vector.extract_strided_slice %get3A_1458 {offsets = [11], sizes = [1], strides = [1]} : vector<16xi32> to vector<1xi32>
      %squeeze3A_2369 = vector.extract %slice3A_2368[0] : i32 from vector<1xi32>
      %sub3A_2370 = arith.subi %squeeze3A_2369, %squeeze3A : i32
      %and3A_2371 = arith.constant 7 : i32
      %and3A_2372 = arith.andi %sub3A_2370, %and3A_2371 : i32
      %mul3A_2373 = arith.constant 64 : i32
      %mul3A_2374 = arith.muli %and3A_2372, %mul3A_2373 : i32
      %multiple_of3A_2375 = tpu.assume_multiple %mul3A_2374, 64 : i32
      %slice3A_2376 = vector.extract_strided_slice %get3A_1456 {offsets = [11], sizes = [1], strides = [1]} : vector<16xi32> to vector<1xi32>
      %squeeze3A_2377 = vector.extract %slice3A_2376[0] : i32 from vector<1xi32>
      %ne3A_2378 = arith.constant 0 : i32
      %ne3A_2379 = arith.cmpi ne, %squeeze3A_2377, %ne3A_2378 : i32
      %convert_element_type3A_2380 = arith.extui %ne3A_2379 : i1 to i32
      %cond3A_2381 = arith.constant 0 : i32
      %cond3A_2382 = arith.cmpi ne, %convert_element_type3A_2380, %cond3A_2381 : i32
      scf.if %cond3A_2382 {
        %dma_wait3A_2851 = arith.constant 0 : i32
        %dma_wait3A_2852 = tpu.memref_slice %arg12[%multiple_of3A_2375, %dma_wait3A_2851] : memref<512x128xf32, #tpu.memory_space<vmem>> -> memref<64x128xf32, #tpu.memory_space<vmem>>
        %dma_wait3A_2853 = arith.constant 0 : i32
        %dma_wait3A_2854 = arith.constant 0 : i32
        %dma_wait3A_2855 = tpu.memref_slice %arg6[%dma_wait3A_2853, %dma_wait3A_2854] : memref<64x1000001xf32, #tpu.memory_space<hbm>> -> memref<64x128xf32, #tpu.memory_space<hbm>>
        %dma_wait3A_2856 = arith.constant 0 : i32
        %dma_wait3A_2857 = tpu.memref_slice %arg12[%multiple_of3A_2375, %dma_wait3A_2856] : memref<512x128xf32, #tpu.memory_space<vmem>> -> memref<64x128xf32, #tpu.memory_space<vmem>>
        %dma_wait3A_2858 = arith.constant 0 : i32
        %dma_wait3A_2859 = arith.constant 0 : i32
        %dma_wait3A_2860 = tpu.memref_slice %arg6[%dma_wait3A_2858, %dma_wait3A_2859] : memref<64x1000001xf32, #tpu.memory_space<hbm>> -> memref<64x128xf32, #tpu.memory_space<hbm>>
        tpu.wait_dma2 semaphore(%arg14 : memref<!tpu.dma_semaphore, #tpu.memory_space<semaphore_mem>>) src(%dma_wait3A_2860 : memref<64x128xf32, #tpu.memory_space<hbm>>) dst(%dma_wait3A_2857 : memref<64x128xf32, #tpu.memory_space<vmem>>)
      } else {
      }
      %slice3A_2383 = vector.extract_strided_slice %get3A_1452 {offsets = [8], sizes = [1], strides = [1]} : vector<16xi32> to vector<1xi32>
      %squeeze3A_2384 = vector.extract %slice3A_2383[0] : i32 from vector<1xi32>
      %and3A_2385 = arith.constant 127 : i32
      %and3A_2386 = arith.andi %squeeze3A_2384, %and3A_2385 : i32
      %slice3A_2387 = vector.extract_strided_slice %get3A_1458 {offsets = [8], sizes = [1], strides = [1]} : vector<16xi32> to vector<1xi32>
      %squeeze3A_2388 = vector.extract %slice3A_2387[0] : i32 from vector<1xi32>
      %sub3A_2389 = arith.subi %squeeze3A_2388, %squeeze3A : i32
      %and3A_2390 = arith.constant 7 : i32
      %and3A_2391 = arith.andi %sub3A_2389, %and3A_2390 : i32
      %mul3A_2392 = arith.constant 64 : i32
      %mul3A_2393 = arith.muli %and3A_2391, %mul3A_2392 : i32
      %broadcast_in_dim3A_2394 = vector.broadcast %and3A_2386 : i32 to vector<16xi32>
      %add3A_2395 = vector.broadcast %mul3A_2393 : i32 to vector<16xi32>
      %add3A_2396 = arith.addi %add3A_6, %add3A_2395 : vector<16xi32>
      %gather3A_2397 = tpu.vector_load_idx %arg12[%add3A_2396, %broadcast_in_dim3A_2394] : memref<512x128xf32, #tpu.memory_space<vmem>>[vector<16xi32>, vector<16xi32>], vector<16xf32>,
      %multiple_of3A_2398 = arith.constant 1536 : i32
      %multiple_of3A_2399 = tpu.assume_multiple %multiple_of3A_2398, 16 : i32
      %swap3A_2400 = arith.index_cast %multiple_of3A_2399 : i32 to index
      %swap3A_2401 = tpu.vector_load %arg13[%swap3A_2400] {strides = array<i32>} : memref<2048xf32, #tpu.memory_space<vmem>>, vector<16xf32>,
      tpu.vector_store %arg13[%swap3A_2400], %gather3A_2397 {strides = array<i32>} : memref<2048xf32, #tpu.memory_space<vmem>>, vector<16xf32>,
      %add3A_2402 = vector.broadcast %mul3A_2393 : i32 to vector<16xi32>
      %add3A_2403 = arith.addi %add3A_10, %add3A_2402 : vector<16xi32>
      %gather3A_2404 = tpu.vector_load_idx %arg12[%add3A_2403, %broadcast_in_dim3A_2394] : memref<512x128xf32, #tpu.memory_space<vmem>>[vector<16xi32>, vector<16xi32>], vector<16xf32>,
      %multiple_of3A_2405 = arith.constant 1552 : i32
      %multiple_of3A_2406 = tpu.assume_multiple %multiple_of3A_2405, 16 : i32
      %swap3A_2407 = arith.index_cast %multiple_of3A_2406 : i32 to index
      %swap3A_2408 = tpu.vector_load %arg13[%swap3A_2407] {strides = array<i32>} : memref<2048xf32, #tpu.memory_space<vmem>>, vector<16xf32>,
      tpu.vector_store %arg13[%swap3A_2407], %gather3A_2404 {strides = array<i32>} : memref<2048xf32, #tpu.memory_space<vmem>>, vector<16xf32>,
      %add3A_2409 = vector.broadcast %mul3A_2393 : i32 to vector<16xi32>
      %add3A_2410 = arith.addi %add3A_14, %add3A_2409 : vector<16xi32>
      %gather3A_2411 = tpu.vector_load_idx %arg12[%add3A_2410, %broadcast_in_dim3A_2394] : memref<512x128xf32, #tpu.memory_space<vmem>>[vector<16xi32>, vector<16xi32>], vector<16xf32>,
      %multiple_of3A_2412 = arith.constant 1568 : i32
      %multiple_of3A_2413 = tpu.assume_multiple %multiple_of3A_2412, 16 : i32
      %swap3A_2414 = arith.index_cast %multiple_of3A_2413 : i32 to index
      %swap3A_2415 = tpu.vector_load %arg13[%swap3A_2414] {strides = array<i32>} : memref<2048xf32, #tpu.memory_space<vmem>>, vector<16xf32>,
      tpu.vector_store %arg13[%swap3A_2414], %gather3A_2411 {strides = array<i32>} : memref<2048xf32, #tpu.memory_space<vmem>>, vector<16xf32>,
      %add3A_2416 = vector.broadcast %mul3A_2393 : i32 to vector<16xi32>
      %add3A_2417 = arith.addi %add3A_18, %add3A_2416 : vector<16xi32>
      %gather3A_2418 = tpu.vector_load_idx %arg12[%add3A_2417, %broadcast_in_dim3A_2394] : memref<512x128xf32, #tpu.memory_space<vmem>>[vector<16xi32>, vector<16xi32>], vector<16xf32>,
      %multiple_of3A_2419 = arith.constant 1584 : i32
      %multiple_of3A_2420 = tpu.assume_multiple %multiple_of3A_2419, 16 : i32
      %swap3A_2421 = arith.index_cast %multiple_of3A_2420 : i32 to index
      %swap3A_2422 = tpu.vector_load %arg13[%swap3A_2421] {strides = array<i32>} : memref<2048xf32, #tpu.memory_space<vmem>>, vector<16xf32>,
      tpu.vector_store %arg13[%swap3A_2421], %gather3A_2418 {strides = array<i32>} : memref<2048xf32, #tpu.memory_space<vmem>>, vector<16xf32>,
      %slice3A_2423 = vector.extract_strided_slice %get3A_1454 {offsets = [8], sizes = [1], strides = [1]} : vector<16xi32> to vector<1xi32>
      %squeeze3A_2424 = vector.extract %slice3A_2423[0] : i32 from vector<1xi32>
      %mul3A_2425 = arith.constant 64 : i32
      %mul3A_2426 = arith.muli %squeeze3A_2424, %mul3A_2425 : i32
      %multiple_of3A_2427 = tpu.assume_multiple %mul3A_2426, 64 : i32
      %multiple_of3A_2428 = arith.constant 1536 : i32
      %multiple_of3A_2429 = tpu.assume_multiple %multiple_of3A_2428, 64 : i32
      %dma_start3A_2430 = tpu.memref_slice %arg13[%multiple_of3A_2429] : memref<2048xf32, #tpu.memory_space<vmem>> -> memref<64xf32, #tpu.memory_space<vmem>>
      %dma_start3A_2431 = tpu.memref_slice %arg7[%multiple_of3A_2427] : memref<1048576xf32, #tpu.memory_space<hbm>> -> memref<64xf32, #tpu.memory_space<hbm>>
      %dma_start3A_2432 = tpu.memref_slice %arg7[%multiple_of3A_2427] : memref<1048576xf32, #tpu.memory_space<hbm>> -> memref<64xf32, #tpu.memory_space<hbm>>
      %dma_start3A_2433 = tpu.memref_slice %arg13[%multiple_of3A_2429] : memref<2048xf32, #tpu.memory_space<vmem>> -> memref<64xf32, #tpu.memory_space<vmem>>
      tpu.enqueue_dma source(%dma_start3A_2433 : memref<64xf32, #tpu.memory_space<vmem>>) target(%dma_start3A_2432 : memref<64xf32, #tpu.memory_space<hbm>>) target_semaphore(%arg17 : memref<!tpu.dma_semaphore, #tpu.memory_space<semaphore_mem>>)
      %slice3A_2434 = vector.extract_strided_slice %get3A_1452 {offsets = [9], sizes = [1], strides = [1]} : vector<16xi32> to vector<1xi32>
      %squeeze3A_2435 = vector.extract %slice3A_2434[0] : i32 from vector<1xi32>
      %and3A_2436 = arith.constant 127 : i32
      %and3A_2437 = arith.andi %squeeze3A_2435, %and3A_2436 : i32
      %slice3A_2438 = vector.extract_strided_slice %get3A_1458 {offsets = [9], sizes = [1], strides = [1]} : vector<16xi32> to vector<1xi32>
      %squeeze3A_2439 = vector.extract %slice3A_2438[0] : i32 from vector<1xi32>
      %sub3A_2440 = arith.subi %squeeze3A_2439, %squeeze3A : i32
      %and3A_2441 = arith.constant 7 : i32
      %and3A_2442 = arith.andi %sub3A_2440, %and3A_2441 : i32
      %mul3A_2443 = arith.constant 64 : i32
      %mul3A_2444 = arith.muli %and3A_2442, %mul3A_2443 : i32
      %broadcast_in_dim3A_2445 = vector.broadcast %and3A_2437 : i32 to vector<16xi32>
      %add3A_2446 = vector.broadcast %mul3A_2444 : i32 to vector<16xi32>
      %add3A_2447 = arith.addi %add3A_6, %add3A_2446 : vector<16xi32>
      %gather3A_2448 = tpu.vector_load_idx %arg12[%add3A_2447, %broadcast_in_dim3A_2445] : memref<512x128xf32, #tpu.memory_space<vmem>>[vector<16xi32>, vector<16xi32>], vector<16xf32>,
      %multiple_of3A_2449 = arith.constant 1600 : i32
      %multiple_of3A_2450 = tpu.assume_multiple %multiple_of3A_2449, 16 : i32
      %swap3A_2451 = arith.index_cast %multiple_of3A_2450 : i32 to index
      %swap3A_2452 = tpu.vector_load %arg13[%swap3A_2451] {strides = array<i32>} : memref<2048xf32, #tpu.memory_space<vmem>>, vector<16xf32>,
      tpu.vector_store %arg13[%swap3A_2451], %gather3A_2448 {strides = array<i32>} : memref<2048xf32, #tpu.memory_space<vmem>>, vector<16xf32>,
      %add3A_2453 = vector.broadcast %mul3A_2444 : i32 to vector<16xi32>
      %add3A_2454 = arith.addi %add3A_10, %add3A_2453 : vector<16xi32>
      %gather3A_2455 = tpu.vector_load_idx %arg12[%add3A_2454, %broadcast_in_dim3A_2445] : memref<512x128xf32, #tpu.memory_space<vmem>>[vector<16xi32>, vector<16xi32>], vector<16xf32>,
      %multiple_of3A_2456 = arith.constant 1616 : i32
      %multiple_of3A_2457 = tpu.assume_multiple %multiple_of3A_2456, 16 : i32
      %swap3A_2458 = arith.index_cast %multiple_of3A_2457 : i32 to index
      %swap3A_2459 = tpu.vector_load %arg13[%swap3A_2458] {strides = array<i32>} : memref<2048xf32, #tpu.memory_space<vmem>>, vector<16xf32>,
      tpu.vector_store %arg13[%swap3A_2458], %gather3A_2455 {strides = array<i32>} : memref<2048xf32, #tpu.memory_space<vmem>>, vector<16xf32>,
      %add3A_2460 = vector.broadcast %mul3A_2444 : i32 to vector<16xi32>
      %add3A_2461 = arith.addi %add3A_14, %add3A_2460 : vector<16xi32>
      %gather3A_2462 = tpu.vector_load_idx %arg12[%add3A_2461, %broadcast_in_dim3A_2445] : memref<512x128xf32, #tpu.memory_space<vmem>>[vector<16xi32>, vector<16xi32>], vector<16xf32>,
      %multiple_of3A_2463 = arith.constant 1632 : i32
      %multiple_of3A_2464 = tpu.assume_multiple %multiple_of3A_2463, 16 : i32
      %swap3A_2465 = arith.index_cast %multiple_of3A_2464 : i32 to index
      %swap3A_2466 = tpu.vector_load %arg13[%swap3A_2465] {strides = array<i32>} : memref<2048xf32, #tpu.memory_space<vmem>>, vector<16xf32>,
      tpu.vector_store %arg13[%swap3A_2465], %gather3A_2462 {strides = array<i32>} : memref<2048xf32, #tpu.memory_space<vmem>>, vector<16xf32>,
      %add3A_2467 = vector.broadcast %mul3A_2444 : i32 to vector<16xi32>
      %add3A_2468 = arith.addi %add3A_18, %add3A_2467 : vector<16xi32>
      %gather3A_2469 = tpu.vector_load_idx %arg12[%add3A_2468, %broadcast_in_dim3A_2445] : memref<512x128xf32, #tpu.memory_space<vmem>>[vector<16xi32>, vector<16xi32>], vector<16xf32>,
      %multiple_of3A_2470 = arith.constant 1648 : i32
      %multiple_of3A_2471 = tpu.assume_multiple %multiple_of3A_2470, 16 : i32
      %swap3A_2472 = arith.index_cast %multiple_of3A_2471 : i32 to index
      %swap3A_2473 = tpu.vector_load %arg13[%swap3A_2472] {strides = array<i32>} : memref<2048xf32, #tpu.memory_space<vmem>>, vector<16xf32>,
      tpu.vector_store %arg13[%swap3A_2472], %gather3A_2469 {strides = array<i32>} : memref<2048xf32, #tpu.memory_space<vmem>>, vector<16xf32>,
      %slice3A_2474 = vector.extract_strided_slice %get3A_1454 {offsets = [9], sizes = [1], strides = [1]} : vector<16xi32> to vector<1xi32>
      %squeeze3A_2475 = vector.extract %slice3A_2474[0] : i32 from vector<1xi32>
      %mul3A_2476 = arith.constant 64 : i32
      %mul3A_2477 = arith.muli %squeeze3A_2475, %mul3A_2476 : i32
      %multiple_of3A_2478 = tpu.assume_multiple %mul3A_2477, 64 : i32
      %multiple_of3A_2479 = arith.constant 1600 : i32
      %multiple_of3A_2480 = tpu.assume_multiple %multiple_of3A_2479, 64 : i32
      %dma_start3A_2481 = tpu.memref_slice %arg13[%multiple_of3A_2480] : memref<2048xf32, #tpu.memory_space<vmem>> -> memref<64xf32, #tpu.memory_space<vmem>>
      %dma_start3A_2482 = tpu.memref_slice %arg7[%multiple_of3A_2478] : memref<1048576xf32, #tpu.memory_space<hbm>> -> memref<64xf32, #tpu.memory_space<hbm>>
      %dma_start3A_2483 = tpu.memref_slice %arg7[%multiple_of3A_2478] : memref<1048576xf32, #tpu.memory_space<hbm>> -> memref<64xf32, #tpu.memory_space<hbm>>
      %dma_start3A_2484 = tpu.memref_slice %arg13[%multiple_of3A_2480] : memref<2048xf32, #tpu.memory_space<vmem>> -> memref<64xf32, #tpu.memory_space<vmem>>
      tpu.enqueue_dma source(%dma_start3A_2484 : memref<64xf32, #tpu.memory_space<vmem>>) target(%dma_start3A_2483 : memref<64xf32, #tpu.memory_space<hbm>>) target_semaphore(%arg17 : memref<!tpu.dma_semaphore, #tpu.memory_space<semaphore_mem>>)
      %slice3A_2485 = vector.extract_strided_slice %get3A_1452 {offsets = [10], sizes = [1], strides = [1]} : vector<16xi32> to vector<1xi32>
      %squeeze3A_2486 = vector.extract %slice3A_2485[0] : i32 from vector<1xi32>
      %and3A_2487 = arith.constant 127 : i32
      %and3A_2488 = arith.andi %squeeze3A_2486, %and3A_2487 : i32
      %slice3A_2489 = vector.extract_strided_slice %get3A_1458 {offsets = [10], sizes = [1], strides = [1]} : vector<16xi32> to vector<1xi32>
      %squeeze3A_2490 = vector.extract %slice3A_2489[0] : i32 from vector<1xi32>
      %sub3A_2491 = arith.subi %squeeze3A_2490, %squeeze3A : i32
      %and3A_2492 = arith.constant 7 : i32
      %and3A_2493 = arith.andi %sub3A_2491, %and3A_2492 : i32
      %mul3A_2494 = arith.constant 64 : i32
      %mul3A_2495 = arith.muli %and3A_2493, %mul3A_2494 : i32
      %broadcast_in_dim3A_2496 = vector.broadcast %and3A_2488 : i32 to vector<16xi32>
      %add3A_2497 = vector.broadcast %mul3A_2495 : i32 to vector<16xi32>
      %add3A_2498 = arith.addi %add3A_6, %add3A_2497 : vector<16xi32>
      %gather3A_2499 = tpu.vector_load_idx %arg12[%add3A_2498, %broadcast_in_dim3A_2496] : memref<512x128xf32, #tpu.memory_space<vmem>>[vector<16xi32>, vector<16xi32>], vector<16xf32>,
      %multiple_of3A_2500 = arith.constant 1664 : i32
      %multiple_of3A_2501 = tpu.assume_multiple %multiple_of3A_2500, 16 : i32
      %swap3A_2502 = arith.index_cast %multiple_of3A_2501 : i32 to index
      %swap3A_2503 = tpu.vector_load %arg13[%swap3A_2502] {strides = array<i32>} : memref<2048xf32, #tpu.memory_space<vmem>>, vector<16xf32>,
      tpu.vector_store %arg13[%swap3A_2502], %gather3A_2499 {strides = array<i32>} : memref<2048xf32, #tpu.memory_space<vmem>>, vector<16xf32>,
      %add3A_2504 = vector.broadcast %mul3A_2495 : i32 to vector<16xi32>
      %add3A_2505 = arith.addi %add3A_10, %add3A_2504 : vector<16xi32>
      %gather3A_2506 = tpu.vector_load_idx %arg12[%add3A_2505, %broadcast_in_dim3A_2496] : memref<512x128xf32, #tpu.memory_space<vmem>>[vector<16xi32>, vector<16xi32>], vector<16xf32>,
      %multiple_of3A_2507 = arith.constant 1680 : i32
      %multiple_of3A_2508 = tpu.assume_multiple %multiple_of3A_2507, 16 : i32
      %swap3A_2509 = arith.index_cast %multiple_of3A_2508 : i32 to index
      %swap3A_2510 = tpu.vector_load %arg13[%swap3A_2509] {strides = array<i32>} : memref<2048xf32, #tpu.memory_space<vmem>>, vector<16xf32>,
      tpu.vector_store %arg13[%swap3A_2509], %gather3A_2506 {strides = array<i32>} : memref<2048xf32, #tpu.memory_space<vmem>>, vector<16xf32>,
      %add3A_2511 = vector.broadcast %mul3A_2495 : i32 to vector<16xi32>
      %add3A_2512 = arith.addi %add3A_14, %add3A_2511 : vector<16xi32>
      %gather3A_2513 = tpu.vector_load_idx %arg12[%add3A_2512, %broadcast_in_dim3A_2496] : memref<512x128xf32, #tpu.memory_space<vmem>>[vector<16xi32>, vector<16xi32>], vector<16xf32>,
      %multiple_of3A_2514 = arith.constant 1696 : i32
      %multiple_of3A_2515 = tpu.assume_multiple %multiple_of3A_2514, 16 : i32
      %swap3A_2516 = arith.index_cast %multiple_of3A_2515 : i32 to index
      %swap3A_2517 = tpu.vector_load %arg13[%swap3A_2516] {strides = array<i32>} : memref<2048xf32, #tpu.memory_space<vmem>>, vector<16xf32>,
      tpu.vector_store %arg13[%swap3A_2516], %gather3A_2513 {strides = array<i32>} : memref<2048xf32, #tpu.memory_space<vmem>>, vector<16xf32>,
      %add3A_2518 = vector.broadcast %mul3A_2495 : i32 to vector<16xi32>
      %add3A_2519 = arith.addi %add3A_18, %add3A_2518 : vector<16xi32>
      %gather3A_2520 = tpu.vector_load_idx %arg12[%add3A_2519, %broadcast_in_dim3A_2496] : memref<512x128xf32, #tpu.memory_space<vmem>>[vector<16xi32>, vector<16xi32>], vector<16xf32>,
      %multiple_of3A_2521 = arith.constant 1712 : i32
      %multiple_of3A_2522 = tpu.assume_multiple %multiple_of3A_2521, 16 : i32
      %swap3A_2523 = arith.index_cast %multiple_of3A_2522 : i32 to index
      %swap3A_2524 = tpu.vector_load %arg13[%swap3A_2523] {strides = array<i32>} : memref<2048xf32, #tpu.memory_space<vmem>>, vector<16xf32>,
      tpu.vector_store %arg13[%swap3A_2523], %gather3A_2520 {strides = array<i32>} : memref<2048xf32, #tpu.memory_space<vmem>>, vector<16xf32>,
      %slice3A_2525 = vector.extract_strided_slice %get3A_1454 {offsets = [10], sizes = [1], strides = [1]} : vector<16xi32> to vector<1xi32>
      %squeeze3A_2526 = vector.extract %slice3A_2525[0] : i32 from vector<1xi32>
      %mul3A_2527 = arith.constant 64 : i32
      %mul3A_2528 = arith.muli %squeeze3A_2526, %mul3A_2527 : i32
      %multiple_of3A_2529 = tpu.assume_multiple %mul3A_2528, 64 : i32
      %multiple_of3A_2530 = arith.constant 1664 : i32
      %multiple_of3A_2531 = tpu.assume_multiple %multiple_of3A_2530, 64 : i32
      %dma_start3A_2532 = tpu.memref_slice %arg13[%multiple_of3A_2531] : memref<2048xf32, #tpu.memory_space<vmem>> -> memref<64xf32, #tpu.memory_space<vmem>>
      %dma_start3A_2533 = tpu.memref_slice %arg7[%multiple_of3A_2529] : memref<1048576xf32, #tpu.memory_space<hbm>> -> memref<64xf32, #tpu.memory_space<hbm>>
      %dma_start3A_2534 = tpu.memref_slice %arg7[%multiple_of3A_2529] : memref<1048576xf32, #tpu.memory_space<hbm>> -> memref<64xf32, #tpu.memory_space<hbm>>
      %dma_start3A_2535 = tpu.memref_slice %arg13[%multiple_of3A_2531] : memref<2048xf32, #tpu.memory_space<vmem>> -> memref<64xf32, #tpu.memory_space<vmem>>
      tpu.enqueue_dma source(%dma_start3A_2535 : memref<64xf32, #tpu.memory_space<vmem>>) target(%dma_start3A_2534 : memref<64xf32, #tpu.memory_space<hbm>>) target_semaphore(%arg17 : memref<!tpu.dma_semaphore, #tpu.memory_space<semaphore_mem>>)
      %slice3A_2536 = vector.extract_strided_slice %get3A_1452 {offsets = [11], sizes = [1], strides = [1]} : vector<16xi32> to vector<1xi32>
      %squeeze3A_2537 = vector.extract %slice3A_2536[0] : i32 from vector<1xi32>
      %and3A_2538 = arith.constant 127 : i32
      %and3A_2539 = arith.andi %squeeze3A_2537, %and3A_2538 : i32
      %slice3A_2540 = vector.extract_strided_slice %get3A_1458 {offsets = [11], sizes = [1], strides = [1]} : vector<16xi32> to vector<1xi32>
      %squeeze3A_2541 = vector.extract %slice3A_2540[0] : i32 from vector<1xi32>
      %sub3A_2542 = arith.subi %squeeze3A_2541, %squeeze3A : i32
      %and3A_2543 = arith.constant 7 : i32
      %and3A_2544 = arith.andi %sub3A_2542, %and3A_2543 : i32
      %mul3A_2545 = arith.constant 64 : i32
      %mul3A_2546 = arith.muli %and3A_2544, %mul3A_2545 : i32
      %broadcast_in_dim3A_2547 = vector.broadcast %and3A_2539 : i32 to vector<16xi32>
      %add3A_2548 = vector.broadcast %mul3A_2546 : i32 to vector<16xi32>
      %add3A_2549 = arith.addi %add3A_6, %add3A_2548 : vector<16xi32>
      %gather3A_2550 = tpu.vector_load_idx %arg12[%add3A_2549, %broadcast_in_dim3A_2547] : memref<512x128xf32, #tpu.memory_space<vmem>>[vector<16xi32>, vector<16xi32>], vector<16xf32>,
      %multiple_of3A_2551 = arith.constant 1728 : i32
      %multiple_of3A_2552 = tpu.assume_multiple %multiple_of3A_2551, 16 : i32
      %swap3A_2553 = arith.index_cast %multiple_of3A_2552 : i32 to index
      %swap3A_2554 = tpu.vector_load %arg13[%swap3A_2553] {strides = array<i32>} : memref<2048xf32, #tpu.memory_space<vmem>>, vector<16xf32>,
      tpu.vector_store %arg13[%swap3A_2553], %gather3A_2550 {strides = array<i32>} : memref<2048xf32, #tpu.memory_space<vmem>>, vector<16xf32>,
      %add3A_2555 = vector.broadcast %mul3A_2546 : i32 to vector<16xi32>
      %add3A_2556 = arith.addi %add3A_10, %add3A_2555 : vector<16xi32>
      %gather3A_2557 = tpu.vector_load_idx %arg12[%add3A_2556, %broadcast_in_dim3A_2547] : memref<512x128xf32, #tpu.memory_space<vmem>>[vector<16xi32>, vector<16xi32>], vector<16xf32>,
      %multiple_of3A_2558 = arith.constant 1744 : i32
      %multiple_of3A_2559 = tpu.assume_multiple %multiple_of3A_2558, 16 : i32
      %swap3A_2560 = arith.index_cast %multiple_of3A_2559 : i32 to index
      %swap3A_2561 = tpu.vector_load %arg13[%swap3A_2560] {strides = array<i32>} : memref<2048xf32, #tpu.memory_space<vmem>>, vector<16xf32>,
      tpu.vector_store %arg13[%swap3A_2560], %gather3A_2557 {strides = array<i32>} : memref<2048xf32, #tpu.memory_space<vmem>>, vector<16xf32>,
      %add3A_2562 = vector.broadcast %mul3A_2546 : i32 to vector<16xi32>
      %add3A_2563 = arith.addi %add3A_14, %add3A_2562 : vector<16xi32>
      %gather3A_2564 = tpu.vector_load_idx %arg12[%add3A_2563, %broadcast_in_dim3A_2547] : memref<512x128xf32, #tpu.memory_space<vmem>>[vector<16xi32>, vector<16xi32>], vector<16xf32>,
      %multiple_of3A_2565 = arith.constant 1760 : i32
      %multiple_of3A_2566 = tpu.assume_multiple %multiple_of3A_2565, 16 : i32
      %swap3A_2567 = arith.index_cast %multiple_of3A_2566 : i32 to index
      %swap3A_2568 = tpu.vector_load %arg13[%swap3A_2567] {strides = array<i32>} : memref<2048xf32, #tpu.memory_space<vmem>>, vector<16xf32>,
      tpu.vector_store %arg13[%swap3A_2567], %gather3A_2564 {strides = array<i32>} : memref<2048xf32, #tpu.memory_space<vmem>>, vector<16xf32>,
      %add3A_2569 = vector.broadcast %mul3A_2546 : i32 to vector<16xi32>
      %add3A_2570 = arith.addi %add3A_18, %add3A_2569 : vector<16xi32>
      %gather3A_2571 = tpu.vector_load_idx %arg12[%add3A_2570, %broadcast_in_dim3A_2547] : memref<512x128xf32, #tpu.memory_space<vmem>>[vector<16xi32>, vector<16xi32>], vector<16xf32>,
      %multiple_of3A_2572 = arith.constant 1776 : i32
      %multiple_of3A_2573 = tpu.assume_multiple %multiple_of3A_2572, 16 : i32
      %swap3A_2574 = arith.index_cast %multiple_of3A_2573 : i32 to index
      %swap3A_2575 = tpu.vector_load %arg13[%swap3A_2574] {strides = array<i32>} : memref<2048xf32, #tpu.memory_space<vmem>>, vector<16xf32>,
      tpu.vector_store %arg13[%swap3A_2574], %gather3A_2571 {strides = array<i32>} : memref<2048xf32, #tpu.memory_space<vmem>>, vector<16xf32>,
      %slice3A_2576 = vector.extract_strided_slice %get3A_1454 {offsets = [11], sizes = [1], strides = [1]} : vector<16xi32> to vector<1xi32>
      %squeeze3A_2577 = vector.extract %slice3A_2576[0] : i32 from vector<1xi32>
      %mul3A_2578 = arith.constant 64 : i32
      %mul3A_2579 = arith.muli %squeeze3A_2577, %mul3A_2578 : i32
      %multiple_of3A_2580 = tpu.assume_multiple %mul3A_2579, 64 : i32
      %multiple_of3A_2581 = arith.constant 1728 : i32
      %multiple_of3A_2582 = tpu.assume_multiple %multiple_of3A_2581, 64 : i32
      %dma_start3A_2583 = tpu.memref_slice %arg13[%multiple_of3A_2582] : memref<2048xf32, #tpu.memory_space<vmem>> -> memref<64xf32, #tpu.memory_space<vmem>>
      %dma_start3A_2584 = tpu.memref_slice %arg7[%multiple_of3A_2580] : memref<1048576xf32, #tpu.memory_space<hbm>> -> memref<64xf32, #tpu.memory_space<hbm>>
      %dma_start3A_2585 = tpu.memref_slice %arg7[%multiple_of3A_2580] : memref<1048576xf32, #tpu.memory_space<hbm>> -> memref<64xf32, #tpu.memory_space<hbm>>
      %dma_start3A_2586 = tpu.memref_slice %arg13[%multiple_of3A_2582] : memref<2048xf32, #tpu.memory_space<vmem>> -> memref<64xf32, #tpu.memory_space<vmem>>
      tpu.enqueue_dma source(%dma_start3A_2586 : memref<64xf32, #tpu.memory_space<vmem>>) target(%dma_start3A_2585 : memref<64xf32, #tpu.memory_space<hbm>>) target_semaphore(%arg17 : memref<!tpu.dma_semaphore, #tpu.memory_space<semaphore_mem>>)
      %slice3A_2587 = vector.extract_strided_slice %get3A_1458 {offsets = [12], sizes = [1], strides = [1]} : vector<16xi32> to vector<1xi32>
      %squeeze3A_2588 = vector.extract %slice3A_2587[0] : i32 from vector<1xi32>
      %sub3A_2589 = arith.subi %squeeze3A_2588, %squeeze3A : i32
      %and3A_2590 = arith.constant 7 : i32
      %and3A_2591 = arith.andi %sub3A_2589, %and3A_2590 : i32
      %mul3A_2592 = arith.constant 64 : i32
      %mul3A_2593 = arith.muli %and3A_2591, %mul3A_2592 : i32
      %multiple_of3A_2594 = tpu.assume_multiple %mul3A_2593, 64 : i32
      %slice3A_2595 = vector.extract_strided_slice %get3A_1456 {offsets = [12], sizes = [1], strides = [1]} : vector<16xi32> to vector<1xi32>
      %squeeze3A_2596 = vector.extract %slice3A_2595[0] : i32 from vector<1xi32>
      %ne3A_2597 = arith.constant 0 : i32
      %ne3A_2598 = arith.cmpi ne, %squeeze3A_2596, %ne3A_2597 : i32
      %convert_element_type3A_2599 = arith.extui %ne3A_2598 : i1 to i32
      %cond3A_2600 = arith.constant 0 : i32
      %cond3A_2601 = arith.cmpi ne, %convert_element_type3A_2599, %cond3A_2600 : i32
      scf.if %cond3A_2601 {
        %dma_wait3A_2851 = arith.constant 0 : i32
        %dma_wait3A_2852 = tpu.memref_slice %arg12[%multiple_of3A_2594, %dma_wait3A_2851] : memref<512x128xf32, #tpu.memory_space<vmem>> -> memref<64x128xf32, #tpu.memory_space<vmem>>
        %dma_wait3A_2853 = arith.constant 0 : i32
        %dma_wait3A_2854 = arith.constant 0 : i32
        %dma_wait3A_2855 = tpu.memref_slice %arg6[%dma_wait3A_2853, %dma_wait3A_2854] : memref<64x1000001xf32, #tpu.memory_space<hbm>> -> memref<64x128xf32, #tpu.memory_space<hbm>>
        %dma_wait3A_2856 = arith.constant 0 : i32
        %dma_wait3A_2857 = tpu.memref_slice %arg12[%multiple_of3A_2594, %dma_wait3A_2856] : memref<512x128xf32, #tpu.memory_space<vmem>> -> memref<64x128xf32, #tpu.memory_space<vmem>>
        %dma_wait3A_2858 = arith.constant 0 : i32
        %dma_wait3A_2859 = arith.constant 0 : i32
        %dma_wait3A_2860 = tpu.memref_slice %arg6[%dma_wait3A_2858, %dma_wait3A_2859] : memref<64x1000001xf32, #tpu.memory_space<hbm>> -> memref<64x128xf32, #tpu.memory_space<hbm>>
        tpu.wait_dma2 semaphore(%arg15 : memref<!tpu.dma_semaphore, #tpu.memory_space<semaphore_mem>>) src(%dma_wait3A_2860 : memref<64x128xf32, #tpu.memory_space<hbm>>) dst(%dma_wait3A_2857 : memref<64x128xf32, #tpu.memory_space<vmem>>)
      } else {
      }
      %slice3A_2602 = vector.extract_strided_slice %get3A_1458 {offsets = [13], sizes = [1], strides = [1]} : vector<16xi32> to vector<1xi32>
      %squeeze3A_2603 = vector.extract %slice3A_2602[0] : i32 from vector<1xi32>
      %sub3A_2604 = arith.subi %squeeze3A_2603, %squeeze3A : i32
      %and3A_2605 = arith.constant 7 : i32
      %and3A_2606 = arith.andi %sub3A_2604, %and3A_2605 : i32
      %mul3A_2607 = arith.constant 64 : i32
      %mul3A_2608 = arith.muli %and3A_2606, %mul3A_2607 : i32
      %multiple_of3A_2609 = tpu.assume_multiple %mul3A_2608, 64 : i32
      %slice3A_2610 = vector.extract_strided_slice %get3A_1456 {offsets = [13], sizes = [1], strides = [1]} : vector<16xi32> to vector<1xi32>
      %squeeze3A_2611 = vector.extract %slice3A_2610[0] : i32 from vector<1xi32>
      %ne3A_2612 = arith.constant 0 : i32
      %ne3A_2613 = arith.cmpi ne, %squeeze3A_2611, %ne3A_2612 : i32
      %convert_element_type3A_2614 = arith.extui %ne3A_2613 : i1 to i32
      %cond3A_2615 = arith.constant 0 : i32
      %cond3A_2616 = arith.cmpi ne, %convert_element_type3A_2614, %cond3A_2615 : i32
      scf.if %cond3A_2616 {
        %dma_wait3A_2851 = arith.constant 0 : i32
        %dma_wait3A_2852 = tpu.memref_slice %arg12[%multiple_of3A_2609, %dma_wait3A_2851] : memref<512x128xf32, #tpu.memory_space<vmem>> -> memref<64x128xf32, #tpu.memory_space<vmem>>
        %dma_wait3A_2853 = arith.constant 0 : i32
        %dma_wait3A_2854 = arith.constant 0 : i32
        %dma_wait3A_2855 = tpu.memref_slice %arg6[%dma_wait3A_2853, %dma_wait3A_2854] : memref<64x1000001xf32, #tpu.memory_space<hbm>> -> memref<64x128xf32, #tpu.memory_space<hbm>>
        %dma_wait3A_2856 = arith.constant 0 : i32
        %dma_wait3A_2857 = tpu.memref_slice %arg12[%multiple_of3A_2609, %dma_wait3A_2856] : memref<512x128xf32, #tpu.memory_space<vmem>> -> memref<64x128xf32, #tpu.memory_space<vmem>>
        %dma_wait3A_2858 = arith.constant 0 : i32
        %dma_wait3A_2859 = arith.constant 0 : i32
        %dma_wait3A_2860 = tpu.memref_slice %arg6[%dma_wait3A_2858, %dma_wait3A_2859] : memref<64x1000001xf32, #tpu.memory_space<hbm>> -> memref<64x128xf32, #tpu.memory_space<hbm>>
        tpu.wait_dma2 semaphore(%arg15 : memref<!tpu.dma_semaphore, #tpu.memory_space<semaphore_mem>>) src(%dma_wait3A_2860 : memref<64x128xf32, #tpu.memory_space<hbm>>) dst(%dma_wait3A_2857 : memref<64x128xf32, #tpu.memory_space<vmem>>)
      } else {
      }
      %slice3A_2617 = vector.extract_strided_slice %get3A_1458 {offsets = [14], sizes = [1], strides = [1]} : vector<16xi32> to vector<1xi32>
      %squeeze3A_2618 = vector.extract %slice3A_2617[0] : i32 from vector<1xi32>
      %sub3A_2619 = arith.subi %squeeze3A_2618, %squeeze3A : i32
      %and3A_2620 = arith.constant 7 : i32
      %and3A_2621 = arith.andi %sub3A_2619, %and3A_2620 : i32
      %mul3A_2622 = arith.constant 64 : i32
      %mul3A_2623 = arith.muli %and3A_2621, %mul3A_2622 : i32
      %multiple_of3A_2624 = tpu.assume_multiple %mul3A_2623, 64 : i32
      %slice3A_2625 = vector.extract_strided_slice %get3A_1456 {offsets = [14], sizes = [1], strides = [1]} : vector<16xi32> to vector<1xi32>
      %squeeze3A_2626 = vector.extract %slice3A_2625[0] : i32 from vector<1xi32>
      %ne3A_2627 = arith.constant 0 : i32
      %ne3A_2628 = arith.cmpi ne, %squeeze3A_2626, %ne3A_2627 : i32
      %convert_element_type3A_2629 = arith.extui %ne3A_2628 : i1 to i32
      %cond3A_2630 = arith.constant 0 : i32
      %cond3A_2631 = arith.cmpi ne, %convert_element_type3A_2629, %cond3A_2630 : i32
      scf.if %cond3A_2631 {
        %dma_wait3A_2851 = arith.constant 0 : i32
        %dma_wait3A_2852 = tpu.memref_slice %arg12[%multiple_of3A_2624, %dma_wait3A_2851] : memref<512x128xf32, #tpu.memory_space<vmem>> -> memref<64x128xf32, #tpu.memory_space<vmem>>
        %dma_wait3A_2853 = arith.constant 0 : i32
        %dma_wait3A_2854 = arith.constant 0 : i32
        %dma_wait3A_2855 = tpu.memref_slice %arg6[%dma_wait3A_2853, %dma_wait3A_2854] : memref<64x1000001xf32, #tpu.memory_space<hbm>> -> memref<64x128xf32, #tpu.memory_space<hbm>>
        %dma_wait3A_2856 = arith.constant 0 : i32
        %dma_wait3A_2857 = tpu.memref_slice %arg12[%multiple_of3A_2624, %dma_wait3A_2856] : memref<512x128xf32, #tpu.memory_space<vmem>> -> memref<64x128xf32, #tpu.memory_space<vmem>>
        %dma_wait3A_2858 = arith.constant 0 : i32
        %dma_wait3A_2859 = arith.constant 0 : i32
        %dma_wait3A_2860 = tpu.memref_slice %arg6[%dma_wait3A_2858, %dma_wait3A_2859] : memref<64x1000001xf32, #tpu.memory_space<hbm>> -> memref<64x128xf32, #tpu.memory_space<hbm>>
        tpu.wait_dma2 semaphore(%arg15 : memref<!tpu.dma_semaphore, #tpu.memory_space<semaphore_mem>>) src(%dma_wait3A_2860 : memref<64x128xf32, #tpu.memory_space<hbm>>) dst(%dma_wait3A_2857 : memref<64x128xf32, #tpu.memory_space<vmem>>)
      } else {
      }
      %slice3A_2632 = vector.extract_strided_slice %get3A_1458 {offsets = [15], sizes = [1], strides = [1]} : vector<16xi32> to vector<1xi32>
      %squeeze3A_2633 = vector.extract %slice3A_2632[0] : i32 from vector<1xi32>
      %sub3A_2634 = arith.subi %squeeze3A_2633, %squeeze3A : i32
      %and3A_2635 = arith.constant 7 : i32
      %and3A_2636 = arith.andi %sub3A_2634, %and3A_2635 : i32
      %mul3A_2637 = arith.constant 64 : i32
      %mul3A_2638 = arith.muli %and3A_2636, %mul3A_2637 : i32
      %multiple_of3A_2639 = tpu.assume_multiple %mul3A_2638, 64 : i32
      %slice3A_2640 = vector.extract_strided_slice %get3A_1456 {offsets = [15], sizes = [1], strides = [1]} : vector<16xi32> to vector<1xi32>
      %squeeze3A_2641 = vector.extract %slice3A_2640[0] : i32 from vector<1xi32>
      %ne3A_2642 = arith.constant 0 : i32
      %ne3A_2643 = arith.cmpi ne, %squeeze3A_2641, %ne3A_2642 : i32
      %convert_element_type3A_2644 = arith.extui %ne3A_2643 : i1 to i32
      %cond3A_2645 = arith.constant 0 : i32
      %cond3A_2646 = arith.cmpi ne, %convert_element_type3A_2644, %cond3A_2645 : i32
      scf.if %cond3A_2646 {
        %dma_wait3A_2851 = arith.constant 0 : i32
        %dma_wait3A_2852 = tpu.memref_slice %arg12[%multiple_of3A_2639, %dma_wait3A_2851] : memref<512x128xf32, #tpu.memory_space<vmem>> -> memref<64x128xf32, #tpu.memory_space<vmem>>
        %dma_wait3A_2853 = arith.constant 0 : i32
        %dma_wait3A_2854 = arith.constant 0 : i32
        %dma_wait3A_2855 = tpu.memref_slice %arg6[%dma_wait3A_2853, %dma_wait3A_2854] : memref<64x1000001xf32, #tpu.memory_space<hbm>> -> memref<64x128xf32, #tpu.memory_space<hbm>>
        %dma_wait3A_2856 = arith.constant 0 : i32
        %dma_wait3A_2857 = tpu.memref_slice %arg12[%multiple_of3A_2639, %dma_wait3A_2856] : memref<512x128xf32, #tpu.memory_space<vmem>> -> memref<64x128xf32, #tpu.memory_space<vmem>>
        %dma_wait3A_2858 = arith.constant 0 : i32
        %dma_wait3A_2859 = arith.constant 0 : i32
        %dma_wait3A_2860 = tpu.memref_slice %arg6[%dma_wait3A_2858, %dma_wait3A_2859] : memref<64x1000001xf32, #tpu.memory_space<hbm>> -> memref<64x128xf32, #tpu.memory_space<hbm>>
        tpu.wait_dma2 semaphore(%arg15 : memref<!tpu.dma_semaphore, #tpu.memory_space<semaphore_mem>>) src(%dma_wait3A_2860 : memref<64x128xf32, #tpu.memory_space<hbm>>) dst(%dma_wait3A_2857 : memref<64x128xf32, #tpu.memory_space<vmem>>)
      } else {
      }
      %slice3A_2647 = vector.extract_strided_slice %get3A_1452 {offsets = [12], sizes = [1], strides = [1]} : vector<16xi32> to vector<1xi32>
      %squeeze3A_2648 = vector.extract %slice3A_2647[0] : i32 from vector<1xi32>
      %and3A_2649 = arith.constant 127 : i32
      %and3A_2650 = arith.andi %squeeze3A_2648, %and3A_2649 : i32
      %slice3A_2651 = vector.extract_strided_slice %get3A_1458 {offsets = [12], sizes = [1], strides = [1]} : vector<16xi32> to vector<1xi32>
      %squeeze3A_2652 = vector.extract %slice3A_2651[0] : i32 from vector<1xi32>
      %sub3A_2653 = arith.subi %squeeze3A_2652, %squeeze3A : i32
      %and3A_2654 = arith.constant 7 : i32
      %and3A_2655 = arith.andi %sub3A_2653, %and3A_2654 : i32
      %mul3A_2656 = arith.constant 64 : i32
      %mul3A_2657 = arith.muli %and3A_2655, %mul3A_2656 : i32
      %broadcast_in_dim3A_2658 = vector.broadcast %and3A_2650 : i32 to vector<16xi32>
      %add3A_2659 = vector.broadcast %mul3A_2657 : i32 to vector<16xi32>
      %add3A_2660 = arith.addi %add3A_6, %add3A_2659 : vector<16xi32>
      %gather3A_2661 = tpu.vector_load_idx %arg12[%add3A_2660, %broadcast_in_dim3A_2658] : memref<512x128xf32, #tpu.memory_space<vmem>>[vector<16xi32>, vector<16xi32>], vector<16xf32>,
      %multiple_of3A_2662 = arith.constant 1792 : i32
      %multiple_of3A_2663 = tpu.assume_multiple %multiple_of3A_2662, 16 : i32
      %swap3A_2664 = arith.index_cast %multiple_of3A_2663 : i32 to index
      %swap3A_2665 = tpu.vector_load %arg13[%swap3A_2664] {strides = array<i32>} : memref<2048xf32, #tpu.memory_space<vmem>>, vector<16xf32>,
      tpu.vector_store %arg13[%swap3A_2664], %gather3A_2661 {strides = array<i32>} : memref<2048xf32, #tpu.memory_space<vmem>>, vector<16xf32>,
      %add3A_2666 = vector.broadcast %mul3A_2657 : i32 to vector<16xi32>
      %add3A_2667 = arith.addi %add3A_10, %add3A_2666 : vector<16xi32>
      %gather3A_2668 = tpu.vector_load_idx %arg12[%add3A_2667, %broadcast_in_dim3A_2658] : memref<512x128xf32, #tpu.memory_space<vmem>>[vector<16xi32>, vector<16xi32>], vector<16xf32>,
      %multiple_of3A_2669 = arith.constant 1808 : i32
      %multiple_of3A_2670 = tpu.assume_multiple %multiple_of3A_2669, 16 : i32
      %swap3A_2671 = arith.index_cast %multiple_of3A_2670 : i32 to index
      %swap3A_2672 = tpu.vector_load %arg13[%swap3A_2671] {strides = array<i32>} : memref<2048xf32, #tpu.memory_space<vmem>>, vector<16xf32>,
      tpu.vector_store %arg13[%swap3A_2671], %gather3A_2668 {strides = array<i32>} : memref<2048xf32, #tpu.memory_space<vmem>>, vector<16xf32>,
      %add3A_2673 = vector.broadcast %mul3A_2657 : i32 to vector<16xi32>
      %add3A_2674 = arith.addi %add3A_14, %add3A_2673 : vector<16xi32>
      %gather3A_2675 = tpu.vector_load_idx %arg12[%add3A_2674, %broadcast_in_dim3A_2658] : memref<512x128xf32, #tpu.memory_space<vmem>>[vector<16xi32>, vector<16xi32>], vector<16xf32>,
      %multiple_of3A_2676 = arith.constant 1824 : i32
      %multiple_of3A_2677 = tpu.assume_multiple %multiple_of3A_2676, 16 : i32
      %swap3A_2678 = arith.index_cast %multiple_of3A_2677 : i32 to index
      %swap3A_2679 = tpu.vector_load %arg13[%swap3A_2678] {strides = array<i32>} : memref<2048xf32, #tpu.memory_space<vmem>>, vector<16xf32>,
      tpu.vector_store %arg13[%swap3A_2678], %gather3A_2675 {strides = array<i32>} : memref<2048xf32, #tpu.memory_space<vmem>>, vector<16xf32>,
      %add3A_2680 = vector.broadcast %mul3A_2657 : i32 to vector<16xi32>
      %add3A_2681 = arith.addi %add3A_18, %add3A_2680 : vector<16xi32>
      %gather3A_2682 = tpu.vector_load_idx %arg12[%add3A_2681, %broadcast_in_dim3A_2658] : memref<512x128xf32, #tpu.memory_space<vmem>>[vector<16xi32>, vector<16xi32>], vector<16xf32>,
      %multiple_of3A_2683 = arith.constant 1840 : i32
      %multiple_of3A_2684 = tpu.assume_multiple %multiple_of3A_2683, 16 : i32
      %swap3A_2685 = arith.index_cast %multiple_of3A_2684 : i32 to index
      %swap3A_2686 = tpu.vector_load %arg13[%swap3A_2685] {strides = array<i32>} : memref<2048xf32, #tpu.memory_space<vmem>>, vector<16xf32>,
      tpu.vector_store %arg13[%swap3A_2685], %gather3A_2682 {strides = array<i32>} : memref<2048xf32, #tpu.memory_space<vmem>>, vector<16xf32>,
      %slice3A_2687 = vector.extract_strided_slice %get3A_1454 {offsets = [12], sizes = [1], strides = [1]} : vector<16xi32> to vector<1xi32>
      %squeeze3A_2688 = vector.extract %slice3A_2687[0] : i32 from vector<1xi32>
      %mul3A_2689 = arith.constant 64 : i32
      %mul3A_2690 = arith.muli %squeeze3A_2688, %mul3A_2689 : i32
      %multiple_of3A_2691 = tpu.assume_multiple %mul3A_2690, 64 : i32
      %multiple_of3A_2692 = arith.constant 1792 : i32
      %multiple_of3A_2693 = tpu.assume_multiple %multiple_of3A_2692, 64 : i32
      %dma_start3A_2694 = tpu.memref_slice %arg13[%multiple_of3A_2693] : memref<2048xf32, #tpu.memory_space<vmem>> -> memref<64xf32, #tpu.memory_space<vmem>>
      %dma_start3A_2695 = tpu.memref_slice %arg7[%multiple_of3A_2691] : memref<1048576xf32, #tpu.memory_space<hbm>> -> memref<64xf32, #tpu.memory_space<hbm>>
      %dma_start3A_2696 = tpu.memref_slice %arg7[%multiple_of3A_2691] : memref<1048576xf32, #tpu.memory_space<hbm>> -> memref<64xf32, #tpu.memory_space<hbm>>
      %dma_start3A_2697 = tpu.memref_slice %arg13[%multiple_of3A_2693] : memref<2048xf32, #tpu.memory_space<vmem>> -> memref<64xf32, #tpu.memory_space<vmem>>
      tpu.enqueue_dma source(%dma_start3A_2697 : memref<64xf32, #tpu.memory_space<vmem>>) target(%dma_start3A_2696 : memref<64xf32, #tpu.memory_space<hbm>>) target_semaphore(%arg17 : memref<!tpu.dma_semaphore, #tpu.memory_space<semaphore_mem>>)
      %slice3A_2698 = vector.extract_strided_slice %get3A_1452 {offsets = [13], sizes = [1], strides = [1]} : vector<16xi32> to vector<1xi32>
      %squeeze3A_2699 = vector.extract %slice3A_2698[0] : i32 from vector<1xi32>
      %and3A_2700 = arith.constant 127 : i32
      %and3A_2701 = arith.andi %squeeze3A_2699, %and3A_2700 : i32
      %slice3A_2702 = vector.extract_strided_slice %get3A_1458 {offsets = [13], sizes = [1], strides = [1]} : vector<16xi32> to vector<1xi32>
      %squeeze3A_2703 = vector.extract %slice3A_2702[0] : i32 from vector<1xi32>
      %sub3A_2704 = arith.subi %squeeze3A_2703, %squeeze3A : i32
      %and3A_2705 = arith.constant 7 : i32
      %and3A_2706 = arith.andi %sub3A_2704, %and3A_2705 : i32
      %mul3A_2707 = arith.constant 64 : i32
      %mul3A_2708 = arith.muli %and3A_2706, %mul3A_2707 : i32
      %broadcast_in_dim3A_2709 = vector.broadcast %and3A_2701 : i32 to vector<16xi32>
      %add3A_2710 = vector.broadcast %mul3A_2708 : i32 to vector<16xi32>
      %add3A_2711 = arith.addi %add3A_6, %add3A_2710 : vector<16xi32>
      %gather3A_2712 = tpu.vector_load_idx %arg12[%add3A_2711, %broadcast_in_dim3A_2709] : memref<512x128xf32, #tpu.memory_space<vmem>>[vector<16xi32>, vector<16xi32>], vector<16xf32>,
      %multiple_of3A_2713 = arith.constant 1856 : i32
      %multiple_of3A_2714 = tpu.assume_multiple %multiple_of3A_2713, 16 : i32
      %swap3A_2715 = arith.index_cast %multiple_of3A_2714 : i32 to index
      %swap3A_2716 = tpu.vector_load %arg13[%swap3A_2715] {strides = array<i32>} : memref<2048xf32, #tpu.memory_space<vmem>>, vector<16xf32>,
      tpu.vector_store %arg13[%swap3A_2715], %gather3A_2712 {strides = array<i32>} : memref<2048xf32, #tpu.memory_space<vmem>>, vector<16xf32>,
      %add3A_2717 = vector.broadcast %mul3A_2708 : i32 to vector<16xi32>
      %add3A_2718 = arith.addi %add3A_10, %add3A_2717 : vector<16xi32>
      %gather3A_2719 = tpu.vector_load_idx %arg12[%add3A_2718, %broadcast_in_dim3A_2709] : memref<512x128xf32, #tpu.memory_space<vmem>>[vector<16xi32>, vector<16xi32>], vector<16xf32>,
      %multiple_of3A_2720 = arith.constant 1872 : i32
      %multiple_of3A_2721 = tpu.assume_multiple %multiple_of3A_2720, 16 : i32
      %swap3A_2722 = arith.index_cast %multiple_of3A_2721 : i32 to index
      %swap3A_2723 = tpu.vector_load %arg13[%swap3A_2722] {strides = array<i32>} : memref<2048xf32, #tpu.memory_space<vmem>>, vector<16xf32>,
      tpu.vector_store %arg13[%swap3A_2722], %gather3A_2719 {strides = array<i32>} : memref<2048xf32, #tpu.memory_space<vmem>>, vector<16xf32>,
      %add3A_2724 = vector.broadcast %mul3A_2708 : i32 to vector<16xi32>
      %add3A_2725 = arith.addi %add3A_14, %add3A_2724 : vector<16xi32>
      %gather3A_2726 = tpu.vector_load_idx %arg12[%add3A_2725, %broadcast_in_dim3A_2709] : memref<512x128xf32, #tpu.memory_space<vmem>>[vector<16xi32>, vector<16xi32>], vector<16xf32>,
      %multiple_of3A_2727 = arith.constant 1888 : i32
      %multiple_of3A_2728 = tpu.assume_multiple %multiple_of3A_2727, 16 : i32
      %swap3A_2729 = arith.index_cast %multiple_of3A_2728 : i32 to index
      %swap3A_2730 = tpu.vector_load %arg13[%swap3A_2729] {strides = array<i32>} : memref<2048xf32, #tpu.memory_space<vmem>>, vector<16xf32>,
      tpu.vector_store %arg13[%swap3A_2729], %gather3A_2726 {strides = array<i32>} : memref<2048xf32, #tpu.memory_space<vmem>>, vector<16xf32>,
      %add3A_2731 = vector.broadcast %mul3A_2708 : i32 to vector<16xi32>
      %add3A_2732 = arith.addi %add3A_18, %add3A_2731 : vector<16xi32>
      %gather3A_2733 = tpu.vector_load_idx %arg12[%add3A_2732, %broadcast_in_dim3A_2709] : memref<512x128xf32, #tpu.memory_space<vmem>>[vector<16xi32>, vector<16xi32>], vector<16xf32>,
      %multiple_of3A_2734 = arith.constant 1904 : i32
      %multiple_of3A_2735 = tpu.assume_multiple %multiple_of3A_2734, 16 : i32
      %swap3A_2736 = arith.index_cast %multiple_of3A_2735 : i32 to index
      %swap3A_2737 = tpu.vector_load %arg13[%swap3A_2736] {strides = array<i32>} : memref<2048xf32, #tpu.memory_space<vmem>>, vector<16xf32>,
      tpu.vector_store %arg13[%swap3A_2736], %gather3A_2733 {strides = array<i32>} : memref<2048xf32, #tpu.memory_space<vmem>>, vector<16xf32>,
      %slice3A_2738 = vector.extract_strided_slice %get3A_1454 {offsets = [13], sizes = [1], strides = [1]} : vector<16xi32> to vector<1xi32>
      %squeeze3A_2739 = vector.extract %slice3A_2738[0] : i32 from vector<1xi32>
      %mul3A_2740 = arith.constant 64 : i32
      %mul3A_2741 = arith.muli %squeeze3A_2739, %mul3A_2740 : i32
      %multiple_of3A_2742 = tpu.assume_multiple %mul3A_2741, 64 : i32
      %multiple_of3A_2743 = arith.constant 1856 : i32
      %multiple_of3A_2744 = tpu.assume_multiple %multiple_of3A_2743, 64 : i32
      %dma_start3A_2745 = tpu.memref_slice %arg13[%multiple_of3A_2744] : memref<2048xf32, #tpu.memory_space<vmem>> -> memref<64xf32, #tpu.memory_space<vmem>>
      %dma_start3A_2746 = tpu.memref_slice %arg7[%multiple_of3A_2742] : memref<1048576xf32, #tpu.memory_space<hbm>> -> memref<64xf32, #tpu.memory_space<hbm>>
      %dma_start3A_2747 = tpu.memref_slice %arg7[%multiple_of3A_2742] : memref<1048576xf32, #tpu.memory_space<hbm>> -> memref<64xf32, #tpu.memory_space<hbm>>
      %dma_start3A_2748 = tpu.memref_slice %arg13[%multiple_of3A_2744] : memref<2048xf32, #tpu.memory_space<vmem>> -> memref<64xf32, #tpu.memory_space<vmem>>
      tpu.enqueue_dma source(%dma_start3A_2748 : memref<64xf32, #tpu.memory_space<vmem>>) target(%dma_start3A_2747 : memref<64xf32, #tpu.memory_space<hbm>>) target_semaphore(%arg17 : memref<!tpu.dma_semaphore, #tpu.memory_space<semaphore_mem>>)
      %slice3A_2749 = vector.extract_strided_slice %get3A_1452 {offsets = [14], sizes = [1], strides = [1]} : vector<16xi32> to vector<1xi32>
      %squeeze3A_2750 = vector.extract %slice3A_2749[0] : i32 from vector<1xi32>
      %and3A_2751 = arith.constant 127 : i32
      %and3A_2752 = arith.andi %squeeze3A_2750, %and3A_2751 : i32
      %slice3A_2753 = vector.extract_strided_slice %get3A_1458 {offsets = [14], sizes = [1], strides = [1]} : vector<16xi32> to vector<1xi32>
      %squeeze3A_2754 = vector.extract %slice3A_2753[0] : i32 from vector<1xi32>
      %sub3A_2755 = arith.subi %squeeze3A_2754, %squeeze3A : i32
      %and3A_2756 = arith.constant 7 : i32
      %and3A_2757 = arith.andi %sub3A_2755, %and3A_2756 : i32
      %mul3A_2758 = arith.constant 64 : i32
      %mul3A_2759 = arith.muli %and3A_2757, %mul3A_2758 : i32
      %broadcast_in_dim3A_2760 = vector.broadcast %and3A_2752 : i32 to vector<16xi32>
      %add3A_2761 = vector.broadcast %mul3A_2759 : i32 to vector<16xi32>
      %add3A_2762 = arith.addi %add3A_6, %add3A_2761 : vector<16xi32>
      %gather3A_2763 = tpu.vector_load_idx %arg12[%add3A_2762, %broadcast_in_dim3A_2760] : memref<512x128xf32, #tpu.memory_space<vmem>>[vector<16xi32>, vector<16xi32>], vector<16xf32>,
      %multiple_of3A_2764 = arith.constant 1920 : i32
      %multiple_of3A_2765 = tpu.assume_multiple %multiple_of3A_2764, 16 : i32
      %swap3A_2766 = arith.index_cast %multiple_of3A_2765 : i32 to index
      %swap3A_2767 = tpu.vector_load %arg13[%swap3A_2766] {strides = array<i32>} : memref<2048xf32, #tpu.memory_space<vmem>>, vector<16xf32>,
      tpu.vector_store %arg13[%swap3A_2766], %gather3A_2763 {strides = array<i32>} : memref<2048xf32, #tpu.memory_space<vmem>>, vector<16xf32>,
      %add3A_2768 = vector.broadcast %mul3A_2759 : i32 to vector<16xi32>
      %add3A_2769 = arith.addi %add3A_10, %add3A_2768 : vector<16xi32>
      %gather3A_2770 = tpu.vector_load_idx %arg12[%add3A_2769, %broadcast_in_dim3A_2760] : memref<512x128xf32, #tpu.memory_space<vmem>>[vector<16xi32>, vector<16xi32>], vector<16xf32>,
      %multiple_of3A_2771 = arith.constant 1936 : i32
      %multiple_of3A_2772 = tpu.assume_multiple %multiple_of3A_2771, 16 : i32
      %swap3A_2773 = arith.index_cast %multiple_of3A_2772 : i32 to index
      %swap3A_2774 = tpu.vector_load %arg13[%swap3A_2773] {strides = array<i32>} : memref<2048xf32, #tpu.memory_space<vmem>>, vector<16xf32>,
      tpu.vector_store %arg13[%swap3A_2773], %gather3A_2770 {strides = array<i32>} : memref<2048xf32, #tpu.memory_space<vmem>>, vector<16xf32>,
      %add3A_2775 = vector.broadcast %mul3A_2759 : i32 to vector<16xi32>
      %add3A_2776 = arith.addi %add3A_14, %add3A_2775 : vector<16xi32>
      %gather3A_2777 = tpu.vector_load_idx %arg12[%add3A_2776, %broadcast_in_dim3A_2760] : memref<512x128xf32, #tpu.memory_space<vmem>>[vector<16xi32>, vector<16xi32>], vector<16xf32>,
      %multiple_of3A_2778 = arith.constant 1952 : i32
      %multiple_of3A_2779 = tpu.assume_multiple %multiple_of3A_2778, 16 : i32
      %swap3A_2780 = arith.index_cast %multiple_of3A_2779 : i32 to index
      %swap3A_2781 = tpu.vector_load %arg13[%swap3A_2780] {strides = array<i32>} : memref<2048xf32, #tpu.memory_space<vmem>>, vector<16xf32>,
      tpu.vector_store %arg13[%swap3A_2780], %gather3A_2777 {strides = array<i32>} : memref<2048xf32, #tpu.memory_space<vmem>>, vector<16xf32>,
      %add3A_2782 = vector.broadcast %mul3A_2759 : i32 to vector<16xi32>
      %add3A_2783 = arith.addi %add3A_18, %add3A_2782 : vector<16xi32>
      %gather3A_2784 = tpu.vector_load_idx %arg12[%add3A_2783, %broadcast_in_dim3A_2760] : memref<512x128xf32, #tpu.memory_space<vmem>>[vector<16xi32>, vector<16xi32>], vector<16xf32>,
      %multiple_of3A_2785 = arith.constant 1968 : i32
      %multiple_of3A_2786 = tpu.assume_multiple %multiple_of3A_2785, 16 : i32
      %swap3A_2787 = arith.index_cast %multiple_of3A_2786 : i32 to index
      %swap3A_2788 = tpu.vector_load %arg13[%swap3A_2787] {strides = array<i32>} : memref<2048xf32, #tpu.memory_space<vmem>>, vector<16xf32>,
      tpu.vector_store %arg13[%swap3A_2787], %gather3A_2784 {strides = array<i32>} : memref<2048xf32, #tpu.memory_space<vmem>>, vector<16xf32>,
      %slice3A_2789 = vector.extract_strided_slice %get3A_1454 {offsets = [14], sizes = [1], strides = [1]} : vector<16xi32> to vector<1xi32>
      %squeeze3A_2790 = vector.extract %slice3A_2789[0] : i32 from vector<1xi32>
      %mul3A_2791 = arith.constant 64 : i32
      %mul3A_2792 = arith.muli %squeeze3A_2790, %mul3A_2791 : i32
      %multiple_of3A_2793 = tpu.assume_multiple %mul3A_2792, 64 : i32
      %multiple_of3A_2794 = arith.constant 1920 : i32
      %multiple_of3A_2795 = tpu.assume_multiple %multiple_of3A_2794, 64 : i32
      %dma_start3A_2796 = tpu.memref_slice %arg13[%multiple_of3A_2795] : memref<2048xf32, #tpu.memory_space<vmem>> -> memref<64xf32, #tpu.memory_space<vmem>>
      %dma_start3A_2797 = tpu.memref_slice %arg7[%multiple_of3A_2793] : memref<1048576xf32, #tpu.memory_space<hbm>> -> memref<64xf32, #tpu.memory_space<hbm>>
      %dma_start3A_2798 = tpu.memref_slice %arg7[%multiple_of3A_2793] : memref<1048576xf32, #tpu.memory_space<hbm>> -> memref<64xf32, #tpu.memory_space<hbm>>
      %dma_start3A_2799 = tpu.memref_slice %arg13[%multiple_of3A_2795] : memref<2048xf32, #tpu.memory_space<vmem>> -> memref<64xf32, #tpu.memory_space<vmem>>
      tpu.enqueue_dma source(%dma_start3A_2799 : memref<64xf32, #tpu.memory_space<vmem>>) target(%dma_start3A_2798 : memref<64xf32, #tpu.memory_space<hbm>>) target_semaphore(%arg17 : memref<!tpu.dma_semaphore, #tpu.memory_space<semaphore_mem>>)
      %slice3A_2800 = vector.extract_strided_slice %get3A_1452 {offsets = [15], sizes = [1], strides = [1]} : vector<16xi32> to vector<1xi32>
      %squeeze3A_2801 = vector.extract %slice3A_2800[0] : i32 from vector<1xi32>
      %and3A_2802 = arith.constant 127 : i32
      %and3A_2803 = arith.andi %squeeze3A_2801, %and3A_2802 : i32
      %slice3A_2804 = vector.extract_strided_slice %get3A_1458 {offsets = [15], sizes = [1], strides = [1]} : vector<16xi32> to vector<1xi32>
      %squeeze3A_2805 = vector.extract %slice3A_2804[0] : i32 from vector<1xi32>
      %sub3A_2806 = arith.subi %squeeze3A_2805, %squeeze3A : i32
      %and3A_2807 = arith.constant 7 : i32
      %and3A_2808 = arith.andi %sub3A_2806, %and3A_2807 : i32
      %mul3A_2809 = arith.constant 64 : i32
      %mul3A_2810 = arith.muli %and3A_2808, %mul3A_2809 : i32
      %broadcast_in_dim3A_2811 = vector.broadcast %and3A_2803 : i32 to vector<16xi32>
      %add3A_2812 = vector.broadcast %mul3A_2810 : i32 to vector<16xi32>
      %add3A_2813 = arith.addi %add3A_6, %add3A_2812 : vector<16xi32>
      %gather3A_2814 = tpu.vector_load_idx %arg12[%add3A_2813, %broadcast_in_dim3A_2811] : memref<512x128xf32, #tpu.memory_space<vmem>>[vector<16xi32>, vector<16xi32>], vector<16xf32>,
      %multiple_of3A_2815 = arith.constant 1984 : i32
      %multiple_of3A_2816 = tpu.assume_multiple %multiple_of3A_2815, 16 : i32
      %swap3A_2817 = arith.index_cast %multiple_of3A_2816 : i32 to index
      %swap3A_2818 = tpu.vector_load %arg13[%swap3A_2817] {strides = array<i32>} : memref<2048xf32, #tpu.memory_space<vmem>>, vector<16xf32>,
      tpu.vector_store %arg13[%swap3A_2817], %gather3A_2814 {strides = array<i32>} : memref<2048xf32, #tpu.memory_space<vmem>>, vector<16xf32>,
      %add3A_2819 = vector.broadcast %mul3A_2810 : i32 to vector<16xi32>
      %add3A_2820 = arith.addi %add3A_10, %add3A_2819 : vector<16xi32>
      %gather3A_2821 = tpu.vector_load_idx %arg12[%add3A_2820, %broadcast_in_dim3A_2811] : memref<512x128xf32, #tpu.memory_space<vmem>>[vector<16xi32>, vector<16xi32>], vector<16xf32>,
      %multiple_of3A_2822 = arith.constant 2000 : i32
      %multiple_of3A_2823 = tpu.assume_multiple %multiple_of3A_2822, 16 : i32
      %swap3A_2824 = arith.index_cast %multiple_of3A_2823 : i32 to index
      %swap3A_2825 = tpu.vector_load %arg13[%swap3A_2824] {strides = array<i32>} : memref<2048xf32, #tpu.memory_space<vmem>>, vector<16xf32>,
      tpu.vector_store %arg13[%swap3A_2824], %gather3A_2821 {strides = array<i32>} : memref<2048xf32, #tpu.memory_space<vmem>>, vector<16xf32>,
      %add3A_2826 = vector.broadcast %mul3A_2810 : i32 to vector<16xi32>
      %add3A_2827 = arith.addi %add3A_14, %add3A_2826 : vector<16xi32>
      %gather3A_2828 = tpu.vector_load_idx %arg12[%add3A_2827, %broadcast_in_dim3A_2811] : memref<512x128xf32, #tpu.memory_space<vmem>>[vector<16xi32>, vector<16xi32>], vector<16xf32>,
      %multiple_of3A_2829 = arith.constant 2016 : i32
      %multiple_of3A_2830 = tpu.assume_multiple %multiple_of3A_2829, 16 : i32
      %swap3A_2831 = arith.index_cast %multiple_of3A_2830 : i32 to index
      %swap3A_2832 = tpu.vector_load %arg13[%swap3A_2831] {strides = array<i32>} : memref<2048xf32, #tpu.memory_space<vmem>>, vector<16xf32>,
      tpu.vector_store %arg13[%swap3A_2831], %gather3A_2828 {strides = array<i32>} : memref<2048xf32, #tpu.memory_space<vmem>>, vector<16xf32>,
      %add3A_2833 = vector.broadcast %mul3A_2810 : i32 to vector<16xi32>
      %add3A_2834 = arith.addi %add3A_18, %add3A_2833 : vector<16xi32>
      %gather3A_2835 = tpu.vector_load_idx %arg12[%add3A_2834, %broadcast_in_dim3A_2811] : memref<512x128xf32, #tpu.memory_space<vmem>>[vector<16xi32>, vector<16xi32>], vector<16xf32>,
      %multiple_of3A_2836 = arith.constant 2032 : i32
      %multiple_of3A_2837 = tpu.assume_multiple %multiple_of3A_2836, 16 : i32
      %swap3A_2838 = arith.index_cast %multiple_of3A_2837 : i32 to index
      %swap3A_2839 = tpu.vector_load %arg13[%swap3A_2838] {strides = array<i32>} : memref<2048xf32, #tpu.memory_space<vmem>>, vector<16xf32>,
      tpu.vector_store %arg13[%swap3A_2838], %gather3A_2835 {strides = array<i32>} : memref<2048xf32, #tpu.memory_space<vmem>>, vector<16xf32>,
      %slice3A_2840 = vector.extract_strided_slice %get3A_1454 {offsets = [15], sizes = [1], strides = [1]} : vector<16xi32> to vector<1xi32>
      %squeeze3A_2841 = vector.extract %slice3A_2840[0] : i32 from vector<1xi32>
      %mul3A_2842 = arith.constant 64 : i32
      %mul3A_2843 = arith.muli %squeeze3A_2841, %mul3A_2842 : i32
      %multiple_of3A_2844 = tpu.assume_multiple %mul3A_2843, 64 : i32
      %multiple_of3A_2845 = arith.constant 1984 : i32
      %multiple_of3A_2846 = tpu.assume_multiple %multiple_of3A_2845, 64 : i32
      %dma_start3A_2847 = tpu.memref_slice %arg13[%multiple_of3A_2846] : memref<2048xf32, #tpu.memory_space<vmem>> -> memref<64xf32, #tpu.memory_space<vmem>>
      %dma_start3A_2848 = tpu.memref_slice %arg7[%multiple_of3A_2844] : memref<1048576xf32, #tpu.memory_space<hbm>> -> memref<64xf32, #tpu.memory_space<hbm>>
      %dma_start3A_2849 = tpu.memref_slice %arg7[%multiple_of3A_2844] : memref<1048576xf32, #tpu.memory_space<hbm>> -> memref<64xf32, #tpu.memory_space<hbm>>
      %dma_start3A_2850 = tpu.memref_slice %arg13[%multiple_of3A_2846] : memref<2048xf32, #tpu.memory_space<vmem>> -> memref<64xf32, #tpu.memory_space<vmem>>
      tpu.enqueue_dma source(%dma_start3A_2850 : memref<64xf32, #tpu.memory_space<vmem>>) target(%dma_start3A_2849 : memref<64xf32, #tpu.memory_space<hbm>>) target_semaphore(%arg17 : memref<!tpu.dma_semaphore, #tpu.memory_space<semaphore_mem>>)
    }
    %scan3A_23 = arith.constant 16 : i32
    %dma_wait3A = arith.constant 0 : i32
    %dma_wait3A_24 = tpu.memref_slice %arg13[%dma_wait3A] : memref<2048xf32, #tpu.memory_space<vmem>> -> memref<1024xf32, #tpu.memory_space<vmem>>
    %dma_wait3A_25 = arith.constant 0 : i32
    %dma_wait3A_26 = tpu.memref_slice %arg7[%dma_wait3A_25] : memref<1048576xf32, #tpu.memory_space<hbm>> -> memref<1024xf32, #tpu.memory_space<hbm>>
    %dma_wait3A_27 = arith.constant 0 : i32
    %dma_wait3A_28 = tpu.memref_slice %arg13[%dma_wait3A_27] : memref<2048xf32, #tpu.memory_space<vmem>> -> memref<1024xf32, #tpu.memory_space<vmem>>
    %dma_wait3A_29 = arith.constant 0 : i32
    %dma_wait3A_30 = tpu.memref_slice %arg7[%dma_wait3A_29] : memref<1048576xf32, #tpu.memory_space<hbm>> -> memref<1024xf32, #tpu.memory_space<hbm>>
    tpu.wait_dma2 semaphore(%arg16 : memref<!tpu.dma_semaphore, #tpu.memory_space<semaphore_mem>>) src(%dma_wait3A_30 : memref<1024xf32, #tpu.memory_space<hbm>>) dst(%dma_wait3A_28 : memref<1024xf32, #tpu.memory_space<vmem>>)
    %dma_wait3A_31 = arith.constant 1024 : i32
    %dma_wait3A_32 = tpu.memref_slice %arg13[%dma_wait3A_31] : memref<2048xf32, #tpu.memory_space<vmem>> -> memref<1024xf32, #tpu.memory_space<vmem>>
    %dma_wait3A_33 = arith.constant 0 : i32
    %dma_wait3A_34 = tpu.memref_slice %arg7[%dma_wait3A_33] : memref<1048576xf32, #tpu.memory_space<hbm>> -> memref<1024xf32, #tpu.memory_space<hbm>>
    %dma_wait3A_35 = arith.constant 1024 : i32
    %dma_wait3A_36 = tpu.memref_slice %arg13[%dma_wait3A_35] : memref<2048xf32, #tpu.memory_space<vmem>> -> memref<1024xf32, #tpu.memory_space<vmem>>
    %dma_wait3A_37 = arith.constant 0 : i32
    %dma_wait3A_38 = tpu.memref_slice %arg7[%dma_wait3A_37] : memref<1048576xf32, #tpu.memory_space<hbm>> -> memref<1024xf32, #tpu.memory_space<hbm>>
    tpu.wait_dma2 semaphore(%arg17 : memref<!tpu.dma_semaphore, #tpu.memory_space<semaphore_mem>>) src(%dma_wait3A_38 : memref<1024xf32, #tpu.memory_space<hbm>>) dst(%dma_wait3A_36 : memref<1024xf32, #tpu.memory_space<vmem>>)
    return
  }
}

</mosaic_0001>

<sc_bundles>
// kernel: gather_offload_async_start
scs
__scs_entry_jumppad:
0x0: {  	(pc) =	sbr.rel $0x88, $3  }
0x1: {  	(tag) =	ssettag $0x0;
	lr =	simm.s32 $0x1  }
0x2: {  	[smem:$0x3F9F] =	sst lr;
	_ =	strace $0xD0000000  }
0x3: {  	_ = 	snop  }
0x4: {  	_ = 	snop  }
0x5: {  	_ = 	snop  }
0x6: {  	_ = 	snop  }
0x7: {  	_ = 	snop  }
__scs_overlays_trampoline_lowered:
0x8: {  	[smem:$0x3FAE] =	sst s0  }
0x9: {  	[smem:$0x3FAF] =	sst s1  }
0xa: {  	[smem:$0x3FB0] =	sst s2  }
0xb: {  	[smem:$0x3FB1] =	sst s3  }
0xc: {  	[smem:$0x3FB2] =	sst s4  }
0xd: {  	[smem:$0x3FB3] =	sst s5  }
0xe: {  	[smem:$0x3FB4] =	sst s6  }
0xf: {  	[smem:$0x3FB5] =	sst s7  }
0x10: {  	[smem:$0x3FB6] =	sst s8  }
0x11: {  	[smem:$0x3FB7] =	sst s9;
	s0 =	simm.s32 @!p0 $0x0  }
0x12: {  	s1 =	sld [smem:$0x3F9D];
	s0 =	simm.s32 @p0 $0x1  }
0x13: {  	[smem:$0x3FB8] =	sst s0;
	s0 =	simm.s32 @!p1 $0x0  }
0x14: {  	s2 =	sld [smem:$0x3F9C];
	s0 =	simm.s32 @p1 $0x1  }
0x15: {  	[smem:$0x3FB9] =	sst s0;
	s0 =	simm.s32 @!p2 $0x0  }
0x16: {  	s3 =	sld [smem:$0x3FDB];
	s0 =	simm.s32 @p2 $0x1  }
0x17: {  	s4 =	simm.s32 $0x1BF5;
	[smem:$0x3FBB] =	sst s0  }
0x18: {  	s0 =	sld [smem:$0x3F9E];
	_ =	swait.ge [sflag:s4], $0x0  }
0x19: {  	s7 =	sld [smem:$0x3F9F]  }
0x1a: {  	s8 =	sadd.s32 $0xFFFFE003, lr  }
0x1b: {  	s9 =	sadd.s32 $0xFFFFFEF7, lr;
	s5 =	simm.s32 $0xFFFFFFFF;
	p2 =	slt.u32 s8, $0xFFFFF086  }
0x1c: {  	p1 =	slt.u32 s9, $0xF7A;
	s5 =	simm.s32 @!p2 $0x0  }
0x1d: {  	s5 =	simm.s32 @p1 $0x1;
	p0 =	seq.s32 s7, s2  }
0x1e: {  	s7 =	smul.u32 @!p0 $0xF7A, s2;
	p2 =	seq.s32 @!p0 s5, $0x0  }
0x1f: {  	s9 =	smul.u32 $0xF7A, s1;
	s8 =	simm.s32 @!p0 $0x1BF5;
	p2 =	por !p2, p0  }
0x20: {  	[sflag:s8] =	ssyncset.s32 @!p0 $0xFFFFF086;
	s6 =	sadd.s32 @!p0 s3, s7;
	s7 =	simm.s32 @!p0 $0x108  }
0x21: {  	s3 =	sadd.s32 s3, s9;
	s6 =	sadd.s32 @!p0 $0x88, s6;
	s7 =	simm.s32 @p2 $0x1082  }
0x22: {  	[simem:s7], [sflag:s8] =	dma.local @!p0 [hbm:s6], $0xF7A  }
0x23: {  	s9 =	sor.u32 $0xD0000000, s2;
	s6 =	simm.s32 $0x108;
	_ =	swait.ge @!p0 [sflag:s8], $0x0  }
0x24: {  	s3 =	sadd.s32 $0x88, s3;
	s6 =	simm.s32 @!p1 $0x1082;
	[sflag:s4] =	ssyncset.s32 $0xFFFFF086  }
0x25: {  	[simem:s6], [sflag:s4] =	dma.local [hbm:s3], $0xF7A  }
0x26: {  	[smem:$0x3F9F] =	sst s1;
	(tag) =	ssettag s2;
	_ =	strace s9  }
0x27: {  	s1 =	sld [smem:$0x3FAF]  }
0x28: {  	s2 =	sld [smem:$0x3FB0]  }
0x29: {  	s4 =	sld [smem:$0x3FB2]  }
0x2a: {  	p0 =	seq.s32 s5, $0x0;
	s5 =	sld [smem:$0x3FB3]  }
0x2b: {  	s6 =	sld [smem:$0x3FB4]  }
0x2c: {  	s7 =	sld [smem:$0x3FB5]  }
0x2d: {  	s3 =	simm.s32 $0x108;
	s8 =	sld [smem:$0x3FB6]  }
0x2e: {  	s3 =	simm.s32 @!p0 $0x1082;
	s9 =	sld [smem:$0x3FB7]  }
0x2f: {  	lr =	sadd.s32 s0, s3;
	s0 =	sld [smem:$0x3FAE]  }
0x30: {  	s3 =	sld [smem:$0x3FB1]  }
0x31: {  	[smem:$0x3FBA] =	sst s10  }
0x32: {  	s10 =	sld [smem:$0x3FB8];
	_ =	sdelay $0x3  }
0x33: {  	p0 =	seq.s32 s10, $0x1;
	s10 =	sld [smem:$0x3FBA];
	_ =	sdelay $0x3  }
0x34: {  	[smem:$0x3FBA] =	sst s10  }
0x35: {  	s10 =	sld [smem:$0x3FB9];
	_ =	sdelay $0x3  }
0x36: {  	p1 =	seq.s32 s10, $0x1;
	s10 =	sld [smem:$0x3FBA];
	_ =	sdelay $0x3  }
0x37: {  	[smem:$0x3FBA] =	sst s10  }
0x38: {  	s10 =	sld [smem:$0x3FBB]  }
0x39: {  	_ = 	snop;
	(pc) =	sbr.ind lr, $3  }
0x3a: {  	_ = 	snop  }
0x3b: {  	_ = 	snop  }
0x3c: {  	p2 =	seq.s32 s10, $0x1;
	s10 =	sld [smem:$0x3FBA]  }
0x3d: {  	_ =	shalt  }
0x3e: {  	_ =	shalt  }
0x3f: {  	_ =	shalt  }
0x40: {  	_ =	shalt  }
0x41: {  	_ =	shalt  }
0x42: {  	_ =	shalt  }
0x43: {  	_ =	shalt  }
0x44: {  	_ =	shalt  }
0x45: {  	_ =	shalt  }
0x46: {  	_ =	shalt  }
0x47: {  	_ =	shalt  }
0x48: {  	_ =	shalt  }
0x49: {  	_ =	shalt  }
0x4a: {  	_ =	shalt  }
0x4b: {  	_ =	shalt  }
0x4c: {  	_ =	shalt  }
0x4d: {  	_ =	shalt  }
0x4e: {  	_ =	shalt  }
0x4f: {  	_ =	shalt  }
0x50: {  	_ =	shalt  }
0x51: {  	_ =	shalt  }
0x52: {  	_ =	shalt  }
0x53: {  	_ =	shalt  }
0x54: {  	_ =	shalt  }
0x55: {  	_ =	shalt  }
0x56: {  	_ =	shalt  }
0x57: {  	_ =	shalt  }
0x58: {  	_ =	shalt  }
0x59: {  	_ =	shalt  }
0x5a: {  	_ =	shalt  }
0x5b: {  	_ =	shalt  }
0x5c: {  	_ =	shalt  }
0x5d: {  	_ =	shalt  }
0x5e: {  	_ =	shalt  }
0x5f: {  	_ =	shalt  }
0x60: {  	_ =	shalt  }
0x61: {  	_ =	shalt  }
0x62: {  	_ =	shalt  }
0x63: {  	_ =	shalt  }
0x64: {  	_ =	shalt  }
0x65: {  	_ =	shalt  }
0x66: {  	_ =	shalt  }
0x67: {  	_ =	shalt  }
0x68: {  	_ =	shalt  }
0x69: {  	_ =	shalt  }
0x6a: {  	_ =	shalt  }
0x6b: {  	_ =	shalt  }
0x6c: {  	_ =	shalt  }
0x6d: {  	_ =	shalt  }
0x6e: {  	_ =	shalt  }
0x6f: {  	_ =	shalt  }
0x70: {  	_ =	shalt  }
0x71: {  	_ =	shalt  }
0x72: {  	_ =	shalt  }
0x73: {  	_ =	shalt  }
0x74: {  	_ =	shalt  }
0x75: {  	_ =	shalt  }
0x76: {  	_ =	shalt  }
0x77: {  	_ =	shalt  }
0x78: {  	_ =	shalt  }
0x79: {  	_ =	shalt  }
0x7a: {  	_ =	shalt  }
0x7b: {  	_ =	shalt  }
0x7c: {  	_ =	shalt  }
0x7d: {  	_ =	shalt  }
0x7e: {  	_ =	shalt  }
0x7f: {  	_ =	shalt  }
0x80: {  	_ =	shalt  }
0x81: {  	_ =	shalt  }
0x82: {  	_ =	shalt  }
0x83: {  	_ =	shalt  }
0x84: {  	_ =	shalt  }
0x85: {  	_ =	shalt  }
0x86: {  	_ =	shalt  }
0x87: {  	_ =	shalt  }
.Lfunc_end0:
.L_simem_size_0:
called_computation_lowered:
.L_overlay_start_0:
0x88: {  	s2 =	sld [smem:$0x3FD9]  }
0x89: {  	s3 =	sld [smem:$0x3FFE];
	_ =	sdelay $0x1  }
0x8a: {  	s1 =	srdreg.scid  }
0x8b: {  	s0 =	sand.u32 $0x1, s1  }
0x8c: {  	s17 =	sshll.u32 s0, $0xA;
	s2 =	sadd.s32 s3, s2  }
0x8d: {  	s2 =	sadd.s32 s2, s17  }
0x8e: {  	[smem:$0x3FC6] =	sst s2  }
0x8f: {  	_ = 	snop  }
0x90: {  	s2 =	sld [smem:$0x3FC9]  }
0x91: {  	s18 =	sld [smem:$0x3FD0];
	(tm) =	ssettm $0x1  }
0x92: {  	s4 =	sld [smem:$0x3FFB];
	_ =	sdelay $0x3  }
0x93: {  	_ =	strace s4  }
0x94: {  	s4 =	sld [smem:$0x3FFC];
	_ =	sdelay $0x3  }
0x95: {  	_ =	strace s4  }
0x96: {  	s4 =	sld [smem:$0x3FFD];
	_ =	sdelay $0x3  }
0x97: {  	_ =	strace s4  }
0x98: {  	_ =	strace $0x8FFFFFFF  }
0x99: {  	s19 =	sld [smem:$0x3FDB];
	_ =	sdelay $0x1  }
0x9a: {  	s5 =	simm.s32 $_scs_section_size  }
0x9b: {  	s6 =	simm.s32 $_size__tile_overlayer_lowered;
	s7 =	simm.s32 $_tile_overlayer_lowered  }
0x9c: {  	s22 =	simm.s32 $0x1BFF;
	s21 =	sshll.u32 s7, $0x1;
	s4 =	sadd.s32 s5, s19  }
0x9d: {  	s8 =	simm.s32 $0x0;
	s20 =	sshll.u32 s6, $0x1;
	s6 =	sadd.s32 s21, s4  }
0x9e: {  	[timem:s8], [sflag:s22] =	dma.local [hbm:s6], s20  }
0x9f: {  	_ =	swait.ge [sflag:s22], s20  }
0xa0: {  	s5 =	ssub.s32 $0x0, s20;
	[sflag:s22] =	ssyncset.done $0x0  }
0xa1: {  	[sflag:s22] =	ssyncadd.s32 s5;
	_ =	sdelay $0x1  }
0xa2: {  	s23 =	simm.s32 $0x1B8B  }
0xa3: {  	_ =	swait.ge [sflag:s23], $0x1  }
0xa4: {  	[sflag:s23] =	ssyncset.done $0x0  }
0xa5: {  	s25 =	simm.s32 $0x1B8E;
	s24 =	sld [smem:$0x3FFE];
	[sflag:s23] =	ssyncadd.s32 $0xFFFFFFFF  }
0xa6: {  	s26 =	simm.s32 $execute0_lowered;
	[smem:$0x3FD2] =	sst s25  }
0xa7: {  	s6 =	sshll.u32 s26, $0x1;
	_ =	strace $0x80000046;
	[dreg:$0x1] =	wrdreg $0xFFFFFFFF  }
0xa8: {  	s28 =	simm.s32 $_size_execute0_lowered;
	s4 =	sadd.s32 s4, s6;
	[dreg:$0x0] =	wrdreg $0x0  }
0xa9: {  	s6 =	sshll.u32 s28, $0x1;
	[dreg:$0x2] =	wrdreg s4  }
0xaa: {  	[dreg:$0x3] =	wrdreg s6  }
0xab: {  	[dreg:$0x4] =	wrdreg $0xC0  }
0xac: {  	_ =	task [dreg:s8], $0x5FFFF  }
0xad: {  	[dreg:$0x1] =	wrdreg $0xFFFFFFFF  }
0xae: {  	[dreg:$0x0] =	wrdreg $0x60  }
0xaf: {  	[dreg:$0x2] =	wrdreg s2  }
0xb0: {  	[dreg:$0x3] =	wrdreg s18  }
0xb1: {  	[dreg:$0x4] =	wrdreg s24  }
0xb2: {  	[dreg:$0x5] =	wrdreg $0x9  }
0xb3: {  	_ =	task.clear_ibuf [dreg:s8], $0x6FFFF;
	_ =	strace $0x90000046  }
0xb4: {  	s29 =	simm.s32 $0x9;
	_ =	strace $0x80000048  }
0xb5: {  	_ =	swait.ge [sflag:s29], $0x1  }
0xb6: {  	[sflag:s29] =	ssyncadd.s32 $0xFFFFFFFF  }
0xb7: {  	_ =	strace $0x90000048  }
0xb8: {  	_ =	sfence  }
0xb9: {  	s30 =	sld [smem:$0x0];
	_ =	sdelay $0x2  }
0xba: {  	s31 =	sshll.u32 s1, $0xD;
	s1 =	sshrl.u32 s1, $0x2  }
0xbb: {  	s3 =	sand.u32 $0x4000, s31;
	s1 =	sadd.s32 s1, s30  }
0xbc: {  	s0 =	sor.u32 s3, s0;
	s1 =	sshll.u32 s1, $0x11  }
0xbd: {  	s0 =	sor.u32 s1, s0  }
0xbe: {  	s0 =	sadd.s32 $0x8F2B, s0  }
0xbf: {  	[sflag:s0] =	ssyncadd.remote.s32 $0x1  }
0xc0: {  	_ =	sfence.sel $0xFFFF  }
0xc1: {  	[dreg:$0x0] =	wrdreg $0xFFFFFFFF;
	(pc) =	sbr.abs _section_cstart, $3  }
0xc2: {  	[dreg:$0x1] =	wrdreg $0xFFFFFFFF  }
0xc3: {  	_ =	task.clear_ibuf [dreg:s8], $0x2FFFF;
	_ =	strace $0x9FFFFFFF  }
0xc4: {  	(tm) =	ssettm $0x7FFFFFFF  }
0xc5: {  	_ =	shalt  }
tec
execute0_lowered:
.L_overlay_start_1:
0x0: {  	(tag) =	ssettag $0x1  }
0x1: {  	s2 =	rddreg [dreg:$0x0]  }
0x2: {  	s1 =	srdreg.scid;
	s3 =	rddreg [dreg:$0x1]  }
0x3: {  	s0 =	stileid.u32;
	s5 =	rddreg [dreg:$0x2]  }
0x4: {  	s9 =	simm.s32 $0x1;
	s10 =	simm.s32 $0x3;
	s1 =	sshll.u32 s1, $0x8  }
0x5: {  	s13 =	simm.s32 $0x0;
	s4 =	sshll.u32 s0, $0x9;
	s6 =	sand.u32 $0x100, s1  }
0x6: {  	s12 =	simm.s32 $0x0;
	s5 =	sadd.s32 $0x800, s5;
	s4 =	sor.u32 s4, s6  }
0x7: {  	s1 =	rddreg [dreg:$0x3];
	_ =	strace $0x80000047;
	s8 =	ssub.s32 $0x4000, s4  }
.Ltmp0:
0x8: {  	s6 =	simm.s32 $0x1;
	s7 =	sand.u32 $0x1F00, s8;
	(pc) =	sbr.rel .LBB2_1-.Ltmp0, $4  }
0x9: {  	[sflag:s6] =	ssyncpa.u1 $0x0;
	s11 =	smov.u32 s4;
	p0 =	sne.s32 s7, $0x0  }
0xa: {  	s8 =	sshrl.u32 s8, $0xD;
	s7 =	simm.s32 $0x2;
	s9 =	simm.s32 @!p0 $0x0  }
0xb: {  	[sflag:s7] =	ssyncpa.u1 $0x0;
	p0 =	por $0x0, $0x0;
	s8 =	sadd.s32 s9, s8  }
0xc: {  	vm0 =	vmmov $0xffff;
	[sflag:s10] =	ssyncpa.u1 $0x0;
	s10 =	simm.s32 $0x0;
	s9 =	sadd.s32 $0x1, s8  }
.LBB2_4:
0xd: {  	v2 =	vnsel vm1, $0x0, v2  }
0xe: {  	vm1 =	vgt.s32 v0, $0x0;
	v2 =	vmin.u32 v2, $0x3FFF  }
0xf: {  	v0 =	vnsel vm1, $0x0, v0  }
0x10: {  	v0 =	vmin.u32 v0, $0x3FFF  }
0x11: {  	[tilespmem:s15], [sflag:$0x1] =	stream.indirect_vreg.gather [hbm4b:s2+s10], $0x1, v1, vm0, $0x4038;
	[tilespmem:$0x400] =	vst v63  }
0x12: {  	(ifvalue) =	ssetifvalue $0x7FFFFFFF  }
0x13: {  	[tilespmem:s16], [sflag:$0x1] =	stream.indirect_vreg.gather [hbm4b:s2+s10], $0x1, v2, vm0, $0x4038;
	[tilespmem:$0x400] =	vst v63  }
0x14: {  	s29 =	sadd.s32 $0x10, s16;
	(ifvalue) =	ssetifvalue $0x7FFFFFFF  }
0x15: {  	[tilespmem:s29], [sflag:$0x1] =	stream.indirect_vreg.gather [hbm4b:s2+s10], $0x1, v0, vm0, $0x4038;
	[tilespmem:$0x400] =	vst v63  }
0x16: {  	_ =	swait.ge [sflag:s6], $0x100  }
0x17: {  	s30 =	sshrl.u32 s13, $0x3;
	[sflag:s6] =	ssyncset.done $0x0  }
0x18: {  	s31 =	sand.u32 $0x7, s13;
	s15 =	sadd.s32 s5, s30;
	[sflag:s6] =	ssyncadd.s32 $0xFFFFFF00  }
0x19: {  	[hbm4b:s15+s31] =	stream.linear.scatter [tilespmem:s14], [sflag:$0x3], $0x100, $0x38;
	[tilespmem:$0x400] =	vst v63  }
.LBB2_5:
0x1a: {  	s15 =	sadd.s32 $0x2000, s11  }
0x1b: {  	p2 =	sgt.s32 s15, $0x3FFF  }
0x1c: {  	s15 =	smov.u32 @p2 s4;
	p2 =	sne.s32 s12, s9  }
.Ltmp1:
0x1d: {  	p1 =	slt.u32 s12, $0x2;
	(pc) =	sbr.rel @!p2 .LBB2_6-.Ltmp1, $4  }
0x1e: {  	s14 =	simm.s32 @!p1 $0x3  }
0x1f: {  	s16 =	sadd.s32 $0x1, s12;
	_ =	swait.ge @!p1 [sflag:s14], $0x100  }
0x20: {  	s13 =	smov.u32 s11;
	p0 =	por !p0, !p0;
	[sflag:s14] =	ssyncset.done @!p1 $0x0  }
0x21: {  	s12 =	smov.u32 s16;
	s11 =	smov.u32 s15;
	[sflag:s14] =	ssyncadd.s32 @!p1 $0xFFFFFF00  }
.LBB2_1:
0x22: {  	p1 =	sge.u32 s12, s8  }
0x23: {  	s14 =	sxor.u32 @!p1 $0xFFFFFFFF, s12  }
0x24: {  	s31 =	sadd.s32 $0xFFFFFFFF, s12;
	s15 =	sshrl.u32 @!p1 s11, $0x3;
	s14 =	sshll.u32 @!p1 s14, $0x8  }
0x25: {  	s16 =	sand.u32 @!p1 $0x7, s11;
	s15 =	sadd.s32 @!p1 s3, s15;
	s14 =	sand.u32 @!p1 $0x100, s14  }
0x26: {  	[tilespmem:s14], [sflag:$0x2] =	stream.linear.gather @!p1 [hbm4b:s15+s16], $0x100, $0x38;
	[tilespmem:$0x400] =	vst v63  }
0x27: {  	p1 =	sge.u32 s31, s8  }
.Ltmp2:
0x28: {  	_ = 	snop;
	(pc) =	sbr.rel @p1 .LBB2_5-.Ltmp2, $1  }
0x29: {  	_ =	sdelay $0x3  }
0x2a: {  	s14 =	simm.s32 $0x1  }
0x2b: {  	_ =	swait.ge [sflag:s7], $0x100;
	s14 =	simm.s32 @!p0 $0x0  }
0x2c: {  	[sflag:s7] =	ssyncset.done $0x0;
	s14 =	sshll.u32 s14, $0x8  }
0x2d: {  	[sflag:s7] =	ssyncadd.s32 $0xFFFFFF00;
	(ifvalue) =	ssetifvalue $0x7FFFFFFF;
	v0 =	vld.msk [tilespmem:s14+$0x0 ss:$0x1], $0xffff;
	_ =	sdelay $0x4  }
0x2e: {  	s15 =	sadd.s32 $0x10, s14;
	vm1 =	vgt.s32 v0, $0x0  }
0x2f: {  	v2 =	vld.msk [tilespmem:s15+$0x0 ss:$0x1], $0xffff;
	v1 =	vnsel vm1, $0x0, v0  }
0x30: {  	v1 =	vmin.u32 v1, $0x3FFF;
	_ =	sdelay $0x1  }
0x31: {  	s16 =	sshll.u32 s12, $0x8;
	s18 =	simm.s32 $0x20  }
0x32: {  	s16 =	sand.u32 $0x100, s16;
	s17 =	sadd.s32 $0x10, s15;
	s15 =	sor.u32 $0x200, s14  }
0x33: {  	s14 =	sor.u32 $0x200, s16;
	s16 =	sadd.s32 $0x10, s15;
	v0 =	vld.msk [tilespmem:s17+$0x0 ss:$0x1], $0xffff;
	vm1 =	vgt.s32 v2, $0x0;
	(ifvalue) =	ssetifvalue $0x7FFFFFFF  }
.LBB2_3:
0x34: {  	[tilespmem:s15], [sflag:$0x1] =	stream.indirect_vreg.gather [hbm4b:s2+s10], $0x1, v1, vm0, $0x4038;
	[tilespmem:$0x400] =	vst v63  }
0x35: {  	s18 =	sadd.s32 $0x10, s18  }
0x36: {  	v2 =	vnsel vm1, $0x0, v2;
	p1 =	slt.u32 s18, $0xF0  }
.Ltmp3:
0x37: {  	s15 =	smov.u32 s16;
	v1 =	vmin.u32 v2, $0x3FFF;
	(pc) =	sbr.rel @p1 .LBB2_3-.Ltmp3, $3  }
0x38: {  	_ =	sdelay $0x1  }
0x39: {  	s17 =	sadd.s32 $0x10, s17  }
0x3a: {  	vm1 =	vgt.s32 v0, $0x0;
	s16 =	sadd.s32 $0x10, s16;
	v2 =	vmov v0;
	(ifvalue) =	ssetifvalue $0x7FFFFFFF;
	v0 =	vld.msk [tilespmem:s17+$0x0 ss:$0x1], $0xffff  }
.Ltmp4:
0x3b: {  	_ = 	snop;
	(pc) =	sbr.rel .LBB2_4-.Ltmp4, $1  }
0x3c: {  	_ =	sdelay $0x3  }
.LBB2_6:
0x3d: {  	_ =	sfence.sel $0x180000  }
0x3e: {  	s2 =	simm.s32 $0x2;
	[bflag:$0x0] =	sbarrier.arrive $0xFFFF  }
0x3f: {  	s30 =	simm.s32 $0x3;
	[sflag:s2] =	ssyncpa.u1 $0x1  }
0x40: {  	s31 =	simm.s32 $0x1;
	[sflag:s30] =	ssyncpa.u1 $0x1  }
0x41: {  	[sflag:s31] =	ssyncpa.u1 $0x1  }
0x42: {  	p0 =	sne.s32 s0, $0x0;
	_ =	strace $0x90000047  }
0x43: {  	s0 =	sadd.s32 @!p0 $0x100000, s1;
	[bflag:$0x2] =	sbarrier.arrive $0xFFFF  }
0x44: {  	[sflag:s0] =	ssyncadd.tile.s32 @!p0 $0x1;
	_ =	shalt  }
.Lfunc_end2:
_tile_overlayer_lowered:
.L_overlay_start_2:
0x45: {  	(tag) =	ssettag $0x2  }
0x46: {  	s0 =	rddreg [dreg:$0x0];
	s2 =	stileid.u32  }
0x47: {  	s1 =	rddreg [dreg:$0x1];
	p0 =	sne.s32 s2, $0x0  }
0x48: {  	s3 =	rddreg [dreg:$0x2];
	[bflag:$0x3] =	sbarrier.arrive $0xFFFF;
	s2 =	simm.s32 @!p0 $0x1C01  }
0x49: {  	[timem:s3], [sflag:s2] =	dma.local @!p0 [hbm:s0], s1  }
0x4a: {  	s0 =	simm.s32 @!p0 $0x1  }
0x4b: {  	_ =	swait.ge @!p0 [sflag:s0], s1  }
0x4c: {  	s1 =	ssub.s32 @!p0 $0x0, s1;
	[sflag:s0] =	ssyncset.done @!p0 $0x0  }
0x4d: {  	[sflag:s0] =	ssyncadd.s32 @!p0 s1  }
0x4e: {  	[bflag:$0x3] =	sbarrier.arrive $0xFFFF  }
0x4f: {  	_ =	shalt  }

// kernel: kernel.3.cloned.1.call-start
scs
__scs_entry_jumppad:
0x0: {  	(pc) =	sbr.rel $0x88, $3  }
0x1: {  	(tag) =	ssettag $0x0;
	lr =	simm.s32 $0x1  }
0x2: {  	[smem:$0x3F9F] =	sst lr;
	_ =	strace $0xD0000000  }
0x3: {  	_ = 	snop  }
0x4: {  	_ = 	snop  }
0x5: {  	_ = 	snop  }
0x6: {  	_ = 	snop  }
0x7: {  	_ = 	snop  }
__scs_overlays_trampoline_lowered:
0x8: {  	[smem:$0x3FAE] =	sst s0  }
0x9: {  	[smem:$0x3FAF] =	sst s1  }
0xa: {  	[smem:$0x3FB0] =	sst s2  }
0xb: {  	[smem:$0x3FB1] =	sst s3  }
0xc: {  	[smem:$0x3FB2] =	sst s4  }
0xd: {  	[smem:$0x3FB3] =	sst s5  }
0xe: {  	[smem:$0x3FB4] =	sst s6  }
0xf: {  	[smem:$0x3FB5] =	sst s7  }
0x10: {  	[smem:$0x3FB6] =	sst s8  }
0x11: {  	[smem:$0x3FB7] =	sst s9;
	s0 =	simm.s32 @!p0 $0x0  }
0x12: {  	s1 =	sld [smem:$0x3F9D];
	s0 =	simm.s32 @p0 $0x1  }
0x13: {  	[smem:$0x3FB8] =	sst s0;
	s0 =	simm.s32 @!p1 $0x0  }
0x14: {  	s2 =	sld [smem:$0x3F9C];
	s0 =	simm.s32 @p1 $0x1  }
0x15: {  	[smem:$0x3FB9] =	sst s0;
	s0 =	simm.s32 @!p2 $0x0  }
0x16: {  	s3 =	sld [smem:$0x3FDB];
	s0 =	simm.s32 @p2 $0x1  }
0x17: {  	s4 =	simm.s32 $0x1BF5;
	[smem:$0x3FBB] =	sst s0  }
0x18: {  	s0 =	sld [smem:$0x3F9E];
	_ =	swait.ge [sflag:s4], $0x0  }
0x19: {  	s7 =	sld [smem:$0x3F9F]  }
0x1a: {  	s8 =	sadd.s32 $0xFFFFE003, lr  }
0x1b: {  	s9 =	sadd.s32 $0xFFFFFEF7, lr;
	s5 =	simm.s32 $0xFFFFFFFF;
	p2 =	slt.u32 s8, $0xFFFFF086  }
0x1c: {  	p1 =	slt.u32 s9, $0xF7A;
	s5 =	simm.s32 @!p2 $0x0  }
0x1d: {  	s5 =	simm.s32 @p1 $0x1;
	p0 =	seq.s32 s7, s2  }
0x1e: {  	s7 =	smul.u32 @!p0 $0xF7A, s2;
	p2 =	seq.s32 @!p0 s5, $0x0  }
0x1f: {  	s9 =	smul.u32 $0xF7A, s1;
	s8 =	simm.s32 @!p0 $0x1BF5;
	p2 =	por !p2, p0  }
0x20: {  	[sflag:s8] =	ssyncset.s32 @!p0 $0xFFFFF086;
	s6 =	sadd.s32 @!p0 s3, s7;
	s7 =	simm.s32 @!p0 $0x108  }
0x21: {  	s3 =	sadd.s32 s3, s9;
	s6 =	sadd.s32 @!p0 $0x88, s6;
	s7 =	simm.s32 @p2 $0x1082  }
0x22: {  	[simem:s7], [sflag:s8] =	dma.local @!p0 [hbm:s6], $0xF7A  }
0x23: {  	s9 =	sor.u32 $0xD0000000, s2;
	s6 =	simm.s32 $0x108;
	_ =	swait.ge @!p0 [sflag:s8], $0x0  }
0x24: {  	s3 =	sadd.s32 $0x88, s3;
	s6 =	simm.s32 @!p1 $0x1082;
	[sflag:s4] =	ssyncset.s32 $0xFFFFF086  }
0x25: {  	[simem:s6], [sflag:s4] =	dma.local [hbm:s3], $0xF7A  }
0x26: {  	[smem:$0x3F9F] =	sst s1;
	(tag) =	ssettag s2;
	_ =	strace s9  }
0x27: {  	s1 =	sld [smem:$0x3FAF]  }
0x28: {  	s2 =	sld [smem:$0x3FB0]  }
0x29: {  	s4 =	sld [smem:$0x3FB2]  }
0x2a: {  	p0 =	seq.s32 s5, $0x0;
	s5 =	sld [smem:$0x3FB3]  }
0x2b: {  	s6 =	sld [smem:$0x3FB4]  }
0x2c: {  	s7 =	sld [smem:$0x3FB5]  }
0x2d: {  	s3 =	simm.s32 $0x108;
	s8 =	sld [smem:$0x3FB6]  }
0x2e: {  	s3 =	simm.s32 @!p0 $0x1082;
	s9 =	sld [smem:$0x3FB7]  }
0x2f: {  	lr =	sadd.s32 s0, s3;
	s0 =	sld [smem:$0x3FAE]  }
0x30: {  	s3 =	sld [smem:$0x3FB1]  }
0x31: {  	[smem:$0x3FBA] =	sst s10  }
0x32: {  	s10 =	sld [smem:$0x3FB8];
	_ =	sdelay $0x3  }
0x33: {  	p0 =	seq.s32 s10, $0x1;
	s10 =	sld [smem:$0x3FBA];
	_ =	sdelay $0x3  }
0x34: {  	[smem:$0x3FBA] =	sst s10  }
0x35: {  	s10 =	sld [smem:$0x3FB9];
	_ =	sdelay $0x3  }
0x36: {  	p1 =	seq.s32 s10, $0x1;
	s10 =	sld [smem:$0x3FBA];
	_ =	sdelay $0x3  }
0x37: {  	[smem:$0x3FBA] =	sst s10  }
0x38: {  	s10 =	sld [smem:$0x3FBB]  }
0x39: {  	_ = 	snop;
	(pc) =	sbr.ind lr, $3  }
0x3a: {  	_ = 	snop  }
0x3b: {  	_ = 	snop  }
0x3c: {  	p2 =	seq.s32 s10, $0x1;
	s10 =	sld [smem:$0x3FBA]  }
0x3d: {  	_ =	shalt  }
0x3e: {  	_ =	shalt  }
0x3f: {  	_ =	shalt  }
0x40: {  	_ =	shalt  }
0x41: {  	_ =	shalt  }
0x42: {  	_ =	shalt  }
0x43: {  	_ =	shalt  }
0x44: {  	_ =	shalt  }
0x45: {  	_ =	shalt  }
0x46: {  	_ =	shalt  }
0x47: {  	_ =	shalt  }
0x48: {  	_ =	shalt  }
0x49: {  	_ =	shalt  }
0x4a: {  	_ =	shalt  }
0x4b: {  	_ =	shalt  }
0x4c: {  	_ =	shalt  }
0x4d: {  	_ =	shalt  }
0x4e: {  	_ =	shalt  }
0x4f: {  	_ =	shalt  }
0x50: {  	_ =	shalt  }
0x51: {  	_ =	shalt  }
0x52: {  	_ =	shalt  }
0x53: {  	_ =	shalt  }
0x54: {  	_ =	shalt  }
0x55: {  	_ =	shalt  }
0x56: {  	_ =	shalt  }
0x57: {  	_ =	shalt  }
0x58: {  	_ =	shalt  }
0x59: {  	_ =	shalt  }
0x5a: {  	_ =	shalt  }
0x5b: {  	_ =	shalt  }
0x5c: {  	_ =	shalt  }
0x5d: {  	_ =	shalt  }
0x5e: {  	_ =	shalt  }
0x5f: {  	_ =	shalt  }
0x60: {  	_ =	shalt  }
0x61: {  	_ =	shalt  }
0x62: {  	_ =	shalt  }
0x63: {  	_ =	shalt  }
0x64: {  	_ =	shalt  }
0x65: {  	_ =	shalt  }
0x66: {  	_ =	shalt  }
0x67: {  	_ =	shalt  }
0x68: {  	_ =	shalt  }
0x69: {  	_ =	shalt  }
0x6a: {  	_ =	shalt  }
0x6b: {  	_ =	shalt  }
0x6c: {  	_ =	shalt  }
0x6d: {  	_ =	shalt  }
0x6e: {  	_ =	shalt  }
0x6f: {  	_ =	shalt  }
0x70: {  	_ =	shalt  }
0x71: {  	_ =	shalt  }
0x72: {  	_ =	shalt  }
0x73: {  	_ =	shalt  }
0x74: {  	_ =	shalt  }
0x75: {  	_ =	shalt  }
0x76: {  	_ =	shalt  }
0x77: {  	_ =	shalt  }
0x78: {  	_ =	shalt  }
0x79: {  	_ =	shalt  }
0x7a: {  	_ =	shalt  }
0x7b: {  	_ =	shalt  }
0x7c: {  	_ =	shalt  }
0x7d: {  	_ =	shalt  }
0x7e: {  	_ =	shalt  }
0x7f: {  	_ =	shalt  }
0x80: {  	_ =	shalt  }
0x81: {  	_ =	shalt  }
0x82: {  	_ =	shalt  }
0x83: {  	_ =	shalt  }
0x84: {  	_ =	shalt  }
0x85: {  	_ =	shalt  }
0x86: {  	_ =	shalt  }
0x87: {  	_ =	shalt  }
.Lfunc_end0:
.L_simem_size_0:
called_computation.1_lowered:
.L_overlay_start_0:
0x88: {  	s2 =	sld [smem:$0x3FD9]  }
0x89: {  	s3 =	sld [smem:$0x3FFE];
	_ =	sdelay $0x1  }
0x8a: {  	s1 =	srdreg.scid  }
0x8b: {  	s0 =	sand.u32 $0x1, s1  }
0x8c: {  	s17 =	sshll.u32 s0, $0xA;
	s2 =	sadd.s32 s3, s2  }
0x8d: {  	s2 =	sadd.s32 s2, s17  }
0x8e: {  	[smem:$0x3FC6] =	sst s2  }
0x8f: {  	_ = 	snop  }
0x90: {  	s2 =	sld [smem:$0x3FC8]  }
0x91: {  	s18 =	sld [smem:$0x3FD0];
	(tm) =	ssettm $0x1  }
0x92: {  	s4 =	sld [smem:$0x3FFB];
	_ =	sdelay $0x3  }
0x93: {  	_ =	strace s4  }
0x94: {  	s4 =	sld [smem:$0x3FFC];
	_ =	sdelay $0x3  }
0x95: {  	_ =	strace s4  }
0x96: {  	s4 =	sld [smem:$0x3FFD];
	_ =	sdelay $0x3  }
0x97: {  	_ =	strace s4  }
0x98: {  	_ =	strace $0x8FFFFFFF  }
0x99: {  	s19 =	sld [smem:$0x3FDB];
	_ =	sdelay $0x1  }
0x9a: {  	s5 =	simm.s32 $_scs_section_size  }
0x9b: {  	s6 =	simm.s32 $_size__tile_overlayer_lowered;
	s7 =	simm.s32 $_tile_overlayer_lowered  }
0x9c: {  	s22 =	simm.s32 $0x1BFF;
	s21 =	sshll.u32 s7, $0x1;
	s4 =	sadd.s32 s5, s19  }
0x9d: {  	s8 =	simm.s32 $0x0;
	s20 =	sshll.u32 s6, $0x1;
	s6 =	sadd.s32 s21, s4  }
0x9e: {  	[timem:s8], [sflag:s22] =	dma.local [hbm:s6], s20  }
0x9f: {  	_ =	swait.ge [sflag:s22], s20  }
0xa0: {  	s5 =	ssub.s32 $0x0, s20;
	[sflag:s22] =	ssyncset.done $0x0  }
0xa1: {  	[sflag:s22] =	ssyncadd.s32 s5;
	_ =	sdelay $0x1  }
0xa2: {  	s23 =	simm.s32 $0x1B8B  }
0xa3: {  	_ =	swait.ge [sflag:s23], $0x1  }
0xa4: {  	[sflag:s23] =	ssyncset.done $0x0  }
0xa5: {  	s25 =	simm.s32 $0x1B8E;
	s24 =	sld [smem:$0x3FFE];
	[sflag:s23] =	ssyncadd.s32 $0xFFFFFFFF  }
0xa6: {  	s26 =	simm.s32 $execute0_lowered;
	[smem:$0x3FD2] =	sst s25  }
0xa7: {  	s6 =	sshll.u32 s26, $0x1;
	_ =	strace $0x80000049;
	[dreg:$0x1] =	wrdreg $0xFFFFFFFF  }
0xa8: {  	s28 =	simm.s32 $_size_execute0_lowered;
	s4 =	sadd.s32 s4, s6;
	[dreg:$0x0] =	wrdreg $0x0  }
0xa9: {  	s6 =	sshll.u32 s28, $0x1;
	[dreg:$0x2] =	wrdreg s4  }
0xaa: {  	[dreg:$0x3] =	wrdreg s6  }
0xab: {  	[dreg:$0x4] =	wrdreg $0xC0  }
0xac: {  	_ =	task [dreg:s8], $0x5FFFF  }
0xad: {  	[dreg:$0x1] =	wrdreg $0xFFFFFFFF  }
0xae: {  	[dreg:$0x0] =	wrdreg $0x60  }
0xaf: {  	[dreg:$0x2] =	wrdreg s24  }
0xb0: {  	[dreg:$0x3] =	wrdreg s2  }
0xb1: {  	[dreg:$0x4] =	wrdreg s18  }
0xb2: {  	[dreg:$0x5] =	wrdreg $0x9  }
0xb3: {  	_ =	task.clear_ibuf [dreg:s8], $0x6FFFF;
	_ =	strace $0x90000049  }
0xb4: {  	s29 =	simm.s32 $0x9;
	_ =	strace $0x8000004B  }
0xb5: {  	_ =	swait.ge [sflag:s29], $0x1  }
0xb6: {  	[sflag:s29] =	ssyncadd.s32 $0xFFFFFFFF  }
0xb7: {  	_ =	strace $0x9000004B  }
0xb8: {  	_ =	sfence  }
0xb9: {  	s30 =	sld [smem:$0x0];
	_ =	sdelay $0x2  }
0xba: {  	s31 =	sshll.u32 s1, $0xD;
	s1 =	sshrl.u32 s1, $0x2  }
0xbb: {  	s3 =	sand.u32 $0x4000, s31;
	s1 =	sadd.s32 s1, s30  }
0xbc: {  	s0 =	sor.u32 s3, s0;
	s1 =	sshll.u32 s1, $0x11  }
0xbd: {  	s0 =	sor.u32 s1, s0  }
0xbe: {  	s0 =	sadd.s32 $0x8F2B, s0  }
0xbf: {  	[sflag:s0] =	ssyncadd.remote.s32 $0x1  }
0xc0: {  	_ =	sfence.sel $0xFFFF  }
0xc1: {  	[dreg:$0x0] =	wrdreg $0xFFFFFFFF;
	(pc) =	sbr.abs _section_cstart, $3  }
0xc2: {  	[dreg:$0x1] =	wrdreg $0xFFFFFFFF  }
0xc3: {  	_ =	task.clear_ibuf [dreg:s8], $0x2FFFF;
	_ =	strace $0x9FFFFFFF  }
0xc4: {  	(tm) =	ssettm $0x7FFFFFFF  }
0xc5: {  	_ =	shalt  }
tec
execute0_lowered:
.L_overlay_start_1:
0x0: {  	(tag) =	ssettag $0x1  }
0x1: {  	s0 =	rddreg [dreg:$0x0]  }
0x2: {  	s1 =	rddreg [dreg:$0x1]  }
0x3: {  	s2 =	rddreg [dreg:$0x2];
	s3 =	simm.s32 $0x0  }
0x4: {  	s4 =	simm.s32 $0x10800;
	[smem:$0x7FF] =	sst s3  }
0x5: {  	s21 =	simm.s32 $0x10840;
	_ =	strace $0x8000004A;
	[dreg:$0x4] =	wrdreg s4  }
0x6: {  	s22 =	simm.s32 $0x10880;
	[dreg:$0x5] =	wrdreg s21  }
0x7: {  	s23 =	simm.s32 $0x108C0;
	[dreg:$0x6] =	wrdreg s22  }
0x8: {  	s24 =	simm.s32 $0x10900;
	[dreg:$0x7] =	wrdreg s23  }
0x9: {  	s25 =	simm.s32 $0x10940;
	[dreg:$0x8] =	wrdreg s24  }
0xa: {  	s26 =	simm.s32 $0x10980;
	[dreg:$0x9] =	wrdreg s25  }
0xb: {  	s28 =	simm.s32 $0x109C0;
	[dreg:$0xa] =	wrdreg s26  }
0xc: {  	s29 =	simm.s32 $0x10A00;
	[dreg:$0xb] =	wrdreg s28  }
0xd: {  	s30 =	simm.s32 $0x10A40;
	[dreg:$0xc] =	wrdreg s29  }
0xe: {  	s31 =	simm.s32 $0x10A80;
	[dreg:$0xd] =	wrdreg s30  }
0xf: {  	s5 =	simm.s32 $0x10AC0;
	[dreg:$0xe] =	wrdreg s31  }
0x10: {  	s6 =	simm.s32 $0x10B00;
	[dreg:$0xf] =	wrdreg s5  }
0x11: {  	s7 =	simm.s32 $0x10B40;
	[dreg:$0x10] =	wrdreg s6  }
0x12: {  	s8 =	simm.s32 $0x10B80;
	[dreg:$0x11] =	wrdreg s7  }
0x13: {  	s9 =	simm.s32 $0x10BC0;
	[dreg:$0x12] =	wrdreg s8  }
0x14: {  	s10 =	simm.s32 $0x10C00;
	[dreg:$0x13] =	wrdreg s9  }
0x15: {  	s11 =	simm.s32 $0x10C40;
	[dreg:$0x14] =	wrdreg s10  }
0x16: {  	s12 =	simm.s32 $0x10C80;
	[dreg:$0x15] =	wrdreg s11  }
0x17: {  	s13 =	simm.s32 $0x10CC0;
	[dreg:$0x16] =	wrdreg s12  }
0x18: {  	s14 =	simm.s32 $0x10D00;
	[dreg:$0x17] =	wrdreg s13  }
0x19: {  	s16 =	simm.s32 $0x10D40;
	[dreg:$0x18] =	wrdreg s14  }
0x1a: {  	s17 =	simm.s32 $0x10D80;
	[dreg:$0x19] =	wrdreg s16  }
0x1b: {  	s18 =	simm.s32 $0x10DC0;
	[dreg:$0x1a] =	wrdreg s17  }
0x1c: {  	s19 =	simm.s32 $0x10E00;
	[dreg:$0x1b] =	wrdreg s18  }
0x1d: {  	s5 =	srdreg.scid;
	[dreg:$0x1c] =	wrdreg s19;
	s21 =	simm.s32 $0x10E40  }
0x1e: {  	s8 =	stileid.u32;
	s23 =	simm.s32 $0x10E80;
	[dreg:$0x1d] =	wrdreg s21  }
0x1f: {  	s25 =	simm.s32 $0x10EC0;
	s28 =	simm.s32 $0x10F00;
	[dreg:$0x1e] =	wrdreg s23  }
0x20: {  	s29 =	simm.s32 $0x10F40;
	s30 =	simm.s32 $0x10F80;
	[dreg:$0x1f] =	wrdreg s25  }
0x21: {  	s5 =	sand.u32 $0x1, s5;
	s15 =	sshll.u32 s8, $0x7;
	[smem:$0x7FA] =	sst s28  }
0x22: {  	[smem:$0x7FB] =	sst s29;
	s6 =	ssub.s32 $0x2, s5;
	s5 =	sshll.u32 s5, $0x6  }
0x23: {  	s31 =	simm.s32 $0x10FC0;
	[smem:$0x7FC] =	sst s30;
	s5 =	sor.u32 s5, s15  }
0x24: {  	s10 =	simm.s32 $0x5;
	[smem:$0x7FD] =	sst s31;
	s5 =	sadd.s32 s0, s5  }
0x25: {  	s14 =	simm.s32 $0x800;
	s20 =	sadd.s32 $0x1000, s5;
	[smem:$0x7F7] =	sst s5  }
0x26: {  	v0 =	vlaneseq.u32;
	s7 =	sshrl.u32 s6, $0x1;
	s22 =	sadd.s32 $0x800, s5;
	[smem:$0x7F5] =	sst s20  }
0x27: {  	v0 =	vmul.u32 $0x80, v0;
	s6 =	ssub.s32 s6, s7;
	s24 =	sadd.s32 $0x1800, s5;
	[smem:$0x7F6] =	sst s22  }
0x28: {  	s16 =	simm.s32 $0x4;
	s26 =	smax.u32 s6, $0x1;
	[smem:$0x7F8] =	sst s24  }
0x29: {  	s17 =	simm.s32 $0x0;
	v1 =	vor.u32 $0x1800, v0;
	v2 =	vor.u32 $0x1000, v0;
	v3 =	vor.u32 $0x800, v0;
	s15 =	simm.s32 $0x3;
	[smem:$0x7F9] =	sst s26  }
.LBB2_1:
0x2a: {  	s0 =	sld [smem:$0x7F5];
	_ =	sdelay $0x2  }
0x2b: {  	[tilespmem:s3], [sflag:$0x5] =	stream.linear.gather [hbm4b:s0+s3], $0x200, $0x38;
	[tilespmem:$0x11000] =	vst v63  }
0x2c: {  	_ =	swait.ge [sflag:s10], $0x200  }
0x2d: {  	s26 =	sld [smem:$0x7F7]  }
0x2e: {  	[sflag:s10] =	ssyncset.done $0x0  }
0x2f: {  	s4 =	simm.s32 $0x200;
	[sflag:s10] =	ssyncadd.s32 $0xFFFFFE00  }
0x30: {  	[tilespmem:s4], [sflag:$0x5] =	stream.linear.gather [hbm4b:s26+s3], $0x200, $0x38;
	[tilespmem:$0x11000] =	vst v63  }
0x31: {  	_ =	swait.ge [sflag:s10], $0x200  }
0x32: {  	s28 =	sld [smem:$0x7F6]  }
0x33: {  	[sflag:s10] =	ssyncset.done $0x0  }
0x34: {  	s29 =	simm.s32 $0x400;
	[sflag:s10] =	ssyncadd.s32 $0xFFFFFE00  }
0x35: {  	[tilespmem:s29], [sflag:$0x5] =	stream.linear.gather [hbm4b:s28+s3], $0x200, $0x38;
	[tilespmem:$0x11000] =	vst v63  }
0x36: {  	_ =	swait.ge [sflag:s10], $0x200  }
0x37: {  	s30 =	sld [smem:$0x7F8]  }
0x38: {  	[sflag:s10] =	ssyncset.done $0x0  }
0x39: {  	s31 =	simm.s32 $0x600;
	[sflag:s10] =	ssyncadd.s32 $0xFFFFFE00  }
0x3a: {  	[tilespmem:s31], [sflag:$0x5] =	stream.linear.gather [hbm4b:s30+s3], $0x200, $0x38;
	[tilespmem:$0x11000] =	vst v63  }
0x3b: {  	_ =	swait.ge [sflag:s10], $0x200  }
0x3c: {  	[sflag:s10] =	ssyncset.done $0x0  }
0x3d: {  	[sflag:s10] =	ssyncadd.s32 $0xFFFFFE00  }
0x3e: {  	v4 =	vld [tilespmem:$0x600];
	_ =	sdelay $0x4  }
0x3f: {  	(v2sf) =	vpush v4, $0x0;
	_ =	sdelay $0xe  }
0x40: {  	s19 =	simm.s32 $0x0;
	s18 =	spop (v2sf)  }
.LBB2_2:
0x41: {  	p0 =	seq.s32 s19, $0x0  }
0x42: {  	s0 =	simm.s32 @!p0 $0x0  }
0x43: {  	s0 =	simm.s32 @p0 $0x1  }
0x44: {  	[smem:$0x7F1] =	sst s0;
	s0 =	simm.s32 @!p0 $0x3  }
0x45: {  	_ =	swait.ge @!p0 [sflag:s0], $0x400  }
0x46: {  	[sflag:s0] =	ssyncset.done @!p0 $0x0  }
0x47: {  	s20 =	sshra.s32 s19, $0x2;
	[sflag:s0] =	ssyncadd.s32 @!p0 $0xFFFFFC00  }
0x48: {  	v7 =	vld [tilespmem:s20+$0x0]  }
0x49: {  	v6 =	vld [tilespmem:s20+$0x600];
	_ =	sdelay $0x1  }
0x4a: {  	v5 =	vld [tilespmem:s20+$0x400];
	_ =	sdelay $0x1  }
0x4b: {  	(v2sf) =	vpush v7, $0x0  }
0x4c: {  	(v2sf) =	vpush v6, $0x0;
	_ =	sdelay $0x1  }
0x4d: {  	(v2sf) =	vpush v5, $0x0  }
0x4e: {  	(v2sf) =	vpush v7, $0x1;
	_ =	sdelay $0x3  }
0x4f: {  	(v2sf) =	vpush v6, $0x1  }
0x50: {  	(v2sf) =	vpush v5, $0x1;
	_ =	sdelay $0x5  }
0x51: {  	s26 =	spop (v2sf);
	(v2sf) =	vpush v7, $0x2  }
0x52: {  	s9 =	spop (v2sf);
	(v2sf) =	vpush v6, $0x2  }
0x53: {  	s0 =	ssub.s32 s9, s18  }
0x54: {  	s4 =	spop (v2sf);
	(v2sf) =	vpush v5, $0x2;
	s0 =	sshll.u32 s0, $0x6  }
0x55: {  	p0 =	seq.s32 s4, $0x0;
	s22 =	spop (v2sf);
	s31 =	sand.u32 $0x1C0, s0  }
0x56: {  	s4 =	sand.u32 @!p0 $0xFFFFF80, s26;
	s6 =	simm.s32 @!p0 $0x400;
	s0 =	sshll.u32 @!p0 s31, $0x7  }
0x57: {  	s11 =	simm.s32 @!p0 $0x7A1400;
	s4 =	sadd.s32 @!p0 s1, s4;
	s0 =	sadd.s32 @!p0 $0x800, s0  }
0x58: {  	v4 =	vld [tilespmem:s20+$0x200];
	[tilespmem:s0], [sflag:$0x1] =	stream.strided.gather @!p0 [hbm4b:s4+s6], $0x2000, s11, s6, $0x38  }
0x59: {  	s11 =	spop (v2sf);
	(v2sf) =	vpush v7, $0x3  }
0x5a: {  	s0 =	ssub.s32 s11, s18;
	s12 =	spop (v2sf);
	(v2sf) =	vpush v6, $0x3  }
0x5b: {  	s0 =	sshll.u32 s0, $0x6  }
0x5c: {  	p2 =	seq.s32 s12, $0x0;
	(v2sf) =	vpush v5, $0x3;
	s30 =	sand.u32 $0x1C0, s0  }
0x5d: {  	s4 =	sand.u32 @!p2 $0xFFFFF80, s22;
	s6 =	simm.s32 @!p2 $0x400;
	s0 =	sshll.u32 @!p2 s30, $0x7  }
0x5e: {  	s11 =	simm.s32 @!p2 $0x7A1400;
	s4 =	sadd.s32 @!p2 s1, s4;
	s0 =	sadd.s32 @!p2 $0x800, s0  }
0x5f: {  	[tilespmem:s0], [sflag:$0x1] =	stream.strided.gather @!p2 [hbm4b:s4+s6], $0x2000, s11, s6, $0x38;
	[tilespmem:$0x11000] =	vst v63  }
0x60: {  	s11 =	spop (v2sf)  }
0x61: {  	(v2sf) =	vpush v7, $0x4;
	s13 =	spop (v2sf)  }
0x62: {  	(v2sf) =	vpush v6, $0x4;
	s0 =	ssub.s32 s13, s18  }
0x63: {  	s21 =	spop (v2sf);
	(v2sf) =	vpush v5, $0x4;
	s0 =	sshll.u32 s0, $0x6  }
0x64: {  	p4 =	seq.s32 s21, $0x0;
	s24 =	sand.u32 $0x1C0, s0  }
0x65: {  	s4 =	sand.u32 @!p4 $0xFFFFF80, s11;
	s6 =	simm.s32 @!p4 $0x400;
	s0 =	sshll.u32 @!p4 s24, $0x7  }
0x66: {  	s12 =	simm.s32 @!p4 $0x7A1400;
	s4 =	sadd.s32 @!p4 s1, s4;
	s0 =	sadd.s32 @!p4 $0x800, s0  }
0x67: {  	[tilespmem:s0], [sflag:$0x1] =	stream.strided.gather @!p4 [hbm4b:s4+s6], $0x2000, s12, s6, $0x38;
	[tilespmem:$0x11000] =	vst v63  }
0x68: {  	s6 =	spop (v2sf);
	(v2sf) =	vpush v7, $0x5  }
0x69: {  	s23 =	spop (v2sf)  }
0x6a: {  	(v2sf) =	vpush v6, $0x5;
	s0 =	ssub.s32 s23, s18  }
0x6b: {  	s25 =	spop (v2sf);
	s0 =	sshll.u32 s0, $0x6  }
0x6c: {  	(v2sf) =	vpush v5, $0x5;
	p6 =	seq.s32 s25, $0x0;
	s12 =	sand.u32 $0x1C0, s0  }
0x6d: {  	s4 =	sand.u32 @!p6 $0xFFFFF80, s6;
	s13 =	simm.s32 @!p6 $0x400;
	s0 =	sshll.u32 @!p6 s12, $0x7  }
0x6e: {  	s21 =	simm.s32 @!p6 $0x7A1400;
	s4 =	sadd.s32 @!p6 s1, s4;
	s0 =	sadd.s32 @!p6 $0x800, s0  }
0x6f: {  	[tilespmem:s0], [sflag:$0x1] =	stream.strided.gather @!p6 [hbm4b:s4+s13], $0x2000, s21, s13, $0x38;
	[tilespmem:$0x11000] =	vst v63  }
0x70: {  	s0 =	spop (v2sf)  }
0x71: {  	(v2sf) =	vpush v7, $0x6;
	s28 =	spop (v2sf)  }
0x72: {  	(v2sf) =	vpush v6, $0x6;
	s4 =	ssub.s32 s28, s18;
	s29 =	spop (v2sf)  }
0x73: {  	s4 =	sshll.u32 s4, $0x6;
	p1 =	seq.s32 s29, $0x0  }
0x74: {  	(v2sf) =	vpush v5, $0x6;
	s13 =	sand.u32 $0x1C0, s4;
	s4 =	simm.s32 @!p1 $0x0  }
0x75: {  	s21 =	sand.u32 @!p1 $0xFFFFF80, s0;
	s23 =	simm.s32 @!p1 $0x400;
	s4 =	simm.s32 @p1 $0x1  }
0x76: {  	s25 =	simm.s32 @!p1 $0x7A1400;
	[smem:$0x7EE] =	sst s4;
	s4 =	sshll.u32 @!p1 s13, $0x7  }
0x77: {  	s21 =	sadd.s32 @!p1 s1, s21;
	s4 =	sadd.s32 @!p1 $0x800, s4;
	s28 =	spop (v2sf)  }
0x78: {  	[tilespmem:s4], [sflag:$0x2] =	stream.strided.gather @!p1 [hbm4b:s21+s23], $0x2000, s25, s23, $0x38;
	[tilespmem:$0x11000] =	vst v63  }
0x79: {  	(v2sf) =	vpush v7, $0x7;
	s5 =	spop (v2sf)  }
0x7a: {  	(v2sf) =	vpush v6, $0x7;
	s4 =	ssub.s32 s5, s18  }
0x7b: {  	s7 =	spop (v2sf);
	s4 =	sshll.u32 s4, $0x6  }
0x7c: {  	(v2sf) =	vpush v5, $0x7;
	p3 =	seq.s32 s7, $0x0;
	s4 =	sand.u32 $0x1C0, s4  }
0x7d: {  	s23 =	sand.u32 @!p3 $0xFFFFF80, s28;
	s25 =	simm.s32 @!p3 $0x400;
	s21 =	sshll.u32 @!p3 s4, $0x7  }
0x7e: {  	s29 =	simm.s32 @!p3 $0x7A1400;
	s23 =	sadd.s32 @!p3 s1, s23;
	s21 =	sadd.s32 @!p3 $0x800, s21  }
0x7f: {  	[tilespmem:s21], [sflag:$0x2] =	stream.strided.gather @!p3 [hbm4b:s23+s25], $0x2000, s29, s25, $0x38;
	[tilespmem:$0x11000] =	vst v63  }
0x80: {  	s25 =	spop (v2sf)  }
0x81: {  	s8 =	spop (v2sf)  }
0x82: {  	s21 =	ssub.s32 s8, s18  }
0x83: {  	s9 =	spop (v2sf);
	s21 =	sshll.u32 s21, $0x6  }
0x84: {  	p5 =	seq.s32 s9, $0x0;
	s29 =	sand.u32 $0x1C0, s21  }
0x85: {  	s23 =	sand.u32 @!p5 $0xFFFFF80, s25;
	s7 =	simm.s32 @!p5 $0x400;
	s21 =	sshll.u32 @!p5 s29, $0x7  }
0x86: {  	s8 =	simm.s32 @!p5 $0x7A1400;
	s23 =	sadd.s32 @!p5 s1, s23;
	s21 =	sadd.s32 @!p5 $0x800, s21  }
0x87: {  	[tilespmem:s21], [sflag:$0x2] =	stream.strided.gather @!p5 [hbm4b:s23+s7], $0x2000, s8, s7, $0x38;
	[tilespmem:$0x11000] =	vst v63  }
0x88: {  	s21 =	spop (v2sf)  }
0x89: {  	s23 =	spop (v2sf)  }
0x8a: {  	s7 =	ssub.s32 s23, s18  }
0x8b: {  	s5 =	spop (v2sf);
	s7 =	sshll.u32 s7, $0x6  }
0x8c: {  	p1 =	seq.s32 s5, $0x0;
	s23 =	sand.u32 $0x1C0, s7  }
0x8d: {  	s8 =	sand.u32 @!p1 $0xFFFFF80, s21;
	s9 =	simm.s32 @!p1 $0x400;
	s7 =	sshll.u32 @!p1 s23, $0x7  }
0x8e: {  	s5 =	simm.s32 @!p1 $0x7A1400;
	s8 =	sadd.s32 @!p1 s1, s8;
	s7 =	sadd.s32 @!p1 $0x800, s7  }
0x8f: {  	[tilespmem:s7], [sflag:$0x2] =	stream.strided.gather @!p1 [hbm4b:s8+s9], $0x2000, s5, s9, $0x38;
	[tilespmem:$0x11000] =	vst v63  }
0x90: {  	s5 =	simm.s32 @!p0 $0x1  }
0x91: {  	_ =	swait.ge @!p0 [sflag:s5], $0x2000  }
0x92: {  	[sflag:s5] =	ssyncset.done @!p0 $0x0  }
0x93: {  	[sflag:s5] =	ssyncadd.s32 @!p0 $0xFFFFE000;
	s5 =	simm.s32 @!p2 $0x1  }
0x94: {  	_ =	swait.ge @!p2 [sflag:s5], $0x2000  }
0x95: {  	v8 =	vmov s31;
	[sflag:s5] =	ssyncset.done @!p2 $0x0  }
0x96: {  	v8 =	vshll.u32 v8, $0x7;
	[sflag:s5] =	ssyncadd.s32 @!p2 $0xFFFFE000;
	s5 =	simm.s32 @!p4 $0x1  }
0x97: {  	v9 =	vor.u32 v0, v8;
	s9 =	sand.u32 $0x7F, s26;
	_ =	swait.ge @!p4 [sflag:s5], $0x2000  }
0x98: {  	v9 =	vor.u32 s9, v9;
	[sflag:s5] =	ssyncset.done @!p4 $0x0  }
0x99: {  	[sflag:s5] =	ssyncadd.s32 @!p4 $0xFFFFE000;
	s5 =	simm.s32 @!p6 $0x1  }
0x9a: {  	_ =	swait.ge @!p6 [sflag:s5], $0x2000  }
0x9b: {  	[sflag:s5] =	ssyncset.done @!p6 $0x0  }
0x9c: {  	[sflag:s5] =	ssyncadd.s32 @!p6 $0xFFFFE000  }
0x9d: {  	v10 =	vor.u32 v3, v8;
	v9 =	vld.idx.msk [tilespmem:v9+s14+$0x0], $0xffff  }
0x9e: {  	v10 =	vor.u32 s9, v10;
	_ =	sdelay $0x3  }
0x9f: {  	v4 =	vshll.u32 v4, $0x3;
	[tilespmem:$0x10800] =	vst v9  }
0xa0: {  	v49 =	vor.u32 v2, v8;
	(v2sf) =	vpush v4, $0x0;
	v9 =	vld.idx.msk [tilespmem:v10+s14+$0x0], $0xffff  }
0xa1: {  	v10 =	vor.u32 s9, v49;
	_ =	sdelay $0x3  }
0xa2: {  	[tilespmem:$0x10810] =	vst v9  }
0xa3: {  	v8 =	vor.u32 v1, v8;
	v9 =	vld.idx.msk [tilespmem:v10+s14+$0x0], $0xffff  }
0xa4: {  	v8 =	vor.u32 s9, v8;
	_ =	sdelay $0x3  }
0xa5: {  	v50 =	vmov s30;
	[tilespmem:$0x10820] =	vst v9  }
0xa6: {  	v9 =	vshll.u32 v50, $0x7;
	v8 =	vld.idx.msk [tilespmem:v8+s14+$0x0], $0xffff  }
0xa7: {  	s22 =	sand.u32 $0x7F, s22;
	v51 =	vor.u32 v0, v9  }
0xa8: {  	v10 =	vor.u32 s22, v51  }
0xa9: {  	s26 =	spop (v2sf)  }
0xaa: {  	s7 =	sand.u32 $0x1FFFFFF8, s26  }
0xab: {  	s30 =	rddreg [dreg:$0x4];
	s7 =	sadd.s32 s2, s7;
	[tilespmem:$0x10830] =	vst v8  }
0xac: {  	[hbm4b:s7+s3] =	stream.linear.scatter [tilespmem:s30], [sflag:$0x3], $0x40, $0x38;
	[tilespmem:$0x11000] =	vst v63  }
0xad: {  	v52 =	vor.u32 v3, v9;
	v8 =	vld.idx.msk [tilespmem:v10+s14+$0x0], $0xffff  }
0xae: {  	v10 =	vor.u32 s22, v52;
	_ =	sdelay $0x3  }
0xaf: {  	[tilespmem:$0x10840] =	vst v8  }
0xb0: {  	(v2sf) =	vpush v4, $0x1;
	v53 =	vor.u32 v2, v9;
	v8 =	vld.idx.msk [tilespmem:v10+s14+$0x0], $0xffff  }
0xb1: {  	v10 =	vor.u32 s22, v53;
	_ =	sdelay $0x3  }
0xb2: {  	[tilespmem:$0x10850] =	vst v8  }
0xb3: {  	v9 =	vor.u32 v1, v9;
	v8 =	vld.idx.msk [tilespmem:v10+s14+$0x0], $0xffff  }
0xb4: {  	v9 =	vor.u32 s22, v9;
	_ =	sdelay $0x3  }
0xb5: {  	v54 =	vmov s24;
	[tilespmem:$0x10860] =	vst v8  }
0xb6: {  	v8 =	vshll.u32 v54, $0x7;
	v9 =	vld.idx.msk [tilespmem:v9+s14+$0x0], $0xffff  }
0xb7: {  	s31 =	sand.u32 $0x7F, s11;
	v55 =	vor.u32 v0, v8  }
0xb8: {  	v10 =	vor.u32 s31, v55  }
0xb9: {  	s8 =	spop (v2sf)  }
0xba: {  	s7 =	sand.u32 $0x1FFFFFF8, s8  }
0xbb: {  	s9 =	rddreg [dreg:$0x5];
	s7 =	sadd.s32 s2, s7;
	[tilespmem:$0x10870] =	vst v9  }
0xbc: {  	[hbm4b:s7+s3] =	stream.linear.scatter [tilespmem:s9], [sflag:$0x3], $0x40, $0x38;
	[tilespmem:$0x11000] =	vst v63  }
0xbd: {  	v56 =	vor.u32 v3, v8;
	v9 =	vld.idx.msk [tilespmem:v10+s14+$0x0], $0xffff  }
0xbe: {  	v10 =	vor.u32 s31, v56;
	_ =	sdelay $0x3  }
0xbf: {  	[tilespmem:$0x10880] =	vst v9  }
0xc0: {  	(v2sf) =	vpush v4, $0x2;
	v57 =	vor.u32 v2, v8;
	v9 =	vld.idx.msk [tilespmem:v10+s14+$0x0], $0xffff  }
0xc1: {  	v10 =	vor.u32 s31, v57;
	_ =	sdelay $0x3  }
0xc2: {  	[tilespmem:$0x10890] =	vst v9  }
0xc3: {  	v8 =	vor.u32 v1, v8;
	v9 =	vld.idx.msk [tilespmem:v10+s14+$0x0], $0xffff  }
0xc4: {  	v8 =	vor.u32 s31, v8;
	_ =	sdelay $0x3  }
0xc5: {  	v58 =	vmov s12;
	[tilespmem:$0x108A0] =	vst v9  }
0xc6: {  	v9 =	vshll.u32 v58, $0x7;
	v8 =	vld.idx.msk [tilespmem:v8+s14+$0x0], $0xffff  }
0xc7: {  	s11 =	sand.u32 $0x7F, s6;
	v59 =	vor.u32 v0, v9  }
0xc8: {  	v10 =	vor.u32 s11, v59  }
0xc9: {  	s12 =	spop (v2sf)  }
0xca: {  	s6 =	sand.u32 $0x1FFFFFF8, s12  }
0xcb: {  	s6 =	sadd.s32 s2, s6;
	s22 =	rddreg [dreg:$0x6];
	[tilespmem:$0x108B0] =	vst v8  }
0xcc: {  	[hbm4b:s6+s3] =	stream.linear.scatter [tilespmem:s22], [sflag:$0x3], $0x40, $0x38;
	[tilespmem:$0x11000] =	vst v63  }
0xcd: {  	v60 =	vor.u32 v3, v9;
	v8 =	vld.idx.msk [tilespmem:v10+s14+$0x0], $0xffff  }
0xce: {  	v10 =	vor.u32 s11, v60;
	_ =	sdelay $0x2  }
0xcf: {  	(v2sf) =	vpush v4, $0x3  }
0xd0: {  	[tilespmem:$0x108C0] =	vst v8  }
0xd1: {  	(v2sf) =	vpush v7, $0x8;
	v61 =	vor.u32 v2, v9;
	v8 =	vld.idx.msk [tilespmem:v10+s14+$0x0], $0xffff  }
0xd2: {  	v10 =	vor.u32 s11, v61  }
0xd3: {  	(v2sf) =	vpush v6, $0x8;
	_ =	sdelay $0x1  }
0xd4: {  	(v2sf) =	vpush v5, $0x8  }
0xd5: {  	[tilespmem:$0x108D0] =	vst v8  }
0xd6: {  	v9 =	vor.u32 v1, v9;
	v8 =	vld.idx.msk [tilespmem:v10+s14+$0x0], $0xffff  }
0xd7: {  	v9 =	vor.u32 s11, v9;
	_ =	sdelay $0x1  }
0xd8: {  	(v2sf) =	vpush v7, $0x9;
	_ =	sdelay $0x1  }
0xd9: {  	(v2sf) =	vpush v6, $0x9;
	[tilespmem:$0x108E0] =	vst v8  }
0xda: {  	v8 =	vld.idx.msk [tilespmem:v9+s14+$0x0], $0xffff  }
0xdb: {  	s24 =	spop (v2sf);
	(v2sf) =	vpush v5, $0x9;
	_ =	sdelay $0x1  }
0xdc: {  	s11 =	spop (v2sf);
	(v2sf) =	vpush v7, $0xA  }
0xdd: {  	s5 =	sand.u32 $0x1FFFFFF8, s24  }
0xde: {  	s26 =	rddreg [dreg:$0x7];
	s5 =	sadd.s32 s2, s5;
	s30 =	spop (v2sf);
	[tilespmem:$0x108F0] =	vst v8  }
0xdf: {  	(v2sf) =	vpush v6, $0xA;
	[hbm4b:s5+s3] =	stream.linear.scatter [tilespmem:s26], [sflag:$0x3], $0x40, $0x38;
	[tilespmem:$0x11000] =	vst v63  }
0xe0: {  	s31 =	spop (v2sf);
	s5 =	ssub.s32 s30, s18  }
0xe1: {  	(v2sf) =	vpush v5, $0xA;
	p0 =	seq.s32 s31, $0x0;
	s5 =	sshll.u32 s5, $0x6  }
0xe2: {  	s6 =	sand.u32 $0x1C0, s5;
	s5 =	simm.s32 @!p0 $0x0  }
0xe3: {  	s7 =	sand.u32 @!p0 $0xFFFFF80, s11;
	s8 =	simm.s32 @!p0 $0x400;
	s5 =	simm.s32 @p0 $0x1  }
0xe4: {  	s9 =	simm.s32 @!p0 $0x7A1400;
	[smem:$0x7EF] =	sst s5;
	s5 =	sshll.u32 @!p0 s6, $0x7  }
0xe5: {  	s7 =	sadd.s32 @!p0 s1, s7;
	s30 =	spop (v2sf);
	(v2sf) =	vpush v7, $0xB;
	s5 =	sadd.s32 @!p0 $0x800, s5  }
0xe6: {  	[tilespmem:s5], [sflag:$0x1] =	stream.strided.gather @!p0 [hbm4b:s7+s8], $0x2000, s9, s8, $0x38;
	[tilespmem:$0x11000] =	vst v63  }
0xe7: {  	s8 =	spop (v2sf);
	(v2sf) =	vpush v6, $0xB;
	_ =	sdelay $0x1  }
0xe8: {  	s5 =	ssub.s32 s8, s18;
	s9 =	spop (v2sf);
	(v2sf) =	vpush v5, $0xB  }
0xe9: {  	s5 =	sshll.u32 s5, $0x6;
	p0 =	seq.s32 s9, $0x0  }
0xea: {  	s26 =	spop (v2sf);
	s12 =	sand.u32 $0x1C0, s5;
	s5 =	simm.s32 @!p0 $0x0  }
0xeb: {  	s7 =	sand.u32 @!p0 $0xFFFFF80, s30;
	s8 =	simm.s32 @!p0 $0x400;
	s5 =	simm.s32 @p0 $0x1  }
0xec: {  	s9 =	simm.s32 @!p0 $0x7A1400;
	[smem:$0x7F0] =	sst s5;
	s5 =	sshll.u32 @!p0 s12, $0x7  }
0xed: {  	s22 =	spop (v2sf);
	s7 =	sadd.s32 @!p0 s1, s7;
	s5 =	sadd.s32 @!p0 $0x800, s5  }
0xee: {  	[tilespmem:s5], [sflag:$0x1] =	stream.strided.gather @!p0 [hbm4b:s7+s8], $0x2000, s9, s8, $0x38;
	[tilespmem:$0x11000] =	vst v63  }
0xef: {  	s24 =	spop (v2sf);
	s5 =	ssub.s32 s22, s18  }
0xf0: {  	p6 =	seq.s32 s24, $0x0;
	s5 =	sshll.u32 s5, $0x6  }
0xf1: {  	s7 =	sand.u32 @!p6 $0xFFFFF80, s26;
	s31 =	sand.u32 $0x1C0, s5  }
0xf2: {  	s8 =	simm.s32 @!p6 $0x400;
	s9 =	simm.s32 @!p6 $0x7A1400;
	s5 =	sshll.u32 @!p6 s31, $0x7  }
0xf3: {  	s7 =	sadd.s32 @!p6 s1, s7;
	s22 =	spop (v2sf);
	s5 =	sadd.s32 @!p6 $0x800, s5  }
0xf4: {  	[tilespmem:s5], [sflag:$0x1] =	stream.strided.gather @!p6 [hbm4b:s7+s8], $0x2000, s9, s8, $0x38;
	[tilespmem:$0x11000] =	vst v63  }
0xf5: {  	s8 =	spop (v2sf)  }
0xf6: {  	s5 =	ssub.s32 s8, s18  }
0xf7: {  	s9 =	spop (v2sf);
	s5 =	sshll.u32 s5, $0x6  }
0xf8: {  	p4 =	seq.s32 s9, $0x0;
	s24 =	sand.u32 $0x1C0, s5  }
0xf9: {  	s7 =	sand.u32 @!p4 $0xFFFFF80, s22;
	s8 =	simm.s32 @!p4 $0x400;
	s5 =	sshll.u32 @!p4 s24, $0x7  }
0xfa: {  	s9 =	simm.s32 @!p4 $0x7A1400;
	s7 =	sadd.s32 @!p4 s1, s7;
	s5 =	sadd.s32 @!p4 $0x800, s5  }
0xfb: {  	[tilespmem:s5], [sflag:$0x1] =	stream.strided.gather @!p4 [hbm4b:s7+s8], $0x2000, s9, s8, $0x38;
	[tilespmem:$0x11000] =	vst v63  }
0xfc: {  	s7 =	sld [smem:$0x7EE];
	_ =	sdelay $0x2  }
0xfd: {  	p0 =	seq.s32 s7, $0x1  }
0xfe: {  	s5 =	simm.s32 @!p0 $0x2  }
0xff: {  	_ =	swait.ge @!p0 [sflag:s5], $0x2000  }
0x100: {  	[sflag:s5] =	ssyncset.done @!p0 $0x0  }
0x101: {  	[sflag:s5] =	ssyncadd.s32 @!p0 $0xFFFFE000;
	s5 =	simm.s32 @!p3 $0x2  }
0x102: {  	_ =	swait.ge @!p3 [sflag:s5], $0x2000  }
0x103: {  	v62 =	vmov s13;
	[sflag:s5] =	ssyncset.done @!p3 $0x0  }
0x104: {  	v8 =	vshll.u32 v62, $0x7;
	[sflag:s5] =	ssyncadd.s32 @!p3 $0xFFFFE000;
	s5 =	simm.s32 @!p5 $0x2  }
0x105: {  	s0 =	sand.u32 $0x7F, s0;
	v63 =	vor.u32 v0, v8;
	_ =	swait.ge @!p5 [sflag:s5], $0x2000  }
0x106: {  	v9 =	vor.u32 s0, v63;
	[sflag:s5] =	ssyncset.done @!p5 $0x0  }
0x107: {  	[sflag:s5] =	ssyncadd.s32 @!p5 $0xFFFFE000;
	s5 =	simm.s32 @!p1 $0x2  }
0x108: {  	_ =	swait.ge @!p1 [sflag:s5], $0x2000  }
0x109: {  	[sflag:s5] =	ssyncset.done @!p1 $0x0  }
0x10a: {  	[sflag:s5] =	ssyncadd.s32 @!p1 $0xFFFFE000  }
0x10b: {  	v12 =	vor.u32 v3, v8;
	v9 =	vld.idx.msk [tilespmem:v9+s14+$0x0], $0xffff  }
0x10c: {  	v10 =	vor.u32 s0, v12;
	_ =	sdelay $0x3  }
0x10d: {  	[tilespmem:$0x10900] =	vst v9  }
0x10e: {  	v13 =	vor.u32 v2, v8;
	(v2sf) =	vpush v4, $0x4;
	v9 =	vld.idx.msk [tilespmem:v10+s14+$0x0], $0xffff  }
0x10f: {  	v10 =	vor.u32 s0, v13;
	_ =	sdelay $0x3  }
0x110: {  	[tilespmem:$0x10910] =	vst v9  }
0x111: {  	v8 =	vor.u32 v1, v8;
	v9 =	vld.idx.msk [tilespmem:v10+s14+$0x0], $0xffff  }
0x112: {  	v8 =	vor.u32 s0, v8;
	_ =	sdelay $0x3  }
0x113: {  	v14 =	vmov s4;
	[tilespmem:$0x10920] =	vst v9  }
0x114: {  	v9 =	vshll.u32 v14, $0x7;
	v8 =	vld.idx.msk [tilespmem:v8+s14+$0x0], $0xffff  }
0x115: {  	s8 =	sand.u32 $0x7F, s28;
	v15 =	vor.u32 v0, v9  }
0x116: {  	v10 =	vor.u32 s8, v15  }
0x117: {  	s9 =	spop (v2sf)  }
0x118: {  	s4 =	sand.u32 $0x1FFFFFF8, s9  }
0x119: {  	s13 =	rddreg [dreg:$0x8];
	s4 =	sadd.s32 s2, s4;
	[tilespmem:$0x10930] =	vst v8  }
0x11a: {  	[hbm4b:s4+s3] =	stream.linear.scatter [tilespmem:s13], [sflag:$0x3], $0x40, $0x38;
	[tilespmem:$0x11000] =	vst v63  }
0x11b: {  	v16 =	vor.u32 v3, v9;
	v8 =	vld.idx.msk [tilespmem:v10+s14+$0x0], $0xffff  }
0x11c: {  	v10 =	vor.u32 s8, v16;
	_ =	sdelay $0x3  }
0x11d: {  	[tilespmem:$0x10940] =	vst v8  }
0x11e: {  	(v2sf) =	vpush v4, $0x5;
	v17 =	vor.u32 v2, v9;
	v8 =	vld.idx.msk [tilespmem:v10+s14+$0x0], $0xffff  }
0x11f: {  	v10 =	vor.u32 s8, v17;
	_ =	sdelay $0x3  }
0x120: {  	[tilespmem:$0x10950] =	vst v8  }
0x121: {  	v9 =	vor.u32 v1, v9;
	v8 =	vld.idx.msk [tilespmem:v10+s14+$0x0], $0xffff  }
0x122: {  	v9 =	vor.u32 s8, v9;
	_ =	sdelay $0x3  }
0x123: {  	v18 =	vmov s29;
	[tilespmem:$0x10960] =	vst v8  }
0x124: {  	v8 =	vshll.u32 v18, $0x7;
	v9 =	vld.idx.msk [tilespmem:v9+s14+$0x0], $0xffff  }
0x125: {  	s25 =	sand.u32 $0x7F, s25;
	v19 =	vor.u32 v0, v8  }
0x126: {  	v10 =	vor.u32 s25, v19  }
0x127: {  	s28 =	spop (v2sf)  }
0x128: {  	s4 =	sand.u32 $0x1FFFFFF8, s28  }
0x129: {  	s29 =	rddreg [dreg:$0x9];
	s4 =	sadd.s32 s2, s4;
	[tilespmem:$0x10970] =	vst v9  }
0x12a: {  	[hbm4b:s4+s3] =	stream.linear.scatter [tilespmem:s29], [sflag:$0x3], $0x40, $0x38;
	[tilespmem:$0x11000] =	vst v63  }
0x12b: {  	v20 =	vor.u32 v3, v8;
	v9 =	vld.idx.msk [tilespmem:v10+s14+$0x0], $0xffff  }
0x12c: {  	v10 =	vor.u32 s25, v20;
	_ =	sdelay $0x3  }
0x12d: {  	[tilespmem:$0x10980] =	vst v9  }
0x12e: {  	(v2sf) =	vpush v4, $0x6;
	v21 =	vor.u32 v2, v8;
	v9 =	vld.idx.msk [tilespmem:v10+s14+$0x0], $0xffff  }
0x12f: {  	v10 =	vor.u32 s25, v21;
	_ =	sdelay $0x3  }
0x130: {  	[tilespmem:$0x10990] =	vst v9  }
0x131: {  	v8 =	vor.u32 v1, v8;
	v9 =	vld.idx.msk [tilespmem:v10+s14+$0x0], $0xffff  }
0x132: {  	v8 =	vor.u32 s25, v8;
	_ =	sdelay $0x3  }
0x133: {  	v22 =	vmov s23;
	[tilespmem:$0x109A0] =	vst v9  }
0x134: {  	v9 =	vshll.u32 v22, $0x7;
	v8 =	vld.idx.msk [tilespmem:v8+s14+$0x0], $0xffff  }
0x135: {  	s7 =	sand.u32 $0x7F, s21;
	v23 =	vor.u32 v0, v9  }
0x136: {  	v10 =	vor.u32 s7, v23  }
0x137: {  	s8 =	spop (v2sf)  }
0x138: {  	s4 =	sand.u32 $0x1FFFFFF8, s8  }
0x139: {  	s9 =	rddreg [dreg:$0xa];
	s4 =	sadd.s32 s2, s4;
	[tilespmem:$0x109B0] =	vst v8  }
0x13a: {  	[hbm4b:s4+s3] =	stream.linear.scatter [tilespmem:s9], [sflag:$0x3], $0x40, $0x38;
	[tilespmem:$0x11000] =	vst v63  }
0x13b: {  	v24 =	vor.u32 v3, v9;
	v8 =	vld.idx.msk [tilespmem:v10+s14+$0x0], $0xffff  }
0x13c: {  	v10 =	vor.u32 s7, v24;
	_ =	sdelay $0x3  }
0x13d: {  	[tilespmem:$0x109C0] =	vst v8  }
0x13e: {  	v25 =	vor.u32 v2, v9;
	v8 =	vld.idx.msk [tilespmem:v10+s14+$0x0], $0xffff;
	(v2sf) =	vpush v4, $0x7  }
0x13f: {  	v10 =	vor.u32 s7, v25;
	(v2sf) =	vpush v7, $0xC  }
0x140: {  	(v2sf) =	vpush v6, $0xC;
	_ =	sdelay $0x2  }
0x141: {  	(v2sf) =	vpush v5, $0xC;
	[tilespmem:$0x109D0] =	vst v8  }
0x142: {  	v9 =	vor.u32 v1, v9;
	(v2sf) =	vpush v7, $0xD;
	v8 =	vld.idx.msk [tilespmem:v10+s14+$0x0], $0xffff  }
0x143: {  	v9 =	vor.u32 s7, v9;
	_ =	sdelay $0x2  }
0x144: {  	(v2sf) =	vpush v6, $0xD  }
0x145: {  	[tilespmem:$0x109E0] =	vst v8  }
0x146: {  	(v2sf) =	vpush v5, $0xD;
	v8 =	vld.idx.msk [tilespmem:v9+s14+$0x0], $0xffff;
	_ =	sdelay $0x2  }
0x147: {  	s13 =	spop (v2sf)  }
0x148: {  	s0 =	sand.u32 $0x1FFFFFF8, s13;
	s25 =	spop (v2sf)  }
0x149: {  	s21 =	rddreg [dreg:$0xb];
	(v2sf) =	vpush v7, $0xE;
	[tilespmem:$0x109F0] =	vst v8;
	s0 =	sadd.s32 s2, s0;
	s23 =	spop (v2sf)  }
0x14a: {  	(v2sf) =	vpush v6, $0xE;
	[hbm4b:s0+s3] =	stream.linear.scatter [tilespmem:s21], [sflag:$0x3], $0x40, $0x38;
	[tilespmem:$0x11000] =	vst v63  }
0x14b: {  	s0 =	ssub.s32 s23, s18  }
0x14c: {  	s28 =	spop (v2sf);
	(v2sf) =	vpush v5, $0xE;
	s0 =	sshll.u32 s0, $0x6  }
0x14d: {  	p2 =	seq.s32 s28, $0x0;
	s21 =	spop (v2sf);
	s29 =	sand.u32 $0x1C0, s0  }
0x14e: {  	s4 =	sand.u32 @!p2 $0xFFFFF80, s25;
	s5 =	simm.s32 @!p2 $0x400;
	s0 =	sshll.u32 @!p2 s29, $0x7  }
0x14f: {  	s7 =	simm.s32 @!p2 $0x7A1400;
	s4 =	sadd.s32 @!p2 s1, s4;
	s0 =	sadd.s32 @!p2 $0x800, s0  }
0x150: {  	[tilespmem:s0], [sflag:$0x2] =	stream.strided.gather @!p2 [hbm4b:s4+s5], $0x2000, s7, s5, $0x38;
	[tilespmem:$0x11000] =	vst v63  }
0x151: {  	(v2sf) =	vpush v7, $0xF;
	s5 =	spop (v2sf)  }
0x152: {  	(v2sf) =	vpush v6, $0xF;
	s0 =	ssub.s32 s5, s18  }
0x153: {  	s7 =	spop (v2sf);
	s0 =	sshll.u32 s0, $0x6  }
0x154: {  	(v2sf) =	vpush v5, $0xF;
	p3 =	seq.s32 s7, $0x0;
	s28 =	sand.u32 $0x1C0, s0  }
0x155: {  	s4 =	sand.u32 @!p3 $0xFFFFF80, s21;
	s5 =	simm.s32 @!p3 $0x400;
	s0 =	sshll.u32 @!p3 s28, $0x7  }
0x156: {  	s7 =	simm.s32 @!p3 $0x7A1400;
	s4 =	sadd.s32 @!p3 s1, s4;
	s0 =	sadd.s32 @!p3 $0x800, s0  }
0x157: {  	[tilespmem:s0], [sflag:$0x2] =	stream.strided.gather @!p3 [hbm4b:s4+s5], $0x2000, s7, s5, $0x38;
	[tilespmem:$0x11000] =	vst v63  }
0x158: {  	s13 =	spop (v2sf)  }
0x159: {  	s8 =	spop (v2sf)  }
0x15a: {  	s0 =	ssub.s32 s8, s18  }
0x15b: {  	s9 =	spop (v2sf);
	s0 =	sshll.u32 s0, $0x6  }
0x15c: {  	p5 =	seq.s32 s9, $0x0;
	s23 =	sand.u32 $0x1C0, s0  }
0x15d: {  	s4 =	sand.u32 @!p5 $0xFFFFF80, s13;
	s5 =	simm.s32 @!p5 $0x400;
	s0 =	sshll.u32 @!p5 s23, $0x7  }
0x15e: {  	s7 =	simm.s32 @!p5 $0x7A1400;
	s4 =	sadd.s32 @!p5 s1, s4;
	s0 =	sadd.s32 @!p5 $0x800, s0  }
0x15f: {  	[tilespmem:s0], [sflag:$0x2] =	stream.strided.gather @!p5 [hbm4b:s4+s5], $0x2000, s7, s5, $0x38;
	[tilespmem:$0x11000] =	vst v63  }
0x160: {  	s0 =	spop (v2sf)  }
0x161: {  	s5 =	spop (v2sf)  }
0x162: {  	s4 =	ssub.s32 s5, s18  }
0x163: {  	s7 =	spop (v2sf);
	s4 =	sshll.u32 s4, $0x6  }
0x164: {  	p1 =	seq.s32 s7, $0x0;
	s4 =	sand.u32 $0x1C0, s4  }
0x165: {  	s7 =	sand.u32 @!p1 $0xFFFFF80, s0;
	s8 =	simm.s32 @!p1 $0x400;
	s5 =	sshll.u32 @!p1 s4, $0x7  }
0x166: {  	s9 =	simm.s32 @!p1 $0x7A1400;
	s7 =	sadd.s32 @!p1 s1, s7;
	s5 =	sadd.s32 @!p1 $0x800, s5  }
0x167: {  	[tilespmem:s5], [sflag:$0x2] =	stream.strided.gather @!p1 [hbm4b:s7+s8], $0x2000, s9, s8, $0x38;
	[tilespmem:$0x11000] =	vst v63  }
0x168: {  	s8 =	sld [smem:$0x7EF];
	_ =	sdelay $0x2  }
0x169: {  	p0 =	seq.s32 s8, $0x1  }
0x16a: {  	s5 =	simm.s32 @!p0 $0x1  }
0x16b: {  	_ =	swait.ge @!p0 [sflag:s5], $0x2000  }
0x16c: {  	s9 =	sld [smem:$0x7F0];
	_ =	sdelay $0x1  }
0x16d: {  	[sflag:s5] =	ssyncset.done @!p0 $0x0  }
0x16e: {  	[sflag:s5] =	ssyncadd.s32 @!p0 $0xFFFFE000;
	p0 =	seq.s32 s9, $0x1  }
0x16f: {  	s5 =	simm.s32 @!p0 $0x1  }
0x170: {  	_ =	swait.ge @!p0 [sflag:s5], $0x2000  }
0x171: {  	v5 =	vmov s6;
	[sflag:s5] =	ssyncset.done @!p0 $0x0  }
0x172: {  	v5 =	vshll.u32 v5, $0x7;
	[sflag:s5] =	ssyncadd.s32 @!p0 $0xFFFFE000;
	s5 =	simm.s32 @!p6 $0x1  }
0x173: {  	s11 =	sand.u32 $0x7F, s11;
	v26 =	vor.u32 v0, v5;
	_ =	swait.ge @!p6 [sflag:s5], $0x2000  }
0x174: {  	v6 =	vor.u32 s11, v26;
	[sflag:s5] =	ssyncset.done @!p6 $0x0  }
0x175: {  	[sflag:s5] =	ssyncadd.s32 @!p6 $0xFFFFE000;
	s5 =	simm.s32 @!p4 $0x1  }
0x176: {  	_ =	swait.ge @!p4 [sflag:s5], $0x2000  }
0x177: {  	[sflag:s5] =	ssyncset.done @!p4 $0x0  }
0x178: {  	[sflag:s5] =	ssyncadd.s32 @!p4 $0xFFFFE000  }
0x179: {  	v27 =	vor.u32 v3, v5;
	v6 =	vld.idx.msk [tilespmem:v6+s14+$0x0], $0xffff  }
0x17a: {  	v7 =	vor.u32 s11, v27;
	_ =	sdelay $0x3  }
0x17b: {  	[tilespmem:$0x10A00] =	vst v6  }
0x17c: {  	v28 =	vor.u32 v2, v5;
	(v2sf) =	vpush v4, $0x8;
	v6 =	vld.idx.msk [tilespmem:v7+s14+$0x0], $0xffff  }
0x17d: {  	v7 =	vor.u32 s11, v28;
	_ =	sdelay $0x3  }
0x17e: {  	[tilespmem:$0x10A10] =	vst v6  }
0x17f: {  	v5 =	vor.u32 v1, v5;
	v6 =	vld.idx.msk [tilespmem:v7+s14+$0x0], $0xffff  }
0x180: {  	v5 =	vor.u32 s11, v5;
	_ =	sdelay $0x3  }
0x181: {  	v29 =	vmov s12;
	[tilespmem:$0x10A20] =	vst v6  }
0x182: {  	v6 =	vshll.u32 v29, $0x7;
	v5 =	vld.idx.msk [tilespmem:v5+s14+$0x0], $0xffff  }
0x183: {  	s30 =	sand.u32 $0x7F, s30;
	v30 =	vor.u32 v0, v6  }
0x184: {  	v7 =	vor.u32 s30, v30  }
0x185: {  	s7 =	spop (v2sf)  }
0x186: {  	s6 =	sand.u32 $0x1FFFFFF8, s7  }
0x187: {  	s8 =	rddreg [dreg:$0xc];
	s6 =	sadd.s32 s2, s6;
	[tilespmem:$0x10A30] =	vst v5  }
0x188: {  	[hbm4b:s6+s3] =	stream.linear.scatter [tilespmem:s8], [sflag:$0x3], $0x40, $0x38;
	[tilespmem:$0x11000] =	vst v63  }
0x189: {  	v31 =	vor.u32 v3, v6;
	v5 =	vld.idx.msk [tilespmem:v7+s14+$0x0], $0xffff  }
0x18a: {  	v7 =	vor.u32 s30, v31;
	_ =	sdelay $0x3  }
0x18b: {  	[tilespmem:$0x10A40] =	vst v5  }
0x18c: {  	(v2sf) =	vpush v4, $0x9;
	v32 =	vor.u32 v2, v6;
	v5 =	vld.idx.msk [tilespmem:v7+s14+$0x0], $0xffff  }
0x18d: {  	v7 =	vor.u32 s30, v32;
	_ =	sdelay $0x3  }
0x18e: {  	[tilespmem:$0x10A50] =	vst v5  }
0x18f: {  	v6 =	vor.u32 v1, v6;
	v5 =	vld.idx.msk [tilespmem:v7+s14+$0x0], $0xffff  }
0x190: {  	v6 =	vor.u32 s30, v6;
	_ =	sdelay $0x3  }
0x191: {  	[tilespmem:$0x10A60] =	vst v5;
	v5 =	vmov s31  }
0x192: {  	v6 =	vld.idx.msk [tilespmem:v6+s14+$0x0], $0xffff;
	v5 =	vshll.u32 v5, $0x7  }
0x193: {  	s9 =	sand.u32 $0x7F, s26;
	v33 =	vor.u32 v0, v5  }
0x194: {  	v7 =	vor.u32 s9, v33  }
0x195: {  	s11 =	spop (v2sf)  }
0x196: {  	s6 =	sand.u32 $0x1FFFFFF8, s11  }
0x197: {  	s12 =	rddreg [dreg:$0xd];
	s6 =	sadd.s32 s2, s6;
	[tilespmem:$0x10A70] =	vst v6  }
0x198: {  	[hbm4b:s6+s3] =	stream.linear.scatter [tilespmem:s12], [sflag:$0x3], $0x40, $0x38;
	[tilespmem:$0x11000] =	vst v63  }
0x199: {  	v34 =	vor.u32 v3, v5;
	v6 =	vld.idx.msk [tilespmem:v7+s14+$0x0], $0xffff  }
0x19a: {  	v7 =	vor.u32 s9, v34;
	_ =	sdelay $0x3  }
0x19b: {  	[tilespmem:$0x10A80] =	vst v6  }
0x19c: {  	(v2sf) =	vpush v4, $0xA;
	v35 =	vor.u32 v2, v5;
	v6 =	vld.idx.msk [tilespmem:v7+s14+$0x0], $0xffff  }
0x19d: {  	v7 =	vor.u32 s9, v35;
	_ =	sdelay $0x3  }
0x19e: {  	[tilespmem:$0x10A90] =	vst v6  }
0x19f: {  	v5 =	vor.u32 v1, v5;
	v6 =	vld.idx.msk [tilespmem:v7+s14+$0x0], $0xffff  }
0x1a0: {  	v5 =	vor.u32 s9, v5;
	_ =	sdelay $0x3  }
0x1a1: {  	v36 =	vmov s24;
	[tilespmem:$0x10AA0] =	vst v6  }
0x1a2: {  	v6 =	vshll.u32 v36, $0x7;
	v5 =	vld.idx.msk [tilespmem:v5+s14+$0x0], $0xffff  }
0x1a3: {  	s26 =	sand.u32 $0x7F, s22;
	v37 =	vor.u32 v0, v6  }
0x1a4: {  	v7 =	vor.u32 s26, v37  }
0x1a5: {  	s30 =	spop (v2sf)  }
0x1a6: {  	s6 =	sand.u32 $0x1FFFFFF8, s30  }
0x1a7: {  	s31 =	rddreg [dreg:$0xe];
	s6 =	sadd.s32 s2, s6;
	[tilespmem:$0x10AB0] =	vst v5  }
0x1a8: {  	[hbm4b:s6+s3] =	stream.linear.scatter [tilespmem:s31], [sflag:$0x3], $0x40, $0x38;
	[tilespmem:$0x11000] =	vst v63  }
0x1a9: {  	v38 =	vor.u32 v3, v6;
	v5 =	vld.idx.msk [tilespmem:v7+s14+$0x0], $0xffff  }
0x1aa: {  	v7 =	vor.u32 s26, v38;
	_ =	sdelay $0x3  }
0x1ab: {  	[tilespmem:$0x10AC0] =	vst v5  }
0x1ac: {  	(v2sf) =	vpush v4, $0xB;
	v39 =	vor.u32 v2, v6;
	v5 =	vld.idx.msk [tilespmem:v7+s14+$0x0], $0xffff  }
0x1ad: {  	v7 =	vor.u32 s26, v39;
	_ =	sdelay $0x3  }
0x1ae: {  	[tilespmem:$0x10AD0] =	vst v5  }
0x1af: {  	v6 =	vor.u32 v1, v6;
	v5 =	vld.idx.msk [tilespmem:v7+s14+$0x0], $0xffff  }
0x1b0: {  	v6 =	vor.u32 s26, v6;
	_ =	sdelay $0x3  }
0x1b1: {  	[tilespmem:$0x10AE0] =	vst v5  }
0x1b2: {  	v5 =	vld.idx.msk [tilespmem:v6+s14+$0x0], $0xffff;
	_ =	sdelay $0x2  }
0x1b3: {  	s6 =	spop (v2sf)  }
0x1b4: {  	s5 =	sand.u32 $0x1FFFFFF8, s6  }
0x1b5: {  	s7 =	rddreg [dreg:$0xf];
	s5 =	sadd.s32 s2, s5;
	[tilespmem:$0x10AF0] =	vst v5  }
0x1b6: {  	[hbm4b:s5+s3] =	stream.linear.scatter [tilespmem:s7], [sflag:$0x3], $0x40, $0x38;
	[tilespmem:$0x11000] =	vst v63  }
0x1b7: {  	s5 =	simm.s32 @!p2 $0x2  }
0x1b8: {  	_ =	swait.ge @!p2 [sflag:s5], $0x2000  }
0x1b9: {  	[sflag:s5] =	ssyncset.done @!p2 $0x0  }
0x1ba: {  	[sflag:s5] =	ssyncadd.s32 @!p2 $0xFFFFE000;
	s5 =	simm.s32 @!p3 $0x2  }
0x1bb: {  	_ =	swait.ge @!p3 [sflag:s5], $0x2000  }
0x1bc: {  	v5 =	vmov s29;
	[sflag:s5] =	ssyncset.done @!p3 $0x0  }
0x1bd: {  	v5 =	vshll.u32 v5, $0x7;
	[sflag:s5] =	ssyncadd.s32 @!p3 $0xFFFFE000;
	s5 =	simm.s32 @!p5 $0x2  }
0x1be: {  	s8 =	sand.u32 $0x7F, s25;
	v40 =	vor.u32 v0, v5;
	_ =	swait.ge @!p5 [sflag:s5], $0x2000  }
0x1bf: {  	v6 =	vor.u32 s8, v40;
	[sflag:s5] =	ssyncset.done @!p5 $0x0  }
0x1c0: {  	[sflag:s5] =	ssyncadd.s32 @!p5 $0xFFFFE000;
	s5 =	simm.s32 @!p1 $0x2  }
0x1c1: {  	_ =	swait.ge @!p1 [sflag:s5], $0x2000  }
0x1c2: {  	[sflag:s5] =	ssyncset.done @!p1 $0x0  }
0x1c3: {  	[sflag:s5] =	ssyncadd.s32 @!p1 $0xFFFFE000  }
0x1c4: {  	v41 =	vor.u32 v3, v5;
	v6 =	vld.idx.msk [tilespmem:v6+s14+$0x0], $0xffff  }
0x1c5: {  	v7 =	vor.u32 s8, v41;
	_ =	sdelay $0x3  }
0x1c6: {  	[tilespmem:$0x10B00] =	vst v6  }
0x1c7: {  	v42 =	vor.u32 v2, v5;
	(v2sf) =	vpush v4, $0xC;
	v6 =	vld.idx.msk [tilespmem:v7+s14+$0x0], $0xffff  }
0x1c8: {  	v7 =	vor.u32 s8, v42;
	_ =	sdelay $0x3  }
0x1c9: {  	[tilespmem:$0x10B10] =	vst v6  }
0x1ca: {  	v5 =	vor.u32 v1, v5;
	v6 =	vld.idx.msk [tilespmem:v7+s14+$0x0], $0xffff  }
0x1cb: {  	v5 =	vor.u32 s8, v5;
	_ =	sdelay $0x3  }
0x1cc: {  	v43 =	vmov s28;
	[tilespmem:$0x10B20] =	vst v6  }
0x1cd: {  	v6 =	vshll.u32 v43, $0x7;
	v5 =	vld.idx.msk [tilespmem:v5+s14+$0x0], $0xffff  }
0x1ce: {  	s9 =	sand.u32 $0x7F, s21;
	v44 =	vor.u32 v0, v6  }
0x1cf: {  	v7 =	vor.u32 s9, v44  }
0x1d0: {  	s11 =	spop (v2sf)  }
0x1d1: {  	s6 =	sand.u32 $0x1FFFFFF8, s11  }
0x1d2: {  	s12 =	rddreg [dreg:$0x10];
	s6 =	sadd.s32 s2, s6;
	[tilespmem:$0x10B30] =	vst v5  }
0x1d3: {  	[hbm4b:s6+s3] =	stream.linear.scatter [tilespmem:s12], [sflag:$0x3], $0x40, $0x38;
	[tilespmem:$0x11000] =	vst v63  }
0x1d4: {  	v45 =	vor.u32 v3, v6;
	v5 =	vld.idx.msk [tilespmem:v7+s14+$0x0], $0xffff  }
0x1d5: {  	v7 =	vor.u32 s9, v45;
	_ =	sdelay $0x3  }
0x1d6: {  	[tilespmem:$0x10B40] =	vst v5  }
0x1d7: {  	(v2sf) =	vpush v4, $0xD;
	v46 =	vor.u32 v2, v6;
	v5 =	vld.idx.msk [tilespmem:v7+s14+$0x0], $0xffff  }
0x1d8: {  	v7 =	vor.u32 s9, v46;
	_ =	sdelay $0x3  }
0x1d9: {  	[tilespmem:$0x10B50] =	vst v5  }
0x1da: {  	v6 =	vor.u32 v1, v6;
	v5 =	vld.idx.msk [tilespmem:v7+s14+$0x0], $0xffff  }
0x1db: {  	v6 =	vor.u32 s9, v6;
	_ =	sdelay $0x3  }
0x1dc: {  	[tilespmem:$0x10B60] =	vst v5;
	v5 =	vmov s23  }
0x1dd: {  	v6 =	vld.idx.msk [tilespmem:v6+s14+$0x0], $0xffff;
	v5 =	vshll.u32 v5, $0x7  }
0x1de: {  	s21 =	sand.u32 $0x7F, s13;
	v47 =	vor.u32 v0, v5  }
0x1df: {  	v7 =	vor.u32 s21, v47  }
0x1e0: {  	s22 =	spop (v2sf)  }
0x1e1: {  	s6 =	sand.u32 $0x1FFFFFF8, s22  }
0x1e2: {  	s6 =	sadd.s32 s2, s6;
	s23 =	rddreg [dreg:$0x11];
	[tilespmem:$0x10B70] =	vst v6  }
0x1e3: {  	[hbm4b:s6+s3] =	stream.linear.scatter [tilespmem:s23], [sflag:$0x3], $0x40, $0x38;
	[tilespmem:$0x11000] =	vst v63  }
0x1e4: {  	v48 =	vor.u32 v3, v5;
	v6 =	vld.idx.msk [tilespmem:v7+s14+$0x0], $0xffff  }
0x1e5: {  	v7 =	vor.u32 s21, v48;
	_ =	sdelay $0x3  }
0x1e6: {  	[tilespmem:$0x10B80] =	vst v6  }
0x1e7: {  	(v2sf) =	vpush v4, $0xE;
	v49 =	vor.u32 v2, v5;
	v6 =	vld.idx.msk [tilespmem:v7+s14+$0x0], $0xffff  }
0x1e8: {  	v7 =	vor.u32 s21, v49;
	_ =	sdelay $0x3  }
0x1e9: {  	[tilespmem:$0x10B90] =	vst v6  }
0x1ea: {  	v5 =	vor.u32 v1, v5;
	v6 =	vld.idx.msk [tilespmem:v7+s14+$0x0], $0xffff  }
0x1eb: {  	v5 =	vor.u32 s21, v5;
	_ =	sdelay $0x3  }
0x1ec: {  	v50 =	vmov s4;
	[tilespmem:$0x10BA0] =	vst v6  }
0x1ed: {  	v6 =	vshll.u32 v50, $0x7;
	v5 =	vld.idx.msk [tilespmem:v5+s14+$0x0], $0xffff  }
0x1ee: {  	s0 =	sand.u32 $0x7F, s0;
	v51 =	vor.u32 v0, v6  }
0x1ef: {  	v7 =	vor.u32 s0, v51  }
0x1f0: {  	s24 =	spop (v2sf)  }
0x1f1: {  	s4 =	sand.u32 $0x1FFFFFF8, s24  }
0x1f2: {  	s25 =	rddreg [dreg:$0x12];
	s4 =	sadd.s32 s2, s4;
	[tilespmem:$0x10BB0] =	vst v5  }
0x1f3: {  	[hbm4b:s4+s3] =	stream.linear.scatter [tilespmem:s25], [sflag:$0x3], $0x40, $0x38;
	[tilespmem:$0x11000] =	vst v63  }
0x1f4: {  	v52 =	vor.u32 v3, v6;
	v5 =	vld.idx.msk [tilespmem:v7+s14+$0x0], $0xffff  }
0x1f5: {  	v7 =	vor.u32 s0, v52;
	_ =	sdelay $0x3  }
0x1f6: {  	[tilespmem:$0x10BC0] =	vst v5  }
0x1f7: {  	(v2sf) =	vpush v4, $0xF;
	v53 =	vor.u32 v2, v6;
	v5 =	vld.idx.msk [tilespmem:v7+s14+$0x0], $0xffff  }
0x1f8: {  	v4 =	vor.u32 s0, v53;
	_ =	sdelay $0x3  }
0x1f9: {  	[tilespmem:$0x10BD0] =	vst v5  }
0x1fa: {  	v5 =	vor.u32 v1, v6;
	v4 =	vld.idx.msk [tilespmem:v4+s14+$0x0], $0xffff  }
0x1fb: {  	v5 =	vor.u32 s0, v5;
	_ =	sdelay $0x3  }
0x1fc: {  	[tilespmem:$0x10BE0] =	vst v4  }
0x1fd: {  	v4 =	vld.idx.msk [tilespmem:v5+s14+$0x0], $0xffff;
	_ =	sdelay $0x1  }
0x1fe: {  	s29 =	sld [smem:$0x7F1]  }
0x1ff: {  	s26 =	spop (v2sf)  }
0x200: {  	s0 =	sand.u32 $0x1FFFFFF8, s26  }
0x201: {  	s28 =	rddreg [dreg:$0x13];
	p0 =	seq.s32 s29, $0x1;
	s0 =	sadd.s32 s2, s0;
	[tilespmem:$0x10BF0] =	vst v4  }
0x202: {  	[hbm4b:s0+s3] =	stream.linear.scatter [tilespmem:s28], [sflag:$0x3], $0x40, $0x38;
	[tilespmem:$0x11000] =	vst v63  }
0x203: {  	s0 =	simm.s32 @!p0 $0x4  }
0x204: {  	_ =	swait.ge @!p0 [sflag:s0], $0x400  }
0x205: {  	[sflag:s0] =	ssyncset.done @!p0 $0x0  }
0x206: {  	[sflag:s0] =	ssyncadd.s32 @!p0 $0xFFFFFC00  }
0x207: {  	v54 =	vld [tilespmem:s20+$0x10]  }
0x208: {  	v55 =	vld [tilespmem:s20+$0x610];
	_ =	sdelay $0x1  }
0x209: {  	v5 =	vld [tilespmem:s20+$0x410];
	_ =	sdelay $0x1  }
0x20a: {  	(v2sf) =	vpush v54, $0x0  }
0x20b: {  	(v2sf) =	vpush v55, $0x0;
	_ =	sdelay $0x1  }
0x20c: {  	(v2sf) =	vpush v5, $0x0  }
0x20d: {  	(v2sf) =	vpush v54, $0x1;
	_ =	sdelay $0x3  }
0x20e: {  	(v2sf) =	vpush v55, $0x1;
	_ =	sdelay $0x1  }
0x20f: {  	(v2sf) =	vpush v5, $0x1  }
0x210: {  	(v2sf) =	vpush v54, $0x2;
	_ =	sdelay $0x3  }
0x211: {  	s25 =	spop (v2sf);
	(v2sf) =	vpush v55, $0x2  }
0x212: {  	s30 =	spop (v2sf)  }
0x213: {  	(v2sf) =	vpush v5, $0x2;
	s0 =	ssub.s32 s30, s18  }
0x214: {  	s31 =	spop (v2sf);
	s0 =	sshll.u32 s0, $0x6  }
0x215: {  	p0 =	seq.s32 s31, $0x0;
	s21 =	spop (v2sf);
	s30 =	sand.u32 $0x1C0, s0  }
0x216: {  	s4 =	sand.u32 @!p0 $0xFFFFF80, s25;
	s5 =	simm.s32 @!p0 $0x400;
	s0 =	sshll.u32 @!p0 s30, $0x7  }
0x217: {  	s6 =	simm.s32 @!p0 $0x7A1400;
	s4 =	sadd.s32 @!p0 s1, s4;
	s0 =	sadd.s32 @!p0 $0x800, s0  }
0x218: {  	v4 =	vld [tilespmem:s20+$0x210];
	(v2sf) =	vpush v54, $0x3;
	[tilespmem:s0], [sflag:$0x1] =	stream.strided.gather @!p0 [hbm4b:s4+s5], $0x2000, s6, s5, $0x38  }
0x219: {  	s4 =	spop (v2sf);
	(v2sf) =	vpush v55, $0x3  }
0x21a: {  	s0 =	ssub.s32 s4, s18  }
0x21b: {  	s5 =	spop (v2sf);
	(v2sf) =	vpush v5, $0x3;
	s0 =	sshll.u32 s0, $0x6  }
0x21c: {  	p1 =	seq.s32 s5, $0x0;
	s11 =	spop (v2sf);
	s29 =	sand.u32 $0x1C0, s0  }
0x21d: {  	s4 =	sand.u32 @!p1 $0xFFFFF80, s21;
	s5 =	simm.s32 @!p1 $0x400;
	s0 =	sshll.u32 @!p1 s29, $0x7  }
0x21e: {  	s6 =	simm.s32 @!p1 $0x7A1400;
	s4 =	sadd.s32 @!p1 s1, s4;
	s0 =	sadd.s32 @!p1 $0x800, s0  }
0x21f: {  	[tilespmem:s0], [sflag:$0x1] =	stream.strided.gather @!p1 [hbm4b:s4+s5], $0x2000, s6, s5, $0x38;
	[tilespmem:$0x11000] =	vst v63  }
0x220: {  	(v2sf) =	vpush v54, $0x4;
	s6 =	spop (v2sf)  }
0x221: {  	(v2sf) =	vpush v55, $0x4;
	s0 =	ssub.s32 s6, s18  }
0x222: {  	s7 =	spop (v2sf);
	(v2sf) =	vpush v5, $0x4;
	s0 =	sshll.u32 s0, $0x6  }
0x223: {  	p3 =	seq.s32 s7, $0x0;
	s23 =	sand.u32 $0x1C0, s0  }
0x224: {  	s4 =	sand.u32 @!p3 $0xFFFFF80, s11;
	s5 =	simm.s32 @!p3 $0x400;
	s0 =	sshll.u32 @!p3 s23, $0x7  }
0x225: {  	s6 =	simm.s32 @!p3 $0x7A1400;
	s4 =	sadd.s32 @!p3 s1, s4;
	s0 =	sadd.s32 @!p3 $0x800, s0  }
0x226: {  	[tilespmem:s0], [sflag:$0x1] =	stream.strided.gather @!p3 [hbm4b:s4+s5], $0x2000, s6, s5, $0x38;
	[tilespmem:$0x11000] =	vst v63  }
0x227: {  	s6 =	spop (v2sf);
	(v2sf) =	vpush v54, $0x5  }
0x228: {  	s8 =	spop (v2sf)  }
0x229: {  	(v2sf) =	vpush v55, $0x5;
	s0 =	ssub.s32 s8, s18  }
0x22a: {  	s9 =	spop (v2sf);
	s0 =	sshll.u32 s0, $0x6  }
0x22b: {  	(v2sf) =	vpush v5, $0x5;
	p5 =	seq.s32 s9, $0x0;
	s12 =	sand.u32 $0x1C0, s0  }
0x22c: {  	s4 =	sand.u32 @!p5 $0xFFFFF80, s6;
	s5 =	simm.s32 @!p5 $0x400;
	s0 =	sshll.u32 @!p5 s12, $0x7  }
0x22d: {  	s7 =	simm.s32 @!p5 $0x7A1400;
	s4 =	sadd.s32 @!p5 s1, s4;
	s0 =	sadd.s32 @!p5 $0x800, s0  }
0x22e: {  	[tilespmem:s0], [sflag:$0x1] =	stream.strided.gather @!p5 [hbm4b:s4+s5], $0x2000, s7, s5, $0x38;
	[tilespmem:$0x11000] =	vst v63  }
0x22f: {  	s0 =	spop (v2sf)  }
0x230: {  	(v2sf) =	vpush v54, $0x6;
	s13 =	spop (v2sf)  }
0x231: {  	(v2sf) =	vpush v55, $0x6;
	s4 =	ssub.s32 s13, s18;
	s20 =	spop (v2sf)  }
0x232: {  	s4 =	sshll.u32 s4, $0x6;
	p2 =	seq.s32 s20, $0x0  }
0x233: {  	(v2sf) =	vpush v5, $0x6;
	s13 =	sand.u32 $0x1C0, s4;
	s4 =	simm.s32 @!p2 $0x0  }
0x234: {  	s5 =	sand.u32 @!p2 $0xFFFFF80, s0;
	s7 =	simm.s32 @!p2 $0x400;
	s4 =	simm.s32 @p2 $0x1  }
0x235: {  	s8 =	simm.s32 @!p2 $0x7A1400;
	[smem:$0x7F2] =	sst s4;
	s4 =	sshll.u32 @!p2 s13, $0x7  }
0x236: {  	s5 =	sadd.s32 @!p2 s1, s5;
	s4 =	sadd.s32 @!p2 $0x800, s4;
	s26 =	spop (v2sf)  }
0x237: {  	[tilespmem:s4], [sflag:$0x2] =	stream.strided.gather @!p2 [hbm4b:s5+s7], $0x2000, s8, s7, $0x38;
	[tilespmem:$0x11000] =	vst v63  }
0x238: {  	(v2sf) =	vpush v54, $0x7;
	s22 =	spop (v2sf)  }
0x239: {  	(v2sf) =	vpush v55, $0x7;
	s4 =	ssub.s32 s22, s18  }
0x23a: {  	s24 =	spop (v2sf);
	s4 =	sshll.u32 s4, $0x6  }
0x23b: {  	(v2sf) =	vpush v5, $0x7;
	p2 =	seq.s32 s24, $0x0;
	s4 =	sand.u32 $0x1C0, s4  }
0x23c: {  	s7 =	sand.u32 @!p2 $0xFFFFF80, s26;
	s8 =	simm.s32 @!p2 $0x400;
	s5 =	sshll.u32 @!p2 s4, $0x7  }
0x23d: {  	s9 =	simm.s32 @!p2 $0x7A1400;
	s7 =	sadd.s32 @!p2 s1, s7;
	s5 =	sadd.s32 @!p2 $0x800, s5  }
0x23e: {  	[tilespmem:s5], [sflag:$0x2] =	stream.strided.gather @!p2 [hbm4b:s7+s8], $0x2000, s9, s8, $0x38;
	[tilespmem:$0x11000] =	vst v63  }
0x23f: {  	s24 =	spop (v2sf)  }
0x240: {  	s28 =	spop (v2sf)  }
0x241: {  	s5 =	ssub.s32 s28, s18  }
0x242: {  	s31 =	spop (v2sf);
	s5 =	sshll.u32 s5, $0x6  }
0x243: {  	p4 =	seq.s32 s31, $0x0;
	s28 =	sand.u32 $0x1C0, s5  }
0x244: {  	s7 =	sand.u32 @!p4 $0xFFFFF80, s24;
	s8 =	simm.s32 @!p4 $0x400;
	s5 =	sshll.u32 @!p4 s28, $0x7  }
0x245: {  	s9 =	simm.s32 @!p4 $0x7A1400;
	s7 =	sadd.s32 @!p4 s1, s7;
	s5 =	sadd.s32 @!p4 $0x800, s5  }
0x246: {  	[tilespmem:s5], [sflag:$0x2] =	stream.strided.gather @!p4 [hbm4b:s7+s8], $0x2000, s9, s8, $0x38;
	[tilespmem:$0x11000] =	vst v63  }
0x247: {  	s20 =	spop (v2sf)  }
0x248: {  	s8 =	spop (v2sf)  }
0x249: {  	s5 =	ssub.s32 s8, s18  }
0x24a: {  	s9 =	spop (v2sf);
	s5 =	sshll.u32 s5, $0x6  }
0x24b: {  	p6 =	seq.s32 s9, $0x0;
	s22 =	sand.u32 $0x1C0, s5  }
0x24c: {  	s7 =	sand.u32 @!p6 $0xFFFFF80, s20;
	s8 =	simm.s32 @!p6 $0x400;
	s5 =	sshll.u32 @!p6 s22, $0x7  }
0x24d: {  	s9 =	simm.s32 @!p6 $0x7A1400;
	s7 =	sadd.s32 @!p6 s1, s7;
	s5 =	sadd.s32 @!p6 $0x800, s5  }
0x24e: {  	[tilespmem:s5], [sflag:$0x2] =	stream.strided.gather @!p6 [hbm4b:s7+s8], $0x2000, s9, s8, $0x38;
	[tilespmem:$0x11000] =	vst v63  }
0x24f: {  	s5 =	simm.s32 @!p0 $0x1  }
0x250: {  	_ =	swait.ge @!p0 [sflag:s5], $0x2000  }
0x251: {  	[sflag:s5] =	ssyncset.done @!p0 $0x0  }
0x252: {  	[sflag:s5] =	ssyncadd.s32 @!p0 $0xFFFFE000;
	s5 =	simm.s32 @!p1 $0x1  }
0x253: {  	_ =	swait.ge @!p1 [sflag:s5], $0x2000  }
0x254: {  	v56 =	vmov s30;
	[sflag:s5] =	ssyncset.done @!p1 $0x0  }
0x255: {  	v8 =	vshll.u32 v56, $0x7;
	[sflag:s5] =	ssyncadd.s32 @!p1 $0xFFFFE000;
	s5 =	simm.s32 @!p3 $0x1  }
0x256: {  	s30 =	sand.u32 $0x7F, s25;
	v57 =	vor.u32 v0, v8;
	_ =	swait.ge @!p3 [sflag:s5], $0x2000  }
0x257: {  	v9 =	vor.u32 s30, v57;
	[sflag:s5] =	ssyncset.done @!p3 $0x0  }
0x258: {  	[sflag:s5] =	ssyncadd.s32 @!p3 $0xFFFFE000;
	s5 =	simm.s32 @!p5 $0x1  }
0x259: {  	_ =	swait.ge @!p5 [sflag:s5], $0x2000  }
0x25a: {  	[sflag:s5] =	ssyncset.done @!p5 $0x0  }
0x25b: {  	[sflag:s5] =	ssyncadd.s32 @!p5 $0xFFFFE000  }
0x25c: {  	v58 =	vor.u32 v3, v8;
	v9 =	vld.idx.msk [tilespmem:v9+s14+$0x0], $0xffff  }
0x25d: {  	v10 =	vor.u32 s30, v58;
	_ =	sdelay $0x3  }
0x25e: {  	v4 =	vshll.u32 v4, $0x3;
	[tilespmem:$0x10C00] =	vst v9  }
0x25f: {  	v59 =	vor.u32 v2, v8;
	(v2sf) =	vpush v4, $0x0;
	v9 =	vld.idx.msk [tilespmem:v10+s14+$0x0], $0xffff  }
0x260: {  	v10 =	vor.u32 s30, v59;
	_ =	sdelay $0x3  }
0x261: {  	[tilespmem:$0x10C10] =	vst v9  }
0x262: {  	v8 =	vor.u32 v1, v8;
	v9 =	vld.idx.msk [tilespmem:v10+s14+$0x0], $0xffff  }
0x263: {  	v8 =	vor.u32 s30, v8;
	_ =	sdelay $0x3  }
0x264: {  	v60 =	vmov s29;
	[tilespmem:$0x10C20] =	vst v9  }
0x265: {  	v9 =	vshll.u32 v60, $0x7;
	v8 =	vld.idx.msk [tilespmem:v8+s14+$0x0], $0xffff  }
0x266: {  	s31 =	sand.u32 $0x7F, s21;
	v61 =	vor.u32 v0, v9  }
0x267: {  	v10 =	vor.u32 s31, v61  }
0x268: {  	s9 =	spop (v2sf)  }
0x269: {  	s7 =	sand.u32 $0x1FFFFFF8, s9  }
0x26a: {  	s21 =	rddreg [dreg:$0x14];
	s7 =	sadd.s32 s2, s7;
	[tilespmem:$0x10C30] =	vst v8  }
0x26b: {  	[hbm4b:s7+s3] =	stream.linear.scatter [tilespmem:s21], [sflag:$0x4], $0x40, $0x38;
	[tilespmem:$0x11000] =	vst v63  }
0x26c: {  	v62 =	vor.u32 v3, v9;
	v8 =	vld.idx.msk [tilespmem:v10+s14+$0x0], $0xffff  }
0x26d: {  	v10 =	vor.u32 s31, v62;
	_ =	sdelay $0x3  }
0x26e: {  	[tilespmem:$0x10C40] =	vst v8  }
0x26f: {  	(v2sf) =	vpush v4, $0x1;
	v63 =	vor.u32 v2, v9;
	v8 =	vld.idx.msk [tilespmem:v10+s14+$0x0], $0xffff  }
0x270: {  	v10 =	vor.u32 s31, v63;
	_ =	sdelay $0x3  }
0x271: {  	[tilespmem:$0x10C50] =	vst v8  }
0x272: {  	v9 =	vor.u32 v1, v9;
	v8 =	vld.idx.msk [tilespmem:v10+s14+$0x0], $0xffff  }
0x273: {  	v9 =	vor.u32 s31, v9;
	_ =	sdelay $0x3  }
0x274: {  	v12 =	vmov s23;
	[tilespmem:$0x10C60] =	vst v8  }
0x275: {  	v8 =	vshll.u32 v12, $0x7;
	v9 =	vld.idx.msk [tilespmem:v9+s14+$0x0], $0xffff  }
0x276: {  	s25 =	sand.u32 $0x7F, s11;
	v13 =	vor.u32 v0, v8  }
0x277: {  	v10 =	vor.u32 s25, v13  }
0x278: {  	s29 =	spop (v2sf)  }
0x279: {  	s7 =	sand.u32 $0x1FFFFFF8, s29  }
0x27a: {  	s30 =	rddreg [dreg:$0x15];
	s7 =	sadd.s32 s2, s7;
	[tilespmem:$0x10C70] =	vst v9  }
0x27b: {  	[hbm4b:s7+s3] =	stream.linear.scatter [tilespmem:s30], [sflag:$0x4], $0x40, $0x38;
	[tilespmem:$0x11000] =	vst v63  }
0x27c: {  	v14 =	vor.u32 v3, v8;
	v9 =	vld.idx.msk [tilespmem:v10+s14+$0x0], $0xffff  }
0x27d: {  	v10 =	vor.u32 s25, v14;
	_ =	sdelay $0x3  }
0x27e: {  	[tilespmem:$0x10C80] =	vst v9  }
0x27f: {  	(v2sf) =	vpush v4, $0x2;
	v15 =	vor.u32 v2, v8;
	v9 =	vld.idx.msk [tilespmem:v10+s14+$0x0], $0xffff  }
0x280: {  	v10 =	vor.u32 s25, v15;
	_ =	sdelay $0x3  }
0x281: {  	[tilespmem:$0x10C90] =	vst v9  }
0x282: {  	v8 =	vor.u32 v1, v8;
	v9 =	vld.idx.msk [tilespmem:v10+s14+$0x0], $0xffff  }
0x283: {  	v8 =	vor.u32 s25, v8;
	_ =	sdelay $0x3  }
0x284: {  	v16 =	vmov s12;
	[tilespmem:$0x10CA0] =	vst v9  }
0x285: {  	v9 =	vshll.u32 v16, $0x7;
	v8 =	vld.idx.msk [tilespmem:v8+s14+$0x0], $0xffff  }
0x286: {  	s31 =	sand.u32 $0x7F, s6;
	v17 =	vor.u32 v0, v9  }
0x287: {  	v10 =	vor.u32 s31, v17  }
0x288: {  	s7 =	spop (v2sf)  }
0x289: {  	s6 =	sand.u32 $0x1FFFFFF8, s7  }
0x28a: {  	s8 =	rddreg [dreg:$0x16];
	s6 =	sadd.s32 s2, s6;
	[tilespmem:$0x10CB0] =	vst v8  }
0x28b: {  	[hbm4b:s6+s3] =	stream.linear.scatter [tilespmem:s8], [sflag:$0x4], $0x40, $0x38;
	[tilespmem:$0x11000] =	vst v63  }
0x28c: {  	v18 =	vor.u32 v3, v9;
	v8 =	vld.idx.msk [tilespmem:v10+s14+$0x0], $0xffff  }
0x28d: {  	v10 =	vor.u32 s31, v18;
	_ =	sdelay $0x2  }
0x28e: {  	(v2sf) =	vpush v4, $0x3  }
0x28f: {  	[tilespmem:$0x10CC0] =	vst v8  }
0x290: {  	v19 =	vor.u32 v2, v9;
	v8 =	vld.idx.msk [tilespmem:v10+s14+$0x0], $0xffff  }
0x291: {  	v10 =	vor.u32 s31, v19;
	_ =	sdelay $0x2  }
0x292: {  	(v2sf) =	vpush v54, $0x8  }
0x293: {  	(v2sf) =	vpush v55, $0x8;
	[tilespmem:$0x10CD0] =	vst v8  }
0x294: {  	(v2sf) =	vpush v5, $0x8;
	v9 =	vor.u32 v1, v9;
	v8 =	vld.idx.msk [tilespmem:v10+s14+$0x0], $0xffff  }
0x295: {  	v9 =	vor.u32 s31, v9  }
0x296: {  	(v2sf) =	vpush v54, $0x9;
	_ =	sdelay $0x2  }
0x297: {  	(v2sf) =	vpush v55, $0x9;
	[tilespmem:$0x10CE0] =	vst v8  }
0x298: {  	v8 =	vld.idx.msk [tilespmem:v9+s14+$0x0], $0xffff  }
0x299: {  	s9 =	spop (v2sf);
	(v2sf) =	vpush v5, $0x9;
	_ =	sdelay $0x2  }
0x29a: {  	s5 =	sand.u32 $0x1FFFFFF8, s9  }
0x29b: {  	s11 =	rddreg [dreg:$0x17];
	s5 =	sadd.s32 s2, s5;
	[tilespmem:$0x10CF0] =	vst v8  }
0x29c: {  	[hbm4b:s5+s3] =	stream.linear.scatter [tilespmem:s11], [sflag:$0x4], $0x40, $0x38;
	[tilespmem:$0x11000] =	vst v63  }
0x29d: {  	s11 =	spop (v2sf)  }
0x29e: {  	(v2sf) =	vpush v54, $0xA;
	s12 =	spop (v2sf)  }
0x29f: {  	(v2sf) =	vpush v55, $0xA;
	s5 =	ssub.s32 s12, s18;
	s21 =	spop (v2sf)  }
0x2a0: {  	s5 =	sshll.u32 s5, $0x6;
	p0 =	seq.s32 s21, $0x0  }
0x2a1: {  	(v2sf) =	vpush v5, $0xA;
	s29 =	spop (v2sf);
	s6 =	sand.u32 $0x1C0, s5;
	s5 =	simm.s32 @!p0 $0x0  }
0x2a2: {  	(v2sf) =	vpush v54, $0xB;
	s7 =	sand.u32 @!p0 $0xFFFFF80, s11;
	s8 =	simm.s32 @!p0 $0x400;
	s5 =	simm.s32 @p0 $0x1  }
0x2a3: {  	s9 =	simm.s32 @!p0 $0x7A1400;
	[smem:$0x7F3] =	sst s5;
	s5 =	sshll.u32 @!p0 s6, $0x7  }
0x2a4: {  	s23 =	spop (v2sf);
	s7 =	sadd.s32 @!p0 s1, s7;
	s5 =	sadd.s32 @!p0 $0x800, s5  }
0x2a5: {  	[tilespmem:s5], [sflag:$0x1] =	stream.strided.gather @!p0 [hbm4b:s7+s8], $0x2000, s9, s8, $0x38;
	[tilespmem:$0x11000] =	vst v63  }
0x2a6: {  	(v2sf) =	vpush v55, $0xB;
	s25 =	spop (v2sf);
	s5 =	ssub.s32 s23, s18  }
0x2a7: {  	p0 =	seq.s32 s25, $0x0;
	s5 =	sshll.u32 s5, $0x6  }
0x2a8: {  	(v2sf) =	vpush v5, $0xB;
	s12 =	sand.u32 $0x1C0, s5;
	s5 =	simm.s32 @!p0 $0x0  }
0x2a9: {  	s7 =	sand.u32 @!p0 $0xFFFFF80, s29;
	s5 =	simm.s32 @p0 $0x1  }
0x2aa: {  	s8 =	simm.s32 @!p0 $0x400;
	[smem:$0x7F4] =	sst s5;
	s5 =	sshll.u32 @!p0 s12, $0x7  }
0x2ab: {  	s9 =	simm.s32 @!p0 $0x7A1400;
	s7 =	sadd.s32 @!p0 s1, s7;
	s5 =	sadd.s32 @!p0 $0x800, s5  }
0x2ac: {  	[tilespmem:s5], [sflag:$0x1] =	stream.strided.gather @!p0 [hbm4b:s7+s8], $0x2000, s9, s8, $0x38;
	[tilespmem:$0x11000] =	vst v63  }
0x2ad: {  	s25 =	spop (v2sf)  }
0x2ae: {  	s30 =	spop (v2sf)  }
0x2af: {  	s5 =	ssub.s32 s30, s18  }
0x2b0: {  	s31 =	spop (v2sf);
	s5 =	sshll.u32 s5, $0x6  }
0x2b1: {  	p5 =	seq.s32 s31, $0x0;
	s21 =	spop (v2sf);
	s30 =	sand.u32 $0x1C0, s5  }
0x2b2: {  	s7 =	sand.u32 @!p5 $0xFFFFF80, s25;
	s8 =	simm.s32 @!p5 $0x400;
	s5 =	sshll.u32 @!p5 s30, $0x7  }
0x2b3: {  	s9 =	simm.s32 @!p5 $0x7A1400;
	s7 =	sadd.s32 @!p5 s1, s7;
	s5 =	sadd.s32 @!p5 $0x800, s5  }
0x2b4: {  	[tilespmem:s5], [sflag:$0x1] =	stream.strided.gather @!p5 [hbm4b:s7+s8], $0x2000, s9, s8, $0x38;
	[tilespmem:$0x11000] =	vst v63  }
0x2b5: {  	s7 =	spop (v2sf)  }
0x2b6: {  	s5 =	ssub.s32 s7, s18  }
0x2b7: {  	s8 =	spop (v2sf);
	s5 =	sshll.u32 s5, $0x6  }
0x2b8: {  	p3 =	seq.s32 s8, $0x0;
	s23 =	sand.u32 $0x1C0, s5  }
0x2b9: {  	s7 =	sand.u32 @!p3 $0xFFFFF80, s21;
	s8 =	simm.s32 @!p3 $0x400;
	s5 =	sshll.u32 @!p3 s23, $0x7  }
0x2ba: {  	s9 =	simm.s32 @!p3 $0x7A1400;
	s7 =	sadd.s32 @!p3 s1, s7;
	s5 =	sadd.s32 @!p3 $0x800, s5  }
0x2bb: {  	[tilespmem:s5], [sflag:$0x1] =	stream.strided.gather @!p3 [hbm4b:s7+s8], $0x2000, s9, s8, $0x38;
	[tilespmem:$0x11000] =	vst v63  }
0x2bc: {  	s9 =	sld [smem:$0x7F2];
	_ =	sdelay $0x2  }
0x2bd: {  	p0 =	seq.s32 s9, $0x1  }
0x2be: {  	s5 =	simm.s32 @!p0 $0x2  }
0x2bf: {  	_ =	swait.ge @!p0 [sflag:s5], $0x2000  }
0x2c0: {  	[sflag:s5] =	ssyncset.done @!p0 $0x0  }
0x2c1: {  	[sflag:s5] =	ssyncadd.s32 @!p0 $0xFFFFE000;
	s5 =	simm.s32 @!p2 $0x2  }
0x2c2: {  	_ =	swait.ge @!p2 [sflag:s5], $0x2000  }
0x2c3: {  	v20 =	vmov s13;
	[sflag:s5] =	ssyncset.done @!p2 $0x0  }
0x2c4: {  	v8 =	vshll.u32 v20, $0x7;
	[sflag:s5] =	ssyncadd.s32 @!p2 $0xFFFFE000;
	s5 =	simm.s32 @!p4 $0x2  }
0x2c5: {  	s0 =	sand.u32 $0x7F, s0;
	v21 =	vor.u32 v0, v8;
	_ =	swait.ge @!p4 [sflag:s5], $0x2000  }
0x2c6: {  	v9 =	vor.u32 s0, v21;
	[sflag:s5] =	ssyncset.done @!p4 $0x0  }
0x2c7: {  	[sflag:s5] =	ssyncadd.s32 @!p4 $0xFFFFE000;
	s5 =	simm.s32 @!p6 $0x2  }
0x2c8: {  	_ =	swait.ge @!p6 [sflag:s5], $0x2000  }
0x2c9: {  	[sflag:s5] =	ssyncset.done @!p6 $0x0  }
0x2ca: {  	[sflag:s5] =	ssyncadd.s32 @!p6 $0xFFFFE000  }
0x2cb: {  	v22 =	vor.u32 v3, v8;
	v9 =	vld.idx.msk [tilespmem:v9+s14+$0x0], $0xffff  }
0x2cc: {  	v10 =	vor.u32 s0, v22;
	_ =	sdelay $0x3  }
0x2cd: {  	[tilespmem:$0x10D00] =	vst v9  }
0x2ce: {  	v23 =	vor.u32 v2, v8;
	(v2sf) =	vpush v4, $0x4;
	v9 =	vld.idx.msk [tilespmem:v10+s14+$0x0], $0xffff  }
0x2cf: {  	v10 =	vor.u32 s0, v23;
	_ =	sdelay $0x3  }
0x2d0: {  	[tilespmem:$0x10D10] =	vst v9  }
0x2d1: {  	v8 =	vor.u32 v1, v8;
	v9 =	vld.idx.msk [tilespmem:v10+s14+$0x0], $0xffff  }
0x2d2: {  	v8 =	vor.u32 s0, v8;
	_ =	sdelay $0x3  }
0x2d3: {  	v24 =	vmov s4;
	[tilespmem:$0x10D20] =	vst v9  }
0x2d4: {  	v9 =	vshll.u32 v24, $0x7;
	v8 =	vld.idx.msk [tilespmem:v8+s14+$0x0], $0xffff  }
0x2d5: {  	s31 =	sand.u32 $0x7F, s26;
	v25 =	vor.u32 v0, v9  }
0x2d6: {  	v10 =	vor.u32 s31, v25  }
0x2d7: {  	s7 =	spop (v2sf)  }
0x2d8: {  	s4 =	sand.u32 $0x1FFFFFF8, s7  }
0x2d9: {  	s8 =	rddreg [dreg:$0x18];
	s4 =	sadd.s32 s2, s4;
	[tilespmem:$0x10D30] =	vst v8  }
0x2da: {  	[hbm4b:s4+s3] =	stream.linear.scatter [tilespmem:s8], [sflag:$0x4], $0x40, $0x38;
	[tilespmem:$0x11000] =	vst v63  }
0x2db: {  	v26 =	vor.u32 v3, v9;
	v8 =	vld.idx.msk [tilespmem:v10+s14+$0x0], $0xffff  }
0x2dc: {  	v10 =	vor.u32 s31, v26;
	_ =	sdelay $0x3  }
0x2dd: {  	[tilespmem:$0x10D40] =	vst v8  }
0x2de: {  	(v2sf) =	vpush v4, $0x5;
	v27 =	vor.u32 v2, v9;
	v8 =	vld.idx.msk [tilespmem:v10+s14+$0x0], $0xffff  }
0x2df: {  	v10 =	vor.u32 s31, v27;
	_ =	sdelay $0x3  }
0x2e0: {  	[tilespmem:$0x10D50] =	vst v8  }
0x2e1: {  	v9 =	vor.u32 v1, v9;
	v8 =	vld.idx.msk [tilespmem:v10+s14+$0x0], $0xffff  }
0x2e2: {  	v9 =	vor.u32 s31, v9;
	_ =	sdelay $0x3  }
0x2e3: {  	v28 =	vmov s28;
	[tilespmem:$0x10D60] =	vst v8  }
0x2e4: {  	v8 =	vshll.u32 v28, $0x7;
	v9 =	vld.idx.msk [tilespmem:v9+s14+$0x0], $0xffff  }
0x2e5: {  	s9 =	sand.u32 $0x7F, s24;
	v29 =	vor.u32 v0, v8  }
0x2e6: {  	v10 =	vor.u32 s9, v29  }
0x2e7: {  	s13 =	spop (v2sf)  }
0x2e8: {  	s4 =	sand.u32 $0x1FFFFFF8, s13  }
0x2e9: {  	s24 =	rddreg [dreg:$0x19];
	s4 =	sadd.s32 s2, s4;
	[tilespmem:$0x10D70] =	vst v9  }
0x2ea: {  	[hbm4b:s4+s3] =	stream.linear.scatter [tilespmem:s24], [sflag:$0x4], $0x40, $0x38;
	[tilespmem:$0x11000] =	vst v63  }
0x2eb: {  	v30 =	vor.u32 v3, v8;
	v9 =	vld.idx.msk [tilespmem:v10+s14+$0x0], $0xffff  }
0x2ec: {  	v10 =	vor.u32 s9, v30;
	_ =	sdelay $0x3  }
0x2ed: {  	[tilespmem:$0x10D80] =	vst v9  }
0x2ee: {  	(v2sf) =	vpush v4, $0x6;
	v31 =	vor.u32 v2, v8;
	v9 =	vld.idx.msk [tilespmem:v10+s14+$0x0], $0xffff  }
0x2ef: {  	v10 =	vor.u32 s9, v31;
	_ =	sdelay $0x3  }
0x2f0: {  	[tilespmem:$0x10D90] =	vst v9  }
0x2f1: {  	v8 =	vor.u32 v1, v8;
	v9 =	vld.idx.msk [tilespmem:v10+s14+$0x0], $0xffff  }
0x2f2: {  	v8 =	vor.u32 s9, v8;
	_ =	sdelay $0x3  }
0x2f3: {  	v32 =	vmov s22;
	[tilespmem:$0x10DA0] =	vst v9  }
0x2f4: {  	v9 =	vshll.u32 v32, $0x7;
	v8 =	vld.idx.msk [tilespmem:v8+s14+$0x0], $0xffff  }
0x2f5: {  	s26 =	sand.u32 $0x7F, s20;
	v33 =	vor.u32 v0, v9  }
0x2f6: {  	v10 =	vor.u32 s26, v33  }
0x2f7: {  	s28 =	spop (v2sf)  }
0x2f8: {  	s4 =	sand.u32 $0x1FFFFFF8, s28  }
0x2f9: {  	s31 =	rddreg [dreg:$0x1a];
	s4 =	sadd.s32 s2, s4;
	[tilespmem:$0x10DB0] =	vst v8  }
0x2fa: {  	[hbm4b:s4+s3] =	stream.linear.scatter [tilespmem:s31], [sflag:$0x4], $0x40, $0x38;
	[tilespmem:$0x11000] =	vst v63  }
0x2fb: {  	v34 =	vor.u32 v3, v9;
	v8 =	vld.idx.msk [tilespmem:v10+s14+$0x0], $0xffff  }
0x2fc: {  	v10 =	vor.u32 s26, v34;
	_ =	sdelay $0x1  }
0x2fd: {  	(v2sf) =	vpush v4, $0x7  }
0x2fe: {  	(v2sf) =	vpush v54, $0xC  }
0x2ff: {  	(v2sf) =	vpush v55, $0xC;
	[tilespmem:$0x10DC0] =	vst v8  }
0x300: {  	v35 =	vor.u32 v2, v9;
	v8 =	vld.idx.msk [tilespmem:v10+s14+$0x0], $0xffff  }
0x301: {  	v10 =	vor.u32 s26, v35;
	_ =	sdelay $0x2  }
0x302: {  	(v2sf) =	vpush v5, $0xC  }
0x303: {  	(v2sf) =	vpush v54, $0xD;
	[tilespmem:$0x10DD0] =	vst v8  }
0x304: {  	(v2sf) =	vpush v55, $0xD;
	v9 =	vor.u32 v1, v9;
	v8 =	vld.idx.msk [tilespmem:v10+s14+$0x0], $0xffff  }
0x305: {  	(v2sf) =	vpush v5, $0xD;
	v9 =	vor.u32 s26, v9;
	_ =	sdelay $0x3  }
0x306: {  	[tilespmem:$0x10DE0] =	vst v8  }
0x307: {  	s5 =	spop (v2sf);
	(v2sf) =	vpush v54, $0xE;
	v8 =	vld.idx.msk [tilespmem:v9+s14+$0x0], $0xffff  }
0x308: {  	s24 =	spop (v2sf);
	(v2sf) =	vpush v55, $0xE  }
0x309: {  	s8 =	spop (v2sf);
	(v2sf) =	vpush v5, $0xE;
	_ =	sdelay $0x1  }
0x30a: {  	s0 =	sand.u32 $0x1FFFFFF8, s5  }
0x30b: {  	s7 =	rddreg [dreg:$0x1b];
	s0 =	sadd.s32 s2, s0;
	[tilespmem:$0x10DF0] =	vst v8  }
0x30c: {  	[hbm4b:s0+s3] =	stream.linear.scatter [tilespmem:s7], [sflag:$0x4], $0x40, $0x38;
	[tilespmem:$0x11000] =	vst v63  }
0x30d: {  	s9 =	spop (v2sf);
	(v2sf) =	vpush v54, $0xF;
	s0 =	ssub.s32 s8, s18  }
0x30e: {  	p2 =	seq.s32 s9, $0x0;
	s20 =	spop (v2sf);
	(v2sf) =	vpush v55, $0xF;
	s0 =	sshll.u32 s0, $0x6  }
0x30f: {  	s5 =	simm.s32 @!p2 $0x400;
	s13 =	spop (v2sf);
	s28 =	sand.u32 $0x1C0, s0  }
0x310: {  	(v2sf) =	vpush v5, $0xF;
	s22 =	spop (v2sf);
	s4 =	sand.u32 @!p2 $0xFFFFF80, s24;
	s0 =	sshll.u32 @!p2 s28, $0x7  }
0x311: {  	s4 =	sadd.s32 @!p2 s1, s4;
	s7 =	simm.s32 @!p2 $0x7A1400;
	s0 =	sadd.s32 @!p2 $0x800, s0  }
0x312: {  	[tilespmem:s0], [sflag:$0x2] =	stream.strided.gather @!p2 [hbm4b:s4+s5], $0x2000, s7, s5, $0x38;
	[tilespmem:$0x11000] =	vst v63  }
0x313: {  	p4 =	seq.s32 s22, $0x0;
	s0 =	ssub.s32 s13, s18  }
0x314: {  	s9 =	simm.s32 @!p4 $0x7A1400;
	s0 =	sshll.u32 s0, $0x6  }
0x315: {  	s8 =	simm.s32 @!p4 $0x400;
	s4 =	spop (v2sf);
	s26 =	sand.u32 $0x1C0, s0  }
0x316: {  	s7 =	sand.u32 @!p4 $0xFFFFF80, s20;
	s31 =	spop (v2sf);
	s0 =	sshll.u32 @!p4 s26, $0x7  }
0x317: {  	s7 =	sadd.s32 @!p4 s1, s7;
	s13 =	spop (v2sf);
	s0 =	sadd.s32 @!p4 $0x800, s0  }
0x318: {  	[tilespmem:s0], [sflag:$0x2] =	stream.strided.gather @!p4 [hbm4b:s7+s8], $0x2000, s9, s8, $0x38;
	[tilespmem:$0x11000] =	vst v63  }
0x319: {  	p6 =	seq.s32 s13, $0x0;
	s9 =	ssub.s32 s31, s18  }
0x31a: {  	s13 =	simm.s32 @!p6 $0x7A1400;
	s0 =	sshll.u32 s9, $0x6  }
0x31b: {  	s8 =	sand.u32 @!p6 $0xFFFFF80, s4;
	s22 =	sand.u32 $0x1C0, s0  }
0x31c: {  	s8 =	sadd.s32 @!p6 s1, s8;
	s0 =	spop (v2sf);
	s5 =	sshll.u32 @!p6 s22, $0x7  }
0x31d: {  	s9 =	simm.s32 @!p6 $0x400;
	s31 =	spop (v2sf);
	s5 =	sadd.s32 @!p6 $0x800, s5  }
0x31e: {  	[tilespmem:s5], [sflag:$0x2] =	stream.strided.gather @!p6 [hbm4b:s8+s9], $0x2000, s13, s9, $0x38;
	[tilespmem:$0x11000] =	vst v63  }
0x31f: {  	s8 =	ssub.s32 s31, s18;
	s9 =	spop (v2sf)  }
0x320: {  	s31 =	sld [smem:$0x7F3];
	s5 =	sshll.u32 s8, $0x6;
	p1 =	seq.s32 s9, $0x0  }
0x321: {  	s13 =	sand.u32 $0x1C0, s5;
	s7 =	sand.u32 @!p1 $0xFFFFF80, s0  }
0x322: {  	s8 =	simm.s32 @!p1 $0x400;
	s9 =	simm.s32 @!p1 $0x7A1400;
	s5 =	sshll.u32 @!p1 s13, $0x7  }
0x323: {  	s7 =	sadd.s32 @!p1 s1, s7;
	p0 =	seq.s32 s31, $0x1;
	s5 =	sadd.s32 @!p1 $0x800, s5  }
0x324: {  	[tilespmem:s5], [sflag:$0x2] =	stream.strided.gather @!p1 [hbm4b:s7+s8], $0x2000, s9, s8, $0x38;
	[tilespmem:$0x11000] =	vst v63  }
0x325: {  	s5 =	simm.s32 @!p0 $0x1  }
0x326: {  	_ =	swait.ge @!p0 [sflag:s5], $0x2000  }
0x327: {  	s7 =	sld [smem:$0x7F4];
	_ =	sdelay $0x1  }
0x328: {  	[sflag:s5] =	ssyncset.done @!p0 $0x0  }
0x329: {  	[sflag:s5] =	ssyncadd.s32 @!p0 $0xFFFFE000;
	p0 =	seq.s32 s7, $0x1  }
0x32a: {  	s5 =	simm.s32 @!p0 $0x1  }
0x32b: {  	_ =	swait.ge @!p0 [sflag:s5], $0x2000  }
0x32c: {  	v5 =	vmov s6;
	[sflag:s5] =	ssyncset.done @!p0 $0x0  }
0x32d: {  	v5 =	vshll.u32 v5, $0x7;
	[sflag:s5] =	ssyncadd.s32 @!p0 $0xFFFFE000;
	s5 =	simm.s32 @!p5 $0x1  }
0x32e: {  	v36 =	vor.u32 v0, v5;
	s8 =	sand.u32 $0x7F, s11;
	_ =	swait.ge @!p5 [sflag:s5], $0x2000  }
0x32f: {  	v6 =	vor.u32 s8, v36;
	[sflag:s5] =	ssyncset.done @!p5 $0x0  }
0x330: {  	[sflag:s5] =	ssyncadd.s32 @!p5 $0xFFFFE000;
	s5 =	simm.s32 @!p3 $0x1  }
0x331: {  	_ =	swait.ge @!p3 [sflag:s5], $0x2000  }
0x332: {  	[sflag:s5] =	ssyncset.done @!p3 $0x0  }
0x333: {  	[sflag:s5] =	ssyncadd.s32 @!p3 $0xFFFFE000  }
0x334: {  	v37 =	vor.u32 v3, v5;
	v6 =	vld.idx.msk [tilespmem:v6+s14+$0x0], $0xffff  }
0x335: {  	v7 =	vor.u32 s8, v37;
	_ =	sdelay $0x3  }
0x336: {  	[tilespmem:$0x10E00] =	vst v6  }
0x337: {  	v38 =	vor.u32 v2, v5;
	(v2sf) =	vpush v4, $0x8;
	v6 =	vld.idx.msk [tilespmem:v7+s14+$0x0], $0xffff  }
0x338: {  	v7 =	vor.u32 s8, v38;
	_ =	sdelay $0x3  }
0x339: {  	[tilespmem:$0x10E10] =	vst v6  }
0x33a: {  	v5 =	vor.u32 v1, v5;
	v6 =	vld.idx.msk [tilespmem:v7+s14+$0x0], $0xffff  }
0x33b: {  	v5 =	vor.u32 s8, v5;
	_ =	sdelay $0x3  }
0x33c: {  	v39 =	vmov s12;
	[tilespmem:$0x10E20] =	vst v6  }
0x33d: {  	v6 =	vshll.u32 v39, $0x7;
	v5 =	vld.idx.msk [tilespmem:v5+s14+$0x0], $0xffff  }
0x33e: {  	s9 =	sand.u32 $0x7F, s29;
	v40 =	vor.u32 v0, v6  }
0x33f: {  	v7 =	vor.u32 s9, v40  }
0x340: {  	s11 =	spop (v2sf)  }
0x341: {  	s6 =	sand.u32 $0x1FFFFFF8, s11  }
0x342: {  	s12 =	rddreg [dreg:$0x1c];
	s6 =	sadd.s32 s2, s6;
	[tilespmem:$0x10E30] =	vst v5  }
0x343: {  	[hbm4b:s6+s3] =	stream.linear.scatter [tilespmem:s12], [sflag:$0x4], $0x40, $0x38;
	[tilespmem:$0x11000] =	vst v63  }
0x344: {  	v41 =	vor.u32 v3, v6;
	v5 =	vld.idx.msk [tilespmem:v7+s14+$0x0], $0xffff  }
0x345: {  	v7 =	vor.u32 s9, v41;
	_ =	sdelay $0x3  }
0x346: {  	[tilespmem:$0x10E40] =	vst v5  }
0x347: {  	(v2sf) =	vpush v4, $0x9;
	v42 =	vor.u32 v2, v6;
	v5 =	vld.idx.msk [tilespmem:v7+s14+$0x0], $0xffff  }
0x348: {  	v7 =	vor.u32 s9, v42;
	_ =	sdelay $0x3  }
0x349: {  	[tilespmem:$0x10E50] =	vst v5  }
0x34a: {  	v6 =	vor.u32 v1, v6;
	v5 =	vld.idx.msk [tilespmem:v7+s14+$0x0], $0xffff  }
0x34b: {  	v6 =	vor.u32 s9, v6;
	_ =	sdelay $0x3  }
0x34c: {  	[tilespmem:$0x10E60] =	vst v5;
	v5 =	vmov s30  }
0x34d: {  	v6 =	vld.idx.msk [tilespmem:v6+s14+$0x0], $0xffff;
	v5 =	vshll.u32 v5, $0x7  }
0x34e: {  	s25 =	sand.u32 $0x7F, s25;
	v43 =	vor.u32 v0, v5  }
0x34f: {  	v7 =	vor.u32 s25, v43  }
0x350: {  	s29 =	spop (v2sf)  }
0x351: {  	s6 =	sand.u32 $0x1FFFFFF8, s29  }
0x352: {  	s6 =	sadd.s32 s2, s6;
	s30 =	rddreg [dreg:$0x1d];
	[tilespmem:$0x10E70] =	vst v6  }
0x353: {  	[hbm4b:s6+s3] =	stream.linear.scatter [tilespmem:s30], [sflag:$0x4], $0x40, $0x38;
	[tilespmem:$0x11000] =	vst v63  }
0x354: {  	v44 =	vor.u32 v3, v5;
	v6 =	vld.idx.msk [tilespmem:v7+s14+$0x0], $0xffff  }
0x355: {  	v7 =	vor.u32 s25, v44;
	_ =	sdelay $0x3  }
0x356: {  	[tilespmem:$0x10E80] =	vst v6  }
0x357: {  	(v2sf) =	vpush v4, $0xA;
	v45 =	vor.u32 v2, v5;
	v6 =	vld.idx.msk [tilespmem:v7+s14+$0x0], $0xffff  }
0x358: {  	v7 =	vor.u32 s25, v45;
	_ =	sdelay $0x3  }
0x359: {  	[tilespmem:$0x10E90] =	vst v6  }
0x35a: {  	v5 =	vor.u32 v1, v5;
	v6 =	vld.idx.msk [tilespmem:v7+s14+$0x0], $0xffff  }
0x35b: {  	v5 =	vor.u32 s25, v5;
	_ =	sdelay $0x3  }
0x35c: {  	v46 =	vmov s23;
	[tilespmem:$0x10EA0] =	vst v6  }
0x35d: {  	v6 =	vshll.u32 v46, $0x7;
	v5 =	vld.idx.msk [tilespmem:v5+s14+$0x0], $0xffff  }
0x35e: {  	s31 =	sand.u32 $0x7F, s21;
	v47 =	vor.u32 v0, v6  }
0x35f: {  	v7 =	vor.u32 s31, v47  }
0x360: {  	s7 =	spop (v2sf)  }
0x361: {  	s6 =	sand.u32 $0x1FFFFFF8, s7  }
0x362: {  	s8 =	rddreg [dreg:$0x1e];
	s6 =	sadd.s32 s2, s6;
	[tilespmem:$0x10EB0] =	vst v5  }
0x363: {  	[hbm4b:s6+s3] =	stream.linear.scatter [tilespmem:s8], [sflag:$0x4], $0x40, $0x38;
	[tilespmem:$0x11000] =	vst v63  }
0x364: {  	v48 =	vor.u32 v3, v6;
	v5 =	vld.idx.msk [tilespmem:v7+s14+$0x0], $0xffff  }
0x365: {  	v7 =	vor.u32 s31, v48;
	_ =	sdelay $0x3  }
0x366: {  	[tilespmem:$0x10EC0] =	vst v5  }
0x367: {  	(v2sf) =	vpush v4, $0xB;
	v49 =	vor.u32 v2, v6;
	v5 =	vld.idx.msk [tilespmem:v7+s14+$0x0], $0xffff  }
0x368: {  	v7 =	vor.u32 s31, v49;
	_ =	sdelay $0x3  }
0x369: {  	[tilespmem:$0x10ED0] =	vst v5  }
0x36a: {  	v6 =	vor.u32 v1, v6;
	v5 =	vld.idx.msk [tilespmem:v7+s14+$0x0], $0xffff  }
0x36b: {  	v6 =	vor.u32 s31, v6;
	_ =	sdelay $0x3  }
0x36c: {  	[tilespmem:$0x10EE0] =	vst v5  }
0x36d: {  	v5 =	vld.idx.msk [tilespmem:v6+s14+$0x0], $0xffff;
	_ =	sdelay $0x2  }
0x36e: {  	s9 =	spop (v2sf)  }
0x36f: {  	s5 =	sand.u32 $0x1FFFFFF8, s9  }
0x370: {  	s11 =	rddreg [dreg:$0x1f];
	s5 =	sadd.s32 s2, s5;
	[tilespmem:$0x10EF0] =	vst v5  }
0x371: {  	[hbm4b:s5+s3] =	stream.linear.scatter [tilespmem:s11], [sflag:$0x4], $0x40, $0x38;
	[tilespmem:$0x11000] =	vst v63  }
0x372: {  	s5 =	simm.s32 @!p2 $0x2  }
0x373: {  	_ =	swait.ge @!p2 [sflag:s5], $0x2000  }
0x374: {  	[sflag:s5] =	ssyncset.done @!p2 $0x0  }
0x375: {  	[sflag:s5] =	ssyncadd.s32 @!p2 $0xFFFFE000;
	s5 =	simm.s32 @!p4 $0x2  }
0x376: {  	_ =	swait.ge @!p4 [sflag:s5], $0x2000  }
0x377: {  	v5 =	vmov s28;
	[sflag:s5] =	ssyncset.done @!p4 $0x0  }
0x378: {  	v5 =	vshll.u32 v5, $0x7;
	[sflag:s5] =	ssyncadd.s32 @!p4 $0xFFFFE000;
	s5 =	simm.s32 @!p6 $0x2  }
0x379: {  	s12 =	sand.u32 $0x7F, s24;
	v50 =	vor.u32 v0, v5;
	_ =	swait.ge @!p6 [sflag:s5], $0x2000  }
0x37a: {  	v6 =	vor.u32 s12, v50;
	[sflag:s5] =	ssyncset.done @!p6 $0x0  }
0x37b: {  	[sflag:s5] =	ssyncadd.s32 @!p6 $0xFFFFE000;
	s5 =	simm.s32 @!p1 $0x2  }
0x37c: {  	_ =	swait.ge @!p1 [sflag:s5], $0x2000  }
0x37d: {  	[sflag:s5] =	ssyncset.done @!p1 $0x0  }
0x37e: {  	[sflag:s5] =	ssyncadd.s32 @!p1 $0xFFFFE000  }
0x37f: {  	v51 =	vor.u32 v3, v5;
	v6 =	vld.idx.msk [tilespmem:v6+s14+$0x0], $0xffff  }
0x380: {  	v7 =	vor.u32 s12, v51;
	_ =	sdelay $0x3  }
0x381: {  	[tilespmem:$0x10F00] =	vst v6  }
0x382: {  	v52 =	vor.u32 v2, v5;
	(v2sf) =	vpush v4, $0xC;
	v6 =	vld.idx.msk [tilespmem:v7+s14+$0x0], $0xffff  }
0x383: {  	v7 =	vor.u32 s12, v52;
	_ =	sdelay $0x3  }
0x384: {  	[tilespmem:$0x10F10] =	vst v6  }
0x385: {  	v5 =	vor.u32 v1, v5;
	v6 =	vld.idx.msk [tilespmem:v7+s14+$0x0], $0xffff  }
0x386: {  	v5 =	vor.u32 s12, v5;
	_ =	sdelay $0x3  }
0x387: {  	v53 =	vmov s26;
	[tilespmem:$0x10F20] =	vst v6  }
0x388: {  	v6 =	vshll.u32 v53, $0x7;
	v5 =	vld.idx.msk [tilespmem:v5+s14+$0x0], $0xffff  }
0x389: {  	s21 =	sand.u32 $0x7F, s20;
	v54 =	vor.u32 v0, v6  }
0x38a: {  	v7 =	vor.u32 s21, v54  }
0x38b: {  	s24 =	sld [smem:$0x7FA];
	s23 =	spop (v2sf)  }
0x38c: {  	s6 =	sand.u32 $0x1FFFFFF8, s23  }
0x38d: {  	s6 =	sadd.s32 s2, s6;
	[tilespmem:$0x10F30] =	vst v5  }
0x38e: {  	[hbm4b:s6+s3] =	stream.linear.scatter [tilespmem:s24], [sflag:$0x4], $0x40, $0x38;
	[tilespmem:$0x11000] =	vst v63  }
0x38f: {  	v55 =	vor.u32 v3, v6;
	v5 =	vld.idx.msk [tilespmem:v7+s14+$0x0], $0xffff  }
0x390: {  	v7 =	vor.u32 s21, v55;
	_ =	sdelay $0x3  }
0x391: {  	[tilespmem:$0x10F40] =	vst v5  }
0x392: {  	(v2sf) =	vpush v4, $0xD;
	v56 =	vor.u32 v2, v6;
	v5 =	vld.idx.msk [tilespmem:v7+s14+$0x0], $0xffff  }
0x393: {  	v7 =	vor.u32 s21, v56;
	_ =	sdelay $0x3  }
0x394: {  	[tilespmem:$0x10F50] =	vst v5  }
0x395: {  	v6 =	vor.u32 v1, v6;
	v5 =	vld.idx.msk [tilespmem:v7+s14+$0x0], $0xffff  }
0x396: {  	v6 =	vor.u32 s21, v6;
	_ =	sdelay $0x3  }
0x397: {  	[tilespmem:$0x10F60] =	vst v5;
	v5 =	vmov s22  }
0x398: {  	v6 =	vld.idx.msk [tilespmem:v6+s14+$0x0], $0xffff;
	v5 =	vshll.u32 v5, $0x7  }
0x399: {  	s4 =	sand.u32 $0x7F, s4;
	v57 =	vor.u32 v0, v5  }
0x39a: {  	v7 =	vor.u32 s4, v57  }
0x39b: {  	s26 =	sld [smem:$0x7FB];
	s25 =	spop (v2sf)  }
0x39c: {  	s5 =	sand.u32 $0x1FFFFFF8, s25  }
0x39d: {  	s5 =	sadd.s32 s2, s5;
	[tilespmem:$0x10F70] =	vst v6  }
0x39e: {  	[hbm4b:s5+s3] =	stream.linear.scatter [tilespmem:s26], [sflag:$0x4], $0x40, $0x38;
	[tilespmem:$0x11000] =	vst v63  }
0x39f: {  	v58 =	vor.u32 v3, v5;
	v6 =	vld.idx.msk [tilespmem:v7+s14+$0x0], $0xffff  }
0x3a0: {  	v7 =	vor.u32 s4, v58;
	_ =	sdelay $0x3  }
0x3a1: {  	[tilespmem:$0x10F80] =	vst v6  }
0x3a2: {  	(v2sf) =	vpush v4, $0xE;
	v59 =	vor.u32 v2, v5;
	v6 =	vld.idx.msk [tilespmem:v7+s14+$0x0], $0xffff  }
0x3a3: {  	v7 =	vor.u32 s4, v59;
	_ =	sdelay $0x3  }
0x3a4: {  	[tilespmem:$0x10F90] =	vst v6  }
0x3a5: {  	v5 =	vor.u32 v1, v5;
	v6 =	vld.idx.msk [tilespmem:v7+s14+$0x0], $0xffff  }
0x3a6: {  	v5 =	vor.u32 s4, v5;
	_ =	sdelay $0x3  }
0x3a7: {  	v60 =	vmov s13;
	[tilespmem:$0x10FA0] =	vst v6  }
0x3a8: {  	v6 =	vshll.u32 v60, $0x7;
	v5 =	vld.idx.msk [tilespmem:v5+s14+$0x0], $0xffff  }
0x3a9: {  	s0 =	sand.u32 $0x7F, s0;
	v61 =	vor.u32 v0, v6  }
0x3aa: {  	v7 =	vor.u32 s0, v61  }
0x3ab: {  	s29 =	sld [smem:$0x7FC];
	s28 =	spop (v2sf)  }
0x3ac: {  	s4 =	sand.u32 $0x1FFFFFF8, s28  }
0x3ad: {  	s4 =	sadd.s32 s2, s4;
	[tilespmem:$0x10FB0] =	vst v5  }
0x3ae: {  	[hbm4b:s4+s3] =	stream.linear.scatter [tilespmem:s29], [sflag:$0x4], $0x40, $0x38;
	[tilespmem:$0x11000] =	vst v63  }
0x3af: {  	v62 =	vor.u32 v3, v6;
	v5 =	vld.idx.msk [tilespmem:v7+s14+$0x0], $0xffff  }
0x3b0: {  	v7 =	vor.u32 s0, v62;
	_ =	sdelay $0x3  }
0x3b1: {  	[tilespmem:$0x10FC0] =	vst v5  }
0x3b2: {  	(v2sf) =	vpush v4, $0xF;
	v63 =	vor.u32 v2, v6;
	v5 =	vld.idx.msk [tilespmem:v7+s14+$0x0], $0xffff  }
0x3b3: {  	v4 =	vor.u32 s0, v63;
	_ =	sdelay $0x3  }
0x3b4: {  	[tilespmem:$0x10FD0] =	vst v5  }
0x3b5: {  	v5 =	vor.u32 v1, v6;
	v4 =	vld.idx.msk [tilespmem:v4+s14+$0x0], $0xffff  }
0x3b6: {  	v5 =	vor.u32 s0, v5;
	_ =	sdelay $0x3  }
0x3b7: {  	[tilespmem:$0x10FE0] =	vst v4  }
0x3b8: {  	s19 =	sadd.s32 $0x80, s19;
	v4 =	vld.idx.msk [tilespmem:v5+s14+$0x0], $0xffff  }
0x3b9: {  	p0 =	sne.s32 s19, $0x800  }
.Ltmp0:
0x3ba: {  	_ = 	snop;
	(pc) =	sbr.rel @p0 .LBB2_2-.Ltmp0, $4  }
0x3bb: {  	s31 =	sld [smem:$0x7FD];
	s30 =	spop (v2sf)  }
0x3bc: {  	s0 =	sand.u32 $0x1FFFFFF8, s30  }
0x3bd: {  	s0 =	sadd.s32 s2, s0;
	[tilespmem:$0x10FF0] =	vst v4  }
0x3be: {  	[hbm4b:s0+s3] =	stream.linear.scatter [tilespmem:s31], [sflag:$0x4], $0x40, $0x38;
	[tilespmem:$0x11000] =	vst v63  }
0x3bf: {  	_ =	swait.ge [sflag:s15], $0x400  }
0x3c0: {  	[sflag:s15] =	ssyncset.done $0x0  }
0x3c1: {  	[sflag:s15] =	ssyncadd.s32 $0xFFFFFC00  }
0x3c2: {  	_ =	swait.ge [sflag:s16], $0x400  }
0x3c3: {  	s0 =	sld [smem:$0x7F9];
	_ =	sdelay $0x1  }
0x3c4: {  	s17 =	sadd.s32 $0x1, s17  }
0x3c5: {  	p0 =	sne.s32 s17, s0  }
.Ltmp1:
0x3c6: {  	_ = 	snop;
	(pc) =	sbr.rel @p0 .LBB2_1-.Ltmp1, $3  }
0x3c7: {  	_ =	sdelay $0x1  }
0x3c8: {  	[sflag:s16] =	ssyncset.done $0x0  }
0x3c9: {  	[sflag:s16] =	ssyncadd.s32 $0xFFFFFC00  }
0x3ca: {  	_ =	sfence.sel $0x180000  }
0x3cb: {  	[bflag:$0x0] =	sbarrier.arrive $0xFFFF  }
0x3cc: {  	_ =	strace $0x9000004A  }
0x3cd: {  	s0 =	stileid.u32;
	[bflag:$0x2] =	sbarrier.arrive $0xFFFF  }
0x3ce: {  	p0 =	sne.s32 s0, $0x0;
	s0 =	rddreg [dreg:$0x3]  }
0x3cf: {  	s0 =	sadd.s32 @!p0 $0x100000, s0  }
0x3d0: {  	[sflag:s0] =	ssyncadd.tile.s32 @!p0 $0x1;
	_ =	shalt  }
.Lfunc_end2:
_tile_overlayer_lowered:
.L_overlay_start_2:
0x3d1: {  	(tag) =	ssettag $0x2  }
0x3d2: {  	s0 =	rddreg [dreg:$0x0];
	s2 =	stileid.u32  }
0x3d3: {  	s1 =	rddreg [dreg:$0x1];
	p0 =	sne.s32 s2, $0x0  }
0x3d4: {  	s3 =	rddreg [dreg:$0x2];
	[bflag:$0x3] =	sbarrier.arrive $0xFFFF;
	s2 =	simm.s32 @!p0 $0x1C05  }
0x3d5: {  	[timem:s3], [sflag:s2] =	dma.local @!p0 [hbm:s0], s1  }
0x3d6: {  	s0 =	simm.s32 @!p0 $0x5  }
0x3d7: {  	_ =	swait.ge @!p0 [sflag:s0], s1  }
0x3d8: {  	s1 =	ssub.s32 @!p0 $0x0, s1;
	[sflag:s0] =	ssyncset.done @!p0 $0x0  }
0x3d9: {  	[sflag:s0] =	ssyncadd.s32 @!p0 s1  }
0x3da: {  	[bflag:$0x3] =	sbarrier.arrive $0xFFFF  }
0x3db: {  	_ =	shalt  }

</sc_bundles>
